<compile_context>
chip_gen: v7x
topology: tpu7x:2x2x1
jax: 0.10.2.dev20260603
libtpu: 0.0.44.dev20260713+nightly
codegen_flags: <defaults>
</compile_context>

<pallas_src>
import functools

import jax
import jax.numpy as jnp
from jax import lax
from jax.experimental import pallas as pl
from jax.experimental.pallas import tpu as pltpu
from jax.experimental.pallas import tpu_sc as plsc

N = 10000
E = 320000
G = 16
D = 64
D_IN = 128
NC = 2
NS = 16
LANES = 16
EA = E // NS
EB = E // (NC * NS)
KB = 128
NBATCH = (EB + KB - 1) // KB
SRCPAD = EB + NBATCH * KB
NDROW = 48
NDCOL = 256
NROW = N // NS
ROWBLK = 2000


def _sc_edge(src, dst, s, d, h, cv):
    mesh = plsc.VectorSubcoreMesh(
        core_axis_name="c", subcore_axis_name="s", num_cores=NC, num_subcores=NS)

    @functools.partial(
        pl.kernel,
        out_type=jax.ShapeDtypeStruct((NC * N, D), jnp.float32),
        mesh=mesh,
        compiler_params=pltpu.CompilerParams(
            needs_layout_passes=False, use_tc_tiling_on_sc=False),
        scratch_types=[
            pltpu.VMEM((SRCPAD,), jnp.int32),
            pltpu.VMEM((SRCPAD,), jnp.int32),
            pltpu.VMEM((2, KB), jnp.int32),
            pltpu.VMEM((N,), jnp.float32),
            pltpu.VMEM((N,), jnp.float32),
            pltpu.VMEM((NDROW, NDCOL), jnp.float32),
            pltpu.VMEM((NDROW,), jnp.int32),
            pltpu.VMEM((KB, D), jnp.float32),
            pltpu.VMEM((KB, D), jnp.float32),
            pltpu.VMEM((KB,), jnp.float32),
            pltpu.VMEM_SHARED((NDROW, NDCOL), jnp.float32),
            pltpu.VMEM_SHARED((N, D), jnp.float32),
            pltpu.SemaphoreType.DMA,
            pltpu.SemaphoreType.DMA,
            pltpu.SemaphoreType.DMA,
            pltpu.SemaphoreType.DMA,
            pltpu.SemaphoreType.DMA,
            pltpu.SemaphoreType.DMA,
        ],
    )
    def k(src_h, dst_h, s_h, d_h, h_h, c_h, out_h, srcA, dstA, dstB, s_loc,
          d_loc, den_loc, rowidx, hbuf, hbuf1, abuf, den_comb, out_acc, sem,
          sem1, semd0, semd1, sems0, sems1):
        c = lax.axis_index("c")
        sid = lax.axis_index("s")
        zero16 = jnp.zeros((LANES,), jnp.float32)
        lanes = lax.broadcasted_iota(jnp.int32, (LANES,), 0)

        ebase = sid * EA

        def fire_sd(t, carry):
            pltpu.async_copy(s_h.at[pl.ds(t * 2000, 2000)],
                             s_loc.at[pl.ds(t * 2000, 2000)], sem)
            pltpu.async_copy(d_h.at[pl.ds(t * 2000, 2000)],
                             d_loc.at[pl.ds(t * 2000, 2000)], sem)
            return carry
        lax.fori_loop(0, N // 2000, fire_sd, 0)

        def fire_edges(t, carry):
            pltpu.async_copy(src_h.at[pl.ds(ebase + t * 3352, 3352)],
                             srcA.at[pl.ds(t * 3352, 3352)], sem)
            pltpu.async_copy(dst_h.at[pl.ds(ebase + t * 3352, 3352)],
                             dstA.at[pl.ds(t * 3352, 3352)], sem)
            return carry
        lax.fori_loop(0, SRCPAD // 3352, fire_edges, 0)

        def fill_rowidx(t, carry):
            rowidx[pl.ds(t * LANES, LANES)] = lanes + t * LANES
            return carry
        lax.fori_loop(0, NDROW // LANES, fill_rowidx, 0)

        @plsc.parallel_loop(0, KB, 1, unroll=4)
        def zhb(r):
            for m in range(D // LANES):
                hbuf[r, pl.ds(m * LANES, LANES)] = zero16

        @plsc.parallel_loop(0, NDROW, 1, unroll=4)
        def zden(r):
            for m in range(NDCOL // LANES):
                den_loc[r, pl.ds(m * LANES, LANES)] = zero16

        pltpu.async_copy(
            den_loc.at[pl.ds(0, NDROW // NS)],
            den_comb.at[pl.ds(sid * (NDROW // NS), NDROW // NS)], sem1)

        def zout(t, carry):
            pltpu.async_copy(hbuf.at[pl.ds(0, 125)],
                             out_acc.at[pl.ds(sid * NROW + t * 125, 125)], sem1)
            return carry
        lax.fori_loop(0, NROW // 125, zout, 0)

        def drain_sd(t, carry):
            pltpu.make_async_copy(s_h.at[pl.ds(0, 2000)],
                                  s_loc.at[pl.ds(0, 2000)], sem).wait()
            pltpu.make_async_copy(d_h.at[pl.ds(0, 2000)],
                                  d_loc.at[pl.ds(0, 2000)], sem).wait()
            return carry
        lax.fori_loop(0, N // 2000, drain_sd, 0)

        def drain_edges(t, carry):
            pltpu.make_async_copy(src_h.at[pl.ds(0, 3352)],
                                  srcA.at[pl.ds(0, 3352)], sem).wait()
            pltpu.make_async_copy(dst_h.at[pl.ds(0, 3352)],
                                  dstA.at[pl.ds(0, 3352)], sem).wait()
            return carry
        lax.fori_loop(0, SRCPAD // 3352, drain_edges, 0)

        pltpu.sync_copy(c_h.at[pl.ds(0, LANES)], abuf.at[pl.ds(0, LANES)])
        C = abuf[pl.ds(0, LANES)]

        pltpu.make_async_copy(
            den_loc.at[pl.ds(0, NDROW // NS)],
            den_comb.at[pl.ds(sid * (NDROW // NS), NDROW // NS)], sem1).wait()

        def drain_zout(t, carry):
            pltpu.make_async_copy(hbuf.at[pl.ds(0, 125)],
                                  out_acc.at[pl.ds(0, 125)], sem1).wait()
            return carry
        lax.fori_loop(0, NROW // 125, drain_zout, 0)

        bbase = c * EB
        erow = ebase + bbase

        def gslice(j):
            return h_h.at[srcA.at[pl.ds(bbase + j * KB, KB)]]

        pltpu.sync_copy(dst_h.at[pl.ds(erow, KB)], dstB.at[0])
        pltpu.async_copy(dst_h.at[pl.ds(erow + KB, KB)], dstB.at[1], semd1)
        pltpu.async_copy(gslice(0), hbuf, sem)
        pltpu.async_copy(gslice(1), hbuf1, sem1)

        @plsc.parallel_loop(0, EA // LANES, 1, unroll=4)
        def passA(i):
            off = i * LANES
            sv = srcA[pl.ds(off, LANES)]
            dv = dstA[pl.ds(off, LANES)]
            e = plsc.load_gather(s_loc, [sv]) + plsc.load_gather(d_loc, [dv])
            e = jnp.where(e >= 0.0, e, 0.2 * e)
            plsc.addupdate_scatter(den_loc, [dv >> 8, dv & (NDCOL - 1)],
                                   jnp.exp(e - C))

        plsc.subcore_barrier()
        pltpu.sync_copy(den_loc, den_comb.at[rowidx], add=True)
        plsc.subcore_barrier()

        def load_comb(t, carry):
            pltpu.sync_copy(den_comb.at[pl.ds(t * 16, 16)],
                            den_loc.at[pl.ds(t * 16, 16)])
            return carry
        lax.fori_loop(0, NDROW // 16, load_comb, 0)

        def proc(j, buf):
            @plsc.parallel_loop(0, KB // LANES, 1, unroll=4)
            def alpha_g(g):
                o2 = bbase + j * KB + g * LANES
                sv = srcA[pl.ds(o2, LANES)]
                dv = dstA[pl.ds(o2, LANES)]
                e = plsc.load_gather(s_loc, [sv]) + plsc.load_gather(d_loc, [dv])
                e = jnp.where(e >= 0.0, e, 0.2 * e)
                ex = jnp.exp(e - C)
                den = plsc.load_gather(den_loc, [dv >> 8, dv & (NDCOL - 1)])
                al = ex / (den + 1e-16)
                al = jnp.where(j * KB + g * LANES < EB, al, zero16)
                abuf[pl.ds(g * LANES, LANES)] = al

            @plsc.parallel_loop(0, KB, 1, unroll=4)
            def scale(kk):
                a16 = plsc.load_gather(
                    abuf, [jnp.full((LANES,), kk, jnp.int32)])
                for m in range(D // LANES):
                    buf[kk, pl.ds(m * LANES, LANES)] = (
                        buf[kk, pl.ds(m * LANES, LANES)] * a16)

        def wait_scat(buf, sems):
            pltpu.make_async_copy(buf, out_acc.at[dstB.at[0]], sems).wait()


        def passB(jj, carry):
            j0 = jj * 2
            j1 = j0 + 1

            @pl.when((jj >= 1) & (j1 < NBATCH))
            def _():
                wait_scat(hbuf1, sems1)
                pltpu.async_copy(dst_h.at[pl.ds(erow + j1 * KB, KB)],
                                 dstB.at[1], semd1)
                pltpu.async_copy(gslice(j1), hbuf1, sem1)

            @pl.when(j0 >= 2)
            def _():
                pltpu.make_async_copy(dst_h.at[pl.ds(erow, KB)],
                                      dstB.at[0], semd0).wait()
            pltpu.make_async_copy(h_h.at[pl.ds(0, KB)], hbuf, sem).wait()
            proc(j0, hbuf)
            pltpu.async_copy(hbuf, out_acc.at[dstB.at[0]], sems0, add=True)

            @pl.when(j1 < NBATCH)
            def _():
                pltpu.make_async_copy(dst_h.at[pl.ds(erow, KB)],
                                      dstB.at[1], semd1).wait()
                pltpu.make_async_copy(h_h.at[pl.ds(0, KB)], hbuf1, sem1).wait()
                proc(j1, hbuf1)
                pltpu.async_copy(hbuf1, out_acc.at[dstB.at[1]], sems1, add=True)

            @pl.when(j0 + 2 < NBATCH)
            def _():
                wait_scat(hbuf, sems0)
                pltpu.async_copy(dst_h.at[pl.ds(erow + (j0 + 2) * KB, KB)],
                                 dstB.at[0], semd0)
                pltpu.async_copy(gslice(j0 + 2), hbuf, sem)
            return carry
        lax.fori_loop(0, (NBATCH + 1) // 2, passB, 0)
        wait_scat(hbuf, sems0)
        wait_scat(hbuf1, sems1)

        plsc.subcore_barrier()

        @pl.when(sid < 10)
        def _():
            pltpu.sync_copy(out_acc.at[pl.ds(sid * 1000, 1000)],
                            out_h.at[pl.ds(c * N + sid * 1000, 1000)])

    return k(src, dst, s, d, h, cv).reshape(NC, N, D)


def _cmax(sb, db, c_ref):
    cm = jnp.max(sb) + jnp.max(db)
    c_ref[...] = jnp.full((1, 128), jnp.where(cm >= 0.0, cm, 0.2 * cm),
                          jnp.float32)


def _bn_elu(z, g_ref, be_ref):
    mean = jnp.sum(z, axis=0, keepdims=True) * (1.0 / N)
    var = jnp.sum(z * z, axis=0, keepdims=True) * (1.0 / N) - mean * mean
    y = (z - mean) * lax.rsqrt(var + 1e-5) * g_ref[...] + be_ref[...]
    return jnp.where(y > 0.0, y, jnp.exp(y) - 1.0)


def _tc_proj1(x, W, a_s, a_d):
    def body(x_ref, w_ref, as_ref, ad_ref, h_ref, s_ref, d_ref, c_ref):
        hb = jnp.dot(x_ref[...], w_ref[...], preferred_element_type=jnp.float32)
        h_ref[...] = hb
        sb = jnp.sum(hb * as_ref[...], axis=1, keepdims=True)
        db = jnp.sum(hb * ad_ref[...], axis=1, keepdims=True)
        s_ref[...] = sb
        d_ref[...] = db
        _cmax(sb, db, c_ref)

    return pl.pallas_call(
        body,
        out_shape=[jax.ShapeDtypeStruct((N, D), jnp.float32),
                   jax.ShapeDtypeStruct((N, 1), jnp.float32),
                   jax.ShapeDtypeStruct((N, 1), jnp.float32),
                   jax.ShapeDtypeStruct((1, 128), jnp.float32)],
    )(x, W, a_s, a_d)


def _tc_transform(p, b, gm, be, W, a_s, a_d):
    def body(p_ref, b_ref, g_ref, be_ref, w_ref, as_ref, ad_ref,
             h_ref, s_ref, d_ref, c_ref):
        z = p_ref[0] + p_ref[1] + b_ref[...]
        y = _bn_elu(z, g_ref, be_ref)
        hb = jnp.dot(y, w_ref[...], preferred_element_type=jnp.float32)
        h_ref[...] = hb
        sb = jnp.sum(hb * as_ref[...], axis=1, keepdims=True)
        db = jnp.sum(hb * ad_ref[...], axis=1, keepdims=True)
        s_ref[...] = sb
        d_ref[...] = db
        _cmax(sb, db, c_ref)

    return pl.pallas_call(
        body,
        out_shape=[jax.ShapeDtypeStruct((N, D), jnp.float32),
                   jax.ShapeDtypeStruct((N, 1), jnp.float32),
                   jax.ShapeDtypeStruct((N, 1), jnp.float32),
                   jax.ShapeDtypeStruct((1, 128), jnp.float32)],
    )(p, b, gm, be, W, a_s, a_d)


def _tc_pool(p, b, gm, be, batch2d):
    def body(p_ref, b_ref, g_ref, be_ref, bt_ref, o_ref):
        z = p_ref[0] + p_ref[1] + b_ref[...]
        y = _bn_elu(z, g_ref, be_ref)
        onehot = (bt_ref[...] == lax.broadcasted_iota(jnp.int32, (1, G), 1)
                  ).astype(jnp.float32)
        ps = lax.dot_general(onehot, y, (((0,), (0,)), ((), ())),
                             preferred_element_type=jnp.float32)
        pc = jnp.sum(onehot, axis=0, keepdims=True)
        o_ref[...] = ps / jnp.maximum(pc, 1.0).T

    return pl.pallas_call(
        body,
        out_shape=jax.ShapeDtypeStruct((G, D), jnp.float32),
    )(p, b, gm, be, batch2d)


def kernel(x, edge_index, batch, params):
    p = params
    padz = jnp.zeros((SRCPAD - EA,), jnp.int32)
    src = jnp.concatenate([edge_index[0], padz])
    dst = jnp.concatenate([edge_index[1], padz])
    b1 = p['b1'].reshape(1, D)
    b2 = p['b2'].reshape(1, D)
    b3 = p['b3'].reshape(1, D)

    h1, s1, d1, c1 = _tc_proj1(x, p['W1'], p['as1'], p['ad1'])
    o1 = _sc_edge(src, dst, s1.reshape(N), d1.reshape(N), h1, c1.reshape(128))
    h2, s2, d2, c2 = _tc_transform(o1, b1, p['g1'].reshape(1, D),
                                   p['be1'].reshape(1, D),
                                   p['W2'], p['as2'], p['ad2'])
    o2 = _sc_edge(src, dst, s2.reshape(N), d2.reshape(N), h2, c2.reshape(128))
    h3, s3, d3, c3 = _tc_transform(o2, b2, p['g2'].reshape(1, D),
                                   p['be2'].reshape(1, D),
                                   p['W3'], p['as3'], p['ad3'])
    o3 = _sc_edge(src, dst, s3.reshape(N), d3.reshape(N), h3, c3.reshape(128))
    return _tc_pool(o3, b3, p['g3'].reshape(1, D), p['be3'].reshape(1, D),
                    batch.reshape(N, 1))

# --- scband reference (transcript-rebuilt; emitter-appended) ---
"""Pipeline reference for scband-eeggat-68599217651783 (READ-ONLY COPY).

The authoritative reference and input builder live on the scoring server;
editing this copy changes nothing except your own understanding.
"""

import jax, jax.numpy as jnp
import numpy as np

N = 10000
E = 320000
G = 16
D_IN = 128
HID = 64
OUT = 64
HEADS = 1


def _gat_layer(x, W, a_src, a_dst, b, src, dst, concat):
    Hh, C = a_src.shape
    n = x.shape[0]
    h = (x @ W).reshape(n, Hh, C)
    alpha_s = jnp.sum(h * a_src[None, :, :], axis=-1)
    alpha_d = jnp.sum(h * a_dst[None, :, :], axis=-1)
    e = jax.nn.leaky_relu(alpha_s[src] + alpha_d[dst], negative_slope=0.2)
    e_max = jax.ops.segment_max(e, dst, num_segments=n)
    e_max = jnp.where(jnp.isfinite(e_max), e_max, 0.0)
    e_max = jax.lax.stop_gradient(e_max)
    ex = jnp.exp(e - e_max[dst])
    denom = jax.ops.segment_sum(ex, dst, num_segments=n)
    alpha = ex / (denom[dst] + 1e-16)
    msg = h[src] * alpha[:, :, None]
    out = jax.ops.segment_sum(msg, dst, num_segments=n)
    if concat:
        out = out.reshape(n, Hh * C)
    else:
        out = out.mean(axis=1)
    return out + b


def _bn(x, gamma, beta):
    m = jnp.mean(x, axis=0)
    v = jnp.var(x, axis=0)
    return (x - m) / jnp.sqrt(v + 1e-5) * gamma + beta


def setup_inputs(seed: int = 0):
    key = jax.random.key(seed)
    ks = jax.random.split(key, 12)
    x = jax.random.normal(ks[0], (N, D_IN), dtype=jnp.float32)
    edge_index = jax.random.randint(ks[1], (2, E), 0, N, dtype=jnp.int32)
    batch = jnp.sort(jax.random.randint(ks[2], (N,), 0, G, dtype=jnp.int32))
    def p(k, shape, scale=0.1):
        return jax.random.normal(k, shape, dtype=jnp.float32) * scale
    params = {
        'W1': p(ks[3], (D_IN, HEADS * HID)),
        'as1': p(ks[4], (HEADS, HID)),
        'ad1': p(ks[5], (HEADS, HID)),
        'b1': jnp.zeros((HEADS * HID,), dtype=jnp.float32),
        'g1': jnp.ones((HEADS * HID,), dtype=jnp.float32),
        'be1': jnp.zeros((HEADS * HID,), dtype=jnp.float32),
        'W2': p(ks[6], (HEADS * HID, HEADS * HID)),
        'as2': p(ks[7], (HEADS, HID)),
        'ad2': p(ks[8], (HEADS, HID)),
        'b2': jnp.zeros((HEADS * HID,), dtype=jnp.float32),
        'g2': jnp.ones((HEADS * HID,), dtype=jnp.float32),
        'be2': jnp.zeros((HEADS * HID,), dtype=jnp.float32),
        'W3': p(ks[9], (HEADS * HID, HEADS * OUT)),
        'as3': p(ks[10], (HEADS, OUT)),
        'ad3': p(ks[11], (HEADS, OUT)),
        'b3': jnp.zeros((OUT,), dtype=jnp.float32),
        'g3': jnp.ones((OUT,), dtype=jnp.float32),
        'be3': jnp.zeros((OUT,), dtype=jnp.float32),
    }
    return {'x': x, 'edge_index': edge_index, 'batch': batch, 'params': params}


def reference(x, edge_index, batch, params):
    src = edge_index[0]
    dst = edge_index[1]
    h = _gat_layer(x, params['W1'], params['as1'], params['ad1'], params['b1'], src, dst, True)
    h = _bn(h, params['g1'], params['be1'])
    h = jax.nn.elu(h)
    h = _gat_layer(h, params['W2'], params['as2'], params['ad2'], params['b2'], src, dst, True)
    h = _bn(h, params['g2'], params['be2'])
    h = jax.nn.elu(h)
    h = _gat_layer(h, params['W3'], params['as3'], params['ad3'], params['b3'], src, dst, False)
    h = _bn(h, params['g3'], params['be3'])
    h = jax.nn.elu(h)
    sums = jax.ops.segment_sum(h, batch, num_segments=G)
    counts = jax.ops.segment_sum(jnp.ones((h.shape[0],), dtype=jnp.float32), batch, num_segments=G)
    pooled = sums / jnp.maximum(counts, 1.0)[:, None]
    return pooled

if __name__ == "__main__":
    import jax
    _d = setup_inputs()
    print(jax.jit(kernel)(*tuple(_d.values())))

</pallas_src>

<mosaic_0001>
#map = affine_map<(d0, d1) -> (0)>
#map1 = affine_map<(d0, d1) -> (0, 0)>
module attributes {stable_mosaic.version = 14 : i64} {
  func.func @k(%arg0: i32, %arg1: i32, %arg2: memref<320112xi32, #tpu.memory_space<hbm>>, %arg3: memref<320112xi32, #tpu.memory_space<hbm>>, %arg4: memref<10000xf32, #tpu.memory_space<hbm>>, %arg5: memref<10000xf32, #tpu.memory_space<hbm>>, %arg6: memref<10000x64xf32, #tpu.memory_space<hbm>>, %arg7: memref<128xf32, #tpu.memory_space<hbm>>, %arg8: memref<20000x64xf32, #tpu.memory_space<hbm>>, %arg9: memref<20112xi32, #tpu.memory_space<vmem>>, %arg10: memref<20112xi32, #tpu.memory_space<vmem>>, %arg11: memref<2x128xi32, #tpu.memory_space<vmem>>, %arg12: memref<10000xf32, #tpu.memory_space<vmem>>, %arg13: memref<10000xf32, #tpu.memory_space<vmem>>, %arg14: memref<48x256xf32, #tpu.memory_space<vmem>>, %arg15: memref<48xi32, #tpu.memory_space<vmem>>, %arg16: memref<128x64xf32, #tpu.memory_space<vmem>>, %arg17: memref<128x64xf32, #tpu.memory_space<vmem>>, %arg18: memref<128xf32, #tpu.memory_space<vmem>>, %arg19: memref<48x256xf32, #tpu.memory_space<vmem_shared>>, %arg20: memref<10000x64xf32, #tpu.memory_space<vmem_shared>>, %arg21: memref<!tpu.dma_semaphore, #tpu.memory_space<semaphore_mem>>, %arg22: memref<!tpu.dma_semaphore, #tpu.memory_space<semaphore_mem>>, %arg23: memref<!tpu.dma_semaphore, #tpu.memory_space<semaphore_mem>>, %arg24: memref<!tpu.dma_semaphore, #tpu.memory_space<semaphore_mem>>, %arg25: memref<!tpu.dma_semaphore, #tpu.memory_space<semaphore_mem>>, %arg26: memref<!tpu.dma_semaphore, #tpu.memory_space<semaphore_mem>>) attributes {dimension_semantics = [#tpu.dimension_semantics<core_parallel>, #tpu.dimension_semantics<subcore_parallel>], iteration_bounds = array<i64: 2, 16>, scalar_prefetch = 0 : i64, scratch_operands = 18 : i64, tpu.core_type = #tpu.core_type<sc_vector_subcore>, window_params = [{transform_indices = #map}, {transform_indices = #map}, {transform_indices = #map}, {transform_indices = #map}, {transform_indices = #map1}, {transform_indices = #map}, {transform_indices = #map1}]} {
    %broadcast_in_dim3A = arith.constant 0.000000e+00 : f32
    %broadcast_in_dim3A_0 = vector.broadcast %broadcast_in_dim3A : f32 to vector<16xf32>
    %iota3A = tpu.iota {dimensions = array<i32: 0>} : vector<16xi32>
    %mul3A = arith.constant 20000 : i32
    %mul3A_1 = arith.muli %arg1, %mul3A : i32
    %scan3A = arith.constant 0 : i32
    %scan3A_2 = arith.constant 0 : i32
    %scan3A_3 = arith.constant 5 : i32
    %scan3A_4 = arith.addi %scan3A_2, %scan3A_3 : i32
    %scan3A_5 = arith.constant 1 : i32
    scf.for %scan3A_129 = %scan3A_2 to %scan3A_4 step %scan3A_5  : i32 {
      %mul3A_130 = arith.constant 2000 : i32
      %mul3A_131 = arith.muli %scan3A_129, %mul3A_130 : i32
      %mul3A_132 = arith.constant 2000 : i32
      %mul3A_133 = arith.muli %scan3A_129, %mul3A_132 : i32
      %dma_start3A_134 = tpu.memref_slice %arg12[%mul3A_133] : memref<10000xf32, #tpu.memory_space<vmem>> -> memref<2000xf32, #tpu.memory_space<vmem>>
      %dma_start3A_135 = tpu.memref_slice %arg4[%mul3A_131] : memref<10000xf32, #tpu.memory_space<hbm>> -> memref<2000xf32, #tpu.memory_space<hbm>>
      %dma_start3A_136 = tpu.memref_slice %arg12[%mul3A_133] : memref<10000xf32, #tpu.memory_space<vmem>> -> memref<2000xf32, #tpu.memory_space<vmem>>
      %dma_start3A_137 = tpu.memref_slice %arg4[%mul3A_131] : memref<10000xf32, #tpu.memory_space<hbm>> -> memref<2000xf32, #tpu.memory_space<hbm>>
      tpu.enqueue_dma source(%dma_start3A_137 : memref<2000xf32, #tpu.memory_space<hbm>>) target(%dma_start3A_136 : memref<2000xf32, #tpu.memory_space<vmem>>) target_semaphore(%arg21 : memref<!tpu.dma_semaphore, #tpu.memory_space<semaphore_mem>>)
      %mul3A_138 = arith.constant 2000 : i32
      %mul3A_139 = arith.muli %scan3A_129, %mul3A_138 : i32
      %mul3A_140 = arith.constant 2000 : i32
      %mul3A_141 = arith.muli %scan3A_129, %mul3A_140 : i32
      %dma_start3A_142 = tpu.memref_slice %arg13[%mul3A_141] : memref<10000xf32, #tpu.memory_space<vmem>> -> memref<2000xf32, #tpu.memory_space<vmem>>
      %dma_start3A_143 = tpu.memref_slice %arg5[%mul3A_139] : memref<10000xf32, #tpu.memory_space<hbm>> -> memref<2000xf32, #tpu.memory_space<hbm>>
      %dma_start3A_144 = tpu.memref_slice %arg13[%mul3A_141] : memref<10000xf32, #tpu.memory_space<vmem>> -> memref<2000xf32, #tpu.memory_space<vmem>>
      %dma_start3A_145 = tpu.memref_slice %arg5[%mul3A_139] : memref<10000xf32, #tpu.memory_space<hbm>> -> memref<2000xf32, #tpu.memory_space<hbm>>
      tpu.enqueue_dma source(%dma_start3A_145 : memref<2000xf32, #tpu.memory_space<hbm>>) target(%dma_start3A_144 : memref<2000xf32, #tpu.memory_space<vmem>>) target_semaphore(%arg21 : memref<!tpu.dma_semaphore, #tpu.memory_space<semaphore_mem>>)
    }
    %scan3A_6 = arith.constant 5 : i32
    %scan3A_7 = arith.constant 0 : i32
    %scan3A_8 = arith.constant 0 : i32
    %scan3A_9 = arith.constant 6 : i32
    %scan3A_10 = arith.addi %scan3A_8, %scan3A_9 : i32
    %scan3A_11 = arith.constant 1 : i32
    scf.for %scan3A_129 = %scan3A_8 to %scan3A_10 step %scan3A_11  : i32 {
      %mul3A_130 = arith.constant 3352 : i32
      %mul3A_131 = arith.muli %scan3A_129, %mul3A_130 : i32
      %add3A_132 = arith.addi %mul3A_1, %mul3A_131 : i32
      %mul3A_133 = arith.constant 3352 : i32
      %mul3A_134 = arith.muli %scan3A_129, %mul3A_133 : i32
      %dma_start3A_135 = tpu.memref_slice %arg9[%mul3A_134] : memref<20112xi32, #tpu.memory_space<vmem>> -> memref<3352xi32, #tpu.memory_space<vmem>>
      %dma_start3A_136 = tpu.memref_slice %arg2[%add3A_132] : memref<320112xi32, #tpu.memory_space<hbm>> -> memref<3352xi32, #tpu.memory_space<hbm>>
      %dma_start3A_137 = tpu.memref_slice %arg9[%mul3A_134] : memref<20112xi32, #tpu.memory_space<vmem>> -> memref<3352xi32, #tpu.memory_space<vmem>>
      %dma_start3A_138 = tpu.memref_slice %arg2[%add3A_132] : memref<320112xi32, #tpu.memory_space<hbm>> -> memref<3352xi32, #tpu.memory_space<hbm>>
      tpu.enqueue_dma source(%dma_start3A_138 : memref<3352xi32, #tpu.memory_space<hbm>>) target(%dma_start3A_137 : memref<3352xi32, #tpu.memory_space<vmem>>) target_semaphore(%arg21 : memref<!tpu.dma_semaphore, #tpu.memory_space<semaphore_mem>>)
      %mul3A_139 = arith.constant 3352 : i32
      %mul3A_140 = arith.muli %scan3A_129, %mul3A_139 : i32
      %add3A_141 = arith.addi %mul3A_1, %mul3A_140 : i32
      %mul3A_142 = arith.constant 3352 : i32
      %mul3A_143 = arith.muli %scan3A_129, %mul3A_142 : i32
      %dma_start3A_144 = tpu.memref_slice %arg10[%mul3A_143] : memref<20112xi32, #tpu.memory_space<vmem>> -> memref<3352xi32, #tpu.memory_space<vmem>>
      %dma_start3A_145 = tpu.memref_slice %arg3[%add3A_141] : memref<320112xi32, #tpu.memory_space<hbm>> -> memref<3352xi32, #tpu.memory_space<hbm>>
      %dma_start3A_146 = tpu.memref_slice %arg10[%mul3A_143] : memref<20112xi32, #tpu.memory_space<vmem>> -> memref<3352xi32, #tpu.memory_space<vmem>>
      %dma_start3A_147 = tpu.memref_slice %arg3[%add3A_141] : memref<320112xi32, #tpu.memory_space<hbm>> -> memref<3352xi32, #tpu.memory_space<hbm>>
      tpu.enqueue_dma source(%dma_start3A_147 : memref<3352xi32, #tpu.memory_space<hbm>>) target(%dma_start3A_146 : memref<3352xi32, #tpu.memory_space<vmem>>) target_semaphore(%arg21 : memref<!tpu.dma_semaphore, #tpu.memory_space<semaphore_mem>>)
    }
    %scan3A_12 = arith.constant 6 : i32
    %scan3A_13 = arith.constant 0 : i32
    %scan3A_14 = arith.constant 0 : i32
    %scan3A_15 = arith.constant 3 : i32
    %scan3A_16 = arith.addi %scan3A_14, %scan3A_15 : i32
    %scan3A_17 = arith.constant 1 : i32
    scf.for %scan3A_129 = %scan3A_14 to %scan3A_16 step %scan3A_17  : i32 {
      %mul3A_130 = arith.constant 16 : i32
      %mul3A_131 = arith.muli %scan3A_129, %mul3A_130 : i32
      %add3A_132 = vector.broadcast %mul3A_131 : i32 to vector<16xi32>
      %add3A_133 = arith.addi %iota3A, %add3A_132 : vector<16xi32>
      %mul3A_134 = arith.constant 16 : i32
      %mul3A_135 = arith.muli %scan3A_129, %mul3A_134 : i32
      %swap3A = arith.index_cast %mul3A_135 : i32 to index
      %swap3A_136 = tpu.vector_load %arg15[%swap3A] {strides = array<i32>} : memref<48xi32, #tpu.memory_space<vmem>>, vector<16xi32>,
      tpu.vector_store %arg15[%swap3A], %add3A_133 {strides = array<i32>} : memref<48xi32, #tpu.memory_space<vmem>>, vector<16xi32>,
    }
    %scan3A_18 = arith.constant 3 : i32
    %parallel_loop3A = arith.constant 0 : i32
    %parallel_loop3A_19 = arith.constant 128 : i32
    %parallel_loop3A_20 = arith.constant 1 : i32
    scf.for %parallel_loop3A_129 = %parallel_loop3A to %parallel_loop3A_19 step %parallel_loop3A_20  : i32 {
      %parallel_loop3A_130 = arith.index_cast %parallel_loop3A_129 : i32 to index
      %parallel_loop3A_131 = arith.constant 0 : index
      %parallel_loop3A_132 = tpu.vector_load %arg16[%parallel_loop3A_130, %parallel_loop3A_131] {strides = array<i32>} : memref<128x64xf32, #tpu.memory_space<vmem>>, vector<16xf32>,
      tpu.vector_store %arg16[%parallel_loop3A_130, %parallel_loop3A_131], %broadcast_in_dim3A_0 {strides = array<i32>} : memref<128x64xf32, #tpu.memory_space<vmem>>, vector<16xf32>,
      %parallel_loop3A_133 = arith.index_cast %parallel_loop3A_129 : i32 to index
      %parallel_loop3A_134 = arith.constant 16 : index
      %parallel_loop3A_135 = tpu.vector_load %arg16[%parallel_loop3A_133, %parallel_loop3A_134] {strides = array<i32>} : memref<128x64xf32, #tpu.memory_space<vmem>>, vector<16xf32>,
      tpu.vector_store %arg16[%parallel_loop3A_133, %parallel_loop3A_134], %broadcast_in_dim3A_0 {strides = array<i32>} : memref<128x64xf32, #tpu.memory_space<vmem>>, vector<16xf32>,
      %parallel_loop3A_136 = arith.index_cast %parallel_loop3A_129 : i32 to index
      %parallel_loop3A_137 = arith.constant 32 : index
      %parallel_loop3A_138 = tpu.vector_load %arg16[%parallel_loop3A_136, %parallel_loop3A_137] {strides = array<i32>} : memref<128x64xf32, #tpu.memory_space<vmem>>, vector<16xf32>,
      tpu.vector_store %arg16[%parallel_loop3A_136, %parallel_loop3A_137], %broadcast_in_dim3A_0 {strides = array<i32>} : memref<128x64xf32, #tpu.memory_space<vmem>>, vector<16xf32>,
      %parallel_loop3A_139 = arith.index_cast %parallel_loop3A_129 : i32 to index
      %parallel_loop3A_140 = arith.constant 48 : index
      %parallel_loop3A_141 = tpu.vector_load %arg16[%parallel_loop3A_139, %parallel_loop3A_140] {strides = array<i32>} : memref<128x64xf32, #tpu.memory_space<vmem>>, vector<16xf32>,
      tpu.vector_store %arg16[%parallel_loop3A_139, %parallel_loop3A_140], %broadcast_in_dim3A_0 {strides = array<i32>} : memref<128x64xf32, #tpu.memory_space<vmem>>, vector<16xf32>,
    } {sc.loop_unroll_factor = 4 : i64, sc.parallel_access}
    %parallel_loop3A_21 = arith.constant 0 : i32
    %parallel_loop3A_22 = arith.constant 48 : i32
    %parallel_loop3A_23 = arith.constant 1 : i32
    scf.for %parallel_loop3A_129 = %parallel_loop3A_21 to %parallel_loop3A_22 step %parallel_loop3A_23  : i32 {
      %parallel_loop3A_130 = arith.index_cast %parallel_loop3A_129 : i32 to index
      %parallel_loop3A_131 = arith.constant 0 : index
      %parallel_loop3A_132 = tpu.vector_load %arg14[%parallel_loop3A_130, %parallel_loop3A_131] {strides = array<i32>} : memref<48x256xf32, #tpu.memory_space<vmem>>, vector<16xf32>,
      tpu.vector_store %arg14[%parallel_loop3A_130, %parallel_loop3A_131], %broadcast_in_dim3A_0 {strides = array<i32>} : memref<48x256xf32, #tpu.memory_space<vmem>>, vector<16xf32>,
      %parallel_loop3A_133 = arith.index_cast %parallel_loop3A_129 : i32 to index
      %parallel_loop3A_134 = arith.constant 16 : index
      %parallel_loop3A_135 = tpu.vector_load %arg14[%parallel_loop3A_133, %parallel_loop3A_134] {strides = array<i32>} : memref<48x256xf32, #tpu.memory_space<vmem>>, vector<16xf32>,
      tpu.vector_store %arg14[%parallel_loop3A_133, %parallel_loop3A_134], %broadcast_in_dim3A_0 {strides = array<i32>} : memref<48x256xf32, #tpu.memory_space<vmem>>, vector<16xf32>,
      %parallel_loop3A_136 = arith.index_cast %parallel_loop3A_129 : i32 to index
      %parallel_loop3A_137 = arith.constant 32 : index
      %parallel_loop3A_138 = tpu.vector_load %arg14[%parallel_loop3A_136, %parallel_loop3A_137] {strides = array<i32>} : memref<48x256xf32, #tpu.memory_space<vmem>>, vector<16xf32>,
      tpu.vector_store %arg14[%parallel_loop3A_136, %parallel_loop3A_137], %broadcast_in_dim3A_0 {strides = array<i32>} : memref<48x256xf32, #tpu.memory_space<vmem>>, vector<16xf32>,
      %parallel_loop3A_139 = arith.index_cast %parallel_loop3A_129 : i32 to index
      %parallel_loop3A_140 = arith.constant 48 : index
      %parallel_loop3A_141 = tpu.vector_load %arg14[%parallel_loop3A_139, %parallel_loop3A_140] {strides = array<i32>} : memref<48x256xf32, #tpu.memory_space<vmem>>, vector<16xf32>,
      tpu.vector_store %arg14[%parallel_loop3A_139, %parallel_loop3A_140], %broadcast_in_dim3A_0 {strides = array<i32>} : memref<48x256xf32, #tpu.memory_space<vmem>>, vector<16xf32>,
      %parallel_loop3A_142 = arith.index_cast %parallel_loop3A_129 : i32 to index
      %parallel_loop3A_143 = arith.constant 64 : index
      %parallel_loop3A_144 = tpu.vector_load %arg14[%parallel_loop3A_142, %parallel_loop3A_143] {strides = array<i32>} : memref<48x256xf32, #tpu.memory_space<vmem>>, vector<16xf32>,
      tpu.vector_store %arg14[%parallel_loop3A_142, %parallel_loop3A_143], %broadcast_in_dim3A_0 {strides = array<i32>} : memref<48x256xf32, #tpu.memory_space<vmem>>, vector<16xf32>,
      %parallel_loop3A_145 = arith.index_cast %parallel_loop3A_129 : i32 to index
      %parallel_loop3A_146 = arith.constant 80 : index
      %parallel_loop3A_147 = tpu.vector_load %arg14[%parallel_loop3A_145, %parallel_loop3A_146] {strides = array<i32>} : memref<48x256xf32, #tpu.memory_space<vmem>>, vector<16xf32>,
      tpu.vector_store %arg14[%parallel_loop3A_145, %parallel_loop3A_146], %broadcast_in_dim3A_0 {strides = array<i32>} : memref<48x256xf32, #tpu.memory_space<vmem>>, vector<16xf32>,
      %parallel_loop3A_148 = arith.index_cast %parallel_loop3A_129 : i32 to index
      %parallel_loop3A_149 = arith.constant 96 : index
      %parallel_loop3A_150 = tpu.vector_load %arg14[%parallel_loop3A_148, %parallel_loop3A_149] {strides = array<i32>} : memref<48x256xf32, #tpu.memory_space<vmem>>, vector<16xf32>,
      tpu.vector_store %arg14[%parallel_loop3A_148, %parallel_loop3A_149], %broadcast_in_dim3A_0 {strides = array<i32>} : memref<48x256xf32, #tpu.memory_space<vmem>>, vector<16xf32>,
      %parallel_loop3A_151 = arith.index_cast %parallel_loop3A_129 : i32 to index
      %parallel_loop3A_152 = arith.constant 112 : index
      %parallel_loop3A_153 = tpu.vector_load %arg14[%parallel_loop3A_151, %parallel_loop3A_152] {strides = array<i32>} : memref<48x256xf32, #tpu.memory_space<vmem>>, vector<16xf32>,
      tpu.vector_store %arg14[%parallel_loop3A_151, %parallel_loop3A_152], %broadcast_in_dim3A_0 {strides = array<i32>} : memref<48x256xf32, #tpu.memory_space<vmem>>, vector<16xf32>,
      %parallel_loop3A_154 = arith.index_cast %parallel_loop3A_129 : i32 to index
      %parallel_loop3A_155 = arith.constant 128 : index
      %parallel_loop3A_156 = tpu.vector_load %arg14[%parallel_loop3A_154, %parallel_loop3A_155] {strides = array<i32>} : memref<48x256xf32, #tpu.memory_space<vmem>>, vector<16xf32>,
      tpu.vector_store %arg14[%parallel_loop3A_154, %parallel_loop3A_155], %broadcast_in_dim3A_0 {strides = array<i32>} : memref<48x256xf32, #tpu.memory_space<vmem>>, vector<16xf32>,
      %parallel_loop3A_157 = arith.index_cast %parallel_loop3A_129 : i32 to index
      %parallel_loop3A_158 = arith.constant 144 : index
      %parallel_loop3A_159 = tpu.vector_load %arg14[%parallel_loop3A_157, %parallel_loop3A_158] {strides = array<i32>} : memref<48x256xf32, #tpu.memory_space<vmem>>, vector<16xf32>,
      tpu.vector_store %arg14[%parallel_loop3A_157, %parallel_loop3A_158], %broadcast_in_dim3A_0 {strides = array<i32>} : memref<48x256xf32, #tpu.memory_space<vmem>>, vector<16xf32>,
      %parallel_loop3A_160 = arith.index_cast %parallel_loop3A_129 : i32 to index
      %parallel_loop3A_161 = arith.constant 160 : index
      %parallel_loop3A_162 = tpu.vector_load %arg14[%parallel_loop3A_160, %parallel_loop3A_161] {strides = array<i32>} : memref<48x256xf32, #tpu.memory_space<vmem>>, vector<16xf32>,
      tpu.vector_store %arg14[%parallel_loop3A_160, %parallel_loop3A_161], %broadcast_in_dim3A_0 {strides = array<i32>} : memref<48x256xf32, #tpu.memory_space<vmem>>, vector<16xf32>,
      %parallel_loop3A_163 = arith.index_cast %parallel_loop3A_129 : i32 to index
      %parallel_loop3A_164 = arith.constant 176 : index
      %parallel_loop3A_165 = tpu.vector_load %arg14[%parallel_loop3A_163, %parallel_loop3A_164] {strides = array<i32>} : memref<48x256xf32, #tpu.memory_space<vmem>>, vector<16xf32>,
      tpu.vector_store %arg14[%parallel_loop3A_163, %parallel_loop3A_164], %broadcast_in_dim3A_0 {strides = array<i32>} : memref<48x256xf32, #tpu.memory_space<vmem>>, vector<16xf32>,
      %parallel_loop3A_166 = arith.index_cast %parallel_loop3A_129 : i32 to index
      %parallel_loop3A_167 = arith.constant 192 : index
      %parallel_loop3A_168 = tpu.vector_load %arg14[%parallel_loop3A_166, %parallel_loop3A_167] {strides = array<i32>} : memref<48x256xf32, #tpu.memory_space<vmem>>, vector<16xf32>,
      tpu.vector_store %arg14[%parallel_loop3A_166, %parallel_loop3A_167], %broadcast_in_dim3A_0 {strides = array<i32>} : memref<48x256xf32, #tpu.memory_space<vmem>>, vector<16xf32>,
      %parallel_loop3A_169 = arith.index_cast %parallel_loop3A_129 : i32 to index
      %parallel_loop3A_170 = arith.constant 208 : index
      %parallel_loop3A_171 = tpu.vector_load %arg14[%parallel_loop3A_169, %parallel_loop3A_170] {strides = array<i32>} : memref<48x256xf32, #tpu.memory_space<vmem>>, vector<16xf32>,
      tpu.vector_store %arg14[%parallel_loop3A_169, %parallel_loop3A_170], %broadcast_in_dim3A_0 {strides = array<i32>} : memref<48x256xf32, #tpu.memory_space<vmem>>, vector<16xf32>,
      %parallel_loop3A_172 = arith.index_cast %parallel_loop3A_129 : i32 to index
      %parallel_loop3A_173 = arith.constant 224 : index
      %parallel_loop3A_174 = tpu.vector_load %arg14[%parallel_loop3A_172, %parallel_loop3A_173] {strides = array<i32>} : memref<48x256xf32, #tpu.memory_space<vmem>>, vector<16xf32>,
      tpu.vector_store %arg14[%parallel_loop3A_172, %parallel_loop3A_173], %broadcast_in_dim3A_0 {strides = array<i32>} : memref<48x256xf32, #tpu.memory_space<vmem>>, vector<16xf32>,
      %parallel_loop3A_175 = arith.index_cast %parallel_loop3A_129 : i32 to index
      %parallel_loop3A_176 = arith.constant 240 : index
      %parallel_loop3A_177 = tpu.vector_load %arg14[%parallel_loop3A_175, %parallel_loop3A_176] {strides = array<i32>} : memref<48x256xf32, #tpu.memory_space<vmem>>, vector<16xf32>,
      tpu.vector_store %arg14[%parallel_loop3A_175, %parallel_loop3A_176], %broadcast_in_dim3A_0 {strides = array<i32>} : memref<48x256xf32, #tpu.memory_space<vmem>>, vector<16xf32>,
    } {sc.loop_unroll_factor = 4 : i64, sc.parallel_access}
    %mul3A_24 = arith.constant 3 : i32
    %mul3A_25 = arith.muli %arg1, %mul3A_24 : i32
    %dma_start3A = arith.constant 0 : i32
    %dma_start3A_26 = arith.constant 0 : i32
    %dma_start3A_27 = tpu.memref_slice %arg14[%dma_start3A, %dma_start3A_26] : memref<48x256xf32, #tpu.memory_space<vmem>> -> memref<3x256xf32, #tpu.memory_space<vmem>>
    %dma_start3A_28 = arith.constant 0 : i32
    %dma_start3A_29 = tpu.memref_slice %arg19[%mul3A_25, %dma_start3A_28] : memref<48x256xf32, #tpu.memory_space<vmem_shared>> -> memref<3x256xf32, #tpu.memory_space<vmem_shared>>
    %dma_start3A_30 = arith.constant 0 : i32
    %dma_start3A_31 = tpu.memref_slice %arg19[%mul3A_25, %dma_start3A_30] : memref<48x256xf32, #tpu.memory_space<vmem_shared>> -> memref<3x256xf32, #tpu.memory_space<vmem_shared>>
    %dma_start3A_32 = arith.constant 0 : i32
    %dma_start3A_33 = arith.constant 0 : i32
    %dma_start3A_34 = tpu.memref_slice %arg14[%dma_start3A_32, %dma_start3A_33] : memref<48x256xf32, #tpu.memory_space<vmem>> -> memref<3x256xf32, #tpu.memory_space<vmem>>
    tpu.enqueue_dma source(%dma_start3A_34 : memref<3x256xf32, #tpu.memory_space<vmem>>) target(%dma_start3A_31 : memref<3x256xf32, #tpu.memory_space<vmem_shared>>) target_semaphore(%arg22 : memref<!tpu.dma_semaphore, #tpu.memory_space<semaphore_mem>>)
    %scan3A_35 = arith.constant 0 : i32
    %scan3A_36 = arith.constant 0 : i32
    %scan3A_37 = arith.constant 5 : i32
    %scan3A_38 = arith.addi %scan3A_36, %scan3A_37 : i32
    %scan3A_39 = arith.constant 1 : i32
    scf.for %scan3A_129 = %scan3A_36 to %scan3A_38 step %scan3A_39  : i32 {
      %mul3A_130 = arith.constant 625 : i32
      %mul3A_131 = arith.muli %arg1, %mul3A_130 : i32
      %mul3A_132 = arith.constant 125 : i32
      %mul3A_133 = arith.muli %scan3A_129, %mul3A_132 : i32
      %add3A_134 = arith.addi %mul3A_131, %mul3A_133 : i32
      %dma_start3A_135 = arith.constant 0 : i32
      %dma_start3A_136 = arith.constant 0 : i32
      %dma_start3A_137 = tpu.memref_slice %arg16[%dma_start3A_135, %dma_start3A_136] : memref<128x64xf32, #tpu.memory_space<vmem>> -> memref<125x64xf32, #tpu.memory_space<vmem>>
      %dma_start3A_138 = arith.constant 0 : i32
      %dma_start3A_139 = tpu.memref_slice %arg20[%add3A_134, %dma_start3A_138] : memref<10000x64xf32, #tpu.memory_space<vmem_shared>> -> memref<125x64xf32, #tpu.memory_space<vmem_shared>>
      %dma_start3A_140 = arith.constant 0 : i32
      %dma_start3A_141 = tpu.memref_slice %arg20[%add3A_134, %dma_start3A_140] : memref<10000x64xf32, #tpu.memory_space<vmem_shared>> -> memref<125x64xf32, #tpu.memory_space<vmem_shared>>
      %dma_start3A_142 = arith.constant 0 : i32
      %dma_start3A_143 = arith.constant 0 : i32
      %dma_start3A_144 = tpu.memref_slice %arg16[%dma_start3A_142, %dma_start3A_143] : memref<128x64xf32, #tpu.memory_space<vmem>> -> memref<125x64xf32, #tpu.memory_space<vmem>>
      tpu.enqueue_dma source(%dma_start3A_144 : memref<125x64xf32, #tpu.memory_space<vmem>>) target(%dma_start3A_141 : memref<125x64xf32, #tpu.memory_space<vmem_shared>>) target_semaphore(%arg22 : memref<!tpu.dma_semaphore, #tpu.memory_space<semaphore_mem>>)
    }
    %scan3A_40 = arith.constant 5 : i32
    %scan3A_41 = arith.constant 0 : i32
    %scan3A_42 = arith.constant 0 : i32
    %scan3A_43 = arith.constant 5 : i32
    %scan3A_44 = arith.addi %scan3A_42, %scan3A_43 : i32
    %scan3A_45 = arith.constant 1 : i32
    scf.for %scan3A_129 = %scan3A_42 to %scan3A_44 step %scan3A_45  : i32 {
      %dma_wait3A_130 = arith.constant 0 : i32
      %dma_wait3A_131 = tpu.memref_slice %arg12[%dma_wait3A_130] : memref<10000xf32, #tpu.memory_space<vmem>> -> memref<2000xf32, #tpu.memory_space<vmem>>
      %dma_wait3A_132 = arith.constant 0 : i32
      %dma_wait3A_133 = tpu.memref_slice %arg4[%dma_wait3A_132] : memref<10000xf32, #tpu.memory_space<hbm>> -> memref<2000xf32, #tpu.memory_space<hbm>>
      %dma_wait3A_134 = arith.constant 0 : i32
      %dma_wait3A_135 = tpu.memref_slice %arg12[%dma_wait3A_134] : memref<10000xf32, #tpu.memory_space<vmem>> -> memref<2000xf32, #tpu.memory_space<vmem>>
      %dma_wait3A_136 = arith.constant 0 : i32
      %dma_wait3A_137 = tpu.memref_slice %arg4[%dma_wait3A_136] : memref<10000xf32, #tpu.memory_space<hbm>> -> memref<2000xf32, #tpu.memory_space<hbm>>
      tpu.wait_dma2 semaphore(%arg21 : memref<!tpu.dma_semaphore, #tpu.memory_space<semaphore_mem>>) src(%dma_wait3A_137 : memref<2000xf32, #tpu.memory_space<hbm>>) dst(%dma_wait3A_135 : memref<2000xf32, #tpu.memory_space<vmem>>)
      %dma_wait3A_138 = arith.constant 0 : i32
      %dma_wait3A_139 = tpu.memref_slice %arg13[%dma_wait3A_138] : memref<10000xf32, #tpu.memory_space<vmem>> -> memref<2000xf32, #tpu.memory_space<vmem>>
      %dma_wait3A_140 = arith.constant 0 : i32
      %dma_wait3A_141 = tpu.memref_slice %arg5[%dma_wait3A_140] : memref<10000xf32, #tpu.memory_space<hbm>> -> memref<2000xf32, #tpu.memory_space<hbm>>
      %dma_wait3A_142 = arith.constant 0 : i32
      %dma_wait3A_143 = tpu.memref_slice %arg13[%dma_wait3A_142] : memref<10000xf32, #tpu.memory_space<vmem>> -> memref<2000xf32, #tpu.memory_space<vmem>>
      %dma_wait3A_144 = arith.constant 0 : i32
      %dma_wait3A_145 = tpu.memref_slice %arg5[%dma_wait3A_144] : memref<10000xf32, #tpu.memory_space<hbm>> -> memref<2000xf32, #tpu.memory_space<hbm>>
      tpu.wait_dma2 semaphore(%arg21 : memref<!tpu.dma_semaphore, #tpu.memory_space<semaphore_mem>>) src(%dma_wait3A_145 : memref<2000xf32, #tpu.memory_space<hbm>>) dst(%dma_wait3A_143 : memref<2000xf32, #tpu.memory_space<vmem>>)
    }
    %scan3A_46 = arith.constant 5 : i32
    %scan3A_47 = arith.constant 0 : i32
    %scan3A_48 = arith.constant 0 : i32
    %scan3A_49 = arith.constant 6 : i32
    %scan3A_50 = arith.addi %scan3A_48, %scan3A_49 : i32
    %scan3A_51 = arith.constant 1 : i32
    scf.for %scan3A_129 = %scan3A_48 to %scan3A_50 step %scan3A_51  : i32 {
      %dma_wait3A_130 = arith.constant 0 : i32
      %dma_wait3A_131 = tpu.memref_slice %arg9[%dma_wait3A_130] : memref<20112xi32, #tpu.memory_space<vmem>> -> memref<3352xi32, #tpu.memory_space<vmem>>
      %dma_wait3A_132 = arith.constant 0 : i32
      %dma_wait3A_133 = tpu.memref_slice %arg2[%dma_wait3A_132] : memref<320112xi32, #tpu.memory_space<hbm>> -> memref<3352xi32, #tpu.memory_space<hbm>>
      %dma_wait3A_134 = arith.constant 0 : i32
      %dma_wait3A_135 = tpu.memref_slice %arg9[%dma_wait3A_134] : memref<20112xi32, #tpu.memory_space<vmem>> -> memref<3352xi32, #tpu.memory_space<vmem>>
      %dma_wait3A_136 = arith.constant 0 : i32
      %dma_wait3A_137 = tpu.memref_slice %arg2[%dma_wait3A_136] : memref<320112xi32, #tpu.memory_space<hbm>> -> memref<3352xi32, #tpu.memory_space<hbm>>
      tpu.wait_dma2 semaphore(%arg21 : memref<!tpu.dma_semaphore, #tpu.memory_space<semaphore_mem>>) src(%dma_wait3A_137 : memref<3352xi32, #tpu.memory_space<hbm>>) dst(%dma_wait3A_135 : memref<3352xi32, #tpu.memory_space<vmem>>)
      %dma_wait3A_138 = arith.constant 0 : i32
      %dma_wait3A_139 = tpu.memref_slice %arg10[%dma_wait3A_138] : memref<20112xi32, #tpu.memory_space<vmem>> -> memref<3352xi32, #tpu.memory_space<vmem>>
      %dma_wait3A_140 = arith.constant 0 : i32
      %dma_wait3A_141 = tpu.memref_slice %arg3[%dma_wait3A_140] : memref<320112xi32, #tpu.memory_space<hbm>> -> memref<3352xi32, #tpu.memory_space<hbm>>
      %dma_wait3A_142 = arith.constant 0 : i32
      %dma_wait3A_143 = tpu.memref_slice %arg10[%dma_wait3A_142] : memref<20112xi32, #tpu.memory_space<vmem>> -> memref<3352xi32, #tpu.memory_space<vmem>>
      %dma_wait3A_144 = arith.constant 0 : i32
      %dma_wait3A_145 = tpu.memref_slice %arg3[%dma_wait3A_144] : memref<320112xi32, #tpu.memory_space<hbm>> -> memref<3352xi32, #tpu.memory_space<hbm>>
      tpu.wait_dma2 semaphore(%arg21 : memref<!tpu.dma_semaphore, #tpu.memory_space<semaphore_mem>>) src(%dma_wait3A_145 : memref<3352xi32, #tpu.memory_space<hbm>>) dst(%dma_wait3A_143 : memref<3352xi32, #tpu.memory_space<vmem>>)
    }
    %scan3A_52 = arith.constant 6 : i32
    "tpu.region"() ({
      %run_scoped3A_129 = tpu.sem_alloc : memref<!tpu.dma_semaphore, #tpu.memory_space<semaphore_mem>>
      %dma_start3A_130 = arith.constant 0 : i32
      %dma_start3A_131 = tpu.memref_slice %arg18[%dma_start3A_130] : memref<128xf32, #tpu.memory_space<vmem>> -> memref<16xf32, #tpu.memory_space<vmem>>
      %dma_start3A_132 = arith.constant 0 : i32
      %dma_start3A_133 = tpu.memref_slice %arg7[%dma_start3A_132] : memref<128xf32, #tpu.memory_space<hbm>> -> memref<16xf32, #tpu.memory_space<hbm>>
      %dma_start3A_134 = arith.constant 0 : i32
      %dma_start3A_135 = tpu.memref_slice %arg18[%dma_start3A_134] : memref<128xf32, #tpu.memory_space<vmem>> -> memref<16xf32, #tpu.memory_space<vmem>>
      %dma_start3A_136 = arith.constant 0 : i32
      %dma_start3A_137 = tpu.memref_slice %arg7[%dma_start3A_136] : memref<128xf32, #tpu.memory_space<hbm>> -> memref<16xf32, #tpu.memory_space<hbm>>
      tpu.enqueue_dma source(%dma_start3A_137 : memref<16xf32, #tpu.memory_space<hbm>>) target(%dma_start3A_135 : memref<16xf32, #tpu.memory_space<vmem>>) target_semaphore(%run_scoped3A_129 : memref<!tpu.dma_semaphore, #tpu.memory_space<semaphore_mem>>)
      %dma_wait3A_138 = arith.constant 0 : i32
      %dma_wait3A_139 = tpu.memref_slice %arg18[%dma_wait3A_138] : memref<128xf32, #tpu.memory_space<vmem>> -> memref<16xf32, #tpu.memory_space<vmem>>
      %dma_wait3A_140 = arith.constant 0 : i32
      %dma_wait3A_141 = tpu.memref_slice %arg7[%dma_wait3A_140] : memref<128xf32, #tpu.memory_space<hbm>> -> memref<16xf32, #tpu.memory_space<hbm>>
      %dma_wait3A_142 = arith.constant 0 : i32
      %dma_wait3A_143 = tpu.memref_slice %arg18[%dma_wait3A_142] : memref<128xf32, #tpu.memory_space<vmem>> -> memref<16xf32, #tpu.memory_space<vmem>>
      %dma_wait3A_144 = arith.constant 0 : i32
      %dma_wait3A_145 = tpu.memref_slice %arg7[%dma_wait3A_144] : memref<128xf32, #tpu.memory_space<hbm>> -> memref<16xf32, #tpu.memory_space<hbm>>
      tpu.wait_dma2 semaphore(%run_scoped3A_129 : memref<!tpu.dma_semaphore, #tpu.memory_space<semaphore_mem>>) src(%dma_wait3A_145 : memref<16xf32, #tpu.memory_space<hbm>>) dst(%dma_wait3A_143 : memref<16xf32, #tpu.memory_space<vmem>>)
      tpu.yield
    }) : () -> ()
    %get3A = arith.constant 0 : index
    %get3A_53 = tpu.vector_load %arg18[%get3A] {strides = array<i32>} : memref<128xf32, #tpu.memory_space<vmem>>, vector<16xf32>,
    %mul3A_54 = arith.constant 3 : i32
    %mul3A_55 = arith.muli %arg1, %mul3A_54 : i32
    %dma_wait3A = arith.constant 0 : i32
    %dma_wait3A_56 = arith.constant 0 : i32
    %dma_wait3A_57 = tpu.memref_slice %arg14[%dma_wait3A, %dma_wait3A_56] : memref<48x256xf32, #tpu.memory_space<vmem>> -> memref<3x256xf32, #tpu.memory_space<vmem>>
    %dma_wait3A_58 = arith.constant 0 : i32
    %dma_wait3A_59 = tpu.memref_slice %arg19[%mul3A_55, %dma_wait3A_58] : memref<48x256xf32, #tpu.memory_space<vmem_shared>> -> memref<3x256xf32, #tpu.memory_space<vmem_shared>>
    %dma_wait3A_60 = arith.constant 0 : i32
    %dma_wait3A_61 = tpu.memref_slice %arg19[%mul3A_55, %dma_wait3A_60] : memref<48x256xf32, #tpu.memory_space<vmem_shared>> -> memref<3x256xf32, #tpu.memory_space<vmem_shared>>
    %dma_wait3A_62 = arith.constant 0 : i32
    %dma_wait3A_63 = arith.constant 0 : i32
    %dma_wait3A_64 = tpu.memref_slice %arg14[%dma_wait3A_62, %dma_wait3A_63] : memref<48x256xf32, #tpu.memory_space<vmem>> -> memref<3x256xf32, #tpu.memory_space<vmem>>
    tpu.wait_dma2 semaphore(%arg22 : memref<!tpu.dma_semaphore, #tpu.memory_space<semaphore_mem>>) src(%dma_wait3A_64 : memref<3x256xf32, #tpu.memory_space<vmem>>) dst(%dma_wait3A_61 : memref<3x256xf32, #tpu.memory_space<vmem_shared>>)
    %scan3A_65 = arith.constant 0 : i32
    %scan3A_66 = arith.constant 0 : i32
    %scan3A_67 = arith.constant 5 : i32
    %scan3A_68 = arith.addi %scan3A_66, %scan3A_67 : i32
    %scan3A_69 = arith.constant 1 : i32
    scf.for %scan3A_129 = %scan3A_66 to %scan3A_68 step %scan3A_69  : i32 {
      %dma_wait3A_130 = arith.constant 0 : i32
      %dma_wait3A_131 = arith.constant 0 : i32
      %dma_wait3A_132 = tpu.memref_slice %arg16[%dma_wait3A_130, %dma_wait3A_131] : memref<128x64xf32, #tpu.memory_space<vmem>> -> memref<125x64xf32, #tpu.memory_space<vmem>>
      %dma_wait3A_133 = arith.constant 0 : i32
      %dma_wait3A_134 = arith.constant 0 : i32
      %dma_wait3A_135 = tpu.memref_slice %arg20[%dma_wait3A_133, %dma_wait3A_134] : memref<10000x64xf32, #tpu.memory_space<vmem_shared>> -> memref<125x64xf32, #tpu.memory_space<vmem_shared>>
      %dma_wait3A_136 = arith.constant 0 : i32
      %dma_wait3A_137 = arith.constant 0 : i32
      %dma_wait3A_138 = tpu.memref_slice %arg20[%dma_wait3A_136, %dma_wait3A_137] : memref<10000x64xf32, #tpu.memory_space<vmem_shared>> -> memref<125x64xf32, #tpu.memory_space<vmem_shared>>
      %dma_wait3A_139 = arith.constant 0 : i32
      %dma_wait3A_140 = arith.constant 0 : i32
      %dma_wait3A_141 = tpu.memref_slice %arg16[%dma_wait3A_139, %dma_wait3A_140] : memref<128x64xf32, #tpu.memory_space<vmem>> -> memref<125x64xf32, #tpu.memory_space<vmem>>
      tpu.wait_dma2 semaphore(%arg22 : memref<!tpu.dma_semaphore, #tpu.memory_space<semaphore_mem>>) src(%dma_wait3A_141 : memref<125x64xf32, #tpu.memory_space<vmem>>) dst(%dma_wait3A_138 : memref<125x64xf32, #tpu.memory_space<vmem_shared>>)
    }
    %scan3A_70 = arith.constant 5 : i32
    %mul3A_71 = arith.constant 10000 : i32
    %mul3A_72 = arith.muli %arg0, %mul3A_71 : i32
    %add3A = arith.addi %mul3A_1, %mul3A_72 : i32
    %run_scoped3A = arith.constant 0 : i32
    "tpu.region"() ({
      %run_scoped3A_129 = tpu.sem_alloc : memref<!tpu.dma_semaphore, #tpu.memory_space<semaphore_mem>>
      %dma_start3A_130 = arith.constant 0 : i32
      %dma_start3A_131 = tpu.memref_slice %arg11[%run_scoped3A, %dma_start3A_130] : memref<2x128xi32, #tpu.memory_space<vmem>> -> memref<1x128xi32, #tpu.memory_space<vmem>>
      %dma_start3A_132 = tpu.memref_squeeze %dma_start3A_131 : memref<1x128xi32, #tpu.memory_space<vmem>> -> memref<128xi32, #tpu.memory_space<vmem>>
      %dma_start3A_133 = tpu.memref_slice %arg3[%add3A] : memref<320112xi32, #tpu.memory_space<hbm>> -> memref<128xi32, #tpu.memory_space<hbm>>
      %dma_start3A_134 = arith.constant 0 : i32
      %dma_start3A_135 = tpu.memref_slice %arg11[%run_scoped3A, %dma_start3A_134] : memref<2x128xi32, #tpu.memory_space<vmem>> -> memref<1x128xi32, #tpu.memory_space<vmem>>
      %dma_start3A_136 = tpu.memref_squeeze %dma_start3A_135 : memref<1x128xi32, #tpu.memory_space<vmem>> -> memref<128xi32, #tpu.memory_space<vmem>>
      %dma_start3A_137 = tpu.memref_slice %arg3[%add3A] : memref<320112xi32, #tpu.memory_space<hbm>> -> memref<128xi32, #tpu.memory_space<hbm>>
      tpu.enqueue_dma source(%dma_start3A_137 : memref<128xi32, #tpu.memory_space<hbm>>) target(%dma_start3A_136 : memref<128xi32, #tpu.memory_space<vmem>>) target_semaphore(%run_scoped3A_129 : memref<!tpu.dma_semaphore, #tpu.memory_space<semaphore_mem>>)
      %dma_wait3A_138 = arith.constant 0 : i32
      %dma_wait3A_139 = tpu.memref_slice %arg11[%run_scoped3A, %dma_wait3A_138] : memref<2x128xi32, #tpu.memory_space<vmem>> -> memref<1x128xi32, #tpu.memory_space<vmem>>
      %dma_wait3A_140 = tpu.memref_squeeze %dma_wait3A_139 : memref<1x128xi32, #tpu.memory_space<vmem>> -> memref<128xi32, #tpu.memory_space<vmem>>
      %dma_wait3A_141 = tpu.memref_slice %arg3[%add3A] : memref<320112xi32, #tpu.memory_space<hbm>> -> memref<128xi32, #tpu.memory_space<hbm>>
      %dma_wait3A_142 = arith.constant 0 : i32
      %dma_wait3A_143 = tpu.memref_slice %arg11[%run_scoped3A, %dma_wait3A_142] : memref<2x128xi32, #tpu.memory_space<vmem>> -> memref<1x128xi32, #tpu.memory_space<vmem>>
      %dma_wait3A_144 = tpu.memref_squeeze %dma_wait3A_143 : memref<1x128xi32, #tpu.memory_space<vmem>> -> memref<128xi32, #tpu.memory_space<vmem>>
      %dma_wait3A_145 = tpu.memref_slice %arg3[%add3A] : memref<320112xi32, #tpu.memory_space<hbm>> -> memref<128xi32, #tpu.memory_space<hbm>>
      tpu.wait_dma2 semaphore(%run_scoped3A_129 : memref<!tpu.dma_semaphore, #tpu.memory_space<semaphore_mem>>) src(%dma_wait3A_145 : memref<128xi32, #tpu.memory_space<hbm>>) dst(%dma_wait3A_144 : memref<128xi32, #tpu.memory_space<vmem>>)
      tpu.yield
    }) : () -> ()
    %add3A_73 = arith.constant 128 : i32
    %add3A_74 = arith.addi %add3A, %add3A_73 : i32
    %dma_start3A_75 = arith.constant 1 : i32
    %dma_start3A_76 = arith.constant 0 : i32
    %dma_start3A_77 = tpu.memref_slice %arg11[%dma_start3A_75, %dma_start3A_76] : memref<2x128xi32, #tpu.memory_space<vmem>> -> memref<1x128xi32, #tpu.memory_space<vmem>>
    %dma_start3A_78 = tpu.memref_squeeze %dma_start3A_77 : memref<1x128xi32, #tpu.memory_space<vmem>> -> memref<128xi32, #tpu.memory_space<vmem>>
    %dma_start3A_79 = tpu.memref_slice %arg3[%add3A_74] : memref<320112xi32, #tpu.memory_space<hbm>> -> memref<128xi32, #tpu.memory_space<hbm>>
    %dma_start3A_80 = arith.constant 0 : i32
    %dma_start3A_81 = tpu.memref_slice %arg11[%dma_start3A_75, %dma_start3A_80] : memref<2x128xi32, #tpu.memory_space<vmem>> -> memref<1x128xi32, #tpu.memory_space<vmem>>
    %dma_start3A_82 = tpu.memref_squeeze %dma_start3A_81 : memref<1x128xi32, #tpu.memory_space<vmem>> -> memref<128xi32, #tpu.memory_space<vmem>>
    %dma_start3A_83 = tpu.memref_slice %arg3[%add3A_74] : memref<320112xi32, #tpu.memory_space<hbm>> -> memref<128xi32, #tpu.memory_space<hbm>>
    tpu.enqueue_dma source(%dma_start3A_83 : memref<128xi32, #tpu.memory_space<hbm>>) target(%dma_start3A_82 : memref<128xi32, #tpu.memory_space<vmem>>) target_semaphore(%arg24 : memref<!tpu.dma_semaphore, #tpu.memory_space<semaphore_mem>>)
    %add3A_84 = arith.constant 0 : i32
    %add3A_85 = arith.addi %mul3A_72, %add3A_84 : i32
    %dma_start3A_86 = tpu.memref_slice %arg9[%add3A_85] : memref<20112xi32, #tpu.memory_space<vmem>> -> memref<128xi32, #tpu.memory_space<vmem>>
    %dma_start3A_87 = arith.constant 0 : i32
    %dma_start3A_88 = arith.constant 0 : i32
    %dma_start3A_89 = tpu.memref_slice %arg6[%dma_start3A_87, %dma_start3A_88] : memref<10000x64xf32, #tpu.memory_space<hbm>> -> memref<10000x64xf32, #tpu.memory_space<hbm>>
    tpu.enqueue_indirect_dma source(%dma_start3A_89 : memref<10000x64xf32, #tpu.memory_space<hbm>>) target(%arg16 : memref<128x64xf32, #tpu.memory_space<vmem>>) offsets(%dma_start3A_86 : memref<128xi32, #tpu.memory_space<vmem>>) semaphore(%arg21 : memref<!tpu.dma_semaphore, #tpu.memory_space<semaphore_mem>>)
    %add3A_90 = arith.constant 128 : i32
    %add3A_91 = arith.addi %mul3A_72, %add3A_90 : i32
    %dma_start3A_92 = tpu.memref_slice %arg9[%add3A_91] : memref<20112xi32, #tpu.memory_space<vmem>> -> memref<128xi32, #tpu.memory_space<vmem>>
    %dma_start3A_93 = arith.constant 0 : i32
    %dma_start3A_94 = arith.constant 0 : i32
    %dma_start3A_95 = tpu.memref_slice %arg6[%dma_start3A_93, %dma_start3A_94] : memref<10000x64xf32, #tpu.memory_space<hbm>> -> memref<10000x64xf32, #tpu.memory_space<hbm>>
    tpu.enqueue_indirect_dma source(%dma_start3A_95 : memref<10000x64xf32, #tpu.memory_space<hbm>>) target(%arg17 : memref<128x64xf32, #tpu.memory_space<vmem>>) offsets(%dma_start3A_92 : memref<128xi32, #tpu.memory_space<vmem>>) semaphore(%arg22 : memref<!tpu.dma_semaphore, #tpu.memory_space<semaphore_mem>>)
    %parallel_loop3A_96 = arith.constant 0 : i32
    %parallel_loop3A_97 = arith.constant 1250 : i32
    %parallel_loop3A_98 = arith.constant 1 : i32
    scf.for %parallel_loop3A_129 = %parallel_loop3A_96 to %parallel_loop3A_97 step %parallel_loop3A_98  : i32 {
      %parallel_loop3A_130 = arith.constant 16 : i32
      %parallel_loop3A_131 = arith.muli %parallel_loop3A_129, %parallel_loop3A_130 : i32
      %parallel_loop3A_132 = arith.index_cast %parallel_loop3A_131 : i32 to index
      %parallel_loop3A_133 = tpu.vector_load %arg9[%parallel_loop3A_132] {strides = array<i32>} : memref<20112xi32, #tpu.memory_space<vmem>>, vector<16xi32>,
      %parallel_loop3A_134 = arith.index_cast %parallel_loop3A_131 : i32 to index
      %parallel_loop3A_135 = tpu.vector_load %arg10[%parallel_loop3A_134] {strides = array<i32>} : memref<20112xi32, #tpu.memory_space<vmem>>, vector<16xi32>,
      %parallel_loop3A_136 = tpu.vector_load_idx %arg12[%parallel_loop3A_133] : memref<10000xf32, #tpu.memory_space<vmem>>[vector<16xi32>], vector<16xf32>,
      %parallel_loop3A_137 = tpu.vector_load_idx %arg13[%parallel_loop3A_135] : memref<10000xf32, #tpu.memory_space<vmem>>[vector<16xi32>], vector<16xf32>,
      %parallel_loop3A_138 = arith.addf %parallel_loop3A_136, %parallel_loop3A_137 : vector<16xf32>
      %parallel_loop3A_139 = arith.constant 0.000000e+00 : f32
      %parallel_loop3A_140 = vector.broadcast %parallel_loop3A_139 : f32 to vector<16xf32>
      %parallel_loop3A_141 = arith.cmpf oge, %parallel_loop3A_138, %parallel_loop3A_140 : vector<16xf32>
      %parallel_loop3A_142 = arith.constant 2.000000e-01 : f32
      %parallel_loop3A_143 = vector.broadcast %parallel_loop3A_142 : f32 to vector<16xf32>
      %parallel_loop3A_144 = arith.mulf %parallel_loop3A_143, %parallel_loop3A_138 : vector<16xf32>
      %parallel_loop3A_145 = arith.select %parallel_loop3A_141, %parallel_loop3A_138, %parallel_loop3A_144 : vector<16xi1>, vector<16xf32>
      %parallel_loop3A_146 = arith.constant 8 : i32
      %parallel_loop3A_147 = vector.broadcast %parallel_loop3A_146 : i32 to vector<16xi32>
      %parallel_loop3A_148 = arith.shrsi %parallel_loop3A_135, %parallel_loop3A_147 : vector<16xi32>
      %parallel_loop3A_149 = arith.constant 255 : i32
      %parallel_loop3A_150 = vector.broadcast %parallel_loop3A_149 : i32 to vector<16xi32>
      %parallel_loop3A_151 = arith.andi %parallel_loop3A_135, %parallel_loop3A_150 : vector<16xi32>
      %parallel_loop3A_152 = arith.subf %parallel_loop3A_145, %get3A_53 : vector<16xf32>
      %parallel_loop3A_153 = math.exp %parallel_loop3A_152 : vector<16xf32>
      tpu.vector_store_idx %arg14[%parallel_loop3A_148, %parallel_loop3A_151], %parallel_loop3A_153 {add = true} : memref<48x256xf32, #tpu.memory_space<vmem>>[vector<16xi32>, vector<16xi32>], vector<16xf32>,
    } {sc.loop_unroll_factor = 4 : i64, sc.parallel_access}
    %barrier3A = arith.constant 0 : index
    tpu.barrier barrier_id(%barrier3A)
    "tpu.region"() ({
      %run_scoped3A_129 = tpu.sem_alloc : memref<!tpu.dma_semaphore, #tpu.memory_space<semaphore_mem>>
      %dma_start3A_130 = arith.constant 0 : i32
      %dma_start3A_131 = arith.constant 0 : i32
      %dma_start3A_132 = tpu.memref_slice %arg19[%dma_start3A_130, %dma_start3A_131] : memref<48x256xf32, #tpu.memory_space<vmem_shared>> -> memref<48x256xf32, #tpu.memory_space<vmem_shared>>
      tpu.enqueue_indirect_dma source(%arg14 : memref<48x256xf32, #tpu.memory_space<vmem>>) target(%dma_start3A_132 : memref<48x256xf32, #tpu.memory_space<vmem_shared>>) offsets(%arg15 : memref<48xi32, #tpu.memory_space<vmem>>) semaphore(%run_scoped3A_129 : memref<!tpu.dma_semaphore, #tpu.memory_space<semaphore_mem>>) {add = true}
      %dma_wait3A_133 = arith.constant 0 : i32
      %dma_wait3A_134 = arith.constant 0 : i32
      %dma_wait3A_135 = tpu.memref_slice %arg19[%dma_wait3A_133, %dma_wait3A_134] : memref<48x256xf32, #tpu.memory_space<vmem_shared>> -> memref<48x256xf32, #tpu.memory_space<vmem_shared>>
      tpu.wait_indirect_dma semaphore(%run_scoped3A_129 : memref<!tpu.dma_semaphore, #tpu.memory_space<semaphore_mem>>) src(%arg14 : memref<48x256xf32, #tpu.memory_space<vmem>>) dst(%dma_wait3A_135 : memref<48x256xf32, #tpu.memory_space<vmem_shared>>)
      tpu.yield
    }) : () -> ()
    %barrier3A_99 = arith.constant 0 : index
    tpu.barrier barrier_id(%barrier3A_99)
    %scan3A_100 = arith.constant 0 : i32
    %scan3A_101 = arith.constant 0 : i32
    %scan3A_102 = arith.constant 3 : i32
    %scan3A_103 = arith.addi %scan3A_101, %scan3A_102 : i32
    %scan3A_104 = arith.constant 1 : i32
    scf.for %scan3A_129 = %scan3A_101 to %scan3A_103 step %scan3A_104  : i32 {
      %mul3A_130 = arith.constant 16 : i32
      %mul3A_131 = arith.muli %scan3A_129, %mul3A_130 : i32
      %mul3A_132 = arith.constant 16 : i32
      %mul3A_133 = arith.muli %scan3A_129, %mul3A_132 : i32
      "tpu.region"() ({
        %run_scoped3A_134 = tpu.sem_alloc : memref<!tpu.dma_semaphore, #tpu.memory_space<semaphore_mem>>
        %dma_start3A_135 = arith.constant 0 : i32
        %dma_start3A_136 = tpu.memref_slice %arg14[%mul3A_133, %dma_start3A_135] : memref<48x256xf32, #tpu.memory_space<vmem>> -> memref<16x256xf32, #tpu.memory_space<vmem>>
        %dma_start3A_137 = arith.constant 0 : i32
        %dma_start3A_138 = tpu.memref_slice %arg19[%mul3A_131, %dma_start3A_137] : memref<48x256xf32, #tpu.memory_space<vmem_shared>> -> memref<16x256xf32, #tpu.memory_space<vmem_shared>>
        %dma_start3A_139 = arith.constant 0 : i32
        %dma_start3A_140 = tpu.memref_slice %arg14[%mul3A_133, %dma_start3A_139] : memref<48x256xf32, #tpu.memory_space<vmem>> -> memref<16x256xf32, #tpu.memory_space<vmem>>
        %dma_start3A_141 = arith.constant 0 : i32
        %dma_start3A_142 = tpu.memref_slice %arg19[%mul3A_131, %dma_start3A_141] : memref<48x256xf32, #tpu.memory_space<vmem_shared>> -> memref<16x256xf32, #tpu.memory_space<vmem_shared>>
        tpu.enqueue_dma source(%dma_start3A_142 : memref<16x256xf32, #tpu.memory_space<vmem_shared>>) target(%dma_start3A_140 : memref<16x256xf32, #tpu.memory_space<vmem>>) target_semaphore(%run_scoped3A_134 : memref<!tpu.dma_semaphore, #tpu.memory_space<semaphore_mem>>)
        %dma_wait3A_143 = arith.constant 0 : i32
        %dma_wait3A_144 = tpu.memref_slice %arg14[%mul3A_133, %dma_wait3A_143] : memref<48x256xf32, #tpu.memory_space<vmem>> -> memref<16x256xf32, #tpu.memory_space<vmem>>
        %dma_wait3A_145 = arith.constant 0 : i32
        %dma_wait3A_146 = tpu.memref_slice %arg19[%mul3A_131, %dma_wait3A_145] : memref<48x256xf32, #tpu.memory_space<vmem_shared>> -> memref<16x256xf32, #tpu.memory_space<vmem_shared>>
        %dma_wait3A_147 = arith.constant 0 : i32
        %dma_wait3A_148 = tpu.memref_slice %arg14[%mul3A_133, %dma_wait3A_147] : memref<48x256xf32, #tpu.memory_space<vmem>> -> memref<16x256xf32, #tpu.memory_space<vmem>>
        %dma_wait3A_149 = arith.constant 0 : i32
        %dma_wait3A_150 = tpu.memref_slice %arg19[%mul3A_131, %dma_wait3A_149] : memref<48x256xf32, #tpu.memory_space<vmem_shared>> -> memref<16x256xf32, #tpu.memory_space<vmem_shared>>
        tpu.wait_dma2 semaphore(%run_scoped3A_134 : memref<!tpu.dma_semaphore, #tpu.memory_space<semaphore_mem>>) src(%dma_wait3A_150 : memref<16x256xf32, #tpu.memory_space<vmem_shared>>) dst(%dma_wait3A_148 : memref<16x256xf32, #tpu.memory_space<vmem>>)
        tpu.yield
      }) : () -> ()
    }
    %scan3A_105 = arith.constant 3 : i32
    %scan3A_106 = arith.constant 0 : i32
    %scan3A_107 = arith.constant 0 : i32
    %scan3A_108 = arith.constant 40 : i32
    %scan3A_109 = arith.addi %scan3A_107, %scan3A_108 : i32
    %scan3A_110 = arith.constant 1 : i32
    scf.for %scan3A_129 = %scan3A_107 to %scan3A_109 step %scan3A_110  : i32 {
      %mul3A_130 = arith.constant 2 : i32
      %mul3A_131 = arith.muli %scan3A_129, %mul3A_130 : i32
      %add3A_132 = arith.constant 1 : i32
      %add3A_133 = arith.addi %mul3A_131, %add3A_132 : i32
      %ge3A = arith.constant 1 : i32
      %ge3A_134 = arith.cmpi sge, %scan3A_129, %ge3A : i32
      %lt3A_135 = arith.constant 79 : i32
      %lt3A_136 = arith.cmpi slt, %add3A_133, %lt3A_135 : i32
      %and3A = arith.andi %ge3A_134, %lt3A_136 : i1
      %convert_element_type3A_137 = arith.extui %and3A : i1 to i32
      %cond3A_138 = arith.constant 0 : i32
      %cond3A_139 = arith.cmpi ne, %convert_element_type3A_137, %cond3A_138 : i32
      scf.if %cond3A_139 {
        %dma_wait3A_176 = arith.constant 0 : i32
        %dma_wait3A_177 = arith.constant 0 : i32
        %dma_wait3A_178 = tpu.memref_slice %arg11[%dma_wait3A_176, %dma_wait3A_177] : memref<2x128xi32, #tpu.memory_space<vmem>> -> memref<1x128xi32, #tpu.memory_space<vmem>>
        %dma_wait3A_179 = tpu.memref_squeeze %dma_wait3A_178 : memref<1x128xi32, #tpu.memory_space<vmem>> -> memref<128xi32, #tpu.memory_space<vmem>>
        %dma_wait3A_180 = arith.constant 0 : i32
        %dma_wait3A_181 = arith.constant 0 : i32
        %dma_wait3A_182 = tpu.memref_slice %arg20[%dma_wait3A_180, %dma_wait3A_181] : memref<10000x64xf32, #tpu.memory_space<vmem_shared>> -> memref<10000x64xf32, #tpu.memory_space<vmem_shared>>
        tpu.wait_indirect_dma semaphore(%arg26 : memref<!tpu.dma_semaphore, #tpu.memory_space<semaphore_mem>>) src(%arg17 : memref<128x64xf32, #tpu.memory_space<vmem>>) dst(%dma_wait3A_182 : memref<10000x64xf32, #tpu.memory_space<vmem_shared>>)
        %mul3A_183 = arith.constant 128 : i32
        %mul3A_184 = arith.muli %add3A_133, %mul3A_183 : i32
        %add3A_185 = arith.addi %add3A, %mul3A_184 : i32
        %dma_start3A_186 = arith.constant 1 : i32
        %dma_start3A_187 = arith.constant 0 : i32
        %dma_start3A_188 = tpu.memref_slice %arg11[%dma_start3A_186, %dma_start3A_187] : memref<2x128xi32, #tpu.memory_space<vmem>> -> memref<1x128xi32, #tpu.memory_space<vmem>>
        %dma_start3A_189 = tpu.memref_squeeze %dma_start3A_188 : memref<1x128xi32, #tpu.memory_space<vmem>> -> memref<128xi32, #tpu.memory_space<vmem>>
        %dma_start3A_190 = tpu.memref_slice %arg3[%add3A_185] : memref<320112xi32, #tpu.memory_space<hbm>> -> memref<128xi32, #tpu.memory_space<hbm>>
        %dma_start3A_191 = arith.constant 0 : i32
        %dma_start3A_192 = tpu.memref_slice %arg11[%dma_start3A_186, %dma_start3A_191] : memref<2x128xi32, #tpu.memory_space<vmem>> -> memref<1x128xi32, #tpu.memory_space<vmem>>
        %dma_start3A_193 = tpu.memref_squeeze %dma_start3A_192 : memref<1x128xi32, #tpu.memory_space<vmem>> -> memref<128xi32, #tpu.memory_space<vmem>>
        %dma_start3A_194 = tpu.memref_slice %arg3[%add3A_185] : memref<320112xi32, #tpu.memory_space<hbm>> -> memref<128xi32, #tpu.memory_space<hbm>>
        tpu.enqueue_dma source(%dma_start3A_194 : memref<128xi32, #tpu.memory_space<hbm>>) target(%dma_start3A_193 : memref<128xi32, #tpu.memory_space<vmem>>) target_semaphore(%arg24 : memref<!tpu.dma_semaphore, #tpu.memory_space<semaphore_mem>>)
        %mul3A_195 = arith.constant 128 : i32
        %mul3A_196 = arith.muli %add3A_133, %mul3A_195 : i32
        %add3A_197 = arith.addi %mul3A_72, %mul3A_196 : i32
        %dma_start3A_198 = tpu.memref_slice %arg9[%add3A_197] : memref<20112xi32, #tpu.memory_space<vmem>> -> memref<128xi32, #tpu.memory_space<vmem>>
        %dma_start3A_199 = arith.constant 0 : i32
        %dma_start3A_200 = arith.constant 0 : i32
        %dma_start3A_201 = tpu.memref_slice %arg6[%dma_start3A_199, %dma_start3A_200] : memref<10000x64xf32, #tpu.memory_space<hbm>> -> memref<10000x64xf32, #tpu.memory_space<hbm>>
        tpu.enqueue_indirect_dma source(%dma_start3A_201 : memref<10000x64xf32, #tpu.memory_space<hbm>>) target(%arg17 : memref<128x64xf32, #tpu.memory_space<vmem>>) offsets(%dma_start3A_198 : memref<128xi32, #tpu.memory_space<vmem>>) semaphore(%arg22 : memref<!tpu.dma_semaphore, #tpu.memory_space<semaphore_mem>>)
      } else {
      }
      %ge3A_140 = arith.constant 2 : i32
      %ge3A_141 = arith.cmpi sge, %mul3A_131, %ge3A_140 : i32
      %convert_element_type3A_142 = arith.extui %ge3A_141 : i1 to i32
      %cond3A_143 = arith.constant 0 : i32
      %cond3A_144 = arith.cmpi ne, %convert_element_type3A_142, %cond3A_143 : i32
      scf.if %cond3A_144 {
        %dma_wait3A_176 = arith.constant 0 : i32
        %dma_wait3A_177 = arith.constant 0 : i32
        %dma_wait3A_178 = tpu.memref_slice %arg11[%dma_wait3A_176, %dma_wait3A_177] : memref<2x128xi32, #tpu.memory_space<vmem>> -> memref<1x128xi32, #tpu.memory_space<vmem>>
        %dma_wait3A_179 = tpu.memref_squeeze %dma_wait3A_178 : memref<1x128xi32, #tpu.memory_space<vmem>> -> memref<128xi32, #tpu.memory_space<vmem>>
        %dma_wait3A_180 = tpu.memref_slice %arg3[%add3A] : memref<320112xi32, #tpu.memory_space<hbm>> -> memref<128xi32, #tpu.memory_space<hbm>>
        %dma_wait3A_181 = arith.constant 0 : i32
        %dma_wait3A_182 = tpu.memref_slice %arg11[%dma_wait3A_176, %dma_wait3A_181] : memref<2x128xi32, #tpu.memory_space<vmem>> -> memref<1x128xi32, #tpu.memory_space<vmem>>
        %dma_wait3A_183 = tpu.memref_squeeze %dma_wait3A_182 : memref<1x128xi32, #tpu.memory_space<vmem>> -> memref<128xi32, #tpu.memory_space<vmem>>
        %dma_wait3A_184 = tpu.memref_slice %arg3[%add3A] : memref<320112xi32, #tpu.memory_space<hbm>> -> memref<128xi32, #tpu.memory_space<hbm>>
        tpu.wait_dma2 semaphore(%arg23 : memref<!tpu.dma_semaphore, #tpu.memory_space<semaphore_mem>>) src(%dma_wait3A_184 : memref<128xi32, #tpu.memory_space<hbm>>) dst(%dma_wait3A_183 : memref<128xi32, #tpu.memory_space<vmem>>)
      } else {
      }
      %dma_wait3A_145 = arith.constant 0 : i32
      %dma_wait3A_146 = arith.constant 0 : i32
      %dma_wait3A_147 = tpu.memref_slice %arg6[%dma_wait3A_145, %dma_wait3A_146] : memref<10000x64xf32, #tpu.memory_space<hbm>> -> memref<128x64xf32, #tpu.memory_space<hbm>>
      %dma_wait3A_148 = arith.constant 0 : i32
      %dma_wait3A_149 = arith.constant 0 : i32
      %dma_wait3A_150 = tpu.memref_slice %arg6[%dma_wait3A_148, %dma_wait3A_149] : memref<10000x64xf32, #tpu.memory_space<hbm>> -> memref<128x64xf32, #tpu.memory_space<hbm>>
      tpu.wait_dma2 semaphore(%arg21 : memref<!tpu.dma_semaphore, #tpu.memory_space<semaphore_mem>>) src(%dma_wait3A_150 : memref<128x64xf32, #tpu.memory_space<hbm>>) dst(%arg16 : memref<128x64xf32, #tpu.memory_space<vmem>>)
      %parallel_loop3A_151 = arith.constant 0 : i32
      %parallel_loop3A_152 = arith.constant 8 : i32
      %parallel_loop3A_153 = arith.constant 1 : i32
      scf.for %parallel_loop3A_176 = %parallel_loop3A_151 to %parallel_loop3A_152 step %parallel_loop3A_153  : i32 {
        %parallel_loop3A_177 = arith.constant 128 : i32
        %parallel_loop3A_178 = arith.muli %mul3A_131, %parallel_loop3A_177 : i32
        %parallel_loop3A_179 = arith.addi %mul3A_72, %parallel_loop3A_178 : i32
        %parallel_loop3A_180 = arith.constant 16 : i32
        %parallel_loop3A_181 = arith.muli %parallel_loop3A_176, %parallel_loop3A_180 : i32
        %parallel_loop3A_182 = arith.addi %parallel_loop3A_179, %parallel_loop3A_181 : i32
        %parallel_loop3A_183 = arith.index_cast %parallel_loop3A_182 : i32 to index
        %parallel_loop3A_184 = tpu.vector_load %arg9[%parallel_loop3A_183] {strides = array<i32>} : memref<20112xi32, #tpu.memory_space<vmem>>, vector<16xi32>,
        %parallel_loop3A_185 = arith.index_cast %parallel_loop3A_182 : i32 to index
        %parallel_loop3A_186 = tpu.vector_load %arg10[%parallel_loop3A_185] {strides = array<i32>} : memref<20112xi32, #tpu.memory_space<vmem>>, vector<16xi32>,
        %parallel_loop3A_187 = tpu.vector_load_idx %arg12[%parallel_loop3A_184] : memref<10000xf32, #tpu.memory_space<vmem>>[vector<16xi32>], vector<16xf32>,
        %parallel_loop3A_188 = tpu.vector_load_idx %arg13[%parallel_loop3A_186] : memref<10000xf32, #tpu.memory_space<vmem>>[vector<16xi32>], vector<16xf32>,
        %parallel_loop3A_189 = arith.addf %parallel_loop3A_187, %parallel_loop3A_188 : vector<16xf32>
        %parallel_loop3A_190 = arith.constant 0.000000e+00 : f32
        %parallel_loop3A_191 = vector.broadcast %parallel_loop3A_190 : f32 to vector<16xf32>
        %parallel_loop3A_192 = arith.cmpf oge, %parallel_loop3A_189, %parallel_loop3A_191 : vector<16xf32>
        %parallel_loop3A_193 = arith.constant 2.000000e-01 : f32
        %parallel_loop3A_194 = vector.broadcast %parallel_loop3A_193 : f32 to vector<16xf32>
        %parallel_loop3A_195 = arith.mulf %parallel_loop3A_194, %parallel_loop3A_189 : vector<16xf32>
        %parallel_loop3A_196 = arith.select %parallel_loop3A_192, %parallel_loop3A_189, %parallel_loop3A_195 : vector<16xi1>, vector<16xf32>
        %parallel_loop3A_197 = arith.subf %parallel_loop3A_196, %get3A_53 : vector<16xf32>
        %parallel_loop3A_198 = math.exp %parallel_loop3A_197 : vector<16xf32>
        %parallel_loop3A_199 = arith.constant 8 : i32
        %parallel_loop3A_200 = vector.broadcast %parallel_loop3A_199 : i32 to vector<16xi32>
        %parallel_loop3A_201 = arith.shrsi %parallel_loop3A_186, %parallel_loop3A_200 : vector<16xi32>
        %parallel_loop3A_202 = arith.constant 255 : i32
        %parallel_loop3A_203 = vector.broadcast %parallel_loop3A_202 : i32 to vector<16xi32>
        %parallel_loop3A_204 = arith.andi %parallel_loop3A_186, %parallel_loop3A_203 : vector<16xi32>
        %parallel_loop3A_205 = tpu.vector_load_idx %arg14[%parallel_loop3A_201, %parallel_loop3A_204] : memref<48x256xf32, #tpu.memory_space<vmem>>[vector<16xi32>, vector<16xi32>], vector<16xf32>,
        %parallel_loop3A_206 = arith.constant 1.000000e-16 : f32
        %parallel_loop3A_207 = vector.broadcast %parallel_loop3A_206 : f32 to vector<16xf32>
        %parallel_loop3A_208 = arith.addf %parallel_loop3A_205, %parallel_loop3A_207 : vector<16xf32>
        %parallel_loop3A_209 = arith.divf %parallel_loop3A_198, %parallel_loop3A_208 : vector<16xf32>
        %parallel_loop3A_210 = arith.constant 128 : i32
        %parallel_loop3A_211 = arith.muli %mul3A_131, %parallel_loop3A_210 : i32
        %parallel_loop3A_212 = arith.constant 16 : i32
        %parallel_loop3A_213 = arith.muli %parallel_loop3A_176, %parallel_loop3A_212 : i32
        %parallel_loop3A_214 = arith.addi %parallel_loop3A_211, %parallel_loop3A_213 : i32
        %parallel_loop3A_215 = arith.constant 10000 : i32
        %parallel_loop3A_216 = arith.cmpi slt, %parallel_loop3A_214, %parallel_loop3A_215 : i32
        %parallel_loop3A_217 = arith.select %parallel_loop3A_216, %parallel_loop3A_209, %broadcast_in_dim3A_0 : vector<16xf32>
        %parallel_loop3A_218 = arith.constant 16 : i32
        %parallel_loop3A_219 = arith.muli %parallel_loop3A_176, %parallel_loop3A_218 : i32
        %parallel_loop3A_220 = arith.index_cast %parallel_loop3A_219 : i32 to index
        %parallel_loop3A_221 = tpu.vector_load %arg18[%parallel_loop3A_220] {strides = array<i32>} : memref<128xf32, #tpu.memory_space<vmem>>, vector<16xf32>,
        tpu.vector_store %arg18[%parallel_loop3A_220], %parallel_loop3A_217 {strides = array<i32>} : memref<128xf32, #tpu.memory_space<vmem>>, vector<16xf32>,
      } {sc.loop_unroll_factor = 4 : i64, sc.parallel_access}
      %parallel_loop3A_154 = arith.constant 0 : i32
      %parallel_loop3A_155 = arith.constant 128 : i32
      %parallel_loop3A_156 = arith.constant 1 : i32
      scf.for %parallel_loop3A_176 = %parallel_loop3A_154 to %parallel_loop3A_155 step %parallel_loop3A_156  : i32 {
        %parallel_loop3A_177 = vector.broadcast %parallel_loop3A_176 : i32 to vector<16xi32>
        %parallel_loop3A_178 = tpu.vector_load_idx %arg18[%parallel_loop3A_177] : memref<128xf32, #tpu.memory_space<vmem>>[vector<16xi32>], vector<16xf32>,
        %parallel_loop3A_179 = arith.index_cast %parallel_loop3A_176 : i32 to index
        %parallel_loop3A_180 = arith.constant 0 : index
        %parallel_loop3A_181 = tpu.vector_load %arg16[%parallel_loop3A_179, %parallel_loop3A_180] {strides = array<i32>} : memref<128x64xf32, #tpu.memory_space<vmem>>, vector<16xf32>,
        %parallel_loop3A_182 = arith.mulf %parallel_loop3A_181, %parallel_loop3A_178 : vector<16xf32>
        %parallel_loop3A_183 = arith.index_cast %parallel_loop3A_176 : i32 to index
        %parallel_loop3A_184 = arith.constant 0 : index
        %parallel_loop3A_185 = tpu.vector_load %arg16[%parallel_loop3A_183, %parallel_loop3A_184] {strides = array<i32>} : memref<128x64xf32, #tpu.memory_space<vmem>>, vector<16xf32>,
        tpu.vector_store %arg16[%parallel_loop3A_183, %parallel_loop3A_184], %parallel_loop3A_182 {strides = array<i32>} : memref<128x64xf32, #tpu.memory_space<vmem>>, vector<16xf32>,
        %parallel_loop3A_186 = arith.index_cast %parallel_loop3A_176 : i32 to index
        %parallel_loop3A_187 = arith.constant 16 : index
        %parallel_loop3A_188 = tpu.vector_load %arg16[%parallel_loop3A_186, %parallel_loop3A_187] {strides = array<i32>} : memref<128x64xf32, #tpu.memory_space<vmem>>, vector<16xf32>,
        %parallel_loop3A_189 = arith.mulf %parallel_loop3A_188, %parallel_loop3A_178 : vector<16xf32>
        %parallel_loop3A_190 = arith.index_cast %parallel_loop3A_176 : i32 to index
        %parallel_loop3A_191 = arith.constant 16 : index
        %parallel_loop3A_192 = tpu.vector_load %arg16[%parallel_loop3A_190, %parallel_loop3A_191] {strides = array<i32>} : memref<128x64xf32, #tpu.memory_space<vmem>>, vector<16xf32>,
        tpu.vector_store %arg16[%parallel_loop3A_190, %parallel_loop3A_191], %parallel_loop3A_189 {strides = array<i32>} : memref<128x64xf32, #tpu.memory_space<vmem>>, vector<16xf32>,
        %parallel_loop3A_193 = arith.index_cast %parallel_loop3A_176 : i32 to index
        %parallel_loop3A_194 = arith.constant 32 : index
        %parallel_loop3A_195 = tpu.vector_load %arg16[%parallel_loop3A_193, %parallel_loop3A_194] {strides = array<i32>} : memref<128x64xf32, #tpu.memory_space<vmem>>, vector<16xf32>,
        %parallel_loop3A_196 = arith.mulf %parallel_loop3A_195, %parallel_loop3A_178 : vector<16xf32>
        %parallel_loop3A_197 = arith.index_cast %parallel_loop3A_176 : i32 to index
        %parallel_loop3A_198 = arith.constant 32 : index
        %parallel_loop3A_199 = tpu.vector_load %arg16[%parallel_loop3A_197, %parallel_loop3A_198] {strides = array<i32>} : memref<128x64xf32, #tpu.memory_space<vmem>>, vector<16xf32>,
        tpu.vector_store %arg16[%parallel_loop3A_197, %parallel_loop3A_198], %parallel_loop3A_196 {strides = array<i32>} : memref<128x64xf32, #tpu.memory_space<vmem>>, vector<16xf32>,
        %parallel_loop3A_200 = arith.index_cast %parallel_loop3A_176 : i32 to index
        %parallel_loop3A_201 = arith.constant 48 : index
        %parallel_loop3A_202 = tpu.vector_load %arg16[%parallel_loop3A_200, %parallel_loop3A_201] {strides = array<i32>} : memref<128x64xf32, #tpu.memory_space<vmem>>, vector<16xf32>,
        %parallel_loop3A_203 = arith.mulf %parallel_loop3A_202, %parallel_loop3A_178 : vector<16xf32>
        %parallel_loop3A_204 = arith.index_cast %parallel_loop3A_176 : i32 to index
        %parallel_loop3A_205 = arith.constant 48 : index
        %parallel_loop3A_206 = tpu.vector_load %arg16[%parallel_loop3A_204, %parallel_loop3A_205] {strides = array<i32>} : memref<128x64xf32, #tpu.memory_space<vmem>>, vector<16xf32>,
        tpu.vector_store %arg16[%parallel_loop3A_204, %parallel_loop3A_205], %parallel_loop3A_203 {strides = array<i32>} : memref<128x64xf32, #tpu.memory_space<vmem>>, vector<16xf32>,
      } {sc.loop_unroll_factor = 4 : i64, sc.parallel_access}
      %dma_start3A_157 = arith.constant 0 : i32
      %dma_start3A_158 = arith.constant 0 : i32
      %dma_start3A_159 = tpu.memref_slice %arg11[%dma_start3A_157, %dma_start3A_158] : memref<2x128xi32, #tpu.memory_space<vmem>> -> memref<1x128xi32, #tpu.memory_space<vmem>>
      %dma_start3A_160 = tpu.memref_squeeze %dma_start3A_159 : memref<1x128xi32, #tpu.memory_space<vmem>> -> memref<128xi32, #tpu.memory_space<vmem>>
      %dma_start3A_161 = arith.constant 0 : i32
      %dma_start3A_162 = arith.constant 0 : i32
      %dma_start3A_163 = tpu.memref_slice %arg20[%dma_start3A_161, %dma_start3A_162] : memref<10000x64xf32, #tpu.memory_space<vmem_shared>> -> memref<10000x64xf32, #tpu.memory_space<vmem_shared>>
      tpu.enqueue_indirect_dma source(%arg16 : memref<128x64xf32, #tpu.memory_space<vmem>>) target(%dma_start3A_163 : memref<10000x64xf32, #tpu.memory_space<vmem_shared>>) offsets(%dma_start3A_160 : memref<128xi32, #tpu.memory_space<vmem>>) semaphore(%arg25 : memref<!tpu.dma_semaphore, #tpu.memory_space<semaphore_mem>>) {add = true}
      %lt3A_164 = arith.constant 79 : i32
      %lt3A_165 = arith.cmpi slt, %add3A_133, %lt3A_164 : i32
      %convert_element_type3A_166 = arith.extui %lt3A_165 : i1 to i32
      %cond3A_167 = arith.constant 0 : i32
      %cond3A_168 = arith.cmpi ne, %convert_element_type3A_166, %cond3A_167 : i32
      scf.if %cond3A_168 {
        %dma_wait3A_176 = arith.constant 1 : i32
        %dma_wait3A_177 = arith.constant 0 : i32
        %dma_wait3A_178 = tpu.memref_slice %arg11[%dma_wait3A_176, %dma_wait3A_177] : memref<2x128xi32, #tpu.memory_space<vmem>> -> memref<1x128xi32, #tpu.memory_space<vmem>>
        %dma_wait3A_179 = tpu.memref_squeeze %dma_wait3A_178 : memref<1x128xi32, #tpu.memory_space<vmem>> -> memref<128xi32, #tpu.memory_space<vmem>>
        %dma_wait3A_180 = tpu.memref_slice %arg3[%add3A] : memref<320112xi32, #tpu.memory_space<hbm>> -> memref<128xi32, #tpu.memory_space<hbm>>
        %dma_wait3A_181 = arith.constant 0 : i32
        %dma_wait3A_182 = tpu.memref_slice %arg11[%dma_wait3A_176, %dma_wait3A_181] : memref<2x128xi32, #tpu.memory_space<vmem>> -> memref<1x128xi32, #tpu.memory_space<vmem>>
        %dma_wait3A_183 = tpu.memref_squeeze %dma_wait3A_182 : memref<1x128xi32, #tpu.memory_space<vmem>> -> memref<128xi32, #tpu.memory_space<vmem>>
        %dma_wait3A_184 = tpu.memref_slice %arg3[%add3A] : memref<320112xi32, #tpu.memory_space<hbm>> -> memref<128xi32, #tpu.memory_space<hbm>>
        tpu.wait_dma2 semaphore(%arg24 : memref<!tpu.dma_semaphore, #tpu.memory_space<semaphore_mem>>) src(%dma_wait3A_184 : memref<128xi32, #tpu.memory_space<hbm>>) dst(%dma_wait3A_183 : memref<128xi32, #tpu.memory_space<vmem>>)
        %dma_wait3A_185 = arith.constant 0 : i32
        %dma_wait3A_186 = arith.constant 0 : i32
        %dma_wait3A_187 = tpu.memref_slice %arg6[%dma_wait3A_185, %dma_wait3A_186] : memref<10000x64xf32, #tpu.memory_space<hbm>> -> memref<128x64xf32, #tpu.memory_space<hbm>>
        %dma_wait3A_188 = arith.constant 0 : i32
        %dma_wait3A_189 = arith.constant 0 : i32
        %dma_wait3A_190 = tpu.memref_slice %arg6[%dma_wait3A_188, %dma_wait3A_189] : memref<10000x64xf32, #tpu.memory_space<hbm>> -> memref<128x64xf32, #tpu.memory_space<hbm>>
        tpu.wait_dma2 semaphore(%arg22 : memref<!tpu.dma_semaphore, #tpu.memory_space<semaphore_mem>>) src(%dma_wait3A_190 : memref<128x64xf32, #tpu.memory_space<hbm>>) dst(%arg17 : memref<128x64xf32, #tpu.memory_space<vmem>>)
        %parallel_loop3A_191 = arith.constant 0 : i32
        %parallel_loop3A_192 = arith.constant 8 : i32
        %parallel_loop3A_193 = arith.constant 1 : i32
        scf.for %parallel_loop3A_204 = %parallel_loop3A_191 to %parallel_loop3A_192 step %parallel_loop3A_193  : i32 {
          %parallel_loop3A_205 = arith.constant 128 : i32
          %parallel_loop3A_206 = arith.muli %add3A_133, %parallel_loop3A_205 : i32
          %parallel_loop3A_207 = arith.addi %mul3A_72, %parallel_loop3A_206 : i32
          %parallel_loop3A_208 = arith.constant 16 : i32
          %parallel_loop3A_209 = arith.muli %parallel_loop3A_204, %parallel_loop3A_208 : i32
          %parallel_loop3A_210 = arith.addi %parallel_loop3A_207, %parallel_loop3A_209 : i32
          %parallel_loop3A_211 = arith.index_cast %parallel_loop3A_210 : i32 to index
          %parallel_loop3A_212 = tpu.vector_load %arg9[%parallel_loop3A_211] {strides = array<i32>} : memref<20112xi32, #tpu.memory_space<vmem>>, vector<16xi32>,
          %parallel_loop3A_213 = arith.index_cast %parallel_loop3A_210 : i32 to index
          %parallel_loop3A_214 = tpu.vector_load %arg10[%parallel_loop3A_213] {strides = array<i32>} : memref<20112xi32, #tpu.memory_space<vmem>>, vector<16xi32>,
          %parallel_loop3A_215 = tpu.vector_load_idx %arg12[%parallel_loop3A_212] : memref<10000xf32, #tpu.memory_space<vmem>>[vector<16xi32>], vector<16xf32>,
          %parallel_loop3A_216 = tpu.vector_load_idx %arg13[%parallel_loop3A_214] : memref<10000xf32, #tpu.memory_space<vmem>>[vector<16xi32>], vector<16xf32>,
          %parallel_loop3A_217 = arith.addf %parallel_loop3A_215, %parallel_loop3A_216 : vector<16xf32>
          %parallel_loop3A_218 = arith.constant 0.000000e+00 : f32
          %parallel_loop3A_219 = vector.broadcast %parallel_loop3A_218 : f32 to vector<16xf32>
          %parallel_loop3A_220 = arith.cmpf oge, %parallel_loop3A_217, %parallel_loop3A_219 : vector<16xf32>
          %parallel_loop3A_221 = arith.constant 2.000000e-01 : f32
          %parallel_loop3A_222 = vector.broadcast %parallel_loop3A_221 : f32 to vector<16xf32>
          %parallel_loop3A_223 = arith.mulf %parallel_loop3A_222, %parallel_loop3A_217 : vector<16xf32>
          %parallel_loop3A_224 = arith.select %parallel_loop3A_220, %parallel_loop3A_217, %parallel_loop3A_223 : vector<16xi1>, vector<16xf32>
          %parallel_loop3A_225 = arith.subf %parallel_loop3A_224, %get3A_53 : vector<16xf32>
          %parallel_loop3A_226 = math.exp %parallel_loop3A_225 : vector<16xf32>
          %parallel_loop3A_227 = arith.constant 8 : i32
          %parallel_loop3A_228 = vector.broadcast %parallel_loop3A_227 : i32 to vector<16xi32>
          %parallel_loop3A_229 = arith.shrsi %parallel_loop3A_214, %parallel_loop3A_228 : vector<16xi32>
          %parallel_loop3A_230 = arith.constant 255 : i32
          %parallel_loop3A_231 = vector.broadcast %parallel_loop3A_230 : i32 to vector<16xi32>
          %parallel_loop3A_232 = arith.andi %parallel_loop3A_214, %parallel_loop3A_231 : vector<16xi32>
          %parallel_loop3A_233 = tpu.vector_load_idx %arg14[%parallel_loop3A_229, %parallel_loop3A_232] : memref<48x256xf32, #tpu.memory_space<vmem>>[vector<16xi32>, vector<16xi32>], vector<16xf32>,
          %parallel_loop3A_234 = arith.constant 1.000000e-16 : f32
          %parallel_loop3A_235 = vector.broadcast %parallel_loop3A_234 : f32 to vector<16xf32>
          %parallel_loop3A_236 = arith.addf %parallel_loop3A_233, %parallel_loop3A_235 : vector<16xf32>
          %parallel_loop3A_237 = arith.divf %parallel_loop3A_226, %parallel_loop3A_236 : vector<16xf32>
          %parallel_loop3A_238 = arith.constant 128 : i32
          %parallel_loop3A_239 = arith.muli %add3A_133, %parallel_loop3A_238 : i32
          %parallel_loop3A_240 = arith.constant 16 : i32
          %parallel_loop3A_241 = arith.muli %parallel_loop3A_204, %parallel_loop3A_240 : i32
          %parallel_loop3A_242 = arith.addi %parallel_loop3A_239, %parallel_loop3A_241 : i32
          %parallel_loop3A_243 = arith.constant 10000 : i32
          %parallel_loop3A_244 = arith.cmpi slt, %parallel_loop3A_242, %parallel_loop3A_243 : i32
          %parallel_loop3A_245 = arith.select %parallel_loop3A_244, %parallel_loop3A_237, %broadcast_in_dim3A_0 : vector<16xf32>
          %parallel_loop3A_246 = arith.constant 16 : i32
          %parallel_loop3A_247 = arith.muli %parallel_loop3A_204, %parallel_loop3A_246 : i32
          %parallel_loop3A_248 = arith.index_cast %parallel_loop3A_247 : i32 to index
          %parallel_loop3A_249 = tpu.vector_load %arg18[%parallel_loop3A_248] {strides = array<i32>} : memref<128xf32, #tpu.memory_space<vmem>>, vector<16xf32>,
          tpu.vector_store %arg18[%parallel_loop3A_248], %parallel_loop3A_245 {strides = array<i32>} : memref<128xf32, #tpu.memory_space<vmem>>, vector<16xf32>,
        } {sc.loop_unroll_factor = 4 : i64, sc.parallel_access}
        %parallel_loop3A_194 = arith.constant 0 : i32
        %parallel_loop3A_195 = arith.constant 128 : i32
        %parallel_loop3A_196 = arith.constant 1 : i32
        scf.for %parallel_loop3A_204 = %parallel_loop3A_194 to %parallel_loop3A_195 step %parallel_loop3A_196  : i32 {
          %parallel_loop3A_205 = vector.broadcast %parallel_loop3A_204 : i32 to vector<16xi32>
          %parallel_loop3A_206 = tpu.vector_load_idx %arg18[%parallel_loop3A_205] : memref<128xf32, #tpu.memory_space<vmem>>[vector<16xi32>], vector<16xf32>,
          %parallel_loop3A_207 = arith.index_cast %parallel_loop3A_204 : i32 to index
          %parallel_loop3A_208 = arith.constant 0 : index
          %parallel_loop3A_209 = tpu.vector_load %arg17[%parallel_loop3A_207, %parallel_loop3A_208] {strides = array<i32>} : memref<128x64xf32, #tpu.memory_space<vmem>>, vector<16xf32>,
          %parallel_loop3A_210 = arith.mulf %parallel_loop3A_209, %parallel_loop3A_206 : vector<16xf32>
          %parallel_loop3A_211 = arith.index_cast %parallel_loop3A_204 : i32 to index
          %parallel_loop3A_212 = arith.constant 0 : index
          %parallel_loop3A_213 = tpu.vector_load %arg17[%parallel_loop3A_211, %parallel_loop3A_212] {strides = array<i32>} : memref<128x64xf32, #tpu.memory_space<vmem>>, vector<16xf32>,
          tpu.vector_store %arg17[%parallel_loop3A_211, %parallel_loop3A_212], %parallel_loop3A_210 {strides = array<i32>} : memref<128x64xf32, #tpu.memory_space<vmem>>, vector<16xf32>,
          %parallel_loop3A_214 = arith.index_cast %parallel_loop3A_204 : i32 to index
          %parallel_loop3A_215 = arith.constant 16 : index
          %parallel_loop3A_216 = tpu.vector_load %arg17[%parallel_loop3A_214, %parallel_loop3A_215] {strides = array<i32>} : memref<128x64xf32, #tpu.memory_space<vmem>>, vector<16xf32>,
          %parallel_loop3A_217 = arith.mulf %parallel_loop3A_216, %parallel_loop3A_206 : vector<16xf32>
          %parallel_loop3A_218 = arith.index_cast %parallel_loop3A_204 : i32 to index
          %parallel_loop3A_219 = arith.constant 16 : index
          %parallel_loop3A_220 = tpu.vector_load %arg17[%parallel_loop3A_218, %parallel_loop3A_219] {strides = array<i32>} : memref<128x64xf32, #tpu.memory_space<vmem>>, vector<16xf32>,
          tpu.vector_store %arg17[%parallel_loop3A_218, %parallel_loop3A_219], %parallel_loop3A_217 {strides = array<i32>} : memref<128x64xf32, #tpu.memory_space<vmem>>, vector<16xf32>,
          %parallel_loop3A_221 = arith.index_cast %parallel_loop3A_204 : i32 to index
          %parallel_loop3A_222 = arith.constant 32 : index
          %parallel_loop3A_223 = tpu.vector_load %arg17[%parallel_loop3A_221, %parallel_loop3A_222] {strides = array<i32>} : memref<128x64xf32, #tpu.memory_space<vmem>>, vector<16xf32>,
          %parallel_loop3A_224 = arith.mulf %parallel_loop3A_223, %parallel_loop3A_206 : vector<16xf32>
          %parallel_loop3A_225 = arith.index_cast %parallel_loop3A_204 : i32 to index
          %parallel_loop3A_226 = arith.constant 32 : index
          %parallel_loop3A_227 = tpu.vector_load %arg17[%parallel_loop3A_225, %parallel_loop3A_226] {strides = array<i32>} : memref<128x64xf32, #tpu.memory_space<vmem>>, vector<16xf32>,
          tpu.vector_store %arg17[%parallel_loop3A_225, %parallel_loop3A_226], %parallel_loop3A_224 {strides = array<i32>} : memref<128x64xf32, #tpu.memory_space<vmem>>, vector<16xf32>,
          %parallel_loop3A_228 = arith.index_cast %parallel_loop3A_204 : i32 to index
          %parallel_loop3A_229 = arith.constant 48 : index
          %parallel_loop3A_230 = tpu.vector_load %arg17[%parallel_loop3A_228, %parallel_loop3A_229] {strides = array<i32>} : memref<128x64xf32, #tpu.memory_space<vmem>>, vector<16xf32>,
          %parallel_loop3A_231 = arith.mulf %parallel_loop3A_230, %parallel_loop3A_206 : vector<16xf32>
          %parallel_loop3A_232 = arith.index_cast %parallel_loop3A_204 : i32 to index
          %parallel_loop3A_233 = arith.constant 48 : index
          %parallel_loop3A_234 = tpu.vector_load %arg17[%parallel_loop3A_232, %parallel_loop3A_233] {strides = array<i32>} : memref<128x64xf32, #tpu.memory_space<vmem>>, vector<16xf32>,
          tpu.vector_store %arg17[%parallel_loop3A_232, %parallel_loop3A_233], %parallel_loop3A_231 {strides = array<i32>} : memref<128x64xf32, #tpu.memory_space<vmem>>, vector<16xf32>,
        } {sc.loop_unroll_factor = 4 : i64, sc.parallel_access}
        %dma_start3A_197 = arith.constant 1 : i32
        %dma_start3A_198 = arith.constant 0 : i32
        %dma_start3A_199 = tpu.memref_slice %arg11[%dma_start3A_197, %dma_start3A_198] : memref<2x128xi32, #tpu.memory_space<vmem>> -> memref<1x128xi32, #tpu.memory_space<vmem>>
        %dma_start3A_200 = tpu.memref_squeeze %dma_start3A_199 : memref<1x128xi32, #tpu.memory_space<vmem>> -> memref<128xi32, #tpu.memory_space<vmem>>
        %dma_start3A_201 = arith.constant 0 : i32
        %dma_start3A_202 = arith.constant 0 : i32
        %dma_start3A_203 = tpu.memref_slice %arg20[%dma_start3A_201, %dma_start3A_202] : memref<10000x64xf32, #tpu.memory_space<vmem_shared>> -> memref<10000x64xf32, #tpu.memory_space<vmem_shared>>
        tpu.enqueue_indirect_dma source(%arg17 : memref<128x64xf32, #tpu.memory_space<vmem>>) target(%dma_start3A_203 : memref<10000x64xf32, #tpu.memory_space<vmem_shared>>) offsets(%dma_start3A_200 : memref<128xi32, #tpu.memory_space<vmem>>) semaphore(%arg26 : memref<!tpu.dma_semaphore, #tpu.memory_space<semaphore_mem>>) {add = true}
      } else {
      }
      %add3A_169 = arith.constant 2 : i32
      %add3A_170 = arith.addi %mul3A_131, %add3A_169 : i32
      %lt3A_171 = arith.constant 79 : i32
      %lt3A_172 = arith.cmpi slt, %add3A_170, %lt3A_171 : i32
      %convert_element_type3A_173 = arith.extui %lt3A_172 : i1 to i32
      %cond3A_174 = arith.constant 0 : i32
      %cond3A_175 = arith.cmpi ne, %convert_element_type3A_173, %cond3A_174 : i32
      scf.if %cond3A_175 {
        %dma_wait3A_176 = arith.constant 0 : i32
        %dma_wait3A_177 = arith.constant 0 : i32
        %dma_wait3A_178 = tpu.memref_slice %arg11[%dma_wait3A_176, %dma_wait3A_177] : memref<2x128xi32, #tpu.memory_space<vmem>> -> memref<1x128xi32, #tpu.memory_space<vmem>>
        %dma_wait3A_179 = tpu.memref_squeeze %dma_wait3A_178 : memref<1x128xi32, #tpu.memory_space<vmem>> -> memref<128xi32, #tpu.memory_space<vmem>>
        %dma_wait3A_180 = arith.constant 0 : i32
        %dma_wait3A_181 = arith.constant 0 : i32
        %dma_wait3A_182 = tpu.memref_slice %arg20[%dma_wait3A_180, %dma_wait3A_181] : memref<10000x64xf32, #tpu.memory_space<vmem_shared>> -> memref<10000x64xf32, #tpu.memory_space<vmem_shared>>
        tpu.wait_indirect_dma semaphore(%arg25 : memref<!tpu.dma_semaphore, #tpu.memory_space<semaphore_mem>>) src(%arg16 : memref<128x64xf32, #tpu.memory_space<vmem>>) dst(%dma_wait3A_182 : memref<10000x64xf32, #tpu.memory_space<vmem_shared>>)
        %add3A_183 = arith.constant 2 : i32
        %add3A_184 = arith.addi %mul3A_131, %add3A_183 : i32
        %mul3A_185 = arith.constant 128 : i32
        %mul3A_186 = arith.muli %add3A_184, %mul3A_185 : i32
        %add3A_187 = arith.addi %add3A, %mul3A_186 : i32
        %dma_start3A_188 = arith.constant 0 : i32
        %dma_start3A_189 = arith.constant 0 : i32
        %dma_start3A_190 = tpu.memref_slice %arg11[%dma_start3A_188, %dma_start3A_189] : memref<2x128xi32, #tpu.memory_space<vmem>> -> memref<1x128xi32, #tpu.memory_space<vmem>>
        %dma_start3A_191 = tpu.memref_squeeze %dma_start3A_190 : memref<1x128xi32, #tpu.memory_space<vmem>> -> memref<128xi32, #tpu.memory_space<vmem>>
        %dma_start3A_192 = tpu.memref_slice %arg3[%add3A_187] : memref<320112xi32, #tpu.memory_space<hbm>> -> memref<128xi32, #tpu.memory_space<hbm>>
        %dma_start3A_193 = arith.constant 0 : i32
        %dma_start3A_194 = tpu.memref_slice %arg11[%dma_start3A_188, %dma_start3A_193] : memref<2x128xi32, #tpu.memory_space<vmem>> -> memref<1x128xi32, #tpu.memory_space<vmem>>
        %dma_start3A_195 = tpu.memref_squeeze %dma_start3A_194 : memref<1x128xi32, #tpu.memory_space<vmem>> -> memref<128xi32, #tpu.memory_space<vmem>>
        %dma_start3A_196 = tpu.memref_slice %arg3[%add3A_187] : memref<320112xi32, #tpu.memory_space<hbm>> -> memref<128xi32, #tpu.memory_space<hbm>>
        tpu.enqueue_dma source(%dma_start3A_196 : memref<128xi32, #tpu.memory_space<hbm>>) target(%dma_start3A_195 : memref<128xi32, #tpu.memory_space<vmem>>) target_semaphore(%arg23 : memref<!tpu.dma_semaphore, #tpu.memory_space<semaphore_mem>>)
        %add3A_197 = arith.constant 2 : i32
        %add3A_198 = arith.addi %mul3A_131, %add3A_197 : i32
        %mul3A_199 = arith.constant 128 : i32
        %mul3A_200 = arith.muli %add3A_198, %mul3A_199 : i32
        %add3A_201 = arith.addi %mul3A_72, %mul3A_200 : i32
        %dma_start3A_202 = tpu.memref_slice %arg9[%add3A_201] : memref<20112xi32, #tpu.memory_space<vmem>> -> memref<128xi32, #tpu.memory_space<vmem>>
        %dma_start3A_203 = arith.constant 0 : i32
        %dma_start3A_204 = arith.constant 0 : i32
        %dma_start3A_205 = tpu.memref_slice %arg6[%dma_start3A_203, %dma_start3A_204] : memref<10000x64xf32, #tpu.memory_space<hbm>> -> memref<10000x64xf32, #tpu.memory_space<hbm>>
        tpu.enqueue_indirect_dma source(%dma_start3A_205 : memref<10000x64xf32, #tpu.memory_space<hbm>>) target(%arg16 : memref<128x64xf32, #tpu.memory_space<vmem>>) offsets(%dma_start3A_202 : memref<128xi32, #tpu.memory_space<vmem>>) semaphore(%arg21 : memref<!tpu.dma_semaphore, #tpu.memory_space<semaphore_mem>>)
      } else {
      }
    }
    %scan3A_111 = arith.constant 40 : i32
    %dma_wait3A_112 = arith.constant 0 : i32
    %dma_wait3A_113 = arith.constant 0 : i32
    %dma_wait3A_114 = tpu.memref_slice %arg11[%dma_wait3A_112, %dma_wait3A_113] : memref<2x128xi32, #tpu.memory_space<vmem>> -> memref<1x128xi32, #tpu.memory_space<vmem>>
    %dma_wait3A_115 = tpu.memref_squeeze %dma_wait3A_114 : memref<1x128xi32, #tpu.memory_space<vmem>> -> memref<128xi32, #tpu.memory_space<vmem>>
    %dma_wait3A_116 = arith.constant 0 : i32
    %dma_wait3A_117 = arith.constant 0 : i32
    %dma_wait3A_118 = tpu.memref_slice %arg20[%dma_wait3A_116, %dma_wait3A_117] : memref<10000x64xf32, #tpu.memory_space<vmem_shared>> -> memref<10000x64xf32, #tpu.memory_space<vmem_shared>>
    tpu.wait_indirect_dma semaphore(%arg25 : memref<!tpu.dma_semaphore, #tpu.memory_space<semaphore_mem>>) src(%arg16 : memref<128x64xf32, #tpu.memory_space<vmem>>) dst(%dma_wait3A_118 : memref<10000x64xf32, #tpu.memory_space<vmem_shared>>)
    %dma_wait3A_119 = arith.constant 0 : i32
    %dma_wait3A_120 = arith.constant 0 : i32
    %dma_wait3A_121 = tpu.memref_slice %arg11[%dma_wait3A_119, %dma_wait3A_120] : memref<2x128xi32, #tpu.memory_space<vmem>> -> memref<1x128xi32, #tpu.memory_space<vmem>>
    %dma_wait3A_122 = tpu.memref_squeeze %dma_wait3A_121 : memref<1x128xi32, #tpu.memory_space<vmem>> -> memref<128xi32, #tpu.memory_space<vmem>>
    %dma_wait3A_123 = arith.constant 0 : i32
    %dma_wait3A_124 = arith.constant 0 : i32
    %dma_wait3A_125 = tpu.memref_slice %arg20[%dma_wait3A_123, %dma_wait3A_124] : memref<10000x64xf32, #tpu.memory_space<vmem_shared>> -> memref<10000x64xf32, #tpu.memory_space<vmem_shared>>
    tpu.wait_indirect_dma semaphore(%arg26 : memref<!tpu.dma_semaphore, #tpu.memory_space<semaphore_mem>>) src(%arg17 : memref<128x64xf32, #tpu.memory_space<vmem>>) dst(%dma_wait3A_125 : memref<10000x64xf32, #tpu.memory_space<vmem_shared>>)
    %barrier3A_126 = arith.constant 0 : index
    tpu.barrier barrier_id(%barrier3A_126)
    %lt3A = arith.constant 10 : i32
    %lt3A_127 = arith.cmpi slt, %arg1, %lt3A : i32
    %convert_element_type3A = arith.extui %lt3A_127 : i1 to i32
    %cond3A = arith.constant 0 : i32
    %cond3A_128 = arith.cmpi ne, %convert_element_type3A, %cond3A : i32
    scf.if %cond3A_128 {
      %mul3A_129 = arith.constant 1000 : i32
      %mul3A_130 = arith.muli %arg1, %mul3A_129 : i32
      %mul3A_131 = arith.constant 10000 : i32
      %mul3A_132 = arith.muli %arg0, %mul3A_131 : i32
      %mul3A_133 = arith.constant 1000 : i32
      %mul3A_134 = arith.muli %arg1, %mul3A_133 : i32
      %add3A_135 = arith.addi %mul3A_132, %mul3A_134 : i32
      "tpu.region"() ({
        %run_scoped3A_136 = tpu.sem_alloc : memref<!tpu.dma_semaphore, #tpu.memory_space<semaphore_mem>>
        %dma_start3A_137 = arith.constant 0 : i32
        %dma_start3A_138 = tpu.memref_slice %arg8[%add3A_135, %dma_start3A_137] : memref<20000x64xf32, #tpu.memory_space<hbm>> -> memref<1000x64xf32, #tpu.memory_space<hbm>>
        %dma_start3A_139 = arith.constant 0 : i32
        %dma_start3A_140 = tpu.memref_slice %arg20[%mul3A_130, %dma_start3A_139] : memref<10000x64xf32, #tpu.memory_space<vmem_shared>> -> memref<1000x64xf32, #tpu.memory_space<vmem_shared>>
        tpu.enqueue_dma source(%dma_start3A_140 : memref<1000x64xf32, #tpu.memory_space<vmem_shared>>) target(%dma_start3A_138 : memref<1000x64xf32, #tpu.memory_space<hbm>>) target_semaphore(%run_scoped3A_136 : memref<!tpu.dma_semaphore, #tpu.memory_space<semaphore_mem>>)
        %dma_wait3A_141 = arith.constant 0 : i32
        %dma_wait3A_142 = tpu.memref_slice %arg8[%add3A_135, %dma_wait3A_141] : memref<20000x64xf32, #tpu.memory_space<hbm>> -> memref<1000x64xf32, #tpu.memory_space<hbm>>
        %dma_wait3A_143 = arith.constant 0 : i32
        %dma_wait3A_144 = tpu.memref_slice %arg20[%mul3A_130, %dma_wait3A_143] : memref<10000x64xf32, #tpu.memory_space<vmem_shared>> -> memref<1000x64xf32, #tpu.memory_space<vmem_shared>>
        tpu.wait_dma2 semaphore(%run_scoped3A_136 : memref<!tpu.dma_semaphore, #tpu.memory_space<semaphore_mem>>) src(%dma_wait3A_144 : memref<1000x64xf32, #tpu.memory_space<vmem_shared>>) dst(%dma_wait3A_142 : memref<1000x64xf32, #tpu.memory_space<hbm>>)
        tpu.yield
      }) : () -> ()
    } else {
    }
    return
  }
}

#map = affine_map<(d0, d1) -> (0)>
#map1 = affine_map<(d0, d1) -> (0, 0)>
module attributes {stable_mosaic.version = 14 : i64} {
  func.func @k(%arg0: i32, %arg1: i32, %arg2: memref<320112xi32, #tpu.memory_space<hbm>>, %arg3: memref<320112xi32, #tpu.memory_space<hbm>>, %arg4: memref<10000xf32, #tpu.memory_space<hbm>>, %arg5: memref<10000xf32, #tpu.memory_space<hbm>>, %arg6: memref<10000x64xf32, #tpu.memory_space<hbm>>, %arg7: memref<128xf32, #tpu.memory_space<hbm>>, %arg8: memref<20000x64xf32, #tpu.memory_space<hbm>>, %arg9: memref<20112xi32, #tpu.memory_space<vmem>>, %arg10: memref<20112xi32, #tpu.memory_space<vmem>>, %arg11: memref<2x128xi32, #tpu.memory_space<vmem>>, %arg12: memref<10000xf32, #tpu.memory_space<vmem>>, %arg13: memref<10000xf32, #tpu.memory_space<vmem>>, %arg14: memref<48x256xf32, #tpu.memory_space<vmem>>, %arg15: memref<48xi32, #tpu.memory_space<vmem>>, %arg16: memref<128x64xf32, #tpu.memory_space<vmem>>, %arg17: memref<128x64xf32, #tpu.memory_space<vmem>>, %arg18: memref<128xf32, #tpu.memory_space<vmem>>, %arg19: memref<48x256xf32, #tpu.memory_space<vmem_shared>>, %arg20: memref<10000x64xf32, #tpu.memory_space<vmem_shared>>, %arg21: memref<!tpu.dma_semaphore, #tpu.memory_space<semaphore_mem>>, %arg22: memref<!tpu.dma_semaphore, #tpu.memory_space<semaphore_mem>>, %arg23: memref<!tpu.dma_semaphore, #tpu.memory_space<semaphore_mem>>, %arg24: memref<!tpu.dma_semaphore, #tpu.memory_space<semaphore_mem>>, %arg25: memref<!tpu.dma_semaphore, #tpu.memory_space<semaphore_mem>>, %arg26: memref<!tpu.dma_semaphore, #tpu.memory_space<semaphore_mem>>) attributes {dimension_semantics = [#tpu.dimension_semantics<core_parallel>, #tpu.dimension_semantics<subcore_parallel>], iteration_bounds = array<i64: 2, 16>, scalar_prefetch = 0 : i64, scratch_operands = 18 : i64, tpu.core_type = #tpu.core_type<sc_vector_subcore>, window_params = [{transform_indices = #map}, {transform_indices = #map}, {transform_indices = #map}, {transform_indices = #map}, {transform_indices = #map1}, {transform_indices = #map}, {transform_indices = #map1}]} {
    %broadcast_in_dim3A = arith.constant 0.000000e+00 : f32
    %broadcast_in_dim3A_0 = vector.broadcast %broadcast_in_dim3A : f32 to vector<16xf32>
    %iota3A = tpu.iota {dimensions = array<i32: 0>} : vector<16xi32>
    %mul3A = arith.constant 20000 : i32
    %mul3A_1 = arith.muli %arg1, %mul3A : i32
    %scan3A = arith.constant 0 : i32
    %scan3A_2 = arith.constant 0 : i32
    %scan3A_3 = arith.constant 5 : i32
    %scan3A_4 = arith.addi %scan3A_2, %scan3A_3 : i32
    %scan3A_5 = arith.constant 1 : i32
    scf.for %scan3A_129 = %scan3A_2 to %scan3A_4 step %scan3A_5  : i32 {
      %mul3A_130 = arith.constant 2000 : i32
      %mul3A_131 = arith.muli %scan3A_129, %mul3A_130 : i32
      %mul3A_132 = arith.constant 2000 : i32
      %mul3A_133 = arith.muli %scan3A_129, %mul3A_132 : i32
      %dma_start3A_134 = tpu.memref_slice %arg12[%mul3A_133] : memref<10000xf32, #tpu.memory_space<vmem>> -> memref<2000xf32, #tpu.memory_space<vmem>>
      %dma_start3A_135 = tpu.memref_slice %arg4[%mul3A_131] : memref<10000xf32, #tpu.memory_space<hbm>> -> memref<2000xf32, #tpu.memory_space<hbm>>
      %dma_start3A_136 = tpu.memref_slice %arg12[%mul3A_133] : memref<10000xf32, #tpu.memory_space<vmem>> -> memref<2000xf32, #tpu.memory_space<vmem>>
      %dma_start3A_137 = tpu.memref_slice %arg4[%mul3A_131] : memref<10000xf32, #tpu.memory_space<hbm>> -> memref<2000xf32, #tpu.memory_space<hbm>>
      tpu.enqueue_dma source(%dma_start3A_137 : memref<2000xf32, #tpu.memory_space<hbm>>) target(%dma_start3A_136 : memref<2000xf32, #tpu.memory_space<vmem>>) target_semaphore(%arg21 : memref<!tpu.dma_semaphore, #tpu.memory_space<semaphore_mem>>)
      %mul3A_138 = arith.constant 2000 : i32
      %mul3A_139 = arith.muli %scan3A_129, %mul3A_138 : i32
      %mul3A_140 = arith.constant 2000 : i32
      %mul3A_141 = arith.muli %scan3A_129, %mul3A_140 : i32
      %dma_start3A_142 = tpu.memref_slice %arg13[%mul3A_141] : memref<10000xf32, #tpu.memory_space<vmem>> -> memref<2000xf32, #tpu.memory_space<vmem>>
      %dma_start3A_143 = tpu.memref_slice %arg5[%mul3A_139] : memref<10000xf32, #tpu.memory_space<hbm>> -> memref<2000xf32, #tpu.memory_space<hbm>>
      %dma_start3A_144 = tpu.memref_slice %arg13[%mul3A_141] : memref<10000xf32, #tpu.memory_space<vmem>> -> memref<2000xf32, #tpu.memory_space<vmem>>
      %dma_start3A_145 = tpu.memref_slice %arg5[%mul3A_139] : memref<10000xf32, #tpu.memory_space<hbm>> -> memref<2000xf32, #tpu.memory_space<hbm>>
      tpu.enqueue_dma source(%dma_start3A_145 : memref<2000xf32, #tpu.memory_space<hbm>>) target(%dma_start3A_144 : memref<2000xf32, #tpu.memory_space<vmem>>) target_semaphore(%arg21 : memref<!tpu.dma_semaphore, #tpu.memory_space<semaphore_mem>>)
    }
    %scan3A_6 = arith.constant 5 : i32
    %scan3A_7 = arith.constant 0 : i32
    %scan3A_8 = arith.constant 0 : i32
    %scan3A_9 = arith.constant 6 : i32
    %scan3A_10 = arith.addi %scan3A_8, %scan3A_9 : i32
    %scan3A_11 = arith.constant 1 : i32
    scf.for %scan3A_129 = %scan3A_8 to %scan3A_10 step %scan3A_11  : i32 {
      %mul3A_130 = arith.constant 3352 : i32
      %mul3A_131 = arith.muli %scan3A_129, %mul3A_130 : i32
      %add3A_132 = arith.addi %mul3A_1, %mul3A_131 : i32
      %mul3A_133 = arith.constant 3352 : i32
      %mul3A_134 = arith.muli %scan3A_129, %mul3A_133 : i32
      %dma_start3A_135 = tpu.memref_slice %arg9[%mul3A_134] : memref<20112xi32, #tpu.memory_space<vmem>> -> memref<3352xi32, #tpu.memory_space<vmem>>
      %dma_start3A_136 = tpu.memref_slice %arg2[%add3A_132] : memref<320112xi32, #tpu.memory_space<hbm>> -> memref<3352xi32, #tpu.memory_space<hbm>>
      %dma_start3A_137 = tpu.memref_slice %arg9[%mul3A_134] : memref<20112xi32, #tpu.memory_space<vmem>> -> memref<3352xi32, #tpu.memory_space<vmem>>
      %dma_start3A_138 = tpu.memref_slice %arg2[%add3A_132] : memref<320112xi32, #tpu.memory_space<hbm>> -> memref<3352xi32, #tpu.memory_space<hbm>>
      tpu.enqueue_dma source(%dma_start3A_138 : memref<3352xi32, #tpu.memory_space<hbm>>) target(%dma_start3A_137 : memref<3352xi32, #tpu.memory_space<vmem>>) target_semaphore(%arg21 : memref<!tpu.dma_semaphore, #tpu.memory_space<semaphore_mem>>)
      %mul3A_139 = arith.constant 3352 : i32
      %mul3A_140 = arith.muli %scan3A_129, %mul3A_139 : i32
      %add3A_141 = arith.addi %mul3A_1, %mul3A_140 : i32
      %mul3A_142 = arith.constant 3352 : i32
      %mul3A_143 = arith.muli %scan3A_129, %mul3A_142 : i32
      %dma_start3A_144 = tpu.memref_slice %arg10[%mul3A_143] : memref<20112xi32, #tpu.memory_space<vmem>> -> memref<3352xi32, #tpu.memory_space<vmem>>
      %dma_start3A_145 = tpu.memref_slice %arg3[%add3A_141] : memref<320112xi32, #tpu.memory_space<hbm>> -> memref<3352xi32, #tpu.memory_space<hbm>>
      %dma_start3A_146 = tpu.memref_slice %arg10[%mul3A_143] : memref<20112xi32, #tpu.memory_space<vmem>> -> memref<3352xi32, #tpu.memory_space<vmem>>
      %dma_start3A_147 = tpu.memref_slice %arg3[%add3A_141] : memref<320112xi32, #tpu.memory_space<hbm>> -> memref<3352xi32, #tpu.memory_space<hbm>>
      tpu.enqueue_dma source(%dma_start3A_147 : memref<3352xi32, #tpu.memory_space<hbm>>) target(%dma_start3A_146 : memref<3352xi32, #tpu.memory_space<vmem>>) target_semaphore(%arg21 : memref<!tpu.dma_semaphore, #tpu.memory_space<semaphore_mem>>)
    }
    %scan3A_12 = arith.constant 6 : i32
    %scan3A_13 = arith.constant 0 : i32
    %scan3A_14 = arith.constant 0 : i32
    %scan3A_15 = arith.constant 3 : i32
    %scan3A_16 = arith.addi %scan3A_14, %scan3A_15 : i32
    %scan3A_17 = arith.constant 1 : i32
    scf.for %scan3A_129 = %scan3A_14 to %scan3A_16 step %scan3A_17  : i32 {
      %mul3A_130 = arith.constant 16 : i32
      %mul3A_131 = arith.muli %scan3A_129, %mul3A_130 : i32
      %add3A_132 = vector.broadcast %mul3A_131 : i32 to vector<16xi32>
      %add3A_133 = arith.addi %iota3A, %add3A_132 : vector<16xi32>
      %mul3A_134 = arith.constant 16 : i32
      %mul3A_135 = arith.muli %scan3A_129, %mul3A_134 : i32
      %swap3A = arith.index_cast %mul3A_135 : i32 to index
      %swap3A_136 = tpu.vector_load %arg15[%swap3A] {strides = array<i32>} : memref<48xi32, #tpu.memory_space<vmem>>, vector<16xi32>,
      tpu.vector_store %arg15[%swap3A], %add3A_133 {strides = array<i32>} : memref<48xi32, #tpu.memory_space<vmem>>, vector<16xi32>,
    }
    %scan3A_18 = arith.constant 3 : i32
    %parallel_loop3A = arith.constant 0 : i32
    %parallel_loop3A_19 = arith.constant 128 : i32
    %parallel_loop3A_20 = arith.constant 1 : i32
    scf.for %parallel_loop3A_129 = %parallel_loop3A to %parallel_loop3A_19 step %parallel_loop3A_20  : i32 {
      %parallel_loop3A_130 = arith.index_cast %parallel_loop3A_129 : i32 to index
      %parallel_loop3A_131 = arith.constant 0 : index
      %parallel_loop3A_132 = tpu.vector_load %arg16[%parallel_loop3A_130, %parallel_loop3A_131] {strides = array<i32>} : memref<128x64xf32, #tpu.memory_space<vmem>>, vector<16xf32>,
      tpu.vector_store %arg16[%parallel_loop3A_130, %parallel_loop3A_131], %broadcast_in_dim3A_0 {strides = array<i32>} : memref<128x64xf32, #tpu.memory_space<vmem>>, vector<16xf32>,
      %parallel_loop3A_133 = arith.index_cast %parallel_loop3A_129 : i32 to index
      %parallel_loop3A_134 = arith.constant 16 : index
      %parallel_loop3A_135 = tpu.vector_load %arg16[%parallel_loop3A_133, %parallel_loop3A_134] {strides = array<i32>} : memref<128x64xf32, #tpu.memory_space<vmem>>, vector<16xf32>,
      tpu.vector_store %arg16[%parallel_loop3A_133, %parallel_loop3A_134], %broadcast_in_dim3A_0 {strides = array<i32>} : memref<128x64xf32, #tpu.memory_space<vmem>>, vector<16xf32>,
      %parallel_loop3A_136 = arith.index_cast %parallel_loop3A_129 : i32 to index
      %parallel_loop3A_137 = arith.constant 32 : index
      %parallel_loop3A_138 = tpu.vector_load %arg16[%parallel_loop3A_136, %parallel_loop3A_137] {strides = array<i32>} : memref<128x64xf32, #tpu.memory_space<vmem>>, vector<16xf32>,
      tpu.vector_store %arg16[%parallel_loop3A_136, %parallel_loop3A_137], %broadcast_in_dim3A_0 {strides = array<i32>} : memref<128x64xf32, #tpu.memory_space<vmem>>, vector<16xf32>,
      %parallel_loop3A_139 = arith.index_cast %parallel_loop3A_129 : i32 to index
      %parallel_loop3A_140 = arith.constant 48 : index
      %parallel_loop3A_141 = tpu.vector_load %arg16[%parallel_loop3A_139, %parallel_loop3A_140] {strides = array<i32>} : memref<128x64xf32, #tpu.memory_space<vmem>>, vector<16xf32>,
      tpu.vector_store %arg16[%parallel_loop3A_139, %parallel_loop3A_140], %broadcast_in_dim3A_0 {strides = array<i32>} : memref<128x64xf32, #tpu.memory_space<vmem>>, vector<16xf32>,
    } {sc.loop_unroll_factor = 4 : i64, sc.parallel_access}
    %parallel_loop3A_21 = arith.constant 0 : i32
    %parallel_loop3A_22 = arith.constant 48 : i32
    %parallel_loop3A_23 = arith.constant 1 : i32
    scf.for %parallel_loop3A_129 = %parallel_loop3A_21 to %parallel_loop3A_22 step %parallel_loop3A_23  : i32 {
      %parallel_loop3A_130 = arith.index_cast %parallel_loop3A_129 : i32 to index
      %parallel_loop3A_131 = arith.constant 0 : index
      %parallel_loop3A_132 = tpu.vector_load %arg14[%parallel_loop3A_130, %parallel_loop3A_131] {strides = array<i32>} : memref<48x256xf32, #tpu.memory_space<vmem>>, vector<16xf32>,
      tpu.vector_store %arg14[%parallel_loop3A_130, %parallel_loop3A_131], %broadcast_in_dim3A_0 {strides = array<i32>} : memref<48x256xf32, #tpu.memory_space<vmem>>, vector<16xf32>,
      %parallel_loop3A_133 = arith.index_cast %parallel_loop3A_129 : i32 to index
      %parallel_loop3A_134 = arith.constant 16 : index
      %parallel_loop3A_135 = tpu.vector_load %arg14[%parallel_loop3A_133, %parallel_loop3A_134] {strides = array<i32>} : memref<48x256xf32, #tpu.memory_space<vmem>>, vector<16xf32>,
      tpu.vector_store %arg14[%parallel_loop3A_133, %parallel_loop3A_134], %broadcast_in_dim3A_0 {strides = array<i32>} : memref<48x256xf32, #tpu.memory_space<vmem>>, vector<16xf32>,
      %parallel_loop3A_136 = arith.index_cast %parallel_loop3A_129 : i32 to index
      %parallel_loop3A_137 = arith.constant 32 : index
      %parallel_loop3A_138 = tpu.vector_load %arg14[%parallel_loop3A_136, %parallel_loop3A_137] {strides = array<i32>} : memref<48x256xf32, #tpu.memory_space<vmem>>, vector<16xf32>,
      tpu.vector_store %arg14[%parallel_loop3A_136, %parallel_loop3A_137], %broadcast_in_dim3A_0 {strides = array<i32>} : memref<48x256xf32, #tpu.memory_space<vmem>>, vector<16xf32>,
      %parallel_loop3A_139 = arith.index_cast %parallel_loop3A_129 : i32 to index
      %parallel_loop3A_140 = arith.constant 48 : index
      %parallel_loop3A_141 = tpu.vector_load %arg14[%parallel_loop3A_139, %parallel_loop3A_140] {strides = array<i32>} : memref<48x256xf32, #tpu.memory_space<vmem>>, vector<16xf32>,
      tpu.vector_store %arg14[%parallel_loop3A_139, %parallel_loop3A_140], %broadcast_in_dim3A_0 {strides = array<i32>} : memref<48x256xf32, #tpu.memory_space<vmem>>, vector<16xf32>,
      %parallel_loop3A_142 = arith.index_cast %parallel_loop3A_129 : i32 to index
      %parallel_loop3A_143 = arith.constant 64 : index
      %parallel_loop3A_144 = tpu.vector_load %arg14[%parallel_loop3A_142, %parallel_loop3A_143] {strides = array<i32>} : memref<48x256xf32, #tpu.memory_space<vmem>>, vector<16xf32>,
      tpu.vector_store %arg14[%parallel_loop3A_142, %parallel_loop3A_143], %broadcast_in_dim3A_0 {strides = array<i32>} : memref<48x256xf32, #tpu.memory_space<vmem>>, vector<16xf32>,
      %parallel_loop3A_145 = arith.index_cast %parallel_loop3A_129 : i32 to index
      %parallel_loop3A_146 = arith.constant 80 : index
      %parallel_loop3A_147 = tpu.vector_load %arg14[%parallel_loop3A_145, %parallel_loop3A_146] {strides = array<i32>} : memref<48x256xf32, #tpu.memory_space<vmem>>, vector<16xf32>,
      tpu.vector_store %arg14[%parallel_loop3A_145, %parallel_loop3A_146], %broadcast_in_dim3A_0 {strides = array<i32>} : memref<48x256xf32, #tpu.memory_space<vmem>>, vector<16xf32>,
      %parallel_loop3A_148 = arith.index_cast %parallel_loop3A_129 : i32 to index
      %parallel_loop3A_149 = arith.constant 96 : index
      %parallel_loop3A_150 = tpu.vector_load %arg14[%parallel_loop3A_148, %parallel_loop3A_149] {strides = array<i32>} : memref<48x256xf32, #tpu.memory_space<vmem>>, vector<16xf32>,
      tpu.vector_store %arg14[%parallel_loop3A_148, %parallel_loop3A_149], %broadcast_in_dim3A_0 {strides = array<i32>} : memref<48x256xf32, #tpu.memory_space<vmem>>, vector<16xf32>,
      %parallel_loop3A_151 = arith.index_cast %parallel_loop3A_129 : i32 to index
      %parallel_loop3A_152 = arith.constant 112 : index
      %parallel_loop3A_153 = tpu.vector_load %arg14[%parallel_loop3A_151, %parallel_loop3A_152] {strides = array<i32>} : memref<48x256xf32, #tpu.memory_space<vmem>>, vector<16xf32>,
      tpu.vector_store %arg14[%parallel_loop3A_151, %parallel_loop3A_152], %broadcast_in_dim3A_0 {strides = array<i32>} : memref<48x256xf32, #tpu.memory_space<vmem>>, vector<16xf32>,
      %parallel_loop3A_154 = arith.index_cast %parallel_loop3A_129 : i32 to index
      %parallel_loop3A_155 = arith.constant 128 : index
      %parallel_loop3A_156 = tpu.vector_load %arg14[%parallel_loop3A_154, %parallel_loop3A_155] {strides = array<i32>} : memref<48x256xf32, #tpu.memory_space<vmem>>, vector<16xf32>,
      tpu.vector_store %arg14[%parallel_loop3A_154, %parallel_loop3A_155], %broadcast_in_dim3A_0 {strides = array<i32>} : memref<48x256xf32, #tpu.memory_space<vmem>>, vector<16xf32>,
      %parallel_loop3A_157 = arith.index_cast %parallel_loop3A_129 : i32 to index
      %parallel_loop3A_158 = arith.constant 144 : index
      %parallel_loop3A_159 = tpu.vector_load %arg14[%parallel_loop3A_157, %parallel_loop3A_158] {strides = array<i32>} : memref<48x256xf32, #tpu.memory_space<vmem>>, vector<16xf32>,
      tpu.vector_store %arg14[%parallel_loop3A_157, %parallel_loop3A_158], %broadcast_in_dim3A_0 {strides = array<i32>} : memref<48x256xf32, #tpu.memory_space<vmem>>, vector<16xf32>,
      %parallel_loop3A_160 = arith.index_cast %parallel_loop3A_129 : i32 to index
      %parallel_loop3A_161 = arith.constant 160 : index
      %parallel_loop3A_162 = tpu.vector_load %arg14[%parallel_loop3A_160, %parallel_loop3A_161] {strides = array<i32>} : memref<48x256xf32, #tpu.memory_space<vmem>>, vector<16xf32>,
      tpu.vector_store %arg14[%parallel_loop3A_160, %parallel_loop3A_161], %broadcast_in_dim3A_0 {strides = array<i32>} : memref<48x256xf32, #tpu.memory_space<vmem>>, vector<16xf32>,
      %parallel_loop3A_163 = arith.index_cast %parallel_loop3A_129 : i32 to index
      %parallel_loop3A_164 = arith.constant 176 : index
      %parallel_loop3A_165 = tpu.vector_load %arg14[%parallel_loop3A_163, %parallel_loop3A_164] {strides = array<i32>} : memref<48x256xf32, #tpu.memory_space<vmem>>, vector<16xf32>,
      tpu.vector_store %arg14[%parallel_loop3A_163, %parallel_loop3A_164], %broadcast_in_dim3A_0 {strides = array<i32>} : memref<48x256xf32, #tpu.memory_space<vmem>>, vector<16xf32>,
      %parallel_loop3A_166 = arith.index_cast %parallel_loop3A_129 : i32 to index
      %parallel_loop3A_167 = arith.constant 192 : index
      %parallel_loop3A_168 = tpu.vector_load %arg14[%parallel_loop3A_166, %parallel_loop3A_167] {strides = array<i32>} : memref<48x256xf32, #tpu.memory_space<vmem>>, vector<16xf32>,
      tpu.vector_store %arg14[%parallel_loop3A_166, %parallel_loop3A_167], %broadcast_in_dim3A_0 {strides = array<i32>} : memref<48x256xf32, #tpu.memory_space<vmem>>, vector<16xf32>,
      %parallel_loop3A_169 = arith.index_cast %parallel_loop3A_129 : i32 to index
      %parallel_loop3A_170 = arith.constant 208 : index
      %parallel_loop3A_171 = tpu.vector_load %arg14[%parallel_loop3A_169, %parallel_loop3A_170] {strides = array<i32>} : memref<48x256xf32, #tpu.memory_space<vmem>>, vector<16xf32>,
      tpu.vector_store %arg14[%parallel_loop3A_169, %parallel_loop3A_170], %broadcast_in_dim3A_0 {strides = array<i32>} : memref<48x256xf32, #tpu.memory_space<vmem>>, vector<16xf32>,
      %parallel_loop3A_172 = arith.index_cast %parallel_loop3A_129 : i32 to index
      %parallel_loop3A_173 = arith.constant 224 : index
      %parallel_loop3A_174 = tpu.vector_load %arg14[%parallel_loop3A_172, %parallel_loop3A_173] {strides = array<i32>} : memref<48x256xf32, #tpu.memory_space<vmem>>, vector<16xf32>,
      tpu.vector_store %arg14[%parallel_loop3A_172, %parallel_loop3A_173], %broadcast_in_dim3A_0 {strides = array<i32>} : memref<48x256xf32, #tpu.memory_space<vmem>>, vector<16xf32>,
      %parallel_loop3A_175 = arith.index_cast %parallel_loop3A_129 : i32 to index
      %parallel_loop3A_176 = arith.constant 240 : index
      %parallel_loop3A_177 = tpu.vector_load %arg14[%parallel_loop3A_175, %parallel_loop3A_176] {strides = array<i32>} : memref<48x256xf32, #tpu.memory_space<vmem>>, vector<16xf32>,
      tpu.vector_store %arg14[%parallel_loop3A_175, %parallel_loop3A_176], %broadcast_in_dim3A_0 {strides = array<i32>} : memref<48x256xf32, #tpu.memory_space<vmem>>, vector<16xf32>,
    } {sc.loop_unroll_factor = 4 : i64, sc.parallel_access}
    %mul3A_24 = arith.constant 3 : i32
    %mul3A_25 = arith.muli %arg1, %mul3A_24 : i32
    %dma_start3A = arith.constant 0 : i32
    %dma_start3A_26 = arith.constant 0 : i32
    %dma_start3A_27 = tpu.memref_slice %arg14[%dma_start3A, %dma_start3A_26] : memref<48x256xf32, #tpu.memory_space<vmem>> -> memref<3x256xf32, #tpu.memory_space<vmem>>
    %dma_start3A_28 = arith.constant 0 : i32
    %dma_start3A_29 = tpu.memref_slice %arg19[%mul3A_25, %dma_start3A_28] : memref<48x256xf32, #tpu.memory_space<vmem_shared>> -> memref<3x256xf32, #tpu.memory_space<vmem_shared>>
    %dma_start3A_30 = arith.constant 0 : i32
    %dma_start3A_31 = tpu.memref_slice %arg19[%mul3A_25, %dma_start3A_30] : memref<48x256xf32, #tpu.memory_space<vmem_shared>> -> memref<3x256xf32, #tpu.memory_space<vmem_shared>>
    %dma_start3A_32 = arith.constant 0 : i32
    %dma_start3A_33 = arith.constant 0 : i32
    %dma_start3A_34 = tpu.memref_slice %arg14[%dma_start3A_32, %dma_start3A_33] : memref<48x256xf32, #tpu.memory_space<vmem>> -> memref<3x256xf32, #tpu.memory_space<vmem>>
    tpu.enqueue_dma source(%dma_start3A_34 : memref<3x256xf32, #tpu.memory_space<vmem>>) target(%dma_start3A_31 : memref<3x256xf32, #tpu.memory_space<vmem_shared>>) target_semaphore(%arg22 : memref<!tpu.dma_semaphore, #tpu.memory_space<semaphore_mem>>)
    %scan3A_35 = arith.constant 0 : i32
    %scan3A_36 = arith.constant 0 : i32
    %scan3A_37 = arith.constant 5 : i32
    %scan3A_38 = arith.addi %scan3A_36, %scan3A_37 : i32
    %scan3A_39 = arith.constant 1 : i32
    scf.for %scan3A_129 = %scan3A_36 to %scan3A_38 step %scan3A_39  : i32 {
      %mul3A_130 = arith.constant 625 : i32
      %mul3A_131 = arith.muli %arg1, %mul3A_130 : i32
      %mul3A_132 = arith.constant 125 : i32
      %mul3A_133 = arith.muli %scan3A_129, %mul3A_132 : i32
      %add3A_134 = arith.addi %mul3A_131, %mul3A_133 : i32
      %dma_start3A_135 = arith.constant 0 : i32
      %dma_start3A_136 = arith.constant 0 : i32
      %dma_start3A_137 = tpu.memref_slice %arg16[%dma_start3A_135, %dma_start3A_136] : memref<128x64xf32, #tpu.memory_space<vmem>> -> memref<125x64xf32, #tpu.memory_space<vmem>>
      %dma_start3A_138 = arith.constant 0 : i32
      %dma_start3A_139 = tpu.memref_slice %arg20[%add3A_134, %dma_start3A_138] : memref<10000x64xf32, #tpu.memory_space<vmem_shared>> -> memref<125x64xf32, #tpu.memory_space<vmem_shared>>
      %dma_start3A_140 = arith.constant 0 : i32
      %dma_start3A_141 = tpu.memref_slice %arg20[%add3A_134, %dma_start3A_140] : memref<10000x64xf32, #tpu.memory_space<vmem_shared>> -> memref<125x64xf32, #tpu.memory_space<vmem_shared>>
      %dma_start3A_142 = arith.constant 0 : i32
      %dma_start3A_143 = arith.constant 0 : i32
      %dma_start3A_144 = tpu.memref_slice %arg16[%dma_start3A_142, %dma_start3A_143] : memref<128x64xf32, #tpu.memory_space<vmem>> -> memref<125x64xf32, #tpu.memory_space<vmem>>
      tpu.enqueue_dma source(%dma_start3A_144 : memref<125x64xf32, #tpu.memory_space<vmem>>) target(%dma_start3A_141 : memref<125x64xf32, #tpu.memory_space<vmem_shared>>) target_semaphore(%arg22 : memref<!tpu.dma_semaphore, #tpu.memory_space<semaphore_mem>>)
    }
    %scan3A_40 = arith.constant 5 : i32
    %scan3A_41 = arith.constant 0 : i32
    %scan3A_42 = arith.constant 0 : i32
    %scan3A_43 = arith.constant 5 : i32
    %scan3A_44 = arith.addi %scan3A_42, %scan3A_43 : i32
    %scan3A_45 = arith.constant 1 : i32
    scf.for %scan3A_129 = %scan3A_42 to %scan3A_44 step %scan3A_45  : i32 {
      %dma_wait3A_130 = arith.constant 0 : i32
      %dma_wait3A_131 = tpu.memref_slice %arg12[%dma_wait3A_130] : memref<10000xf32, #tpu.memory_space<vmem>> -> memref<2000xf32, #tpu.memory_space<vmem>>
      %dma_wait3A_132 = arith.constant 0 : i32
      %dma_wait3A_133 = tpu.memref_slice %arg4[%dma_wait3A_132] : memref<10000xf32, #tpu.memory_space<hbm>> -> memref<2000xf32, #tpu.memory_space<hbm>>
      %dma_wait3A_134 = arith.constant 0 : i32
      %dma_wait3A_135 = tpu.memref_slice %arg12[%dma_wait3A_134] : memref<10000xf32, #tpu.memory_space<vmem>> -> memref<2000xf32, #tpu.memory_space<vmem>>
      %dma_wait3A_136 = arith.constant 0 : i32
      %dma_wait3A_137 = tpu.memref_slice %arg4[%dma_wait3A_136] : memref<10000xf32, #tpu.memory_space<hbm>> -> memref<2000xf32, #tpu.memory_space<hbm>>
      tpu.wait_dma2 semaphore(%arg21 : memref<!tpu.dma_semaphore, #tpu.memory_space<semaphore_mem>>) src(%dma_wait3A_137 : memref<2000xf32, #tpu.memory_space<hbm>>) dst(%dma_wait3A_135 : memref<2000xf32, #tpu.memory_space<vmem>>)
      %dma_wait3A_138 = arith.constant 0 : i32
      %dma_wait3A_139 = tpu.memref_slice %arg13[%dma_wait3A_138] : memref<10000xf32, #tpu.memory_space<vmem>> -> memref<2000xf32, #tpu.memory_space<vmem>>
      %dma_wait3A_140 = arith.constant 0 : i32
      %dma_wait3A_141 = tpu.memref_slice %arg5[%dma_wait3A_140] : memref<10000xf32, #tpu.memory_space<hbm>> -> memref<2000xf32, #tpu.memory_space<hbm>>
      %dma_wait3A_142 = arith.constant 0 : i32
      %dma_wait3A_143 = tpu.memref_slice %arg13[%dma_wait3A_142] : memref<10000xf32, #tpu.memory_space<vmem>> -> memref<2000xf32, #tpu.memory_space<vmem>>
      %dma_wait3A_144 = arith.constant 0 : i32
      %dma_wait3A_145 = tpu.memref_slice %arg5[%dma_wait3A_144] : memref<10000xf32, #tpu.memory_space<hbm>> -> memref<2000xf32, #tpu.memory_space<hbm>>
      tpu.wait_dma2 semaphore(%arg21 : memref<!tpu.dma_semaphore, #tpu.memory_space<semaphore_mem>>) src(%dma_wait3A_145 : memref<2000xf32, #tpu.memory_space<hbm>>) dst(%dma_wait3A_143 : memref<2000xf32, #tpu.memory_space<vmem>>)
    }
    %scan3A_46 = arith.constant 5 : i32
    %scan3A_47 = arith.constant 0 : i32
    %scan3A_48 = arith.constant 0 : i32
    %scan3A_49 = arith.constant 6 : i32
    %scan3A_50 = arith.addi %scan3A_48, %scan3A_49 : i32
    %scan3A_51 = arith.constant 1 : i32
    scf.for %scan3A_129 = %scan3A_48 to %scan3A_50 step %scan3A_51  : i32 {
      %dma_wait3A_130 = arith.constant 0 : i32
      %dma_wait3A_131 = tpu.memref_slice %arg9[%dma_wait3A_130] : memref<20112xi32, #tpu.memory_space<vmem>> -> memref<3352xi32, #tpu.memory_space<vmem>>
      %dma_wait3A_132 = arith.constant 0 : i32
      %dma_wait3A_133 = tpu.memref_slice %arg2[%dma_wait3A_132] : memref<320112xi32, #tpu.memory_space<hbm>> -> memref<3352xi32, #tpu.memory_space<hbm>>
      %dma_wait3A_134 = arith.constant 0 : i32
      %dma_wait3A_135 = tpu.memref_slice %arg9[%dma_wait3A_134] : memref<20112xi32, #tpu.memory_space<vmem>> -> memref<3352xi32, #tpu.memory_space<vmem>>
      %dma_wait3A_136 = arith.constant 0 : i32
      %dma_wait3A_137 = tpu.memref_slice %arg2[%dma_wait3A_136] : memref<320112xi32, #tpu.memory_space<hbm>> -> memref<3352xi32, #tpu.memory_space<hbm>>
      tpu.wait_dma2 semaphore(%arg21 : memref<!tpu.dma_semaphore, #tpu.memory_space<semaphore_mem>>) src(%dma_wait3A_137 : memref<3352xi32, #tpu.memory_space<hbm>>) dst(%dma_wait3A_135 : memref<3352xi32, #tpu.memory_space<vmem>>)
      %dma_wait3A_138 = arith.constant 0 : i32
      %dma_wait3A_139 = tpu.memref_slice %arg10[%dma_wait3A_138] : memref<20112xi32, #tpu.memory_space<vmem>> -> memref<3352xi32, #tpu.memory_space<vmem>>
      %dma_wait3A_140 = arith.constant 0 : i32
      %dma_wait3A_141 = tpu.memref_slice %arg3[%dma_wait3A_140] : memref<320112xi32, #tpu.memory_space<hbm>> -> memref<3352xi32, #tpu.memory_space<hbm>>
      %dma_wait3A_142 = arith.constant 0 : i32
      %dma_wait3A_143 = tpu.memref_slice %arg10[%dma_wait3A_142] : memref<20112xi32, #tpu.memory_space<vmem>> -> memref<3352xi32, #tpu.memory_space<vmem>>
      %dma_wait3A_144 = arith.constant 0 : i32
      %dma_wait3A_145 = tpu.memref_slice %arg3[%dma_wait3A_144] : memref<320112xi32, #tpu.memory_space<hbm>> -> memref<3352xi32, #tpu.memory_space<hbm>>
      tpu.wait_dma2 semaphore(%arg21 : memref<!tpu.dma_semaphore, #tpu.memory_space<semaphore_mem>>) src(%dma_wait3A_145 : memref<3352xi32, #tpu.memory_space<hbm>>) dst(%dma_wait3A_143 : memref<3352xi32, #tpu.memory_space<vmem>>)
    }
    %scan3A_52 = arith.constant 6 : i32
    "tpu.region"() ({
      %run_scoped3A_129 = tpu.sem_alloc : memref<!tpu.dma_semaphore, #tpu.memory_space<semaphore_mem>>
      %dma_start3A_130 = arith.constant 0 : i32
      %dma_start3A_131 = tpu.memref_slice %arg18[%dma_start3A_130] : memref<128xf32, #tpu.memory_space<vmem>> -> memref<16xf32, #tpu.memory_space<vmem>>
      %dma_start3A_132 = arith.constant 0 : i32
      %dma_start3A_133 = tpu.memref_slice %arg7[%dma_start3A_132] : memref<128xf32, #tpu.memory_space<hbm>> -> memref<16xf32, #tpu.memory_space<hbm>>
      %dma_start3A_134 = arith.constant 0 : i32
      %dma_start3A_135 = tpu.memref_slice %arg18[%dma_start3A_134] : memref<128xf32, #tpu.memory_space<vmem>> -> memref<16xf32, #tpu.memory_space<vmem>>
      %dma_start3A_136 = arith.constant 0 : i32
      %dma_start3A_137 = tpu.memref_slice %arg7[%dma_start3A_136] : memref<128xf32, #tpu.memory_space<hbm>> -> memref<16xf32, #tpu.memory_space<hbm>>
      tpu.enqueue_dma source(%dma_start3A_137 : memref<16xf32, #tpu.memory_space<hbm>>) target(%dma_start3A_135 : memref<16xf32, #tpu.memory_space<vmem>>) target_semaphore(%run_scoped3A_129 : memref<!tpu.dma_semaphore, #tpu.memory_space<semaphore_mem>>)
      %dma_wait3A_138 = arith.constant 0 : i32
      %dma_wait3A_139 = tpu.memref_slice %arg18[%dma_wait3A_138] : memref<128xf32, #tpu.memory_space<vmem>> -> memref<16xf32, #tpu.memory_space<vmem>>
      %dma_wait3A_140 = arith.constant 0 : i32
      %dma_wait3A_141 = tpu.memref_slice %arg7[%dma_wait3A_140] : memref<128xf32, #tpu.memory_space<hbm>> -> memref<16xf32, #tpu.memory_space<hbm>>
      %dma_wait3A_142 = arith.constant 0 : i32
      %dma_wait3A_143 = tpu.memref_slice %arg18[%dma_wait3A_142] : memref<128xf32, #tpu.memory_space<vmem>> -> memref<16xf32, #tpu.memory_space<vmem>>
      %dma_wait3A_144 = arith.constant 0 : i32
      %dma_wait3A_145 = tpu.memref_slice %arg7[%dma_wait3A_144] : memref<128xf32, #tpu.memory_space<hbm>> -> memref<16xf32, #tpu.memory_space<hbm>>
      tpu.wait_dma2 semaphore(%run_scoped3A_129 : memref<!tpu.dma_semaphore, #tpu.memory_space<semaphore_mem>>) src(%dma_wait3A_145 : memref<16xf32, #tpu.memory_space<hbm>>) dst(%dma_wait3A_143 : memref<16xf32, #tpu.memory_space<vmem>>)
      tpu.yield
    }) : () -> ()
    %get3A = arith.constant 0 : index
    %get3A_53 = tpu.vector_load %arg18[%get3A] {strides = array<i32>} : memref<128xf32, #tpu.memory_space<vmem>>, vector<16xf32>,
    %mul3A_54 = arith.constant 3 : i32
    %mul3A_55 = arith.muli %arg1, %mul3A_54 : i32
    %dma_wait3A = arith.constant 0 : i32
    %dma_wait3A_56 = arith.constant 0 : i32
    %dma_wait3A_57 = tpu.memref_slice %arg14[%dma_wait3A, %dma_wait3A_56] : memref<48x256xf32, #tpu.memory_space<vmem>> -> memref<3x256xf32, #tpu.memory_space<vmem>>
    %dma_wait3A_58 = arith.constant 0 : i32
    %dma_wait3A_59 = tpu.memref_slice %arg19[%mul3A_55, %dma_wait3A_58] : memref<48x256xf32, #tpu.memory_space<vmem_shared>> -> memref<3x256xf32, #tpu.memory_space<vmem_shared>>
    %dma_wait3A_60 = arith.constant 0 : i32
    %dma_wait3A_61 = tpu.memref_slice %arg19[%mul3A_55, %dma_wait3A_60] : memref<48x256xf32, #tpu.memory_space<vmem_shared>> -> memref<3x256xf32, #tpu.memory_space<vmem_shared>>
    %dma_wait3A_62 = arith.constant 0 : i32
    %dma_wait3A_63 = arith.constant 0 : i32
    %dma_wait3A_64 = tpu.memref_slice %arg14[%dma_wait3A_62, %dma_wait3A_63] : memref<48x256xf32, #tpu.memory_space<vmem>> -> memref<3x256xf32, #tpu.memory_space<vmem>>
    tpu.wait_dma2 semaphore(%arg22 : memref<!tpu.dma_semaphore, #tpu.memory_space<semaphore_mem>>) src(%dma_wait3A_64 : memref<3x256xf32, #tpu.memory_space<vmem>>) dst(%dma_wait3A_61 : memref<3x256xf32, #tpu.memory_space<vmem_shared>>)
    %scan3A_65 = arith.constant 0 : i32
    %scan3A_66 = arith.constant 0 : i32
    %scan3A_67 = arith.constant 5 : i32
    %scan3A_68 = arith.addi %scan3A_66, %scan3A_67 : i32
    %scan3A_69 = arith.constant 1 : i32
    scf.for %scan3A_129 = %scan3A_66 to %scan3A_68 step %scan3A_69  : i32 {
      %dma_wait3A_130 = arith.constant 0 : i32
      %dma_wait3A_131 = arith.constant 0 : i32
      %dma_wait3A_132 = tpu.memref_slice %arg16[%dma_wait3A_130, %dma_wait3A_131] : memref<128x64xf32, #tpu.memory_space<vmem>> -> memref<125x64xf32, #tpu.memory_space<vmem>>
      %dma_wait3A_133 = arith.constant 0 : i32
      %dma_wait3A_134 = arith.constant 0 : i32
      %dma_wait3A_135 = tpu.memref_slice %arg20[%dma_wait3A_133, %dma_wait3A_134] : memref<10000x64xf32, #tpu.memory_space<vmem_shared>> -> memref<125x64xf32, #tpu.memory_space<vmem_shared>>
      %dma_wait3A_136 = arith.constant 0 : i32
      %dma_wait3A_137 = arith.constant 0 : i32
      %dma_wait3A_138 = tpu.memref_slice %arg20[%dma_wait3A_136, %dma_wait3A_137] : memref<10000x64xf32, #tpu.memory_space<vmem_shared>> -> memref<125x64xf32, #tpu.memory_space<vmem_shared>>
      %dma_wait3A_139 = arith.constant 0 : i32
      %dma_wait3A_140 = arith.constant 0 : i32
      %dma_wait3A_141 = tpu.memref_slice %arg16[%dma_wait3A_139, %dma_wait3A_140] : memref<128x64xf32, #tpu.memory_space<vmem>> -> memref<125x64xf32, #tpu.memory_space<vmem>>
      tpu.wait_dma2 semaphore(%arg22 : memref<!tpu.dma_semaphore, #tpu.memory_space<semaphore_mem>>) src(%dma_wait3A_141 : memref<125x64xf32, #tpu.memory_space<vmem>>) dst(%dma_wait3A_138 : memref<125x64xf32, #tpu.memory_space<vmem_shared>>)
    }
    %scan3A_70 = arith.constant 5 : i32
    %mul3A_71 = arith.constant 10000 : i32
    %mul3A_72 = arith.muli %arg0, %mul3A_71 : i32
    %add3A = arith.addi %mul3A_1, %mul3A_72 : i32
    %run_scoped3A = arith.constant 0 : i32
    "tpu.region"() ({
      %run_scoped3A_129 = tpu.sem_alloc : memref<!tpu.dma_semaphore, #tpu.memory_space<semaphore_mem>>
      %dma_start3A_130 = arith.constant 0 : i32
      %dma_start3A_131 = tpu.memref_slice %arg11[%run_scoped3A, %dma_start3A_130] : memref<2x128xi32, #tpu.memory_space<vmem>> -> memref<1x128xi32, #tpu.memory_space<vmem>>
      %dma_start3A_132 = tpu.memref_squeeze %dma_start3A_131 : memref<1x128xi32, #tpu.memory_space<vmem>> -> memref<128xi32, #tpu.memory_space<vmem>>
      %dma_start3A_133 = tpu.memref_slice %arg3[%add3A] : memref<320112xi32, #tpu.memory_space<hbm>> -> memref<128xi32, #tpu.memory_space<hbm>>
      %dma_start3A_134 = arith.constant 0 : i32
      %dma_start3A_135 = tpu.memref_slice %arg11[%run_scoped3A, %dma_start3A_134] : memref<2x128xi32, #tpu.memory_space<vmem>> -> memref<1x128xi32, #tpu.memory_space<vmem>>
      %dma_start3A_136 = tpu.memref_squeeze %dma_start3A_135 : memref<1x128xi32, #tpu.memory_space<vmem>> -> memref<128xi32, #tpu.memory_space<vmem>>
      %dma_start3A_137 = tpu.memref_slice %arg3[%add3A] : memref<320112xi32, #tpu.memory_space<hbm>> -> memref<128xi32, #tpu.memory_space<hbm>>
      tpu.enqueue_dma source(%dma_start3A_137 : memref<128xi32, #tpu.memory_space<hbm>>) target(%dma_start3A_136 : memref<128xi32, #tpu.memory_space<vmem>>) target_semaphore(%run_scoped3A_129 : memref<!tpu.dma_semaphore, #tpu.memory_space<semaphore_mem>>)
      %dma_wait3A_138 = arith.constant 0 : i32
      %dma_wait3A_139 = tpu.memref_slice %arg11[%run_scoped3A, %dma_wait3A_138] : memref<2x128xi32, #tpu.memory_space<vmem>> -> memref<1x128xi32, #tpu.memory_space<vmem>>
      %dma_wait3A_140 = tpu.memref_squeeze %dma_wait3A_139 : memref<1x128xi32, #tpu.memory_space<vmem>> -> memref<128xi32, #tpu.memory_space<vmem>>
      %dma_wait3A_141 = tpu.memref_slice %arg3[%add3A] : memref<320112xi32, #tpu.memory_space<hbm>> -> memref<128xi32, #tpu.memory_space<hbm>>
      %dma_wait3A_142 = arith.constant 0 : i32
      %dma_wait3A_143 = tpu.memref_slice %arg11[%run_scoped3A, %dma_wait3A_142] : memref<2x128xi32, #tpu.memory_space<vmem>> -> memref<1x128xi32, #tpu.memory_space<vmem>>
      %dma_wait3A_144 = tpu.memref_squeeze %dma_wait3A_143 : memref<1x128xi32, #tpu.memory_space<vmem>> -> memref<128xi32, #tpu.memory_space<vmem>>
      %dma_wait3A_145 = tpu.memref_slice %arg3[%add3A] : memref<320112xi32, #tpu.memory_space<hbm>> -> memref<128xi32, #tpu.memory_space<hbm>>
      tpu.wait_dma2 semaphore(%run_scoped3A_129 : memref<!tpu.dma_semaphore, #tpu.memory_space<semaphore_mem>>) src(%dma_wait3A_145 : memref<128xi32, #tpu.memory_space<hbm>>) dst(%dma_wait3A_144 : memref<128xi32, #tpu.memory_space<vmem>>)
      tpu.yield
    }) : () -> ()
    %add3A_73 = arith.constant 128 : i32
    %add3A_74 = arith.addi %add3A, %add3A_73 : i32
    %dma_start3A_75 = arith.constant 1 : i32
    %dma_start3A_76 = arith.constant 0 : i32
    %dma_start3A_77 = tpu.memref_slice %arg11[%dma_start3A_75, %dma_start3A_76] : memref<2x128xi32, #tpu.memory_space<vmem>> -> memref<1x128xi32, #tpu.memory_space<vmem>>
    %dma_start3A_78 = tpu.memref_squeeze %dma_start3A_77 : memref<1x128xi32, #tpu.memory_space<vmem>> -> memref<128xi32, #tpu.memory_space<vmem>>
    %dma_start3A_79 = tpu.memref_slice %arg3[%add3A_74] : memref<320112xi32, #tpu.memory_space<hbm>> -> memref<128xi32, #tpu.memory_space<hbm>>
    %dma_start3A_80 = arith.constant 0 : i32
    %dma_start3A_81 = tpu.memref_slice %arg11[%dma_start3A_75, %dma_start3A_80] : memref<2x128xi32, #tpu.memory_space<vmem>> -> memref<1x128xi32, #tpu.memory_space<vmem>>
    %dma_start3A_82 = tpu.memref_squeeze %dma_start3A_81 : memref<1x128xi32, #tpu.memory_space<vmem>> -> memref<128xi32, #tpu.memory_space<vmem>>
    %dma_start3A_83 = tpu.memref_slice %arg3[%add3A_74] : memref<320112xi32, #tpu.memory_space<hbm>> -> memref<128xi32, #tpu.memory_space<hbm>>
    tpu.enqueue_dma source(%dma_start3A_83 : memref<128xi32, #tpu.memory_space<hbm>>) target(%dma_start3A_82 : memref<128xi32, #tpu.memory_space<vmem>>) target_semaphore(%arg24 : memref<!tpu.dma_semaphore, #tpu.memory_space<semaphore_mem>>)
    %add3A_84 = arith.constant 0 : i32
    %add3A_85 = arith.addi %mul3A_72, %add3A_84 : i32
    %dma_start3A_86 = tpu.memref_slice %arg9[%add3A_85] : memref<20112xi32, #tpu.memory_space<vmem>> -> memref<128xi32, #tpu.memory_space<vmem>>
    %dma_start3A_87 = arith.constant 0 : i32
    %dma_start3A_88 = arith.constant 0 : i32
    %dma_start3A_89 = tpu.memref_slice %arg6[%dma_start3A_87, %dma_start3A_88] : memref<10000x64xf32, #tpu.memory_space<hbm>> -> memref<10000x64xf32, #tpu.memory_space<hbm>>
    tpu.enqueue_indirect_dma source(%dma_start3A_89 : memref<10000x64xf32, #tpu.memory_space<hbm>>) target(%arg16 : memref<128x64xf32, #tpu.memory_space<vmem>>) offsets(%dma_start3A_86 : memref<128xi32, #tpu.memory_space<vmem>>) semaphore(%arg21 : memref<!tpu.dma_semaphore, #tpu.memory_space<semaphore_mem>>)
    %add3A_90 = arith.constant 128 : i32
    %add3A_91 = arith.addi %mul3A_72, %add3A_90 : i32
    %dma_start3A_92 = tpu.memref_slice %arg9[%add3A_91] : memref<20112xi32, #tpu.memory_space<vmem>> -> memref<128xi32, #tpu.memory_space<vmem>>
    %dma_start3A_93 = arith.constant 0 : i32
    %dma_start3A_94 = arith.constant 0 : i32
    %dma_start3A_95 = tpu.memref_slice %arg6[%dma_start3A_93, %dma_start3A_94] : memref<10000x64xf32, #tpu.memory_space<hbm>> -> memref<10000x64xf32, #tpu.memory_space<hbm>>
    tpu.enqueue_indirect_dma source(%dma_start3A_95 : memref<10000x64xf32, #tpu.memory_space<hbm>>) target(%arg17 : memref<128x64xf32, #tpu.memory_space<vmem>>) offsets(%dma_start3A_92 : memref<128xi32, #tpu.memory_space<vmem>>) semaphore(%arg22 : memref<!tpu.dma_semaphore, #tpu.memory_space<semaphore_mem>>)
    %parallel_loop3A_96 = arith.constant 0 : i32
    %parallel_loop3A_97 = arith.constant 1250 : i32
    %parallel_loop3A_98 = arith.constant 1 : i32
    scf.for %parallel_loop3A_129 = %parallel_loop3A_96 to %parallel_loop3A_97 step %parallel_loop3A_98  : i32 {
      %parallel_loop3A_130 = arith.constant 16 : i32
      %parallel_loop3A_131 = arith.muli %parallel_loop3A_129, %parallel_loop3A_130 : i32
      %parallel_loop3A_132 = arith.index_cast %parallel_loop3A_131 : i32 to index
      %parallel_loop3A_133 = tpu.vector_load %arg9[%parallel_loop3A_132] {strides = array<i32>} : memref<20112xi32, #tpu.memory_space<vmem>>, vector<16xi32>,
      %parallel_loop3A_134 = arith.index_cast %parallel_loop3A_131 : i32 to index
      %parallel_loop3A_135 = tpu.vector_load %arg10[%parallel_loop3A_134] {strides = array<i32>} : memref<20112xi32, #tpu.memory_space<vmem>>, vector<16xi32>,
      %parallel_loop3A_136 = tpu.vector_load_idx %arg12[%parallel_loop3A_133] : memref<10000xf32, #tpu.memory_space<vmem>>[vector<16xi32>], vector<16xf32>,
      %parallel_loop3A_137 = tpu.vector_load_idx %arg13[%parallel_loop3A_135] : memref<10000xf32, #tpu.memory_space<vmem>>[vector<16xi32>], vector<16xf32>,
      %parallel_loop3A_138 = arith.addf %parallel_loop3A_136, %parallel_loop3A_137 : vector<16xf32>
      %parallel_loop3A_139 = arith.constant 0.000000e+00 : f32
      %parallel_loop3A_140 = vector.broadcast %parallel_loop3A_139 : f32 to vector<16xf32>
      %parallel_loop3A_141 = arith.cmpf oge, %parallel_loop3A_138, %parallel_loop3A_140 : vector<16xf32>
      %parallel_loop3A_142 = arith.constant 2.000000e-01 : f32
      %parallel_loop3A_143 = vector.broadcast %parallel_loop3A_142 : f32 to vector<16xf32>
      %parallel_loop3A_144 = arith.mulf %parallel_loop3A_143, %parallel_loop3A_138 : vector<16xf32>
      %parallel_loop3A_145 = arith.select %parallel_loop3A_141, %parallel_loop3A_138, %parallel_loop3A_144 : vector<16xi1>, vector<16xf32>
      %parallel_loop3A_146 = arith.constant 8 : i32
      %parallel_loop3A_147 = vector.broadcast %parallel_loop3A_146 : i32 to vector<16xi32>
      %parallel_loop3A_148 = arith.shrsi %parallel_loop3A_135, %parallel_loop3A_147 : vector<16xi32>
      %parallel_loop3A_149 = arith.constant 255 : i32
      %parallel_loop3A_150 = vector.broadcast %parallel_loop3A_149 : i32 to vector<16xi32>
      %parallel_loop3A_151 = arith.andi %parallel_loop3A_135, %parallel_loop3A_150 : vector<16xi32>
      %parallel_loop3A_152 = arith.subf %parallel_loop3A_145, %get3A_53 : vector<16xf32>
      %parallel_loop3A_153 = math.exp %parallel_loop3A_152 : vector<16xf32>
      tpu.vector_store_idx %arg14[%parallel_loop3A_148, %parallel_loop3A_151], %parallel_loop3A_153 {add = true} : memref<48x256xf32, #tpu.memory_space<vmem>>[vector<16xi32>, vector<16xi32>], vector<16xf32>,
    } {sc.loop_unroll_factor = 4 : i64, sc.parallel_access}
    %barrier3A = arith.constant 0 : index
    tpu.barrier barrier_id(%barrier3A)
    "tpu.region"() ({
      %run_scoped3A_129 = tpu.sem_alloc : memref<!tpu.dma_semaphore, #tpu.memory_space<semaphore_mem>>
      %dma_start3A_130 = arith.constant 0 : i32
      %dma_start3A_131 = arith.constant 0 : i32
      %dma_start3A_132 = tpu.memref_slice %arg19[%dma_start3A_130, %dma_start3A_131] : memref<48x256xf32, #tpu.memory_space<vmem_shared>> -> memref<48x256xf32, #tpu.memory_space<vmem_shared>>
      tpu.enqueue_indirect_dma source(%arg14 : memref<48x256xf32, #tpu.memory_space<vmem>>) target(%dma_start3A_132 : memref<48x256xf32, #tpu.memory_space<vmem_shared>>) offsets(%arg15 : memref<48xi32, #tpu.memory_space<vmem>>) semaphore(%run_scoped3A_129 : memref<!tpu.dma_semaphore, #tpu.memory_space<semaphore_mem>>) {add = true}
      %dma_wait3A_133 = arith.constant 0 : i32
      %dma_wait3A_134 = arith.constant 0 : i32
      %dma_wait3A_135 = tpu.memref_slice %arg19[%dma_wait3A_133, %dma_wait3A_134] : memref<48x256xf32, #tpu.memory_space<vmem_shared>> -> memref<48x256xf32, #tpu.memory_space<vmem_shared>>
      tpu.wait_indirect_dma semaphore(%run_scoped3A_129 : memref<!tpu.dma_semaphore, #tpu.memory_space<semaphore_mem>>) src(%arg14 : memref<48x256xf32, #tpu.memory_space<vmem>>) dst(%dma_wait3A_135 : memref<48x256xf32, #tpu.memory_space<vmem_shared>>)
      tpu.yield
    }) : () -> ()
    %barrier3A_99 = arith.constant 0 : index
    tpu.barrier barrier_id(%barrier3A_99)
    %scan3A_100 = arith.constant 0 : i32
    %scan3A_101 = arith.constant 0 : i32
    %scan3A_102 = arith.constant 3 : i32
    %scan3A_103 = arith.addi %scan3A_101, %scan3A_102 : i32
    %scan3A_104 = arith.constant 1 : i32
    scf.for %scan3A_129 = %scan3A_101 to %scan3A_103 step %scan3A_104  : i32 {
      %mul3A_130 = arith.constant 16 : i32
      %mul3A_131 = arith.muli %scan3A_129, %mul3A_130 : i32
      %mul3A_132 = arith.constant 16 : i32
      %mul3A_133 = arith.muli %scan3A_129, %mul3A_132 : i32
      "tpu.region"() ({
        %run_scoped3A_134 = tpu.sem_alloc : memref<!tpu.dma_semaphore, #tpu.memory_space<semaphore_mem>>
        %dma_start3A_135 = arith.constant 0 : i32
        %dma_start3A_136 = tpu.memref_slice %arg14[%mul3A_133, %dma_start3A_135] : memref<48x256xf32, #tpu.memory_space<vmem>> -> memref<16x256xf32, #tpu.memory_space<vmem>>
        %dma_start3A_137 = arith.constant 0 : i32
        %dma_start3A_138 = tpu.memref_slice %arg19[%mul3A_131, %dma_start3A_137] : memref<48x256xf32, #tpu.memory_space<vmem_shared>> -> memref<16x256xf32, #tpu.memory_space<vmem_shared>>
        %dma_start3A_139 = arith.constant 0 : i32
        %dma_start3A_140 = tpu.memref_slice %arg14[%mul3A_133, %dma_start3A_139] : memref<48x256xf32, #tpu.memory_space<vmem>> -> memref<16x256xf32, #tpu.memory_space<vmem>>
        %dma_start3A_141 = arith.constant 0 : i32
        %dma_start3A_142 = tpu.memref_slice %arg19[%mul3A_131, %dma_start3A_141] : memref<48x256xf32, #tpu.memory_space<vmem_shared>> -> memref<16x256xf32, #tpu.memory_space<vmem_shared>>
        tpu.enqueue_dma source(%dma_start3A_142 : memref<16x256xf32, #tpu.memory_space<vmem_shared>>) target(%dma_start3A_140 : memref<16x256xf32, #tpu.memory_space<vmem>>) target_semaphore(%run_scoped3A_134 : memref<!tpu.dma_semaphore, #tpu.memory_space<semaphore_mem>>)
        %dma_wait3A_143 = arith.constant 0 : i32
        %dma_wait3A_144 = tpu.memref_slice %arg14[%mul3A_133, %dma_wait3A_143] : memref<48x256xf32, #tpu.memory_space<vmem>> -> memref<16x256xf32, #tpu.memory_space<vmem>>
        %dma_wait3A_145 = arith.constant 0 : i32
        %dma_wait3A_146 = tpu.memref_slice %arg19[%mul3A_131, %dma_wait3A_145] : memref<48x256xf32, #tpu.memory_space<vmem_shared>> -> memref<16x256xf32, #tpu.memory_space<vmem_shared>>
        %dma_wait3A_147 = arith.constant 0 : i32
        %dma_wait3A_148 = tpu.memref_slice %arg14[%mul3A_133, %dma_wait3A_147] : memref<48x256xf32, #tpu.memory_space<vmem>> -> memref<16x256xf32, #tpu.memory_space<vmem>>
        %dma_wait3A_149 = arith.constant 0 : i32
        %dma_wait3A_150 = tpu.memref_slice %arg19[%mul3A_131, %dma_wait3A_149] : memref<48x256xf32, #tpu.memory_space<vmem_shared>> -> memref<16x256xf32, #tpu.memory_space<vmem_shared>>
        tpu.wait_dma2 semaphore(%run_scoped3A_134 : memref<!tpu.dma_semaphore, #tpu.memory_space<semaphore_mem>>) src(%dma_wait3A_150 : memref<16x256xf32, #tpu.memory_space<vmem_shared>>) dst(%dma_wait3A_148 : memref<16x256xf32, #tpu.memory_space<vmem>>)
        tpu.yield
      }) : () -> ()
    }
    %scan3A_105 = arith.constant 3 : i32
    %scan3A_106 = arith.constant 0 : i32
    %scan3A_107 = arith.constant 0 : i32
    %scan3A_108 = arith.constant 40 : i32
    %scan3A_109 = arith.addi %scan3A_107, %scan3A_108 : i32
    %scan3A_110 = arith.constant 1 : i32
    scf.for %scan3A_129 = %scan3A_107 to %scan3A_109 step %scan3A_110  : i32 {
      %mul3A_130 = arith.constant 2 : i32
      %mul3A_131 = arith.muli %scan3A_129, %mul3A_130 : i32
      %add3A_132 = arith.constant 1 : i32
      %add3A_133 = arith.addi %mul3A_131, %add3A_132 : i32
      %ge3A = arith.constant 1 : i32
      %ge3A_134 = arith.cmpi sge, %scan3A_129, %ge3A : i32
      %lt3A_135 = arith.constant 79 : i32
      %lt3A_136 = arith.cmpi slt, %add3A_133, %lt3A_135 : i32
      %and3A = arith.andi %ge3A_134, %lt3A_136 : i1
      %convert_element_type3A_137 = arith.extui %and3A : i1 to i32
      %cond3A_138 = arith.constant 0 : i32
      %cond3A_139 = arith.cmpi ne, %convert_element_type3A_137, %cond3A_138 : i32
      scf.if %cond3A_139 {
        %dma_wait3A_176 = arith.constant 0 : i32
        %dma_wait3A_177 = arith.constant 0 : i32
        %dma_wait3A_178 = tpu.memref_slice %arg11[%dma_wait3A_176, %dma_wait3A_177] : memref<2x128xi32, #tpu.memory_space<vmem>> -> memref<1x128xi32, #tpu.memory_space<vmem>>
        %dma_wait3A_179 = tpu.memref_squeeze %dma_wait3A_178 : memref<1x128xi32, #tpu.memory_space<vmem>> -> memref<128xi32, #tpu.memory_space<vmem>>
        %dma_wait3A_180 = arith.constant 0 : i32
        %dma_wait3A_181 = arith.constant 0 : i32
        %dma_wait3A_182 = tpu.memref_slice %arg20[%dma_wait3A_180, %dma_wait3A_181] : memref<10000x64xf32, #tpu.memory_space<vmem_shared>> -> memref<10000x64xf32, #tpu.memory_space<vmem_shared>>
        tpu.wait_indirect_dma semaphore(%arg26 : memref<!tpu.dma_semaphore, #tpu.memory_space<semaphore_mem>>) src(%arg17 : memref<128x64xf32, #tpu.memory_space<vmem>>) dst(%dma_wait3A_182 : memref<10000x64xf32, #tpu.memory_space<vmem_shared>>)
        %mul3A_183 = arith.constant 128 : i32
        %mul3A_184 = arith.muli %add3A_133, %mul3A_183 : i32
        %add3A_185 = arith.addi %add3A, %mul3A_184 : i32
        %dma_start3A_186 = arith.constant 1 : i32
        %dma_start3A_187 = arith.constant 0 : i32
        %dma_start3A_188 = tpu.memref_slice %arg11[%dma_start3A_186, %dma_start3A_187] : memref<2x128xi32, #tpu.memory_space<vmem>> -> memref<1x128xi32, #tpu.memory_space<vmem>>
        %dma_start3A_189 = tpu.memref_squeeze %dma_start3A_188 : memref<1x128xi32, #tpu.memory_space<vmem>> -> memref<128xi32, #tpu.memory_space<vmem>>
        %dma_start3A_190 = tpu.memref_slice %arg3[%add3A_185] : memref<320112xi32, #tpu.memory_space<hbm>> -> memref<128xi32, #tpu.memory_space<hbm>>
        %dma_start3A_191 = arith.constant 0 : i32
        %dma_start3A_192 = tpu.memref_slice %arg11[%dma_start3A_186, %dma_start3A_191] : memref<2x128xi32, #tpu.memory_space<vmem>> -> memref<1x128xi32, #tpu.memory_space<vmem>>
        %dma_start3A_193 = tpu.memref_squeeze %dma_start3A_192 : memref<1x128xi32, #tpu.memory_space<vmem>> -> memref<128xi32, #tpu.memory_space<vmem>>
        %dma_start3A_194 = tpu.memref_slice %arg3[%add3A_185] : memref<320112xi32, #tpu.memory_space<hbm>> -> memref<128xi32, #tpu.memory_space<hbm>>
        tpu.enqueue_dma source(%dma_start3A_194 : memref<128xi32, #tpu.memory_space<hbm>>) target(%dma_start3A_193 : memref<128xi32, #tpu.memory_space<vmem>>) target_semaphore(%arg24 : memref<!tpu.dma_semaphore, #tpu.memory_space<semaphore_mem>>)
        %mul3A_195 = arith.constant 128 : i32
        %mul3A_196 = arith.muli %add3A_133, %mul3A_195 : i32
        %add3A_197 = arith.addi %mul3A_72, %mul3A_196 : i32
        %dma_start3A_198 = tpu.memref_slice %arg9[%add3A_197] : memref<20112xi32, #tpu.memory_space<vmem>> -> memref<128xi32, #tpu.memory_space<vmem>>
        %dma_start3A_199 = arith.constant 0 : i32
        %dma_start3A_200 = arith.constant 0 : i32
        %dma_start3A_201 = tpu.memref_slice %arg6[%dma_start3A_199, %dma_start3A_200] : memref<10000x64xf32, #tpu.memory_space<hbm>> -> memref<10000x64xf32, #tpu.memory_space<hbm>>
        tpu.enqueue_indirect_dma source(%dma_start3A_201 : memref<10000x64xf32, #tpu.memory_space<hbm>>) target(%arg17 : memref<128x64xf32, #tpu.memory_space<vmem>>) offsets(%dma_start3A_198 : memref<128xi32, #tpu.memory_space<vmem>>) semaphore(%arg22 : memref<!tpu.dma_semaphore, #tpu.memory_space<semaphore_mem>>)
      } else {
      }
      %ge3A_140 = arith.constant 2 : i32
      %ge3A_141 = arith.cmpi sge, %mul3A_131, %ge3A_140 : i32
      %convert_element_type3A_142 = arith.extui %ge3A_141 : i1 to i32
      %cond3A_143 = arith.constant 0 : i32
      %cond3A_144 = arith.cmpi ne, %convert_element_type3A_142, %cond3A_143 : i32
      scf.if %cond3A_144 {
        %dma_wait3A_176 = arith.constant 0 : i32
        %dma_wait3A_177 = arith.constant 0 : i32
        %dma_wait3A_178 = tpu.memref_slice %arg11[%dma_wait3A_176, %dma_wait3A_177] : memref<2x128xi32, #tpu.memory_space<vmem>> -> memref<1x128xi32, #tpu.memory_space<vmem>>
        %dma_wait3A_179 = tpu.memref_squeeze %dma_wait3A_178 : memref<1x128xi32, #tpu.memory_space<vmem>> -> memref<128xi32, #tpu.memory_space<vmem>>
        %dma_wait3A_180 = tpu.memref_slice %arg3[%add3A] : memref<320112xi32, #tpu.memory_space<hbm>> -> memref<128xi32, #tpu.memory_space<hbm>>
        %dma_wait3A_181 = arith.constant 0 : i32
        %dma_wait3A_182 = tpu.memref_slice %arg11[%dma_wait3A_176, %dma_wait3A_181] : memref<2x128xi32, #tpu.memory_space<vmem>> -> memref<1x128xi32, #tpu.memory_space<vmem>>
        %dma_wait3A_183 = tpu.memref_squeeze %dma_wait3A_182 : memref<1x128xi32, #tpu.memory_space<vmem>> -> memref<128xi32, #tpu.memory_space<vmem>>
        %dma_wait3A_184 = tpu.memref_slice %arg3[%add3A] : memref<320112xi32, #tpu.memory_space<hbm>> -> memref<128xi32, #tpu.memory_space<hbm>>
        tpu.wait_dma2 semaphore(%arg23 : memref<!tpu.dma_semaphore, #tpu.memory_space<semaphore_mem>>) src(%dma_wait3A_184 : memref<128xi32, #tpu.memory_space<hbm>>) dst(%dma_wait3A_183 : memref<128xi32, #tpu.memory_space<vmem>>)
      } else {
      }
      %dma_wait3A_145 = arith.constant 0 : i32
      %dma_wait3A_146 = arith.constant 0 : i32
      %dma_wait3A_147 = tpu.memref_slice %arg6[%dma_wait3A_145, %dma_wait3A_146] : memref<10000x64xf32, #tpu.memory_space<hbm>> -> memref<128x64xf32, #tpu.memory_space<hbm>>
      %dma_wait3A_148 = arith.constant 0 : i32
      %dma_wait3A_149 = arith.constant 0 : i32
      %dma_wait3A_150 = tpu.memref_slice %arg6[%dma_wait3A_148, %dma_wait3A_149] : memref<10000x64xf32, #tpu.memory_space<hbm>> -> memref<128x64xf32, #tpu.memory_space<hbm>>
      tpu.wait_dma2 semaphore(%arg21 : memref<!tpu.dma_semaphore, #tpu.memory_space<semaphore_mem>>) src(%dma_wait3A_150 : memref<128x64xf32, #tpu.memory_space<hbm>>) dst(%arg16 : memref<128x64xf32, #tpu.memory_space<vmem>>)
      %parallel_loop3A_151 = arith.constant 0 : i32
      %parallel_loop3A_152 = arith.constant 8 : i32
      %parallel_loop3A_153 = arith.constant 1 : i32
      scf.for %parallel_loop3A_176 = %parallel_loop3A_151 to %parallel_loop3A_152 step %parallel_loop3A_153  : i32 {
        %parallel_loop3A_177 = arith.constant 128 : i32
        %parallel_loop3A_178 = arith.muli %mul3A_131, %parallel_loop3A_177 : i32
        %parallel_loop3A_179 = arith.addi %mul3A_72, %parallel_loop3A_178 : i32
        %parallel_loop3A_180 = arith.constant 16 : i32
        %parallel_loop3A_181 = arith.muli %parallel_loop3A_176, %parallel_loop3A_180 : i32
        %parallel_loop3A_182 = arith.addi %parallel_loop3A_179, %parallel_loop3A_181 : i32
        %parallel_loop3A_183 = arith.index_cast %parallel_loop3A_182 : i32 to index
        %parallel_loop3A_184 = tpu.vector_load %arg9[%parallel_loop3A_183] {strides = array<i32>} : memref<20112xi32, #tpu.memory_space<vmem>>, vector<16xi32>,
        %parallel_loop3A_185 = arith.index_cast %parallel_loop3A_182 : i32 to index
        %parallel_loop3A_186 = tpu.vector_load %arg10[%parallel_loop3A_185] {strides = array<i32>} : memref<20112xi32, #tpu.memory_space<vmem>>, vector<16xi32>,
        %parallel_loop3A_187 = tpu.vector_load_idx %arg12[%parallel_loop3A_184] : memref<10000xf32, #tpu.memory_space<vmem>>[vector<16xi32>], vector<16xf32>,
        %parallel_loop3A_188 = tpu.vector_load_idx %arg13[%parallel_loop3A_186] : memref<10000xf32, #tpu.memory_space<vmem>>[vector<16xi32>], vector<16xf32>,
        %parallel_loop3A_189 = arith.addf %parallel_loop3A_187, %parallel_loop3A_188 : vector<16xf32>
        %parallel_loop3A_190 = arith.constant 0.000000e+00 : f32
        %parallel_loop3A_191 = vector.broadcast %parallel_loop3A_190 : f32 to vector<16xf32>
        %parallel_loop3A_192 = arith.cmpf oge, %parallel_loop3A_189, %parallel_loop3A_191 : vector<16xf32>
        %parallel_loop3A_193 = arith.constant 2.000000e-01 : f32
        %parallel_loop3A_194 = vector.broadcast %parallel_loop3A_193 : f32 to vector<16xf32>
        %parallel_loop3A_195 = arith.mulf %parallel_loop3A_194, %parallel_loop3A_189 : vector<16xf32>
        %parallel_loop3A_196 = arith.select %parallel_loop3A_192, %parallel_loop3A_189, %parallel_loop3A_195 : vector<16xi1>, vector<16xf32>
        %parallel_loop3A_197 = arith.subf %parallel_loop3A_196, %get3A_53 : vector<16xf32>
        %parallel_loop3A_198 = math.exp %parallel_loop3A_197 : vector<16xf32>
        %parallel_loop3A_199 = arith.constant 8 : i32
        %parallel_loop3A_200 = vector.broadcast %parallel_loop3A_199 : i32 to vector<16xi32>
        %parallel_loop3A_201 = arith.shrsi %parallel_loop3A_186, %parallel_loop3A_200 : vector<16xi32>
        %parallel_loop3A_202 = arith.constant 255 : i32
        %parallel_loop3A_203 = vector.broadcast %parallel_loop3A_202 : i32 to vector<16xi32>
        %parallel_loop3A_204 = arith.andi %parallel_loop3A_186, %parallel_loop3A_203 : vector<16xi32>
        %parallel_loop3A_205 = tpu.vector_load_idx %arg14[%parallel_loop3A_201, %parallel_loop3A_204] : memref<48x256xf32, #tpu.memory_space<vmem>>[vector<16xi32>, vector<16xi32>], vector<16xf32>,
        %parallel_loop3A_206 = arith.constant 1.000000e-16 : f32
        %parallel_loop3A_207 = vector.broadcast %parallel_loop3A_206 : f32 to vector<16xf32>
        %parallel_loop3A_208 = arith.addf %parallel_loop3A_205, %parallel_loop3A_207 : vector<16xf32>
        %parallel_loop3A_209 = arith.divf %parallel_loop3A_198, %parallel_loop3A_208 : vector<16xf32>
        %parallel_loop3A_210 = arith.constant 128 : i32
        %parallel_loop3A_211 = arith.muli %mul3A_131, %parallel_loop3A_210 : i32
        %parallel_loop3A_212 = arith.constant 16 : i32
        %parallel_loop3A_213 = arith.muli %parallel_loop3A_176, %parallel_loop3A_212 : i32
        %parallel_loop3A_214 = arith.addi %parallel_loop3A_211, %parallel_loop3A_213 : i32
        %parallel_loop3A_215 = arith.constant 10000 : i32
        %parallel_loop3A_216 = arith.cmpi slt, %parallel_loop3A_214, %parallel_loop3A_215 : i32
        %parallel_loop3A_217 = arith.select %parallel_loop3A_216, %parallel_loop3A_209, %broadcast_in_dim3A_0 : vector<16xf32>
        %parallel_loop3A_218 = arith.constant 16 : i32
        %parallel_loop3A_219 = arith.muli %parallel_loop3A_176, %parallel_loop3A_218 : i32
        %parallel_loop3A_220 = arith.index_cast %parallel_loop3A_219 : i32 to index
        %parallel_loop3A_221 = tpu.vector_load %arg18[%parallel_loop3A_220] {strides = array<i32>} : memref<128xf32, #tpu.memory_space<vmem>>, vector<16xf32>,
        tpu.vector_store %arg18[%parallel_loop3A_220], %parallel_loop3A_217 {strides = array<i32>} : memref<128xf32, #tpu.memory_space<vmem>>, vector<16xf32>,
      } {sc.loop_unroll_factor = 4 : i64, sc.parallel_access}
      %parallel_loop3A_154 = arith.constant 0 : i32
      %parallel_loop3A_155 = arith.constant 128 : i32
      %parallel_loop3A_156 = arith.constant 1 : i32
      scf.for %parallel_loop3A_176 = %parallel_loop3A_154 to %parallel_loop3A_155 step %parallel_loop3A_156  : i32 {
        %parallel_loop3A_177 = vector.broadcast %parallel_loop3A_176 : i32 to vector<16xi32>
        %parallel_loop3A_178 = tpu.vector_load_idx %arg18[%parallel_loop3A_177] : memref<128xf32, #tpu.memory_space<vmem>>[vector<16xi32>], vector<16xf32>,
        %parallel_loop3A_179 = arith.index_cast %parallel_loop3A_176 : i32 to index
        %parallel_loop3A_180 = arith.constant 0 : index
        %parallel_loop3A_181 = tpu.vector_load %arg16[%parallel_loop3A_179, %parallel_loop3A_180] {strides = array<i32>} : memref<128x64xf32, #tpu.memory_space<vmem>>, vector<16xf32>,
        %parallel_loop3A_182 = arith.mulf %parallel_loop3A_181, %parallel_loop3A_178 : vector<16xf32>
        %parallel_loop3A_183 = arith.index_cast %parallel_loop3A_176 : i32 to index
        %parallel_loop3A_184 = arith.constant 0 : index
        %parallel_loop3A_185 = tpu.vector_load %arg16[%parallel_loop3A_183, %parallel_loop3A_184] {strides = array<i32>} : memref<128x64xf32, #tpu.memory_space<vmem>>, vector<16xf32>,
        tpu.vector_store %arg16[%parallel_loop3A_183, %parallel_loop3A_184], %parallel_loop3A_182 {strides = array<i32>} : memref<128x64xf32, #tpu.memory_space<vmem>>, vector<16xf32>,
        %parallel_loop3A_186 = arith.index_cast %parallel_loop3A_176 : i32 to index
        %parallel_loop3A_187 = arith.constant 16 : index
        %parallel_loop3A_188 = tpu.vector_load %arg16[%parallel_loop3A_186, %parallel_loop3A_187] {strides = array<i32>} : memref<128x64xf32, #tpu.memory_space<vmem>>, vector<16xf32>,
        %parallel_loop3A_189 = arith.mulf %parallel_loop3A_188, %parallel_loop3A_178 : vector<16xf32>
        %parallel_loop3A_190 = arith.index_cast %parallel_loop3A_176 : i32 to index
        %parallel_loop3A_191 = arith.constant 16 : index
        %parallel_loop3A_192 = tpu.vector_load %arg16[%parallel_loop3A_190, %parallel_loop3A_191] {strides = array<i32>} : memref<128x64xf32, #tpu.memory_space<vmem>>, vector<16xf32>,
        tpu.vector_store %arg16[%parallel_loop3A_190, %parallel_loop3A_191], %parallel_loop3A_189 {strides = array<i32>} : memref<128x64xf32, #tpu.memory_space<vmem>>, vector<16xf32>,
        %parallel_loop3A_193 = arith.index_cast %parallel_loop3A_176 : i32 to index
        %parallel_loop3A_194 = arith.constant 32 : index
        %parallel_loop3A_195 = tpu.vector_load %arg16[%parallel_loop3A_193, %parallel_loop3A_194] {strides = array<i32>} : memref<128x64xf32, #tpu.memory_space<vmem>>, vector<16xf32>,
        %parallel_loop3A_196 = arith.mulf %parallel_loop3A_195, %parallel_loop3A_178 : vector<16xf32>
        %parallel_loop3A_197 = arith.index_cast %parallel_loop3A_176 : i32 to index
        %parallel_loop3A_198 = arith.constant 32 : index
        %parallel_loop3A_199 = tpu.vector_load %arg16[%parallel_loop3A_197, %parallel_loop3A_198] {strides = array<i32>} : memref<128x64xf32, #tpu.memory_space<vmem>>, vector<16xf32>,
        tpu.vector_store %arg16[%parallel_loop3A_197, %parallel_loop3A_198], %parallel_loop3A_196 {strides = array<i32>} : memref<128x64xf32, #tpu.memory_space<vmem>>, vector<16xf32>,
        %parallel_loop3A_200 = arith.index_cast %parallel_loop3A_176 : i32 to index
        %parallel_loop3A_201 = arith.constant 48 : index
        %parallel_loop3A_202 = tpu.vector_load %arg16[%parallel_loop3A_200, %parallel_loop3A_201] {strides = array<i32>} : memref<128x64xf32, #tpu.memory_space<vmem>>, vector<16xf32>,
        %parallel_loop3A_203 = arith.mulf %parallel_loop3A_202, %parallel_loop3A_178 : vector<16xf32>
        %parallel_loop3A_204 = arith.index_cast %parallel_loop3A_176 : i32 to index
        %parallel_loop3A_205 = arith.constant 48 : index
        %parallel_loop3A_206 = tpu.vector_load %arg16[%parallel_loop3A_204, %parallel_loop3A_205] {strides = array<i32>} : memref<128x64xf32, #tpu.memory_space<vmem>>, vector<16xf32>,
        tpu.vector_store %arg16[%parallel_loop3A_204, %parallel_loop3A_205], %parallel_loop3A_203 {strides = array<i32>} : memref<128x64xf32, #tpu.memory_space<vmem>>, vector<16xf32>,
      } {sc.loop_unroll_factor = 4 : i64, sc.parallel_access}
      %dma_start3A_157 = arith.constant 0 : i32
      %dma_start3A_158 = arith.constant 0 : i32
      %dma_start3A_159 = tpu.memref_slice %arg11[%dma_start3A_157, %dma_start3A_158] : memref<2x128xi32, #tpu.memory_space<vmem>> -> memref<1x128xi32, #tpu.memory_space<vmem>>
      %dma_start3A_160 = tpu.memref_squeeze %dma_start3A_159 : memref<1x128xi32, #tpu.memory_space<vmem>> -> memref<128xi32, #tpu.memory_space<vmem>>
      %dma_start3A_161 = arith.constant 0 : i32
      %dma_start3A_162 = arith.constant 0 : i32
      %dma_start3A_163 = tpu.memref_slice %arg20[%dma_start3A_161, %dma_start3A_162] : memref<10000x64xf32, #tpu.memory_space<vmem_shared>> -> memref<10000x64xf32, #tpu.memory_space<vmem_shared>>
      tpu.enqueue_indirect_dma source(%arg16 : memref<128x64xf32, #tpu.memory_space<vmem>>) target(%dma_start3A_163 : memref<10000x64xf32, #tpu.memory_space<vmem_shared>>) offsets(%dma_start3A_160 : memref<128xi32, #tpu.memory_space<vmem>>) semaphore(%arg25 : memref<!tpu.dma_semaphore, #tpu.memory_space<semaphore_mem>>) {add = true}
      %lt3A_164 = arith.constant 79 : i32
      %lt3A_165 = arith.cmpi slt, %add3A_133, %lt3A_164 : i32
      %convert_element_type3A_166 = arith.extui %lt3A_165 : i1 to i32
      %cond3A_167 = arith.constant 0 : i32
      %cond3A_168 = arith.cmpi ne, %convert_element_type3A_166, %cond3A_167 : i32
      scf.if %cond3A_168 {
        %dma_wait3A_176 = arith.constant 1 : i32
        %dma_wait3A_177 = arith.constant 0 : i32
        %dma_wait3A_178 = tpu.memref_slice %arg11[%dma_wait3A_176, %dma_wait3A_177] : memref<2x128xi32, #tpu.memory_space<vmem>> -> memref<1x128xi32, #tpu.memory_space<vmem>>
        %dma_wait3A_179 = tpu.memref_squeeze %dma_wait3A_178 : memref<1x128xi32, #tpu.memory_space<vmem>> -> memref<128xi32, #tpu.memory_space<vmem>>
        %dma_wait3A_180 = tpu.memref_slice %arg3[%add3A] : memref<320112xi32, #tpu.memory_space<hbm>> -> memref<128xi32, #tpu.memory_space<hbm>>
        %dma_wait3A_181 = arith.constant 0 : i32
        %dma_wait3A_182 = tpu.memref_slice %arg11[%dma_wait3A_176, %dma_wait3A_181] : memref<2x128xi32, #tpu.memory_space<vmem>> -> memref<1x128xi32, #tpu.memory_space<vmem>>
        %dma_wait3A_183 = tpu.memref_squeeze %dma_wait3A_182 : memref<1x128xi32, #tpu.memory_space<vmem>> -> memref<128xi32, #tpu.memory_space<vmem>>
        %dma_wait3A_184 = tpu.memref_slice %arg3[%add3A] : memref<320112xi32, #tpu.memory_space<hbm>> -> memref<128xi32, #tpu.memory_space<hbm>>
        tpu.wait_dma2 semaphore(%arg24 : memref<!tpu.dma_semaphore, #tpu.memory_space<semaphore_mem>>) src(%dma_wait3A_184 : memref<128xi32, #tpu.memory_space<hbm>>) dst(%dma_wait3A_183 : memref<128xi32, #tpu.memory_space<vmem>>)
        %dma_wait3A_185 = arith.constant 0 : i32
        %dma_wait3A_186 = arith.constant 0 : i32
        %dma_wait3A_187 = tpu.memref_slice %arg6[%dma_wait3A_185, %dma_wait3A_186] : memref<10000x64xf32, #tpu.memory_space<hbm>> -> memref<128x64xf32, #tpu.memory_space<hbm>>
        %dma_wait3A_188 = arith.constant 0 : i32
        %dma_wait3A_189 = arith.constant 0 : i32
        %dma_wait3A_190 = tpu.memref_slice %arg6[%dma_wait3A_188, %dma_wait3A_189] : memref<10000x64xf32, #tpu.memory_space<hbm>> -> memref<128x64xf32, #tpu.memory_space<hbm>>
        tpu.wait_dma2 semaphore(%arg22 : memref<!tpu.dma_semaphore, #tpu.memory_space<semaphore_mem>>) src(%dma_wait3A_190 : memref<128x64xf32, #tpu.memory_space<hbm>>) dst(%arg17 : memref<128x64xf32, #tpu.memory_space<vmem>>)
        %parallel_loop3A_191 = arith.constant 0 : i32
        %parallel_loop3A_192 = arith.constant 8 : i32
        %parallel_loop3A_193 = arith.constant 1 : i32
        scf.for %parallel_loop3A_204 = %parallel_loop3A_191 to %parallel_loop3A_192 step %parallel_loop3A_193  : i32 {
          %parallel_loop3A_205 = arith.constant 128 : i32
          %parallel_loop3A_206 = arith.muli %add3A_133, %parallel_loop3A_205 : i32
          %parallel_loop3A_207 = arith.addi %mul3A_72, %parallel_loop3A_206 : i32
          %parallel_loop3A_208 = arith.constant 16 : i32
          %parallel_loop3A_209 = arith.muli %parallel_loop3A_204, %parallel_loop3A_208 : i32
          %parallel_loop3A_210 = arith.addi %parallel_loop3A_207, %parallel_loop3A_209 : i32
          %parallel_loop3A_211 = arith.index_cast %parallel_loop3A_210 : i32 to index
          %parallel_loop3A_212 = tpu.vector_load %arg9[%parallel_loop3A_211] {strides = array<i32>} : memref<20112xi32, #tpu.memory_space<vmem>>, vector<16xi32>,
          %parallel_loop3A_213 = arith.index_cast %parallel_loop3A_210 : i32 to index
          %parallel_loop3A_214 = tpu.vector_load %arg10[%parallel_loop3A_213] {strides = array<i32>} : memref<20112xi32, #tpu.memory_space<vmem>>, vector<16xi32>,
          %parallel_loop3A_215 = tpu.vector_load_idx %arg12[%parallel_loop3A_212] : memref<10000xf32, #tpu.memory_space<vmem>>[vector<16xi32>], vector<16xf32>,
          %parallel_loop3A_216 = tpu.vector_load_idx %arg13[%parallel_loop3A_214] : memref<10000xf32, #tpu.memory_space<vmem>>[vector<16xi32>], vector<16xf32>,
          %parallel_loop3A_217 = arith.addf %parallel_loop3A_215, %parallel_loop3A_216 : vector<16xf32>
          %parallel_loop3A_218 = arith.constant 0.000000e+00 : f32
          %parallel_loop3A_219 = vector.broadcast %parallel_loop3A_218 : f32 to vector<16xf32>
          %parallel_loop3A_220 = arith.cmpf oge, %parallel_loop3A_217, %parallel_loop3A_219 : vector<16xf32>
          %parallel_loop3A_221 = arith.constant 2.000000e-01 : f32
          %parallel_loop3A_222 = vector.broadcast %parallel_loop3A_221 : f32 to vector<16xf32>
          %parallel_loop3A_223 = arith.mulf %parallel_loop3A_222, %parallel_loop3A_217 : vector<16xf32>
          %parallel_loop3A_224 = arith.select %parallel_loop3A_220, %parallel_loop3A_217, %parallel_loop3A_223 : vector<16xi1>, vector<16xf32>
          %parallel_loop3A_225 = arith.subf %parallel_loop3A_224, %get3A_53 : vector<16xf32>
          %parallel_loop3A_226 = math.exp %parallel_loop3A_225 : vector<16xf32>
          %parallel_loop3A_227 = arith.constant 8 : i32
          %parallel_loop3A_228 = vector.broadcast %parallel_loop3A_227 : i32 to vector<16xi32>
          %parallel_loop3A_229 = arith.shrsi %parallel_loop3A_214, %parallel_loop3A_228 : vector<16xi32>
          %parallel_loop3A_230 = arith.constant 255 : i32
          %parallel_loop3A_231 = vector.broadcast %parallel_loop3A_230 : i32 to vector<16xi32>
          %parallel_loop3A_232 = arith.andi %parallel_loop3A_214, %parallel_loop3A_231 : vector<16xi32>
          %parallel_loop3A_233 = tpu.vector_load_idx %arg14[%parallel_loop3A_229, %parallel_loop3A_232] : memref<48x256xf32, #tpu.memory_space<vmem>>[vector<16xi32>, vector<16xi32>], vector<16xf32>,
          %parallel_loop3A_234 = arith.constant 1.000000e-16 : f32
          %parallel_loop3A_235 = vector.broadcast %parallel_loop3A_234 : f32 to vector<16xf32>
          %parallel_loop3A_236 = arith.addf %parallel_loop3A_233, %parallel_loop3A_235 : vector<16xf32>
          %parallel_loop3A_237 = arith.divf %parallel_loop3A_226, %parallel_loop3A_236 : vector<16xf32>
          %parallel_loop3A_238 = arith.constant 128 : i32
          %parallel_loop3A_239 = arith.muli %add3A_133, %parallel_loop3A_238 : i32
          %parallel_loop3A_240 = arith.constant 16 : i32
          %parallel_loop3A_241 = arith.muli %parallel_loop3A_204, %parallel_loop3A_240 : i32
          %parallel_loop3A_242 = arith.addi %parallel_loop3A_239, %parallel_loop3A_241 : i32
          %parallel_loop3A_243 = arith.constant 10000 : i32
          %parallel_loop3A_244 = arith.cmpi slt, %parallel_loop3A_242, %parallel_loop3A_243 : i32
          %parallel_loop3A_245 = arith.select %parallel_loop3A_244, %parallel_loop3A_237, %broadcast_in_dim3A_0 : vector<16xf32>
          %parallel_loop3A_246 = arith.constant 16 : i32
          %parallel_loop3A_247 = arith.muli %parallel_loop3A_204, %parallel_loop3A_246 : i32
          %parallel_loop3A_248 = arith.index_cast %parallel_loop3A_247 : i32 to index
          %parallel_loop3A_249 = tpu.vector_load %arg18[%parallel_loop3A_248] {strides = array<i32>} : memref<128xf32, #tpu.memory_space<vmem>>, vector<16xf32>,
          tpu.vector_store %arg18[%parallel_loop3A_248], %parallel_loop3A_245 {strides = array<i32>} : memref<128xf32, #tpu.memory_space<vmem>>, vector<16xf32>,
        } {sc.loop_unroll_factor = 4 : i64, sc.parallel_access}
        %parallel_loop3A_194 = arith.constant 0 : i32
        %parallel_loop3A_195 = arith.constant 128 : i32
        %parallel_loop3A_196 = arith.constant 1 : i32
        scf.for %parallel_loop3A_204 = %parallel_loop3A_194 to %parallel_loop3A_195 step %parallel_loop3A_196  : i32 {
          %parallel_loop3A_205 = vector.broadcast %parallel_loop3A_204 : i32 to vector<16xi32>
          %parallel_loop3A_206 = tpu.vector_load_idx %arg18[%parallel_loop3A_205] : memref<128xf32, #tpu.memory_space<vmem>>[vector<16xi32>], vector<16xf32>,
          %parallel_loop3A_207 = arith.index_cast %parallel_loop3A_204 : i32 to index
          %parallel_loop3A_208 = arith.constant 0 : index
          %parallel_loop3A_209 = tpu.vector_load %arg17[%parallel_loop3A_207, %parallel_loop3A_208] {strides = array<i32>} : memref<128x64xf32, #tpu.memory_space<vmem>>, vector<16xf32>,
          %parallel_loop3A_210 = arith.mulf %parallel_loop3A_209, %parallel_loop3A_206 : vector<16xf32>
          %parallel_loop3A_211 = arith.index_cast %parallel_loop3A_204 : i32 to index
          %parallel_loop3A_212 = arith.constant 0 : index
          %parallel_loop3A_213 = tpu.vector_load %arg17[%parallel_loop3A_211, %parallel_loop3A_212] {strides = array<i32>} : memref<128x64xf32, #tpu.memory_space<vmem>>, vector<16xf32>,
          tpu.vector_store %arg17[%parallel_loop3A_211, %parallel_loop3A_212], %parallel_loop3A_210 {strides = array<i32>} : memref<128x64xf32, #tpu.memory_space<vmem>>, vector<16xf32>,
          %parallel_loop3A_214 = arith.index_cast %parallel_loop3A_204 : i32 to index
          %parallel_loop3A_215 = arith.constant 16 : index
          %parallel_loop3A_216 = tpu.vector_load %arg17[%parallel_loop3A_214, %parallel_loop3A_215] {strides = array<i32>} : memref<128x64xf32, #tpu.memory_space<vmem>>, vector<16xf32>,
          %parallel_loop3A_217 = arith.mulf %parallel_loop3A_216, %parallel_loop3A_206 : vector<16xf32>
          %parallel_loop3A_218 = arith.index_cast %parallel_loop3A_204 : i32 to index
          %parallel_loop3A_219 = arith.constant 16 : index
          %parallel_loop3A_220 = tpu.vector_load %arg17[%parallel_loop3A_218, %parallel_loop3A_219] {strides = array<i32>} : memref<128x64xf32, #tpu.memory_space<vmem>>, vector<16xf32>,
          tpu.vector_store %arg17[%parallel_loop3A_218, %parallel_loop3A_219], %parallel_loop3A_217 {strides = array<i32>} : memref<128x64xf32, #tpu.memory_space<vmem>>, vector<16xf32>,
          %parallel_loop3A_221 = arith.index_cast %parallel_loop3A_204 : i32 to index
          %parallel_loop3A_222 = arith.constant 32 : index
          %parallel_loop3A_223 = tpu.vector_load %arg17[%parallel_loop3A_221, %parallel_loop3A_222] {strides = array<i32>} : memref<128x64xf32, #tpu.memory_space<vmem>>, vector<16xf32>,
          %parallel_loop3A_224 = arith.mulf %parallel_loop3A_223, %parallel_loop3A_206 : vector<16xf32>
          %parallel_loop3A_225 = arith.index_cast %parallel_loop3A_204 : i32 to index
          %parallel_loop3A_226 = arith.constant 32 : index
          %parallel_loop3A_227 = tpu.vector_load %arg17[%parallel_loop3A_225, %parallel_loop3A_226] {strides = array<i32>} : memref<128x64xf32, #tpu.memory_space<vmem>>, vector<16xf32>,
          tpu.vector_store %arg17[%parallel_loop3A_225, %parallel_loop3A_226], %parallel_loop3A_224 {strides = array<i32>} : memref<128x64xf32, #tpu.memory_space<vmem>>, vector<16xf32>,
          %parallel_loop3A_228 = arith.index_cast %parallel_loop3A_204 : i32 to index
          %parallel_loop3A_229 = arith.constant 48 : index
          %parallel_loop3A_230 = tpu.vector_load %arg17[%parallel_loop3A_228, %parallel_loop3A_229] {strides = array<i32>} : memref<128x64xf32, #tpu.memory_space<vmem>>, vector<16xf32>,
          %parallel_loop3A_231 = arith.mulf %parallel_loop3A_230, %parallel_loop3A_206 : vector<16xf32>
          %parallel_loop3A_232 = arith.index_cast %parallel_loop3A_204 : i32 to index
          %parallel_loop3A_233 = arith.constant 48 : index
          %parallel_loop3A_234 = tpu.vector_load %arg17[%parallel_loop3A_232, %parallel_loop3A_233] {strides = array<i32>} : memref<128x64xf32, #tpu.memory_space<vmem>>, vector<16xf32>,
          tpu.vector_store %arg17[%parallel_loop3A_232, %parallel_loop3A_233], %parallel_loop3A_231 {strides = array<i32>} : memref<128x64xf32, #tpu.memory_space<vmem>>, vector<16xf32>,
        } {sc.loop_unroll_factor = 4 : i64, sc.parallel_access}
        %dma_start3A_197 = arith.constant 1 : i32
        %dma_start3A_198 = arith.constant 0 : i32
        %dma_start3A_199 = tpu.memref_slice %arg11[%dma_start3A_197, %dma_start3A_198] : memref<2x128xi32, #tpu.memory_space<vmem>> -> memref<1x128xi32, #tpu.memory_space<vmem>>
        %dma_start3A_200 = tpu.memref_squeeze %dma_start3A_199 : memref<1x128xi32, #tpu.memory_space<vmem>> -> memref<128xi32, #tpu.memory_space<vmem>>
        %dma_start3A_201 = arith.constant 0 : i32
        %dma_start3A_202 = arith.constant 0 : i32
        %dma_start3A_203 = tpu.memref_slice %arg20[%dma_start3A_201, %dma_start3A_202] : memref<10000x64xf32, #tpu.memory_space<vmem_shared>> -> memref<10000x64xf32, #tpu.memory_space<vmem_shared>>
        tpu.enqueue_indirect_dma source(%arg17 : memref<128x64xf32, #tpu.memory_space<vmem>>) target(%dma_start3A_203 : memref<10000x64xf32, #tpu.memory_space<vmem_shared>>) offsets(%dma_start3A_200 : memref<128xi32, #tpu.memory_space<vmem>>) semaphore(%arg26 : memref<!tpu.dma_semaphore, #tpu.memory_space<semaphore_mem>>) {add = true}
      } else {
      }
      %add3A_169 = arith.constant 2 : i32
      %add3A_170 = arith.addi %mul3A_131, %add3A_169 : i32
      %lt3A_171 = arith.constant 79 : i32
      %lt3A_172 = arith.cmpi slt, %add3A_170, %lt3A_171 : i32
      %convert_element_type3A_173 = arith.extui %lt3A_172 : i1 to i32
      %cond3A_174 = arith.constant 0 : i32
      %cond3A_175 = arith.cmpi ne, %convert_element_type3A_173, %cond3A_174 : i32
      scf.if %cond3A_175 {
        %dma_wait3A_176 = arith.constant 0 : i32
        %dma_wait3A_177 = arith.constant 0 : i32
        %dma_wait3A_178 = tpu.memref_slice %arg11[%dma_wait3A_176, %dma_wait3A_177] : memref<2x128xi32, #tpu.memory_space<vmem>> -> memref<1x128xi32, #tpu.memory_space<vmem>>
        %dma_wait3A_179 = tpu.memref_squeeze %dma_wait3A_178 : memref<1x128xi32, #tpu.memory_space<vmem>> -> memref<128xi32, #tpu.memory_space<vmem>>
        %dma_wait3A_180 = arith.constant 0 : i32
        %dma_wait3A_181 = arith.constant 0 : i32
        %dma_wait3A_182 = tpu.memref_slice %arg20[%dma_wait3A_180, %dma_wait3A_181] : memref<10000x64xf32, #tpu.memory_space<vmem_shared>> -> memref<10000x64xf32, #tpu.memory_space<vmem_shared>>
        tpu.wait_indirect_dma semaphore(%arg25 : memref<!tpu.dma_semaphore, #tpu.memory_space<semaphore_mem>>) src(%arg16 : memref<128x64xf32, #tpu.memory_space<vmem>>) dst(%dma_wait3A_182 : memref<10000x64xf32, #tpu.memory_space<vmem_shared>>)
        %add3A_183 = arith.constant 2 : i32
        %add3A_184 = arith.addi %mul3A_131, %add3A_183 : i32
        %mul3A_185 = arith.constant 128 : i32
        %mul3A_186 = arith.muli %add3A_184, %mul3A_185 : i32
        %add3A_187 = arith.addi %add3A, %mul3A_186 : i32
        %dma_start3A_188 = arith.constant 0 : i32
        %dma_start3A_189 = arith.constant 0 : i32
        %dma_start3A_190 = tpu.memref_slice %arg11[%dma_start3A_188, %dma_start3A_189] : memref<2x128xi32, #tpu.memory_space<vmem>> -> memref<1x128xi32, #tpu.memory_space<vmem>>
        %dma_start3A_191 = tpu.memref_squeeze %dma_start3A_190 : memref<1x128xi32, #tpu.memory_space<vmem>> -> memref<128xi32, #tpu.memory_space<vmem>>
        %dma_start3A_192 = tpu.memref_slice %arg3[%add3A_187] : memref<320112xi32, #tpu.memory_space<hbm>> -> memref<128xi32, #tpu.memory_space<hbm>>
        %dma_start3A_193 = arith.constant 0 : i32
        %dma_start3A_194 = tpu.memref_slice %arg11[%dma_start3A_188, %dma_start3A_193] : memref<2x128xi32, #tpu.memory_space<vmem>> -> memref<1x128xi32, #tpu.memory_space<vmem>>
        %dma_start3A_195 = tpu.memref_squeeze %dma_start3A_194 : memref<1x128xi32, #tpu.memory_space<vmem>> -> memref<128xi32, #tpu.memory_space<vmem>>
        %dma_start3A_196 = tpu.memref_slice %arg3[%add3A_187] : memref<320112xi32, #tpu.memory_space<hbm>> -> memref<128xi32, #tpu.memory_space<hbm>>
        tpu.enqueue_dma source(%dma_start3A_196 : memref<128xi32, #tpu.memory_space<hbm>>) target(%dma_start3A_195 : memref<128xi32, #tpu.memory_space<vmem>>) target_semaphore(%arg23 : memref<!tpu.dma_semaphore, #tpu.memory_space<semaphore_mem>>)
        %add3A_197 = arith.constant 2 : i32
        %add3A_198 = arith.addi %mul3A_131, %add3A_197 : i32
        %mul3A_199 = arith.constant 128 : i32
        %mul3A_200 = arith.muli %add3A_198, %mul3A_199 : i32
        %add3A_201 = arith.addi %mul3A_72, %mul3A_200 : i32
        %dma_start3A_202 = tpu.memref_slice %arg9[%add3A_201] : memref<20112xi32, #tpu.memory_space<vmem>> -> memref<128xi32, #tpu.memory_space<vmem>>
        %dma_start3A_203 = arith.constant 0 : i32
        %dma_start3A_204 = arith.constant 0 : i32
        %dma_start3A_205 = tpu.memref_slice %arg6[%dma_start3A_203, %dma_start3A_204] : memref<10000x64xf32, #tpu.memory_space<hbm>> -> memref<10000x64xf32, #tpu.memory_space<hbm>>
        tpu.enqueue_indirect_dma source(%dma_start3A_205 : memref<10000x64xf32, #tpu.memory_space<hbm>>) target(%arg16 : memref<128x64xf32, #tpu.memory_space<vmem>>) offsets(%dma_start3A_202 : memref<128xi32, #tpu.memory_space<vmem>>) semaphore(%arg21 : memref<!tpu.dma_semaphore, #tpu.memory_space<semaphore_mem>>)
      } else {
      }
    }
    %scan3A_111 = arith.constant 40 : i32
    %dma_wait3A_112 = arith.constant 0 : i32
    %dma_wait3A_113 = arith.constant 0 : i32
    %dma_wait3A_114 = tpu.memref_slice %arg11[%dma_wait3A_112, %dma_wait3A_113] : memref<2x128xi32, #tpu.memory_space<vmem>> -> memref<1x128xi32, #tpu.memory_space<vmem>>
    %dma_wait3A_115 = tpu.memref_squeeze %dma_wait3A_114 : memref<1x128xi32, #tpu.memory_space<vmem>> -> memref<128xi32, #tpu.memory_space<vmem>>
    %dma_wait3A_116 = arith.constant 0 : i32
    %dma_wait3A_117 = arith.constant 0 : i32
    %dma_wait3A_118 = tpu.memref_slice %arg20[%dma_wait3A_116, %dma_wait3A_117] : memref<10000x64xf32, #tpu.memory_space<vmem_shared>> -> memref<10000x64xf32, #tpu.memory_space<vmem_shared>>
    tpu.wait_indirect_dma semaphore(%arg25 : memref<!tpu.dma_semaphore, #tpu.memory_space<semaphore_mem>>) src(%arg16 : memref<128x64xf32, #tpu.memory_space<vmem>>) dst(%dma_wait3A_118 : memref<10000x64xf32, #tpu.memory_space<vmem_shared>>)
    %dma_wait3A_119 = arith.constant 0 : i32
    %dma_wait3A_120 = arith.constant 0 : i32
    %dma_wait3A_121 = tpu.memref_slice %arg11[%dma_wait3A_119, %dma_wait3A_120] : memref<2x128xi32, #tpu.memory_space<vmem>> -> memref<1x128xi32, #tpu.memory_space<vmem>>
    %dma_wait3A_122 = tpu.memref_squeeze %dma_wait3A_121 : memref<1x128xi32, #tpu.memory_space<vmem>> -> memref<128xi32, #tpu.memory_space<vmem>>
    %dma_wait3A_123 = arith.constant 0 : i32
    %dma_wait3A_124 = arith.constant 0 : i32
    %dma_wait3A_125 = tpu.memref_slice %arg20[%dma_wait3A_123, %dma_wait3A_124] : memref<10000x64xf32, #tpu.memory_space<vmem_shared>> -> memref<10000x64xf32, #tpu.memory_space<vmem_shared>>
    tpu.wait_indirect_dma semaphore(%arg26 : memref<!tpu.dma_semaphore, #tpu.memory_space<semaphore_mem>>) src(%arg17 : memref<128x64xf32, #tpu.memory_space<vmem>>) dst(%dma_wait3A_125 : memref<10000x64xf32, #tpu.memory_space<vmem_shared>>)
    %barrier3A_126 = arith.constant 0 : index
    tpu.barrier barrier_id(%barrier3A_126)
    %lt3A = arith.constant 10 : i32
    %lt3A_127 = arith.cmpi slt, %arg1, %lt3A : i32
    %convert_element_type3A = arith.extui %lt3A_127 : i1 to i32
    %cond3A = arith.constant 0 : i32
    %cond3A_128 = arith.cmpi ne, %convert_element_type3A, %cond3A : i32
    scf.if %cond3A_128 {
      %mul3A_129 = arith.constant 1000 : i32
      %mul3A_130 = arith.muli %arg1, %mul3A_129 : i32
      %mul3A_131 = arith.constant 10000 : i32
      %mul3A_132 = arith.muli %arg0, %mul3A_131 : i32
      %mul3A_133 = arith.constant 1000 : i32
      %mul3A_134 = arith.muli %arg1, %mul3A_133 : i32
      %add3A_135 = arith.addi %mul3A_132, %mul3A_134 : i32
      "tpu.region"() ({
        %run_scoped3A_136 = tpu.sem_alloc : memref<!tpu.dma_semaphore, #tpu.memory_space<semaphore_mem>>
        %dma_start3A_137 = arith.constant 0 : i32
        %dma_start3A_138 = tpu.memref_slice %arg8[%add3A_135, %dma_start3A_137] : memref<20000x64xf32, #tpu.memory_space<hbm>> -> memref<1000x64xf32, #tpu.memory_space<hbm>>
        %dma_start3A_139 = arith.constant 0 : i32
        %dma_start3A_140 = tpu.memref_slice %arg20[%mul3A_130, %dma_start3A_139] : memref<10000x64xf32, #tpu.memory_space<vmem_shared>> -> memref<1000x64xf32, #tpu.memory_space<vmem_shared>>
        tpu.enqueue_dma source(%dma_start3A_140 : memref<1000x64xf32, #tpu.memory_space<vmem_shared>>) target(%dma_start3A_138 : memref<1000x64xf32, #tpu.memory_space<hbm>>) target_semaphore(%run_scoped3A_136 : memref<!tpu.dma_semaphore, #tpu.memory_space<semaphore_mem>>)
        %dma_wait3A_141 = arith.constant 0 : i32
        %dma_wait3A_142 = tpu.memref_slice %arg8[%add3A_135, %dma_wait3A_141] : memref<20000x64xf32, #tpu.memory_space<hbm>> -> memref<1000x64xf32, #tpu.memory_space<hbm>>
        %dma_wait3A_143 = arith.constant 0 : i32
        %dma_wait3A_144 = tpu.memref_slice %arg20[%mul3A_130, %dma_wait3A_143] : memref<10000x64xf32, #tpu.memory_space<vmem_shared>> -> memref<1000x64xf32, #tpu.memory_space<vmem_shared>>
        tpu.wait_dma2 semaphore(%run_scoped3A_136 : memref<!tpu.dma_semaphore, #tpu.memory_space<semaphore_mem>>) src(%dma_wait3A_144 : memref<1000x64xf32, #tpu.memory_space<vmem_shared>>) dst(%dma_wait3A_142 : memref<1000x64xf32, #tpu.memory_space<hbm>>)
        tpu.yield
      }) : () -> ()
    } else {
    }
    return
  }
}

#map = affine_map<(d0, d1) -> (0)>
#map1 = affine_map<(d0, d1) -> (0, 0)>
module attributes {stable_mosaic.version = 14 : i64} {
  func.func @k(%arg0: i32, %arg1: i32, %arg2: memref<320112xi32, #tpu.memory_space<hbm>>, %arg3: memref<320112xi32, #tpu.memory_space<hbm>>, %arg4: memref<10000xf32, #tpu.memory_space<hbm>>, %arg5: memref<10000xf32, #tpu.memory_space<hbm>>, %arg6: memref<10000x64xf32, #tpu.memory_space<hbm>>, %arg7: memref<128xf32, #tpu.memory_space<hbm>>, %arg8: memref<20000x64xf32, #tpu.memory_space<hbm>>, %arg9: memref<20112xi32, #tpu.memory_space<vmem>>, %arg10: memref<20112xi32, #tpu.memory_space<vmem>>, %arg11: memref<2x128xi32, #tpu.memory_space<vmem>>, %arg12: memref<10000xf32, #tpu.memory_space<vmem>>, %arg13: memref<10000xf32, #tpu.memory_space<vmem>>, %arg14: memref<48x256xf32, #tpu.memory_space<vmem>>, %arg15: memref<48xi32, #tpu.memory_space<vmem>>, %arg16: memref<128x64xf32, #tpu.memory_space<vmem>>, %arg17: memref<128x64xf32, #tpu.memory_space<vmem>>, %arg18: memref<128xf32, #tpu.memory_space<vmem>>, %arg19: memref<48x256xf32, #tpu.memory_space<vmem_shared>>, %arg20: memref<10000x64xf32, #tpu.memory_space<vmem_shared>>, %arg21: memref<!tpu.dma_semaphore, #tpu.memory_space<semaphore_mem>>, %arg22: memref<!tpu.dma_semaphore, #tpu.memory_space<semaphore_mem>>, %arg23: memref<!tpu.dma_semaphore, #tpu.memory_space<semaphore_mem>>, %arg24: memref<!tpu.dma_semaphore, #tpu.memory_space<semaphore_mem>>, %arg25: memref<!tpu.dma_semaphore, #tpu.memory_space<semaphore_mem>>, %arg26: memref<!tpu.dma_semaphore, #tpu.memory_space<semaphore_mem>>) attributes {dimension_semantics = [#tpu.dimension_semantics<core_parallel>, #tpu.dimension_semantics<subcore_parallel>], iteration_bounds = array<i64: 2, 16>, scalar_prefetch = 0 : i64, scratch_operands = 18 : i64, tpu.core_type = #tpu.core_type<sc_vector_subcore>, window_params = [{transform_indices = #map}, {transform_indices = #map}, {transform_indices = #map}, {transform_indices = #map}, {transform_indices = #map1}, {transform_indices = #map}, {transform_indices = #map1}]} {
    %broadcast_in_dim3A = arith.constant 0.000000e+00 : f32
    %broadcast_in_dim3A_0 = vector.broadcast %broadcast_in_dim3A : f32 to vector<16xf32>
    %iota3A = tpu.iota {dimensions = array<i32: 0>} : vector<16xi32>
    %mul3A = arith.constant 20000 : i32
    %mul3A_1 = arith.muli %arg1, %mul3A : i32
    %scan3A = arith.constant 0 : i32
    %scan3A_2 = arith.constant 0 : i32
    %scan3A_3 = arith.constant 5 : i32
    %scan3A_4 = arith.addi %scan3A_2, %scan3A_3 : i32
    %scan3A_5 = arith.constant 1 : i32
    scf.for %scan3A_129 = %scan3A_2 to %scan3A_4 step %scan3A_5  : i32 {
      %mul3A_130 = arith.constant 2000 : i32
      %mul3A_131 = arith.muli %scan3A_129, %mul3A_130 : i32
      %mul3A_132 = arith.constant 2000 : i32
      %mul3A_133 = arith.muli %scan3A_129, %mul3A_132 : i32
      %dma_start3A_134 = tpu.memref_slice %arg12[%mul3A_133] : memref<10000xf32, #tpu.memory_space<vmem>> -> memref<2000xf32, #tpu.memory_space<vmem>>
      %dma_start3A_135 = tpu.memref_slice %arg4[%mul3A_131] : memref<10000xf32, #tpu.memory_space<hbm>> -> memref<2000xf32, #tpu.memory_space<hbm>>
      %dma_start3A_136 = tpu.memref_slice %arg12[%mul3A_133] : memref<10000xf32, #tpu.memory_space<vmem>> -> memref<2000xf32, #tpu.memory_space<vmem>>
      %dma_start3A_137 = tpu.memref_slice %arg4[%mul3A_131] : memref<10000xf32, #tpu.memory_space<hbm>> -> memref<2000xf32, #tpu.memory_space<hbm>>
      tpu.enqueue_dma source(%dma_start3A_137 : memref<2000xf32, #tpu.memory_space<hbm>>) target(%dma_start3A_136 : memref<2000xf32, #tpu.memory_space<vmem>>) target_semaphore(%arg21 : memref<!tpu.dma_semaphore, #tpu.memory_space<semaphore_mem>>)
      %mul3A_138 = arith.constant 2000 : i32
      %mul3A_139 = arith.muli %scan3A_129, %mul3A_138 : i32
      %mul3A_140 = arith.constant 2000 : i32
      %mul3A_141 = arith.muli %scan3A_129, %mul3A_140 : i32
      %dma_start3A_142 = tpu.memref_slice %arg13[%mul3A_141] : memref<10000xf32, #tpu.memory_space<vmem>> -> memref<2000xf32, #tpu.memory_space<vmem>>
      %dma_start3A_143 = tpu.memref_slice %arg5[%mul3A_139] : memref<10000xf32, #tpu.memory_space<hbm>> -> memref<2000xf32, #tpu.memory_space<hbm>>
      %dma_start3A_144 = tpu.memref_slice %arg13[%mul3A_141] : memref<10000xf32, #tpu.memory_space<vmem>> -> memref<2000xf32, #tpu.memory_space<vmem>>
      %dma_start3A_145 = tpu.memref_slice %arg5[%mul3A_139] : memref<10000xf32, #tpu.memory_space<hbm>> -> memref<2000xf32, #tpu.memory_space<hbm>>
      tpu.enqueue_dma source(%dma_start3A_145 : memref<2000xf32, #tpu.memory_space<hbm>>) target(%dma_start3A_144 : memref<2000xf32, #tpu.memory_space<vmem>>) target_semaphore(%arg21 : memref<!tpu.dma_semaphore, #tpu.memory_space<semaphore_mem>>)
    }
    %scan3A_6 = arith.constant 5 : i32
    %scan3A_7 = arith.constant 0 : i32
    %scan3A_8 = arith.constant 0 : i32
    %scan3A_9 = arith.constant 6 : i32
    %scan3A_10 = arith.addi %scan3A_8, %scan3A_9 : i32
    %scan3A_11 = arith.constant 1 : i32
    scf.for %scan3A_129 = %scan3A_8 to %scan3A_10 step %scan3A_11  : i32 {
      %mul3A_130 = arith.constant 3352 : i32
      %mul3A_131 = arith.muli %scan3A_129, %mul3A_130 : i32
      %add3A_132 = arith.addi %mul3A_1, %mul3A_131 : i32
      %mul3A_133 = arith.constant 3352 : i32
      %mul3A_134 = arith.muli %scan3A_129, %mul3A_133 : i32
      %dma_start3A_135 = tpu.memref_slice %arg9[%mul3A_134] : memref<20112xi32, #tpu.memory_space<vmem>> -> memref<3352xi32, #tpu.memory_space<vmem>>
      %dma_start3A_136 = tpu.memref_slice %arg2[%add3A_132] : memref<320112xi32, #tpu.memory_space<hbm>> -> memref<3352xi32, #tpu.memory_space<hbm>>
      %dma_start3A_137 = tpu.memref_slice %arg9[%mul3A_134] : memref<20112xi32, #tpu.memory_space<vmem>> -> memref<3352xi32, #tpu.memory_space<vmem>>
      %dma_start3A_138 = tpu.memref_slice %arg2[%add3A_132] : memref<320112xi32, #tpu.memory_space<hbm>> -> memref<3352xi32, #tpu.memory_space<hbm>>
      tpu.enqueue_dma source(%dma_start3A_138 : memref<3352xi32, #tpu.memory_space<hbm>>) target(%dma_start3A_137 : memref<3352xi32, #tpu.memory_space<vmem>>) target_semaphore(%arg21 : memref<!tpu.dma_semaphore, #tpu.memory_space<semaphore_mem>>)
      %mul3A_139 = arith.constant 3352 : i32
      %mul3A_140 = arith.muli %scan3A_129, %mul3A_139 : i32
      %add3A_141 = arith.addi %mul3A_1, %mul3A_140 : i32
      %mul3A_142 = arith.constant 3352 : i32
      %mul3A_143 = arith.muli %scan3A_129, %mul3A_142 : i32
      %dma_start3A_144 = tpu.memref_slice %arg10[%mul3A_143] : memref<20112xi32, #tpu.memory_space<vmem>> -> memref<3352xi32, #tpu.memory_space<vmem>>
      %dma_start3A_145 = tpu.memref_slice %arg3[%add3A_141] : memref<320112xi32, #tpu.memory_space<hbm>> -> memref<3352xi32, #tpu.memory_space<hbm>>
      %dma_start3A_146 = tpu.memref_slice %arg10[%mul3A_143] : memref<20112xi32, #tpu.memory_space<vmem>> -> memref<3352xi32, #tpu.memory_space<vmem>>
      %dma_start3A_147 = tpu.memref_slice %arg3[%add3A_141] : memref<320112xi32, #tpu.memory_space<hbm>> -> memref<3352xi32, #tpu.memory_space<hbm>>
      tpu.enqueue_dma source(%dma_start3A_147 : memref<3352xi32, #tpu.memory_space<hbm>>) target(%dma_start3A_146 : memref<3352xi32, #tpu.memory_space<vmem>>) target_semaphore(%arg21 : memref<!tpu.dma_semaphore, #tpu.memory_space<semaphore_mem>>)
    }
    %scan3A_12 = arith.constant 6 : i32
    %scan3A_13 = arith.constant 0 : i32
    %scan3A_14 = arith.constant 0 : i32
    %scan3A_15 = arith.constant 3 : i32
    %scan3A_16 = arith.addi %scan3A_14, %scan3A_15 : i32
    %scan3A_17 = arith.constant 1 : i32
    scf.for %scan3A_129 = %scan3A_14 to %scan3A_16 step %scan3A_17  : i32 {
      %mul3A_130 = arith.constant 16 : i32
      %mul3A_131 = arith.muli %scan3A_129, %mul3A_130 : i32
      %add3A_132 = vector.broadcast %mul3A_131 : i32 to vector<16xi32>
      %add3A_133 = arith.addi %iota3A, %add3A_132 : vector<16xi32>
      %mul3A_134 = arith.constant 16 : i32
      %mul3A_135 = arith.muli %scan3A_129, %mul3A_134 : i32
      %swap3A = arith.index_cast %mul3A_135 : i32 to index
      %swap3A_136 = tpu.vector_load %arg15[%swap3A] {strides = array<i32>} : memref<48xi32, #tpu.memory_space<vmem>>, vector<16xi32>,
      tpu.vector_store %arg15[%swap3A], %add3A_133 {strides = array<i32>} : memref<48xi32, #tpu.memory_space<vmem>>, vector<16xi32>,
    }
    %scan3A_18 = arith.constant 3 : i32
    %parallel_loop3A = arith.constant 0 : i32
    %parallel_loop3A_19 = arith.constant 128 : i32
    %parallel_loop3A_20 = arith.constant 1 : i32
    scf.for %parallel_loop3A_129 = %parallel_loop3A to %parallel_loop3A_19 step %parallel_loop3A_20  : i32 {
      %parallel_loop3A_130 = arith.index_cast %parallel_loop3A_129 : i32 to index
      %parallel_loop3A_131 = arith.constant 0 : index
      %parallel_loop3A_132 = tpu.vector_load %arg16[%parallel_loop3A_130, %parallel_loop3A_131] {strides = array<i32>} : memref<128x64xf32, #tpu.memory_space<vmem>>, vector<16xf32>,
      tpu.vector_store %arg16[%parallel_loop3A_130, %parallel_loop3A_131], %broadcast_in_dim3A_0 {strides = array<i32>} : memref<128x64xf32, #tpu.memory_space<vmem>>, vector<16xf32>,
      %parallel_loop3A_133 = arith.index_cast %parallel_loop3A_129 : i32 to index
      %parallel_loop3A_134 = arith.constant 16 : index
      %parallel_loop3A_135 = tpu.vector_load %arg16[%parallel_loop3A_133, %parallel_loop3A_134] {strides = array<i32>} : memref<128x64xf32, #tpu.memory_space<vmem>>, vector<16xf32>,
      tpu.vector_store %arg16[%parallel_loop3A_133, %parallel_loop3A_134], %broadcast_in_dim3A_0 {strides = array<i32>} : memref<128x64xf32, #tpu.memory_space<vmem>>, vector<16xf32>,
      %parallel_loop3A_136 = arith.index_cast %parallel_loop3A_129 : i32 to index
      %parallel_loop3A_137 = arith.constant 32 : index
      %parallel_loop3A_138 = tpu.vector_load %arg16[%parallel_loop3A_136, %parallel_loop3A_137] {strides = array<i32>} : memref<128x64xf32, #tpu.memory_space<vmem>>, vector<16xf32>,
      tpu.vector_store %arg16[%parallel_loop3A_136, %parallel_loop3A_137], %broadcast_in_dim3A_0 {strides = array<i32>} : memref<128x64xf32, #tpu.memory_space<vmem>>, vector<16xf32>,
      %parallel_loop3A_139 = arith.index_cast %parallel_loop3A_129 : i32 to index
      %parallel_loop3A_140 = arith.constant 48 : index
      %parallel_loop3A_141 = tpu.vector_load %arg16[%parallel_loop3A_139, %parallel_loop3A_140] {strides = array<i32>} : memref<128x64xf32, #tpu.memory_space<vmem>>, vector<16xf32>,
      tpu.vector_store %arg16[%parallel_loop3A_139, %parallel_loop3A_140], %broadcast_in_dim3A_0 {strides = array<i32>} : memref<128x64xf32, #tpu.memory_space<vmem>>, vector<16xf32>,
    } {sc.loop_unroll_factor = 4 : i64, sc.parallel_access}
    %parallel_loop3A_21 = arith.constant 0 : i32
    %parallel_loop3A_22 = arith.constant 48 : i32
    %parallel_loop3A_23 = arith.constant 1 : i32
    scf.for %parallel_loop3A_129 = %parallel_loop3A_21 to %parallel_loop3A_22 step %parallel_loop3A_23  : i32 {
      %parallel_loop3A_130 = arith.index_cast %parallel_loop3A_129 : i32 to index
      %parallel_loop3A_131 = arith.constant 0 : index
      %parallel_loop3A_132 = tpu.vector_load %arg14[%parallel_loop3A_130, %parallel_loop3A_131] {strides = array<i32>} : memref<48x256xf32, #tpu.memory_space<vmem>>, vector<16xf32>,
      tpu.vector_store %arg14[%parallel_loop3A_130, %parallel_loop3A_131], %broadcast_in_dim3A_0 {strides = array<i32>} : memref<48x256xf32, #tpu.memory_space<vmem>>, vector<16xf32>,
      %parallel_loop3A_133 = arith.index_cast %parallel_loop3A_129 : i32 to index
      %parallel_loop3A_134 = arith.constant 16 : index
      %parallel_loop3A_135 = tpu.vector_load %arg14[%parallel_loop3A_133, %parallel_loop3A_134] {strides = array<i32>} : memref<48x256xf32, #tpu.memory_space<vmem>>, vector<16xf32>,
      tpu.vector_store %arg14[%parallel_loop3A_133, %parallel_loop3A_134], %broadcast_in_dim3A_0 {strides = array<i32>} : memref<48x256xf32, #tpu.memory_space<vmem>>, vector<16xf32>,
      %parallel_loop3A_136 = arith.index_cast %parallel_loop3A_129 : i32 to index
      %parallel_loop3A_137 = arith.constant 32 : index
      %parallel_loop3A_138 = tpu.vector_load %arg14[%parallel_loop3A_136, %parallel_loop3A_137] {strides = array<i32>} : memref<48x256xf32, #tpu.memory_space<vmem>>, vector<16xf32>,
      tpu.vector_store %arg14[%parallel_loop3A_136, %parallel_loop3A_137], %broadcast_in_dim3A_0 {strides = array<i32>} : memref<48x256xf32, #tpu.memory_space<vmem>>, vector<16xf32>,
      %parallel_loop3A_139 = arith.index_cast %parallel_loop3A_129 : i32 to index
      %parallel_loop3A_140 = arith.constant 48 : index
      %parallel_loop3A_141 = tpu.vector_load %arg14[%parallel_loop3A_139, %parallel_loop3A_140] {strides = array<i32>} : memref<48x256xf32, #tpu.memory_space<vmem>>, vector<16xf32>,
      tpu.vector_store %arg14[%parallel_loop3A_139, %parallel_loop3A_140], %broadcast_in_dim3A_0 {strides = array<i32>} : memref<48x256xf32, #tpu.memory_space<vmem>>, vector<16xf32>,
      %parallel_loop3A_142 = arith.index_cast %parallel_loop3A_129 : i32 to index
      %parallel_loop3A_143 = arith.constant 64 : index
      %parallel_loop3A_144 = tpu.vector_load %arg14[%parallel_loop3A_142, %parallel_loop3A_143] {strides = array<i32>} : memref<48x256xf32, #tpu.memory_space<vmem>>, vector<16xf32>,
      tpu.vector_store %arg14[%parallel_loop3A_142, %parallel_loop3A_143], %broadcast_in_dim3A_0 {strides = array<i32>} : memref<48x256xf32, #tpu.memory_space<vmem>>, vector<16xf32>,
      %parallel_loop3A_145 = arith.index_cast %parallel_loop3A_129 : i32 to index
      %parallel_loop3A_146 = arith.constant 80 : index
      %parallel_loop3A_147 = tpu.vector_load %arg14[%parallel_loop3A_145, %parallel_loop3A_146] {strides = array<i32>} : memref<48x256xf32, #tpu.memory_space<vmem>>, vector<16xf32>,
      tpu.vector_store %arg14[%parallel_loop3A_145, %parallel_loop3A_146], %broadcast_in_dim3A_0 {strides = array<i32>} : memref<48x256xf32, #tpu.memory_space<vmem>>, vector<16xf32>,
      %parallel_loop3A_148 = arith.index_cast %parallel_loop3A_129 : i32 to index
      %parallel_loop3A_149 = arith.constant 96 : index
      %parallel_loop3A_150 = tpu.vector_load %arg14[%parallel_loop3A_148, %parallel_loop3A_149] {strides = array<i32>} : memref<48x256xf32, #tpu.memory_space<vmem>>, vector<16xf32>,
      tpu.vector_store %arg14[%parallel_loop3A_148, %parallel_loop3A_149], %broadcast_in_dim3A_0 {strides = array<i32>} : memref<48x256xf32, #tpu.memory_space<vmem>>, vector<16xf32>,
      %parallel_loop3A_151 = arith.index_cast %parallel_loop3A_129 : i32 to index
      %parallel_loop3A_152 = arith.constant 112 : index
      %parallel_loop3A_153 = tpu.vector_load %arg14[%parallel_loop3A_151, %parallel_loop3A_152] {strides = array<i32>} : memref<48x256xf32, #tpu.memory_space<vmem>>, vector<16xf32>,
      tpu.vector_store %arg14[%parallel_loop3A_151, %parallel_loop3A_152], %broadcast_in_dim3A_0 {strides = array<i32>} : memref<48x256xf32, #tpu.memory_space<vmem>>, vector<16xf32>,
      %parallel_loop3A_154 = arith.index_cast %parallel_loop3A_129 : i32 to index
      %parallel_loop3A_155 = arith.constant 128 : index
      %parallel_loop3A_156 = tpu.vector_load %arg14[%parallel_loop3A_154, %parallel_loop3A_155] {strides = array<i32>} : memref<48x256xf32, #tpu.memory_space<vmem>>, vector<16xf32>,
      tpu.vector_store %arg14[%parallel_loop3A_154, %parallel_loop3A_155], %broadcast_in_dim3A_0 {strides = array<i32>} : memref<48x256xf32, #tpu.memory_space<vmem>>, vector<16xf32>,
      %parallel_loop3A_157 = arith.index_cast %parallel_loop3A_129 : i32 to index
      %parallel_loop3A_158 = arith.constant 144 : index
      %parallel_loop3A_159 = tpu.vector_load %arg14[%parallel_loop3A_157, %parallel_loop3A_158] {strides = array<i32>} : memref<48x256xf32, #tpu.memory_space<vmem>>, vector<16xf32>,
      tpu.vector_store %arg14[%parallel_loop3A_157, %parallel_loop3A_158], %broadcast_in_dim3A_0 {strides = array<i32>} : memref<48x256xf32, #tpu.memory_space<vmem>>, vector<16xf32>,
      %parallel_loop3A_160 = arith.index_cast %parallel_loop3A_129 : i32 to index
      %parallel_loop3A_161 = arith.constant 160 : index
      %parallel_loop3A_162 = tpu.vector_load %arg14[%parallel_loop3A_160, %parallel_loop3A_161] {strides = array<i32>} : memref<48x256xf32, #tpu.memory_space<vmem>>, vector<16xf32>,
      tpu.vector_store %arg14[%parallel_loop3A_160, %parallel_loop3A_161], %broadcast_in_dim3A_0 {strides = array<i32>} : memref<48x256xf32, #tpu.memory_space<vmem>>, vector<16xf32>,
      %parallel_loop3A_163 = arith.index_cast %parallel_loop3A_129 : i32 to index
      %parallel_loop3A_164 = arith.constant 176 : index
      %parallel_loop3A_165 = tpu.vector_load %arg14[%parallel_loop3A_163, %parallel_loop3A_164] {strides = array<i32>} : memref<48x256xf32, #tpu.memory_space<vmem>>, vector<16xf32>,
      tpu.vector_store %arg14[%parallel_loop3A_163, %parallel_loop3A_164], %broadcast_in_dim3A_0 {strides = array<i32>} : memref<48x256xf32, #tpu.memory_space<vmem>>, vector<16xf32>,
      %parallel_loop3A_166 = arith.index_cast %parallel_loop3A_129 : i32 to index
      %parallel_loop3A_167 = arith.constant 192 : index
      %parallel_loop3A_168 = tpu.vector_load %arg14[%parallel_loop3A_166, %parallel_loop3A_167] {strides = array<i32>} : memref<48x256xf32, #tpu.memory_space<vmem>>, vector<16xf32>,
      tpu.vector_store %arg14[%parallel_loop3A_166, %parallel_loop3A_167], %broadcast_in_dim3A_0 {strides = array<i32>} : memref<48x256xf32, #tpu.memory_space<vmem>>, vector<16xf32>,
      %parallel_loop3A_169 = arith.index_cast %parallel_loop3A_129 : i32 to index
      %parallel_loop3A_170 = arith.constant 208 : index
      %parallel_loop3A_171 = tpu.vector_load %arg14[%parallel_loop3A_169, %parallel_loop3A_170] {strides = array<i32>} : memref<48x256xf32, #tpu.memory_space<vmem>>, vector<16xf32>,
      tpu.vector_store %arg14[%parallel_loop3A_169, %parallel_loop3A_170], %broadcast_in_dim3A_0 {strides = array<i32>} : memref<48x256xf32, #tpu.memory_space<vmem>>, vector<16xf32>,
      %parallel_loop3A_172 = arith.index_cast %parallel_loop3A_129 : i32 to index
      %parallel_loop3A_173 = arith.constant 224 : index
      %parallel_loop3A_174 = tpu.vector_load %arg14[%parallel_loop3A_172, %parallel_loop3A_173] {strides = array<i32>} : memref<48x256xf32, #tpu.memory_space<vmem>>, vector<16xf32>,
      tpu.vector_store %arg14[%parallel_loop3A_172, %parallel_loop3A_173], %broadcast_in_dim3A_0 {strides = array<i32>} : memref<48x256xf32, #tpu.memory_space<vmem>>, vector<16xf32>,
      %parallel_loop3A_175 = arith.index_cast %parallel_loop3A_129 : i32 to index
      %parallel_loop3A_176 = arith.constant 240 : index
      %parallel_loop3A_177 = tpu.vector_load %arg14[%parallel_loop3A_175, %parallel_loop3A_176] {strides = array<i32>} : memref<48x256xf32, #tpu.memory_space<vmem>>, vector<16xf32>,
      tpu.vector_store %arg14[%parallel_loop3A_175, %parallel_loop3A_176], %broadcast_in_dim3A_0 {strides = array<i32>} : memref<48x256xf32, #tpu.memory_space<vmem>>, vector<16xf32>,
    } {sc.loop_unroll_factor = 4 : i64, sc.parallel_access}
    %mul3A_24 = arith.constant 3 : i32
    %mul3A_25 = arith.muli %arg1, %mul3A_24 : i32
    %dma_start3A = arith.constant 0 : i32
    %dma_start3A_26 = arith.constant 0 : i32
    %dma_start3A_27 = tpu.memref_slice %arg14[%dma_start3A, %dma_start3A_26] : memref<48x256xf32, #tpu.memory_space<vmem>> -> memref<3x256xf32, #tpu.memory_space<vmem>>
    %dma_start3A_28 = arith.constant 0 : i32
    %dma_start3A_29 = tpu.memref_slice %arg19[%mul3A_25, %dma_start3A_28] : memref<48x256xf32, #tpu.memory_space<vmem_shared>> -> memref<3x256xf32, #tpu.memory_space<vmem_shared>>
    %dma_start3A_30 = arith.constant 0 : i32
    %dma_start3A_31 = tpu.memref_slice %arg19[%mul3A_25, %dma_start3A_30] : memref<48x256xf32, #tpu.memory_space<vmem_shared>> -> memref<3x256xf32, #tpu.memory_space<vmem_shared>>
    %dma_start3A_32 = arith.constant 0 : i32
    %dma_start3A_33 = arith.constant 0 : i32
    %dma_start3A_34 = tpu.memref_slice %arg14[%dma_start3A_32, %dma_start3A_33] : memref<48x256xf32, #tpu.memory_space<vmem>> -> memref<3x256xf32, #tpu.memory_space<vmem>>
    tpu.enqueue_dma source(%dma_start3A_34 : memref<3x256xf32, #tpu.memory_space<vmem>>) target(%dma_start3A_31 : memref<3x256xf32, #tpu.memory_space<vmem_shared>>) target_semaphore(%arg22 : memref<!tpu.dma_semaphore, #tpu.memory_space<semaphore_mem>>)
    %scan3A_35 = arith.constant 0 : i32
    %scan3A_36 = arith.constant 0 : i32
    %scan3A_37 = arith.constant 5 : i32
    %scan3A_38 = arith.addi %scan3A_36, %scan3A_37 : i32
    %scan3A_39 = arith.constant 1 : i32
    scf.for %scan3A_129 = %scan3A_36 to %scan3A_38 step %scan3A_39  : i32 {
      %mul3A_130 = arith.constant 625 : i32
      %mul3A_131 = arith.muli %arg1, %mul3A_130 : i32
      %mul3A_132 = arith.constant 125 : i32
      %mul3A_133 = arith.muli %scan3A_129, %mul3A_132 : i32
      %add3A_134 = arith.addi %mul3A_131, %mul3A_133 : i32
      %dma_start3A_135 = arith.constant 0 : i32
      %dma_start3A_136 = arith.constant 0 : i32
      %dma_start3A_137 = tpu.memref_slice %arg16[%dma_start3A_135, %dma_start3A_136] : memref<128x64xf32, #tpu.memory_space<vmem>> -> memref<125x64xf32, #tpu.memory_space<vmem>>
      %dma_start3A_138 = arith.constant 0 : i32
      %dma_start3A_139 = tpu.memref_slice %arg20[%add3A_134, %dma_start3A_138] : memref<10000x64xf32, #tpu.memory_space<vmem_shared>> -> memref<125x64xf32, #tpu.memory_space<vmem_shared>>
      %dma_start3A_140 = arith.constant 0 : i32
      %dma_start3A_141 = tpu.memref_slice %arg20[%add3A_134, %dma_start3A_140] : memref<10000x64xf32, #tpu.memory_space<vmem_shared>> -> memref<125x64xf32, #tpu.memory_space<vmem_shared>>
      %dma_start3A_142 = arith.constant 0 : i32
      %dma_start3A_143 = arith.constant 0 : i32
      %dma_start3A_144 = tpu.memref_slice %arg16[%dma_start3A_142, %dma_start3A_143] : memref<128x64xf32, #tpu.memory_space<vmem>> -> memref<125x64xf32, #tpu.memory_space<vmem>>
      tpu.enqueue_dma source(%dma_start3A_144 : memref<125x64xf32, #tpu.memory_space<vmem>>) target(%dma_start3A_141 : memref<125x64xf32, #tpu.memory_space<vmem_shared>>) target_semaphore(%arg22 : memref<!tpu.dma_semaphore, #tpu.memory_space<semaphore_mem>>)
    }
    %scan3A_40 = arith.constant 5 : i32
    %scan3A_41 = arith.constant 0 : i32
    %scan3A_42 = arith.constant 0 : i32
    %scan3A_43 = arith.constant 5 : i32
    %scan3A_44 = arith.addi %scan3A_42, %scan3A_43 : i32
    %scan3A_45 = arith.constant 1 : i32
    scf.for %scan3A_129 = %scan3A_42 to %scan3A_44 step %scan3A_45  : i32 {
      %dma_wait3A_130 = arith.constant 0 : i32
      %dma_wait3A_131 = tpu.memref_slice %arg12[%dma_wait3A_130] : memref<10000xf32, #tpu.memory_space<vmem>> -> memref<2000xf32, #tpu.memory_space<vmem>>
      %dma_wait3A_132 = arith.constant 0 : i32
      %dma_wait3A_133 = tpu.memref_slice %arg4[%dma_wait3A_132] : memref<10000xf32, #tpu.memory_space<hbm>> -> memref<2000xf32, #tpu.memory_space<hbm>>
      %dma_wait3A_134 = arith.constant 0 : i32
      %dma_wait3A_135 = tpu.memref_slice %arg12[%dma_wait3A_134] : memref<10000xf32, #tpu.memory_space<vmem>> -> memref<2000xf32, #tpu.memory_space<vmem>>
      %dma_wait3A_136 = arith.constant 0 : i32
      %dma_wait3A_137 = tpu.memref_slice %arg4[%dma_wait3A_136] : memref<10000xf32, #tpu.memory_space<hbm>> -> memref<2000xf32, #tpu.memory_space<hbm>>
      tpu.wait_dma2 semaphore(%arg21 : memref<!tpu.dma_semaphore, #tpu.memory_space<semaphore_mem>>) src(%dma_wait3A_137 : memref<2000xf32, #tpu.memory_space<hbm>>) dst(%dma_wait3A_135 : memref<2000xf32, #tpu.memory_space<vmem>>)
      %dma_wait3A_138 = arith.constant 0 : i32
      %dma_wait3A_139 = tpu.memref_slice %arg13[%dma_wait3A_138] : memref<10000xf32, #tpu.memory_space<vmem>> -> memref<2000xf32, #tpu.memory_space<vmem>>
      %dma_wait3A_140 = arith.constant 0 : i32
      %dma_wait3A_141 = tpu.memref_slice %arg5[%dma_wait3A_140] : memref<10000xf32, #tpu.memory_space<hbm>> -> memref<2000xf32, #tpu.memory_space<hbm>>
      %dma_wait3A_142 = arith.constant 0 : i32
      %dma_wait3A_143 = tpu.memref_slice %arg13[%dma_wait3A_142] : memref<10000xf32, #tpu.memory_space<vmem>> -> memref<2000xf32, #tpu.memory_space<vmem>>
      %dma_wait3A_144 = arith.constant 0 : i32
      %dma_wait3A_145 = tpu.memref_slice %arg5[%dma_wait3A_144] : memref<10000xf32, #tpu.memory_space<hbm>> -> memref<2000xf32, #tpu.memory_space<hbm>>
      tpu.wait_dma2 semaphore(%arg21 : memref<!tpu.dma_semaphore, #tpu.memory_space<semaphore_mem>>) src(%dma_wait3A_145 : memref<2000xf32, #tpu.memory_space<hbm>>) dst(%dma_wait3A_143 : memref<2000xf32, #tpu.memory_space<vmem>>)
    }
    %scan3A_46 = arith.constant 5 : i32
    %scan3A_47 = arith.constant 0 : i32
    %scan3A_48 = arith.constant 0 : i32
    %scan3A_49 = arith.constant 6 : i32
    %scan3A_50 = arith.addi %scan3A_48, %scan3A_49 : i32
    %scan3A_51 = arith.constant 1 : i32
    scf.for %scan3A_129 = %scan3A_48 to %scan3A_50 step %scan3A_51  : i32 {
      %dma_wait3A_130 = arith.constant 0 : i32
      %dma_wait3A_131 = tpu.memref_slice %arg9[%dma_wait3A_130] : memref<20112xi32, #tpu.memory_space<vmem>> -> memref<3352xi32, #tpu.memory_space<vmem>>
      %dma_wait3A_132 = arith.constant 0 : i32
      %dma_wait3A_133 = tpu.memref_slice %arg2[%dma_wait3A_132] : memref<320112xi32, #tpu.memory_space<hbm>> -> memref<3352xi32, #tpu.memory_space<hbm>>
      %dma_wait3A_134 = arith.constant 0 : i32
      %dma_wait3A_135 = tpu.memref_slice %arg9[%dma_wait3A_134] : memref<20112xi32, #tpu.memory_space<vmem>> -> memref<3352xi32, #tpu.memory_space<vmem>>
      %dma_wait3A_136 = arith.constant 0 : i32
      %dma_wait3A_137 = tpu.memref_slice %arg2[%dma_wait3A_136] : memref<320112xi32, #tpu.memory_space<hbm>> -> memref<3352xi32, #tpu.memory_space<hbm>>
      tpu.wait_dma2 semaphore(%arg21 : memref<!tpu.dma_semaphore, #tpu.memory_space<semaphore_mem>>) src(%dma_wait3A_137 : memref<3352xi32, #tpu.memory_space<hbm>>) dst(%dma_wait3A_135 : memref<3352xi32, #tpu.memory_space<vmem>>)
      %dma_wait3A_138 = arith.constant 0 : i32
      %dma_wait3A_139 = tpu.memref_slice %arg10[%dma_wait3A_138] : memref<20112xi32, #tpu.memory_space<vmem>> -> memref<3352xi32, #tpu.memory_space<vmem>>
      %dma_wait3A_140 = arith.constant 0 : i32
      %dma_wait3A_141 = tpu.memref_slice %arg3[%dma_wait3A_140] : memref<320112xi32, #tpu.memory_space<hbm>> -> memref<3352xi32, #tpu.memory_space<hbm>>
      %dma_wait3A_142 = arith.constant 0 : i32
      %dma_wait3A_143 = tpu.memref_slice %arg10[%dma_wait3A_142] : memref<20112xi32, #tpu.memory_space<vmem>> -> memref<3352xi32, #tpu.memory_space<vmem>>
      %dma_wait3A_144 = arith.constant 0 : i32
      %dma_wait3A_145 = tpu.memref_slice %arg3[%dma_wait3A_144] : memref<320112xi32, #tpu.memory_space<hbm>> -> memref<3352xi32, #tpu.memory_space<hbm>>
      tpu.wait_dma2 semaphore(%arg21 : memref<!tpu.dma_semaphore, #tpu.memory_space<semaphore_mem>>) src(%dma_wait3A_145 : memref<3352xi32, #tpu.memory_space<hbm>>) dst(%dma_wait3A_143 : memref<3352xi32, #tpu.memory_space<vmem>>)
    }
    %scan3A_52 = arith.constant 6 : i32
    "tpu.region"() ({
      %run_scoped3A_129 = tpu.sem_alloc : memref<!tpu.dma_semaphore, #tpu.memory_space<semaphore_mem>>
      %dma_start3A_130 = arith.constant 0 : i32
      %dma_start3A_131 = tpu.memref_slice %arg18[%dma_start3A_130] : memref<128xf32, #tpu.memory_space<vmem>> -> memref<16xf32, #tpu.memory_space<vmem>>
      %dma_start3A_132 = arith.constant 0 : i32
      %dma_start3A_133 = tpu.memref_slice %arg7[%dma_start3A_132] : memref<128xf32, #tpu.memory_space<hbm>> -> memref<16xf32, #tpu.memory_space<hbm>>
      %dma_start3A_134 = arith.constant 0 : i32
      %dma_start3A_135 = tpu.memref_slice %arg18[%dma_start3A_134] : memref<128xf32, #tpu.memory_space<vmem>> -> memref<16xf32, #tpu.memory_space<vmem>>
      %dma_start3A_136 = arith.constant 0 : i32
      %dma_start3A_137 = tpu.memref_slice %arg7[%dma_start3A_136] : memref<128xf32, #tpu.memory_space<hbm>> -> memref<16xf32, #tpu.memory_space<hbm>>
      tpu.enqueue_dma source(%dma_start3A_137 : memref<16xf32, #tpu.memory_space<hbm>>) target(%dma_start3A_135 : memref<16xf32, #tpu.memory_space<vmem>>) target_semaphore(%run_scoped3A_129 : memref<!tpu.dma_semaphore, #tpu.memory_space<semaphore_mem>>)
      %dma_wait3A_138 = arith.constant 0 : i32
      %dma_wait3A_139 = tpu.memref_slice %arg18[%dma_wait3A_138] : memref<128xf32, #tpu.memory_space<vmem>> -> memref<16xf32, #tpu.memory_space<vmem>>
      %dma_wait3A_140 = arith.constant 0 : i32
      %dma_wait3A_141 = tpu.memref_slice %arg7[%dma_wait3A_140] : memref<128xf32, #tpu.memory_space<hbm>> -> memref<16xf32, #tpu.memory_space<hbm>>
      %dma_wait3A_142 = arith.constant 0 : i32
      %dma_wait3A_143 = tpu.memref_slice %arg18[%dma_wait3A_142] : memref<128xf32, #tpu.memory_space<vmem>> -> memref<16xf32, #tpu.memory_space<vmem>>
      %dma_wait3A_144 = arith.constant 0 : i32
      %dma_wait3A_145 = tpu.memref_slice %arg7[%dma_wait3A_144] : memref<128xf32, #tpu.memory_space<hbm>> -> memref<16xf32, #tpu.memory_space<hbm>>
      tpu.wait_dma2 semaphore(%run_scoped3A_129 : memref<!tpu.dma_semaphore, #tpu.memory_space<semaphore_mem>>) src(%dma_wait3A_145 : memref<16xf32, #tpu.memory_space<hbm>>) dst(%dma_wait3A_143 : memref<16xf32, #tpu.memory_space<vmem>>)
      tpu.yield
    }) : () -> ()
    %get3A = arith.constant 0 : index
    %get3A_53 = tpu.vector_load %arg18[%get3A] {strides = array<i32>} : memref<128xf32, #tpu.memory_space<vmem>>, vector<16xf32>,
    %mul3A_54 = arith.constant 3 : i32
    %mul3A_55 = arith.muli %arg1, %mul3A_54 : i32
    %dma_wait3A = arith.constant 0 : i32
    %dma_wait3A_56 = arith.constant 0 : i32
    %dma_wait3A_57 = tpu.memref_slice %arg14[%dma_wait3A, %dma_wait3A_56] : memref<48x256xf32, #tpu.memory_space<vmem>> -> memref<3x256xf32, #tpu.memory_space<vmem>>
    %dma_wait3A_58 = arith.constant 0 : i32
    %dma_wait3A_59 = tpu.memref_slice %arg19[%mul3A_55, %dma_wait3A_58] : memref<48x256xf32, #tpu.memory_space<vmem_shared>> -> memref<3x256xf32, #tpu.memory_space<vmem_shared>>
    %dma_wait3A_60 = arith.constant 0 : i32
    %dma_wait3A_61 = tpu.memref_slice %arg19[%mul3A_55, %dma_wait3A_60] : memref<48x256xf32, #tpu.memory_space<vmem_shared>> -> memref<3x256xf32, #tpu.memory_space<vmem_shared>>
    %dma_wait3A_62 = arith.constant 0 : i32
    %dma_wait3A_63 = arith.constant 0 : i32
    %dma_wait3A_64 = tpu.memref_slice %arg14[%dma_wait3A_62, %dma_wait3A_63] : memref<48x256xf32, #tpu.memory_space<vmem>> -> memref<3x256xf32, #tpu.memory_space<vmem>>
    tpu.wait_dma2 semaphore(%arg22 : memref<!tpu.dma_semaphore, #tpu.memory_space<semaphore_mem>>) src(%dma_wait3A_64 : memref<3x256xf32, #tpu.memory_space<vmem>>) dst(%dma_wait3A_61 : memref<3x256xf32, #tpu.memory_space<vmem_shared>>)
    %scan3A_65 = arith.constant 0 : i32
    %scan3A_66 = arith.constant 0 : i32
    %scan3A_67 = arith.constant 5 : i32
    %scan3A_68 = arith.addi %scan3A_66, %scan3A_67 : i32
    %scan3A_69 = arith.constant 1 : i32
    scf.for %scan3A_129 = %scan3A_66 to %scan3A_68 step %scan3A_69  : i32 {
      %dma_wait3A_130 = arith.constant 0 : i32
      %dma_wait3A_131 = arith.constant 0 : i32
      %dma_wait3A_132 = tpu.memref_slice %arg16[%dma_wait3A_130, %dma_wait3A_131] : memref<128x64xf32, #tpu.memory_space<vmem>> -> memref<125x64xf32, #tpu.memory_space<vmem>>
      %dma_wait3A_133 = arith.constant 0 : i32
      %dma_wait3A_134 = arith.constant 0 : i32
      %dma_wait3A_135 = tpu.memref_slice %arg20[%dma_wait3A_133, %dma_wait3A_134] : memref<10000x64xf32, #tpu.memory_space<vmem_shared>> -> memref<125x64xf32, #tpu.memory_space<vmem_shared>>
      %dma_wait3A_136 = arith.constant 0 : i32
      %dma_wait3A_137 = arith.constant 0 : i32
      %dma_wait3A_138 = tpu.memref_slice %arg20[%dma_wait3A_136, %dma_wait3A_137] : memref<10000x64xf32, #tpu.memory_space<vmem_shared>> -> memref<125x64xf32, #tpu.memory_space<vmem_shared>>
      %dma_wait3A_139 = arith.constant 0 : i32
      %dma_wait3A_140 = arith.constant 0 : i32
      %dma_wait3A_141 = tpu.memref_slice %arg16[%dma_wait3A_139, %dma_wait3A_140] : memref<128x64xf32, #tpu.memory_space<vmem>> -> memref<125x64xf32, #tpu.memory_space<vmem>>
      tpu.wait_dma2 semaphore(%arg22 : memref<!tpu.dma_semaphore, #tpu.memory_space<semaphore_mem>>) src(%dma_wait3A_141 : memref<125x64xf32, #tpu.memory_space<vmem>>) dst(%dma_wait3A_138 : memref<125x64xf32, #tpu.memory_space<vmem_shared>>)
    }
    %scan3A_70 = arith.constant 5 : i32
    %mul3A_71 = arith.constant 10000 : i32
    %mul3A_72 = arith.muli %arg0, %mul3A_71 : i32
    %add3A = arith.addi %mul3A_1, %mul3A_72 : i32
    %run_scoped3A = arith.constant 0 : i32
    "tpu.region"() ({
      %run_scoped3A_129 = tpu.sem_alloc : memref<!tpu.dma_semaphore, #tpu.memory_space<semaphore_mem>>
      %dma_start3A_130 = arith.constant 0 : i32
      %dma_start3A_131 = tpu.memref_slice %arg11[%run_scoped3A, %dma_start3A_130] : memref<2x128xi32, #tpu.memory_space<vmem>> -> memref<1x128xi32, #tpu.memory_space<vmem>>
      %dma_start3A_132 = tpu.memref_squeeze %dma_start3A_131 : memref<1x128xi32, #tpu.memory_space<vmem>> -> memref<128xi32, #tpu.memory_space<vmem>>
      %dma_start3A_133 = tpu.memref_slice %arg3[%add3A] : memref<320112xi32, #tpu.memory_space<hbm>> -> memref<128xi32, #tpu.memory_space<hbm>>
      %dma_start3A_134 = arith.constant 0 : i32
      %dma_start3A_135 = tpu.memref_slice %arg11[%run_scoped3A, %dma_start3A_134] : memref<2x128xi32, #tpu.memory_space<vmem>> -> memref<1x128xi32, #tpu.memory_space<vmem>>
      %dma_start3A_136 = tpu.memref_squeeze %dma_start3A_135 : memref<1x128xi32, #tpu.memory_space<vmem>> -> memref<128xi32, #tpu.memory_space<vmem>>
      %dma_start3A_137 = tpu.memref_slice %arg3[%add3A] : memref<320112xi32, #tpu.memory_space<hbm>> -> memref<128xi32, #tpu.memory_space<hbm>>
      tpu.enqueue_dma source(%dma_start3A_137 : memref<128xi32, #tpu.memory_space<hbm>>) target(%dma_start3A_136 : memref<128xi32, #tpu.memory_space<vmem>>) target_semaphore(%run_scoped3A_129 : memref<!tpu.dma_semaphore, #tpu.memory_space<semaphore_mem>>)
      %dma_wait3A_138 = arith.constant 0 : i32
      %dma_wait3A_139 = tpu.memref_slice %arg11[%run_scoped3A, %dma_wait3A_138] : memref<2x128xi32, #tpu.memory_space<vmem>> -> memref<1x128xi32, #tpu.memory_space<vmem>>
      %dma_wait3A_140 = tpu.memref_squeeze %dma_wait3A_139 : memref<1x128xi32, #tpu.memory_space<vmem>> -> memref<128xi32, #tpu.memory_space<vmem>>
      %dma_wait3A_141 = tpu.memref_slice %arg3[%add3A] : memref<320112xi32, #tpu.memory_space<hbm>> -> memref<128xi32, #tpu.memory_space<hbm>>
      %dma_wait3A_142 = arith.constant 0 : i32
      %dma_wait3A_143 = tpu.memref_slice %arg11[%run_scoped3A, %dma_wait3A_142] : memref<2x128xi32, #tpu.memory_space<vmem>> -> memref<1x128xi32, #tpu.memory_space<vmem>>
      %dma_wait3A_144 = tpu.memref_squeeze %dma_wait3A_143 : memref<1x128xi32, #tpu.memory_space<vmem>> -> memref<128xi32, #tpu.memory_space<vmem>>
      %dma_wait3A_145 = tpu.memref_slice %arg3[%add3A] : memref<320112xi32, #tpu.memory_space<hbm>> -> memref<128xi32, #tpu.memory_space<hbm>>
      tpu.wait_dma2 semaphore(%run_scoped3A_129 : memref<!tpu.dma_semaphore, #tpu.memory_space<semaphore_mem>>) src(%dma_wait3A_145 : memref<128xi32, #tpu.memory_space<hbm>>) dst(%dma_wait3A_144 : memref<128xi32, #tpu.memory_space<vmem>>)
      tpu.yield
    }) : () -> ()
    %add3A_73 = arith.constant 128 : i32
    %add3A_74 = arith.addi %add3A, %add3A_73 : i32
    %dma_start3A_75 = arith.constant 1 : i32
    %dma_start3A_76 = arith.constant 0 : i32
    %dma_start3A_77 = tpu.memref_slice %arg11[%dma_start3A_75, %dma_start3A_76] : memref<2x128xi32, #tpu.memory_space<vmem>> -> memref<1x128xi32, #tpu.memory_space<vmem>>
    %dma_start3A_78 = tpu.memref_squeeze %dma_start3A_77 : memref<1x128xi32, #tpu.memory_space<vmem>> -> memref<128xi32, #tpu.memory_space<vmem>>
    %dma_start3A_79 = tpu.memref_slice %arg3[%add3A_74] : memref<320112xi32, #tpu.memory_space<hbm>> -> memref<128xi32, #tpu.memory_space<hbm>>
    %dma_start3A_80 = arith.constant 0 : i32
    %dma_start3A_81 = tpu.memref_slice %arg11[%dma_start3A_75, %dma_start3A_80] : memref<2x128xi32, #tpu.memory_space<vmem>> -> memref<1x128xi32, #tpu.memory_space<vmem>>
    %dma_start3A_82 = tpu.memref_squeeze %dma_start3A_81 : memref<1x128xi32, #tpu.memory_space<vmem>> -> memref<128xi32, #tpu.memory_space<vmem>>
    %dma_start3A_83 = tpu.memref_slice %arg3[%add3A_74] : memref<320112xi32, #tpu.memory_space<hbm>> -> memref<128xi32, #tpu.memory_space<hbm>>
    tpu.enqueue_dma source(%dma_start3A_83 : memref<128xi32, #tpu.memory_space<hbm>>) target(%dma_start3A_82 : memref<128xi32, #tpu.memory_space<vmem>>) target_semaphore(%arg24 : memref<!tpu.dma_semaphore, #tpu.memory_space<semaphore_mem>>)
    %add3A_84 = arith.constant 0 : i32
    %add3A_85 = arith.addi %mul3A_72, %add3A_84 : i32
    %dma_start3A_86 = tpu.memref_slice %arg9[%add3A_85] : memref<20112xi32, #tpu.memory_space<vmem>> -> memref<128xi32, #tpu.memory_space<vmem>>
    %dma_start3A_87 = arith.constant 0 : i32
    %dma_start3A_88 = arith.constant 0 : i32
    %dma_start3A_89 = tpu.memref_slice %arg6[%dma_start3A_87, %dma_start3A_88] : memref<10000x64xf32, #tpu.memory_space<hbm>> -> memref<10000x64xf32, #tpu.memory_space<hbm>>
    tpu.enqueue_indirect_dma source(%dma_start3A_89 : memref<10000x64xf32, #tpu.memory_space<hbm>>) target(%arg16 : memref<128x64xf32, #tpu.memory_space<vmem>>) offsets(%dma_start3A_86 : memref<128xi32, #tpu.memory_space<vmem>>) semaphore(%arg21 : memref<!tpu.dma_semaphore, #tpu.memory_space<semaphore_mem>>)
    %add3A_90 = arith.constant 128 : i32
    %add3A_91 = arith.addi %mul3A_72, %add3A_90 : i32
    %dma_start3A_92 = tpu.memref_slice %arg9[%add3A_91] : memref<20112xi32, #tpu.memory_space<vmem>> -> memref<128xi32, #tpu.memory_space<vmem>>
    %dma_start3A_93 = arith.constant 0 : i32
    %dma_start3A_94 = arith.constant 0 : i32
    %dma_start3A_95 = tpu.memref_slice %arg6[%dma_start3A_93, %dma_start3A_94] : memref<10000x64xf32, #tpu.memory_space<hbm>> -> memref<10000x64xf32, #tpu.memory_space<hbm>>
    tpu.enqueue_indirect_dma source(%dma_start3A_95 : memref<10000x64xf32, #tpu.memory_space<hbm>>) target(%arg17 : memref<128x64xf32, #tpu.memory_space<vmem>>) offsets(%dma_start3A_92 : memref<128xi32, #tpu.memory_space<vmem>>) semaphore(%arg22 : memref<!tpu.dma_semaphore, #tpu.memory_space<semaphore_mem>>)
    %parallel_loop3A_96 = arith.constant 0 : i32
    %parallel_loop3A_97 = arith.constant 1250 : i32
    %parallel_loop3A_98 = arith.constant 1 : i32
    scf.for %parallel_loop3A_129 = %parallel_loop3A_96 to %parallel_loop3A_97 step %parallel_loop3A_98  : i32 {
      %parallel_loop3A_130 = arith.constant 16 : i32
      %parallel_loop3A_131 = arith.muli %parallel_loop3A_129, %parallel_loop3A_130 : i32
      %parallel_loop3A_132 = arith.index_cast %parallel_loop3A_131 : i32 to index
      %parallel_loop3A_133 = tpu.vector_load %arg9[%parallel_loop3A_132] {strides = array<i32>} : memref<20112xi32, #tpu.memory_space<vmem>>, vector<16xi32>,
      %parallel_loop3A_134 = arith.index_cast %parallel_loop3A_131 : i32 to index
      %parallel_loop3A_135 = tpu.vector_load %arg10[%parallel_loop3A_134] {strides = array<i32>} : memref<20112xi32, #tpu.memory_space<vmem>>, vector<16xi32>,
      %parallel_loop3A_136 = tpu.vector_load_idx %arg12[%parallel_loop3A_133] : memref<10000xf32, #tpu.memory_space<vmem>>[vector<16xi32>], vector<16xf32>,
      %parallel_loop3A_137 = tpu.vector_load_idx %arg13[%parallel_loop3A_135] : memref<10000xf32, #tpu.memory_space<vmem>>[vector<16xi32>], vector<16xf32>,
      %parallel_loop3A_138 = arith.addf %parallel_loop3A_136, %parallel_loop3A_137 : vector<16xf32>
      %parallel_loop3A_139 = arith.constant 0.000000e+00 : f32
      %parallel_loop3A_140 = vector.broadcast %parallel_loop3A_139 : f32 to vector<16xf32>
      %parallel_loop3A_141 = arith.cmpf oge, %parallel_loop3A_138, %parallel_loop3A_140 : vector<16xf32>
      %parallel_loop3A_142 = arith.constant 2.000000e-01 : f32
      %parallel_loop3A_143 = vector.broadcast %parallel_loop3A_142 : f32 to vector<16xf32>
      %parallel_loop3A_144 = arith.mulf %parallel_loop3A_143, %parallel_loop3A_138 : vector<16xf32>
      %parallel_loop3A_145 = arith.select %parallel_loop3A_141, %parallel_loop3A_138, %parallel_loop3A_144 : vector<16xi1>, vector<16xf32>
      %parallel_loop3A_146 = arith.constant 8 : i32
      %parallel_loop3A_147 = vector.broadcast %parallel_loop3A_146 : i32 to vector<16xi32>
      %parallel_loop3A_148 = arith.shrsi %parallel_loop3A_135, %parallel_loop3A_147 : vector<16xi32>
      %parallel_loop3A_149 = arith.constant 255 : i32
      %parallel_loop3A_150 = vector.broadcast %parallel_loop3A_149 : i32 to vector<16xi32>
      %parallel_loop3A_151 = arith.andi %parallel_loop3A_135, %parallel_loop3A_150 : vector<16xi32>
      %parallel_loop3A_152 = arith.subf %parallel_loop3A_145, %get3A_53 : vector<16xf32>
      %parallel_loop3A_153 = math.exp %parallel_loop3A_152 : vector<16xf32>
      tpu.vector_store_idx %arg14[%parallel_loop3A_148, %parallel_loop3A_151], %parallel_loop3A_153 {add = true} : memref<48x256xf32, #tpu.memory_space<vmem>>[vector<16xi32>, vector<16xi32>], vector<16xf32>,
    } {sc.loop_unroll_factor = 4 : i64, sc.parallel_access}
    %barrier3A = arith.constant 0 : index
    tpu.barrier barrier_id(%barrier3A)
    "tpu.region"() ({
      %run_scoped3A_129 = tpu.sem_alloc : memref<!tpu.dma_semaphore, #tpu.memory_space<semaphore_mem>>
      %dma_start3A_130 = arith.constant 0 : i32
      %dma_start3A_131 = arith.constant 0 : i32
      %dma_start3A_132 = tpu.memref_slice %arg19[%dma_start3A_130, %dma_start3A_131] : memref<48x256xf32, #tpu.memory_space<vmem_shared>> -> memref<48x256xf32, #tpu.memory_space<vmem_shared>>
      tpu.enqueue_indirect_dma source(%arg14 : memref<48x256xf32, #tpu.memory_space<vmem>>) target(%dma_start3A_132 : memref<48x256xf32, #tpu.memory_space<vmem_shared>>) offsets(%arg15 : memref<48xi32, #tpu.memory_space<vmem>>) semaphore(%run_scoped3A_129 : memref<!tpu.dma_semaphore, #tpu.memory_space<semaphore_mem>>) {add = true}
      %dma_wait3A_133 = arith.constant 0 : i32
      %dma_wait3A_134 = arith.constant 0 : i32
      %dma_wait3A_135 = tpu.memref_slice %arg19[%dma_wait3A_133, %dma_wait3A_134] : memref<48x256xf32, #tpu.memory_space<vmem_shared>> -> memref<48x256xf32, #tpu.memory_space<vmem_shared>>
      tpu.wait_indirect_dma semaphore(%run_scoped3A_129 : memref<!tpu.dma_semaphore, #tpu.memory_space<semaphore_mem>>) src(%arg14 : memref<48x256xf32, #tpu.memory_space<vmem>>) dst(%dma_wait3A_135 : memref<48x256xf32, #tpu.memory_space<vmem_shared>>)
      tpu.yield
    }) : () -> ()
    %barrier3A_99 = arith.constant 0 : index
    tpu.barrier barrier_id(%barrier3A_99)
    %scan3A_100 = arith.constant 0 : i32
    %scan3A_101 = arith.constant 0 : i32
    %scan3A_102 = arith.constant 3 : i32
    %scan3A_103 = arith.addi %scan3A_101, %scan3A_102 : i32
    %scan3A_104 = arith.constant 1 : i32
    scf.for %scan3A_129 = %scan3A_101 to %scan3A_103 step %scan3A_104  : i32 {
      %mul3A_130 = arith.constant 16 : i32
      %mul3A_131 = arith.muli %scan3A_129, %mul3A_130 : i32
      %mul3A_132 = arith.constant 16 : i32
      %mul3A_133 = arith.muli %scan3A_129, %mul3A_132 : i32
      "tpu.region"() ({
        %run_scoped3A_134 = tpu.sem_alloc : memref<!tpu.dma_semaphore, #tpu.memory_space<semaphore_mem>>
        %dma_start3A_135 = arith.constant 0 : i32
        %dma_start3A_136 = tpu.memref_slice %arg14[%mul3A_133, %dma_start3A_135] : memref<48x256xf32, #tpu.memory_space<vmem>> -> memref<16x256xf32, #tpu.memory_space<vmem>>
        %dma_start3A_137 = arith.constant 0 : i32
        %dma_start3A_138 = tpu.memref_slice %arg19[%mul3A_131, %dma_start3A_137] : memref<48x256xf32, #tpu.memory_space<vmem_shared>> -> memref<16x256xf32, #tpu.memory_space<vmem_shared>>
        %dma_start3A_139 = arith.constant 0 : i32
        %dma_start3A_140 = tpu.memref_slice %arg14[%mul3A_133, %dma_start3A_139] : memref<48x256xf32, #tpu.memory_space<vmem>> -> memref<16x256xf32, #tpu.memory_space<vmem>>
        %dma_start3A_141 = arith.constant 0 : i32
        %dma_start3A_142 = tpu.memref_slice %arg19[%mul3A_131, %dma_start3A_141] : memref<48x256xf32, #tpu.memory_space<vmem_shared>> -> memref<16x256xf32, #tpu.memory_space<vmem_shared>>
        tpu.enqueue_dma source(%dma_start3A_142 : memref<16x256xf32, #tpu.memory_space<vmem_shared>>) target(%dma_start3A_140 : memref<16x256xf32, #tpu.memory_space<vmem>>) target_semaphore(%run_scoped3A_134 : memref<!tpu.dma_semaphore, #tpu.memory_space<semaphore_mem>>)
        %dma_wait3A_143 = arith.constant 0 : i32
        %dma_wait3A_144 = tpu.memref_slice %arg14[%mul3A_133, %dma_wait3A_143] : memref<48x256xf32, #tpu.memory_space<vmem>> -> memref<16x256xf32, #tpu.memory_space<vmem>>
        %dma_wait3A_145 = arith.constant 0 : i32
        %dma_wait3A_146 = tpu.memref_slice %arg19[%mul3A_131, %dma_wait3A_145] : memref<48x256xf32, #tpu.memory_space<vmem_shared>> -> memref<16x256xf32, #tpu.memory_space<vmem_shared>>
        %dma_wait3A_147 = arith.constant 0 : i32
        %dma_wait3A_148 = tpu.memref_slice %arg14[%mul3A_133, %dma_wait3A_147] : memref<48x256xf32, #tpu.memory_space<vmem>> -> memref<16x256xf32, #tpu.memory_space<vmem>>
        %dma_wait3A_149 = arith.constant 0 : i32
        %dma_wait3A_150 = tpu.memref_slice %arg19[%mul3A_131, %dma_wait3A_149] : memref<48x256xf32, #tpu.memory_space<vmem_shared>> -> memref<16x256xf32, #tpu.memory_space<vmem_shared>>
        tpu.wait_dma2 semaphore(%run_scoped3A_134 : memref<!tpu.dma_semaphore, #tpu.memory_space<semaphore_mem>>) src(%dma_wait3A_150 : memref<16x256xf32, #tpu.memory_space<vmem_shared>>) dst(%dma_wait3A_148 : memref<16x256xf32, #tpu.memory_space<vmem>>)
        tpu.yield
      }) : () -> ()
    }
    %scan3A_105 = arith.constant 3 : i32
    %scan3A_106 = arith.constant 0 : i32
    %scan3A_107 = arith.constant 0 : i32
    %scan3A_108 = arith.constant 40 : i32
    %scan3A_109 = arith.addi %scan3A_107, %scan3A_108 : i32
    %scan3A_110 = arith.constant 1 : i32
    scf.for %scan3A_129 = %scan3A_107 to %scan3A_109 step %scan3A_110  : i32 {
      %mul3A_130 = arith.constant 2 : i32
      %mul3A_131 = arith.muli %scan3A_129, %mul3A_130 : i32
      %add3A_132 = arith.constant 1 : i32
      %add3A_133 = arith.addi %mul3A_131, %add3A_132 : i32
      %ge3A = arith.constant 1 : i32
      %ge3A_134 = arith.cmpi sge, %scan3A_129, %ge3A : i32
      %lt3A_135 = arith.constant 79 : i32
      %lt3A_136 = arith.cmpi slt, %add3A_133, %lt3A_135 : i32
      %and3A = arith.andi %ge3A_134, %lt3A_136 : i1
      %convert_element_type3A_137 = arith.extui %and3A : i1 to i32
      %cond3A_138 = arith.constant 0 : i32
      %cond3A_139 = arith.cmpi ne, %convert_element_type3A_137, %cond3A_138 : i32
      scf.if %cond3A_139 {
        %dma_wait3A_176 = arith.constant 0 : i32
        %dma_wait3A_177 = arith.constant 0 : i32
        %dma_wait3A_178 = tpu.memref_slice %arg11[%dma_wait3A_176, %dma_wait3A_177] : memref<2x128xi32, #tpu.memory_space<vmem>> -> memref<1x128xi32, #tpu.memory_space<vmem>>
        %dma_wait3A_179 = tpu.memref_squeeze %dma_wait3A_178 : memref<1x128xi32, #tpu.memory_space<vmem>> -> memref<128xi32, #tpu.memory_space<vmem>>
        %dma_wait3A_180 = arith.constant 0 : i32
        %dma_wait3A_181 = arith.constant 0 : i32
        %dma_wait3A_182 = tpu.memref_slice %arg20[%dma_wait3A_180, %dma_wait3A_181] : memref<10000x64xf32, #tpu.memory_space<vmem_shared>> -> memref<10000x64xf32, #tpu.memory_space<vmem_shared>>
        tpu.wait_indirect_dma semaphore(%arg26 : memref<!tpu.dma_semaphore, #tpu.memory_space<semaphore_mem>>) src(%arg17 : memref<128x64xf32, #tpu.memory_space<vmem>>) dst(%dma_wait3A_182 : memref<10000x64xf32, #tpu.memory_space<vmem_shared>>)
        %mul3A_183 = arith.constant 128 : i32
        %mul3A_184 = arith.muli %add3A_133, %mul3A_183 : i32
        %add3A_185 = arith.addi %add3A, %mul3A_184 : i32
        %dma_start3A_186 = arith.constant 1 : i32
        %dma_start3A_187 = arith.constant 0 : i32
        %dma_start3A_188 = tpu.memref_slice %arg11[%dma_start3A_186, %dma_start3A_187] : memref<2x128xi32, #tpu.memory_space<vmem>> -> memref<1x128xi32, #tpu.memory_space<vmem>>
        %dma_start3A_189 = tpu.memref_squeeze %dma_start3A_188 : memref<1x128xi32, #tpu.memory_space<vmem>> -> memref<128xi32, #tpu.memory_space<vmem>>
        %dma_start3A_190 = tpu.memref_slice %arg3[%add3A_185] : memref<320112xi32, #tpu.memory_space<hbm>> -> memref<128xi32, #tpu.memory_space<hbm>>
        %dma_start3A_191 = arith.constant 0 : i32
        %dma_start3A_192 = tpu.memref_slice %arg11[%dma_start3A_186, %dma_start3A_191] : memref<2x128xi32, #tpu.memory_space<vmem>> -> memref<1x128xi32, #tpu.memory_space<vmem>>
        %dma_start3A_193 = tpu.memref_squeeze %dma_start3A_192 : memref<1x128xi32, #tpu.memory_space<vmem>> -> memref<128xi32, #tpu.memory_space<vmem>>
        %dma_start3A_194 = tpu.memref_slice %arg3[%add3A_185] : memref<320112xi32, #tpu.memory_space<hbm>> -> memref<128xi32, #tpu.memory_space<hbm>>
        tpu.enqueue_dma source(%dma_start3A_194 : memref<128xi32, #tpu.memory_space<hbm>>) target(%dma_start3A_193 : memref<128xi32, #tpu.memory_space<vmem>>) target_semaphore(%arg24 : memref<!tpu.dma_semaphore, #tpu.memory_space<semaphore_mem>>)
        %mul3A_195 = arith.constant 128 : i32
        %mul3A_196 = arith.muli %add3A_133, %mul3A_195 : i32
        %add3A_197 = arith.addi %mul3A_72, %mul3A_196 : i32
        %dma_start3A_198 = tpu.memref_slice %arg9[%add3A_197] : memref<20112xi32, #tpu.memory_space<vmem>> -> memref<128xi32, #tpu.memory_space<vmem>>
        %dma_start3A_199 = arith.constant 0 : i32
        %dma_start3A_200 = arith.constant 0 : i32
        %dma_start3A_201 = tpu.memref_slice %arg6[%dma_start3A_199, %dma_start3A_200] : memref<10000x64xf32, #tpu.memory_space<hbm>> -> memref<10000x64xf32, #tpu.memory_space<hbm>>
        tpu.enqueue_indirect_dma source(%dma_start3A_201 : memref<10000x64xf32, #tpu.memory_space<hbm>>) target(%arg17 : memref<128x64xf32, #tpu.memory_space<vmem>>) offsets(%dma_start3A_198 : memref<128xi32, #tpu.memory_space<vmem>>) semaphore(%arg22 : memref<!tpu.dma_semaphore, #tpu.memory_space<semaphore_mem>>)
      } else {
      }
      %ge3A_140 = arith.constant 2 : i32
      %ge3A_141 = arith.cmpi sge, %mul3A_131, %ge3A_140 : i32
      %convert_element_type3A_142 = arith.extui %ge3A_141 : i1 to i32
      %cond3A_143 = arith.constant 0 : i32
      %cond3A_144 = arith.cmpi ne, %convert_element_type3A_142, %cond3A_143 : i32
      scf.if %cond3A_144 {
        %dma_wait3A_176 = arith.constant 0 : i32
        %dma_wait3A_177 = arith.constant 0 : i32
        %dma_wait3A_178 = tpu.memref_slice %arg11[%dma_wait3A_176, %dma_wait3A_177] : memref<2x128xi32, #tpu.memory_space<vmem>> -> memref<1x128xi32, #tpu.memory_space<vmem>>
        %dma_wait3A_179 = tpu.memref_squeeze %dma_wait3A_178 : memref<1x128xi32, #tpu.memory_space<vmem>> -> memref<128xi32, #tpu.memory_space<vmem>>
        %dma_wait3A_180 = tpu.memref_slice %arg3[%add3A] : memref<320112xi32, #tpu.memory_space<hbm>> -> memref<128xi32, #tpu.memory_space<hbm>>
        %dma_wait3A_181 = arith.constant 0 : i32
        %dma_wait3A_182 = tpu.memref_slice %arg11[%dma_wait3A_176, %dma_wait3A_181] : memref<2x128xi32, #tpu.memory_space<vmem>> -> memref<1x128xi32, #tpu.memory_space<vmem>>
        %dma_wait3A_183 = tpu.memref_squeeze %dma_wait3A_182 : memref<1x128xi32, #tpu.memory_space<vmem>> -> memref<128xi32, #tpu.memory_space<vmem>>
        %dma_wait3A_184 = tpu.memref_slice %arg3[%add3A] : memref<320112xi32, #tpu.memory_space<hbm>> -> memref<128xi32, #tpu.memory_space<hbm>>
        tpu.wait_dma2 semaphore(%arg23 : memref<!tpu.dma_semaphore, #tpu.memory_space<semaphore_mem>>) src(%dma_wait3A_184 : memref<128xi32, #tpu.memory_space<hbm>>) dst(%dma_wait3A_183 : memref<128xi32, #tpu.memory_space<vmem>>)
      } else {
      }
      %dma_wait3A_145 = arith.constant 0 : i32
      %dma_wait3A_146 = arith.constant 0 : i32
      %dma_wait3A_147 = tpu.memref_slice %arg6[%dma_wait3A_145, %dma_wait3A_146] : memref<10000x64xf32, #tpu.memory_space<hbm>> -> memref<128x64xf32, #tpu.memory_space<hbm>>
      %dma_wait3A_148 = arith.constant 0 : i32
      %dma_wait3A_149 = arith.constant 0 : i32
      %dma_wait3A_150 = tpu.memref_slice %arg6[%dma_wait3A_148, %dma_wait3A_149] : memref<10000x64xf32, #tpu.memory_space<hbm>> -> memref<128x64xf32, #tpu.memory_space<hbm>>
      tpu.wait_dma2 semaphore(%arg21 : memref<!tpu.dma_semaphore, #tpu.memory_space<semaphore_mem>>) src(%dma_wait3A_150 : memref<128x64xf32, #tpu.memory_space<hbm>>) dst(%arg16 : memref<128x64xf32, #tpu.memory_space<vmem>>)
      %parallel_loop3A_151 = arith.constant 0 : i32
      %parallel_loop3A_152 = arith.constant 8 : i32
      %parallel_loop3A_153 = arith.constant 1 : i32
      scf.for %parallel_loop3A_176 = %parallel_loop3A_151 to %parallel_loop3A_152 step %parallel_loop3A_153  : i32 {
        %parallel_loop3A_177 = arith.constant 128 : i32
        %parallel_loop3A_178 = arith.muli %mul3A_131, %parallel_loop3A_177 : i32
        %parallel_loop3A_179 = arith.addi %mul3A_72, %parallel_loop3A_178 : i32
        %parallel_loop3A_180 = arith.constant 16 : i32
        %parallel_loop3A_181 = arith.muli %parallel_loop3A_176, %parallel_loop3A_180 : i32
        %parallel_loop3A_182 = arith.addi %parallel_loop3A_179, %parallel_loop3A_181 : i32
        %parallel_loop3A_183 = arith.index_cast %parallel_loop3A_182 : i32 to index
        %parallel_loop3A_184 = tpu.vector_load %arg9[%parallel_loop3A_183] {strides = array<i32>} : memref<20112xi32, #tpu.memory_space<vmem>>, vector<16xi32>,
        %parallel_loop3A_185 = arith.index_cast %parallel_loop3A_182 : i32 to index
        %parallel_loop3A_186 = tpu.vector_load %arg10[%parallel_loop3A_185] {strides = array<i32>} : memref<20112xi32, #tpu.memory_space<vmem>>, vector<16xi32>,
        %parallel_loop3A_187 = tpu.vector_load_idx %arg12[%parallel_loop3A_184] : memref<10000xf32, #tpu.memory_space<vmem>>[vector<16xi32>], vector<16xf32>,
        %parallel_loop3A_188 = tpu.vector_load_idx %arg13[%parallel_loop3A_186] : memref<10000xf32, #tpu.memory_space<vmem>>[vector<16xi32>], vector<16xf32>,
        %parallel_loop3A_189 = arith.addf %parallel_loop3A_187, %parallel_loop3A_188 : vector<16xf32>
        %parallel_loop3A_190 = arith.constant 0.000000e+00 : f32
        %parallel_loop3A_191 = vector.broadcast %parallel_loop3A_190 : f32 to vector<16xf32>
        %parallel_loop3A_192 = arith.cmpf oge, %parallel_loop3A_189, %parallel_loop3A_191 : vector<16xf32>
        %parallel_loop3A_193 = arith.constant 2.000000e-01 : f32
        %parallel_loop3A_194 = vector.broadcast %parallel_loop3A_193 : f32 to vector<16xf32>
        %parallel_loop3A_195 = arith.mulf %parallel_loop3A_194, %parallel_loop3A_189 : vector<16xf32>
        %parallel_loop3A_196 = arith.select %parallel_loop3A_192, %parallel_loop3A_189, %parallel_loop3A_195 : vector<16xi1>, vector<16xf32>
        %parallel_loop3A_197 = arith.subf %parallel_loop3A_196, %get3A_53 : vector<16xf32>
        %parallel_loop3A_198 = math.exp %parallel_loop3A_197 : vector<16xf32>
        %parallel_loop3A_199 = arith.constant 8 : i32
        %parallel_loop3A_200 = vector.broadcast %parallel_loop3A_199 : i32 to vector<16xi32>
        %parallel_loop3A_201 = arith.shrsi %parallel_loop3A_186, %parallel_loop3A_200 : vector<16xi32>
        %parallel_loop3A_202 = arith.constant 255 : i32
        %parallel_loop3A_203 = vector.broadcast %parallel_loop3A_202 : i32 to vector<16xi32>
        %parallel_loop3A_204 = arith.andi %parallel_loop3A_186, %parallel_loop3A_203 : vector<16xi32>
        %parallel_loop3A_205 = tpu.vector_load_idx %arg14[%parallel_loop3A_201, %parallel_loop3A_204] : memref<48x256xf32, #tpu.memory_space<vmem>>[vector<16xi32>, vector<16xi32>], vector<16xf32>,
        %parallel_loop3A_206 = arith.constant 1.000000e-16 : f32
        %parallel_loop3A_207 = vector.broadcast %parallel_loop3A_206 : f32 to vector<16xf32>
        %parallel_loop3A_208 = arith.addf %parallel_loop3A_205, %parallel_loop3A_207 : vector<16xf32>
        %parallel_loop3A_209 = arith.divf %parallel_loop3A_198, %parallel_loop3A_208 : vector<16xf32>
        %parallel_loop3A_210 = arith.constant 128 : i32
        %parallel_loop3A_211 = arith.muli %mul3A_131, %parallel_loop3A_210 : i32
        %parallel_loop3A_212 = arith.constant 16 : i32
        %parallel_loop3A_213 = arith.muli %parallel_loop3A_176, %parallel_loop3A_212 : i32
        %parallel_loop3A_214 = arith.addi %parallel_loop3A_211, %parallel_loop3A_213 : i32
        %parallel_loop3A_215 = arith.constant 10000 : i32
        %parallel_loop3A_216 = arith.cmpi slt, %parallel_loop3A_214, %parallel_loop3A_215 : i32
        %parallel_loop3A_217 = arith.select %parallel_loop3A_216, %parallel_loop3A_209, %broadcast_in_dim3A_0 : vector<16xf32>
        %parallel_loop3A_218 = arith.constant 16 : i32
        %parallel_loop3A_219 = arith.muli %parallel_loop3A_176, %parallel_loop3A_218 : i32
        %parallel_loop3A_220 = arith.index_cast %parallel_loop3A_219 : i32 to index
        %parallel_loop3A_221 = tpu.vector_load %arg18[%parallel_loop3A_220] {strides = array<i32>} : memref<128xf32, #tpu.memory_space<vmem>>, vector<16xf32>,
        tpu.vector_store %arg18[%parallel_loop3A_220], %parallel_loop3A_217 {strides = array<i32>} : memref<128xf32, #tpu.memory_space<vmem>>, vector<16xf32>,
      } {sc.loop_unroll_factor = 4 : i64, sc.parallel_access}
      %parallel_loop3A_154 = arith.constant 0 : i32
      %parallel_loop3A_155 = arith.constant 128 : i32
      %parallel_loop3A_156 = arith.constant 1 : i32
      scf.for %parallel_loop3A_176 = %parallel_loop3A_154 to %parallel_loop3A_155 step %parallel_loop3A_156  : i32 {
        %parallel_loop3A_177 = vector.broadcast %parallel_loop3A_176 : i32 to vector<16xi32>
        %parallel_loop3A_178 = tpu.vector_load_idx %arg18[%parallel_loop3A_177] : memref<128xf32, #tpu.memory_space<vmem>>[vector<16xi32>], vector<16xf32>,
        %parallel_loop3A_179 = arith.index_cast %parallel_loop3A_176 : i32 to index
        %parallel_loop3A_180 = arith.constant 0 : index
        %parallel_loop3A_181 = tpu.vector_load %arg16[%parallel_loop3A_179, %parallel_loop3A_180] {strides = array<i32>} : memref<128x64xf32, #tpu.memory_space<vmem>>, vector<16xf32>,
        %parallel_loop3A_182 = arith.mulf %parallel_loop3A_181, %parallel_loop3A_178 : vector<16xf32>
        %parallel_loop3A_183 = arith.index_cast %parallel_loop3A_176 : i32 to index
        %parallel_loop3A_184 = arith.constant 0 : index
        %parallel_loop3A_185 = tpu.vector_load %arg16[%parallel_loop3A_183, %parallel_loop3A_184] {strides = array<i32>} : memref<128x64xf32, #tpu.memory_space<vmem>>, vector<16xf32>,
        tpu.vector_store %arg16[%parallel_loop3A_183, %parallel_loop3A_184], %parallel_loop3A_182 {strides = array<i32>} : memref<128x64xf32, #tpu.memory_space<vmem>>, vector<16xf32>,
        %parallel_loop3A_186 = arith.index_cast %parallel_loop3A_176 : i32 to index
        %parallel_loop3A_187 = arith.constant 16 : index
        %parallel_loop3A_188 = tpu.vector_load %arg16[%parallel_loop3A_186, %parallel_loop3A_187] {strides = array<i32>} : memref<128x64xf32, #tpu.memory_space<vmem>>, vector<16xf32>,
        %parallel_loop3A_189 = arith.mulf %parallel_loop3A_188, %parallel_loop3A_178 : vector<16xf32>
        %parallel_loop3A_190 = arith.index_cast %parallel_loop3A_176 : i32 to index
        %parallel_loop3A_191 = arith.constant 16 : index
        %parallel_loop3A_192 = tpu.vector_load %arg16[%parallel_loop3A_190, %parallel_loop3A_191] {strides = array<i32>} : memref<128x64xf32, #tpu.memory_space<vmem>>, vector<16xf32>,
        tpu.vector_store %arg16[%parallel_loop3A_190, %parallel_loop3A_191], %parallel_loop3A_189 {strides = array<i32>} : memref<128x64xf32, #tpu.memory_space<vmem>>, vector<16xf32>,
        %parallel_loop3A_193 = arith.index_cast %parallel_loop3A_176 : i32 to index
        %parallel_loop3A_194 = arith.constant 32 : index
        %parallel_loop3A_195 = tpu.vector_load %arg16[%parallel_loop3A_193, %parallel_loop3A_194] {strides = array<i32>} : memref<128x64xf32, #tpu.memory_space<vmem>>, vector<16xf32>,
        %parallel_loop3A_196 = arith.mulf %parallel_loop3A_195, %parallel_loop3A_178 : vector<16xf32>
        %parallel_loop3A_197 = arith.index_cast %parallel_loop3A_176 : i32 to index
        %parallel_loop3A_198 = arith.constant 32 : index
        %parallel_loop3A_199 = tpu.vector_load %arg16[%parallel_loop3A_197, %parallel_loop3A_198] {strides = array<i32>} : memref<128x64xf32, #tpu.memory_space<vmem>>, vector<16xf32>,
        tpu.vector_store %arg16[%parallel_loop3A_197, %parallel_loop3A_198], %parallel_loop3A_196 {strides = array<i32>} : memref<128x64xf32, #tpu.memory_space<vmem>>, vector<16xf32>,
        %parallel_loop3A_200 = arith.index_cast %parallel_loop3A_176 : i32 to index
        %parallel_loop3A_201 = arith.constant 48 : index
        %parallel_loop3A_202 = tpu.vector_load %arg16[%parallel_loop3A_200, %parallel_loop3A_201] {strides = array<i32>} : memref<128x64xf32, #tpu.memory_space<vmem>>, vector<16xf32>,
        %parallel_loop3A_203 = arith.mulf %parallel_loop3A_202, %parallel_loop3A_178 : vector<16xf32>
        %parallel_loop3A_204 = arith.index_cast %parallel_loop3A_176 : i32 to index
        %parallel_loop3A_205 = arith.constant 48 : index
        %parallel_loop3A_206 = tpu.vector_load %arg16[%parallel_loop3A_204, %parallel_loop3A_205] {strides = array<i32>} : memref<128x64xf32, #tpu.memory_space<vmem>>, vector<16xf32>,
        tpu.vector_store %arg16[%parallel_loop3A_204, %parallel_loop3A_205], %parallel_loop3A_203 {strides = array<i32>} : memref<128x64xf32, #tpu.memory_space<vmem>>, vector<16xf32>,
      } {sc.loop_unroll_factor = 4 : i64, sc.parallel_access}
      %dma_start3A_157 = arith.constant 0 : i32
      %dma_start3A_158 = arith.constant 0 : i32
      %dma_start3A_159 = tpu.memref_slice %arg11[%dma_start3A_157, %dma_start3A_158] : memref<2x128xi32, #tpu.memory_space<vmem>> -> memref<1x128xi32, #tpu.memory_space<vmem>>
      %dma_start3A_160 = tpu.memref_squeeze %dma_start3A_159 : memref<1x128xi32, #tpu.memory_space<vmem>> -> memref<128xi32, #tpu.memory_space<vmem>>
      %dma_start3A_161 = arith.constant 0 : i32
      %dma_start3A_162 = arith.constant 0 : i32
      %dma_start3A_163 = tpu.memref_slice %arg20[%dma_start3A_161, %dma_start3A_162] : memref<10000x64xf32, #tpu.memory_space<vmem_shared>> -> memref<10000x64xf32, #tpu.memory_space<vmem_shared>>
      tpu.enqueue_indirect_dma source(%arg16 : memref<128x64xf32, #tpu.memory_space<vmem>>) target(%dma_start3A_163 : memref<10000x64xf32, #tpu.memory_space<vmem_shared>>) offsets(%dma_start3A_160 : memref<128xi32, #tpu.memory_space<vmem>>) semaphore(%arg25 : memref<!tpu.dma_semaphore, #tpu.memory_space<semaphore_mem>>) {add = true}
      %lt3A_164 = arith.constant 79 : i32
      %lt3A_165 = arith.cmpi slt, %add3A_133, %lt3A_164 : i32
      %convert_element_type3A_166 = arith.extui %lt3A_165 : i1 to i32
      %cond3A_167 = arith.constant 0 : i32
      %cond3A_168 = arith.cmpi ne, %convert_element_type3A_166, %cond3A_167 : i32
      scf.if %cond3A_168 {
        %dma_wait3A_176 = arith.constant 1 : i32
        %dma_wait3A_177 = arith.constant 0 : i32
        %dma_wait3A_178 = tpu.memref_slice %arg11[%dma_wait3A_176, %dma_wait3A_177] : memref<2x128xi32, #tpu.memory_space<vmem>> -> memref<1x128xi32, #tpu.memory_space<vmem>>
        %dma_wait3A_179 = tpu.memref_squeeze %dma_wait3A_178 : memref<1x128xi32, #tpu.memory_space<vmem>> -> memref<128xi32, #tpu.memory_space<vmem>>
        %dma_wait3A_180 = tpu.memref_slice %arg3[%add3A] : memref<320112xi32, #tpu.memory_space<hbm>> -> memref<128xi32, #tpu.memory_space<hbm>>
        %dma_wait3A_181 = arith.constant 0 : i32
        %dma_wait3A_182 = tpu.memref_slice %arg11[%dma_wait3A_176, %dma_wait3A_181] : memref<2x128xi32, #tpu.memory_space<vmem>> -> memref<1x128xi32, #tpu.memory_space<vmem>>
        %dma_wait3A_183 = tpu.memref_squeeze %dma_wait3A_182 : memref<1x128xi32, #tpu.memory_space<vmem>> -> memref<128xi32, #tpu.memory_space<vmem>>
        %dma_wait3A_184 = tpu.memref_slice %arg3[%add3A] : memref<320112xi32, #tpu.memory_space<hbm>> -> memref<128xi32, #tpu.memory_space<hbm>>
        tpu.wait_dma2 semaphore(%arg24 : memref<!tpu.dma_semaphore, #tpu.memory_space<semaphore_mem>>) src(%dma_wait3A_184 : memref<128xi32, #tpu.memory_space<hbm>>) dst(%dma_wait3A_183 : memref<128xi32, #tpu.memory_space<vmem>>)
        %dma_wait3A_185 = arith.constant 0 : i32
        %dma_wait3A_186 = arith.constant 0 : i32
        %dma_wait3A_187 = tpu.memref_slice %arg6[%dma_wait3A_185, %dma_wait3A_186] : memref<10000x64xf32, #tpu.memory_space<hbm>> -> memref<128x64xf32, #tpu.memory_space<hbm>>
        %dma_wait3A_188 = arith.constant 0 : i32
        %dma_wait3A_189 = arith.constant 0 : i32
        %dma_wait3A_190 = tpu.memref_slice %arg6[%dma_wait3A_188, %dma_wait3A_189] : memref<10000x64xf32, #tpu.memory_space<hbm>> -> memref<128x64xf32, #tpu.memory_space<hbm>>
        tpu.wait_dma2 semaphore(%arg22 : memref<!tpu.dma_semaphore, #tpu.memory_space<semaphore_mem>>) src(%dma_wait3A_190 : memref<128x64xf32, #tpu.memory_space<hbm>>) dst(%arg17 : memref<128x64xf32, #tpu.memory_space<vmem>>)
        %parallel_loop3A_191 = arith.constant 0 : i32
        %parallel_loop3A_192 = arith.constant 8 : i32
        %parallel_loop3A_193 = arith.constant 1 : i32
        scf.for %parallel_loop3A_204 = %parallel_loop3A_191 to %parallel_loop3A_192 step %parallel_loop3A_193  : i32 {
          %parallel_loop3A_205 = arith.constant 128 : i32
          %parallel_loop3A_206 = arith.muli %add3A_133, %parallel_loop3A_205 : i32
          %parallel_loop3A_207 = arith.addi %mul3A_72, %parallel_loop3A_206 : i32
          %parallel_loop3A_208 = arith.constant 16 : i32
          %parallel_loop3A_209 = arith.muli %parallel_loop3A_204, %parallel_loop3A_208 : i32
          %parallel_loop3A_210 = arith.addi %parallel_loop3A_207, %parallel_loop3A_209 : i32
          %parallel_loop3A_211 = arith.index_cast %parallel_loop3A_210 : i32 to index
          %parallel_loop3A_212 = tpu.vector_load %arg9[%parallel_loop3A_211] {strides = array<i32>} : memref<20112xi32, #tpu.memory_space<vmem>>, vector<16xi32>,
          %parallel_loop3A_213 = arith.index_cast %parallel_loop3A_210 : i32 to index
          %parallel_loop3A_214 = tpu.vector_load %arg10[%parallel_loop3A_213] {strides = array<i32>} : memref<20112xi32, #tpu.memory_space<vmem>>, vector<16xi32>,
          %parallel_loop3A_215 = tpu.vector_load_idx %arg12[%parallel_loop3A_212] : memref<10000xf32, #tpu.memory_space<vmem>>[vector<16xi32>], vector<16xf32>,
          %parallel_loop3A_216 = tpu.vector_load_idx %arg13[%parallel_loop3A_214] : memref<10000xf32, #tpu.memory_space<vmem>>[vector<16xi32>], vector<16xf32>,
          %parallel_loop3A_217 = arith.addf %parallel_loop3A_215, %parallel_loop3A_216 : vector<16xf32>
          %parallel_loop3A_218 = arith.constant 0.000000e+00 : f32
          %parallel_loop3A_219 = vector.broadcast %parallel_loop3A_218 : f32 to vector<16xf32>
          %parallel_loop3A_220 = arith.cmpf oge, %parallel_loop3A_217, %parallel_loop3A_219 : vector<16xf32>
          %parallel_loop3A_221 = arith.constant 2.000000e-01 : f32
          %parallel_loop3A_222 = vector.broadcast %parallel_loop3A_221 : f32 to vector<16xf32>
          %parallel_loop3A_223 = arith.mulf %parallel_loop3A_222, %parallel_loop3A_217 : vector<16xf32>
          %parallel_loop3A_224 = arith.select %parallel_loop3A_220, %parallel_loop3A_217, %parallel_loop3A_223 : vector<16xi1>, vector<16xf32>
          %parallel_loop3A_225 = arith.subf %parallel_loop3A_224, %get3A_53 : vector<16xf32>
          %parallel_loop3A_226 = math.exp %parallel_loop3A_225 : vector<16xf32>
          %parallel_loop3A_227 = arith.constant 8 : i32
          %parallel_loop3A_228 = vector.broadcast %parallel_loop3A_227 : i32 to vector<16xi32>
          %parallel_loop3A_229 = arith.shrsi %parallel_loop3A_214, %parallel_loop3A_228 : vector<16xi32>
          %parallel_loop3A_230 = arith.constant 255 : i32
          %parallel_loop3A_231 = vector.broadcast %parallel_loop3A_230 : i32 to vector<16xi32>
          %parallel_loop3A_232 = arith.andi %parallel_loop3A_214, %parallel_loop3A_231 : vector<16xi32>
          %parallel_loop3A_233 = tpu.vector_load_idx %arg14[%parallel_loop3A_229, %parallel_loop3A_232] : memref<48x256xf32, #tpu.memory_space<vmem>>[vector<16xi32>, vector<16xi32>], vector<16xf32>,
          %parallel_loop3A_234 = arith.constant 1.000000e-16 : f32
          %parallel_loop3A_235 = vector.broadcast %parallel_loop3A_234 : f32 to vector<16xf32>
          %parallel_loop3A_236 = arith.addf %parallel_loop3A_233, %parallel_loop3A_235 : vector<16xf32>
          %parallel_loop3A_237 = arith.divf %parallel_loop3A_226, %parallel_loop3A_236 : vector<16xf32>
          %parallel_loop3A_238 = arith.constant 128 : i32
          %parallel_loop3A_239 = arith.muli %add3A_133, %parallel_loop3A_238 : i32
          %parallel_loop3A_240 = arith.constant 16 : i32
          %parallel_loop3A_241 = arith.muli %parallel_loop3A_204, %parallel_loop3A_240 : i32
          %parallel_loop3A_242 = arith.addi %parallel_loop3A_239, %parallel_loop3A_241 : i32
          %parallel_loop3A_243 = arith.constant 10000 : i32
          %parallel_loop3A_244 = arith.cmpi slt, %parallel_loop3A_242, %parallel_loop3A_243 : i32
          %parallel_loop3A_245 = arith.select %parallel_loop3A_244, %parallel_loop3A_237, %broadcast_in_dim3A_0 : vector<16xf32>
          %parallel_loop3A_246 = arith.constant 16 : i32
          %parallel_loop3A_247 = arith.muli %parallel_loop3A_204, %parallel_loop3A_246 : i32
          %parallel_loop3A_248 = arith.index_cast %parallel_loop3A_247 : i32 to index
          %parallel_loop3A_249 = tpu.vector_load %arg18[%parallel_loop3A_248] {strides = array<i32>} : memref<128xf32, #tpu.memory_space<vmem>>, vector<16xf32>,
          tpu.vector_store %arg18[%parallel_loop3A_248], %parallel_loop3A_245 {strides = array<i32>} : memref<128xf32, #tpu.memory_space<vmem>>, vector<16xf32>,
        } {sc.loop_unroll_factor = 4 : i64, sc.parallel_access}
        %parallel_loop3A_194 = arith.constant 0 : i32
        %parallel_loop3A_195 = arith.constant 128 : i32
        %parallel_loop3A_196 = arith.constant 1 : i32
        scf.for %parallel_loop3A_204 = %parallel_loop3A_194 to %parallel_loop3A_195 step %parallel_loop3A_196  : i32 {
          %parallel_loop3A_205 = vector.broadcast %parallel_loop3A_204 : i32 to vector<16xi32>
          %parallel_loop3A_206 = tpu.vector_load_idx %arg18[%parallel_loop3A_205] : memref<128xf32, #tpu.memory_space<vmem>>[vector<16xi32>], vector<16xf32>,
          %parallel_loop3A_207 = arith.index_cast %parallel_loop3A_204 : i32 to index
          %parallel_loop3A_208 = arith.constant 0 : index
          %parallel_loop3A_209 = tpu.vector_load %arg17[%parallel_loop3A_207, %parallel_loop3A_208] {strides = array<i32>} : memref<128x64xf32, #tpu.memory_space<vmem>>, vector<16xf32>,
          %parallel_loop3A_210 = arith.mulf %parallel_loop3A_209, %parallel_loop3A_206 : vector<16xf32>
          %parallel_loop3A_211 = arith.index_cast %parallel_loop3A_204 : i32 to index
          %parallel_loop3A_212 = arith.constant 0 : index
          %parallel_loop3A_213 = tpu.vector_load %arg17[%parallel_loop3A_211, %parallel_loop3A_212] {strides = array<i32>} : memref<128x64xf32, #tpu.memory_space<vmem>>, vector<16xf32>,
          tpu.vector_store %arg17[%parallel_loop3A_211, %parallel_loop3A_212], %parallel_loop3A_210 {strides = array<i32>} : memref<128x64xf32, #tpu.memory_space<vmem>>, vector<16xf32>,
          %parallel_loop3A_214 = arith.index_cast %parallel_loop3A_204 : i32 to index
          %parallel_loop3A_215 = arith.constant 16 : index
          %parallel_loop3A_216 = tpu.vector_load %arg17[%parallel_loop3A_214, %parallel_loop3A_215] {strides = array<i32>} : memref<128x64xf32, #tpu.memory_space<vmem>>, vector<16xf32>,
          %parallel_loop3A_217 = arith.mulf %parallel_loop3A_216, %parallel_loop3A_206 : vector<16xf32>
          %parallel_loop3A_218 = arith.index_cast %parallel_loop3A_204 : i32 to index
          %parallel_loop3A_219 = arith.constant 16 : index
          %parallel_loop3A_220 = tpu.vector_load %arg17[%parallel_loop3A_218, %parallel_loop3A_219] {strides = array<i32>} : memref<128x64xf32, #tpu.memory_space<vmem>>, vector<16xf32>,
          tpu.vector_store %arg17[%parallel_loop3A_218, %parallel_loop3A_219], %parallel_loop3A_217 {strides = array<i32>} : memref<128x64xf32, #tpu.memory_space<vmem>>, vector<16xf32>,
          %parallel_loop3A_221 = arith.index_cast %parallel_loop3A_204 : i32 to index
          %parallel_loop3A_222 = arith.constant 32 : index
          %parallel_loop3A_223 = tpu.vector_load %arg17[%parallel_loop3A_221, %parallel_loop3A_222] {strides = array<i32>} : memref<128x64xf32, #tpu.memory_space<vmem>>, vector<16xf32>,
          %parallel_loop3A_224 = arith.mulf %parallel_loop3A_223, %parallel_loop3A_206 : vector<16xf32>
          %parallel_loop3A_225 = arith.index_cast %parallel_loop3A_204 : i32 to index
          %parallel_loop3A_226 = arith.constant 32 : index
          %parallel_loop3A_227 = tpu.vector_load %arg17[%parallel_loop3A_225, %parallel_loop3A_226] {strides = array<i32>} : memref<128x64xf32, #tpu.memory_space<vmem>>, vector<16xf32>,
          tpu.vector_store %arg17[%parallel_loop3A_225, %parallel_loop3A_226], %parallel_loop3A_224 {strides = array<i32>} : memref<128x64xf32, #tpu.memory_space<vmem>>, vector<16xf32>,
          %parallel_loop3A_228 = arith.index_cast %parallel_loop3A_204 : i32 to index
          %parallel_loop3A_229 = arith.constant 48 : index
          %parallel_loop3A_230 = tpu.vector_load %arg17[%parallel_loop3A_228, %parallel_loop3A_229] {strides = array<i32>} : memref<128x64xf32, #tpu.memory_space<vmem>>, vector<16xf32>,
          %parallel_loop3A_231 = arith.mulf %parallel_loop3A_230, %parallel_loop3A_206 : vector<16xf32>
          %parallel_loop3A_232 = arith.index_cast %parallel_loop3A_204 : i32 to index
          %parallel_loop3A_233 = arith.constant 48 : index
          %parallel_loop3A_234 = tpu.vector_load %arg17[%parallel_loop3A_232, %parallel_loop3A_233] {strides = array<i32>} : memref<128x64xf32, #tpu.memory_space<vmem>>, vector<16xf32>,
          tpu.vector_store %arg17[%parallel_loop3A_232, %parallel_loop3A_233], %parallel_loop3A_231 {strides = array<i32>} : memref<128x64xf32, #tpu.memory_space<vmem>>, vector<16xf32>,
        } {sc.loop_unroll_factor = 4 : i64, sc.parallel_access}
        %dma_start3A_197 = arith.constant 1 : i32
        %dma_start3A_198 = arith.constant 0 : i32
        %dma_start3A_199 = tpu.memref_slice %arg11[%dma_start3A_197, %dma_start3A_198] : memref<2x128xi32, #tpu.memory_space<vmem>> -> memref<1x128xi32, #tpu.memory_space<vmem>>
        %dma_start3A_200 = tpu.memref_squeeze %dma_start3A_199 : memref<1x128xi32, #tpu.memory_space<vmem>> -> memref<128xi32, #tpu.memory_space<vmem>>
        %dma_start3A_201 = arith.constant 0 : i32
        %dma_start3A_202 = arith.constant 0 : i32
        %dma_start3A_203 = tpu.memref_slice %arg20[%dma_start3A_201, %dma_start3A_202] : memref<10000x64xf32, #tpu.memory_space<vmem_shared>> -> memref<10000x64xf32, #tpu.memory_space<vmem_shared>>
        tpu.enqueue_indirect_dma source(%arg17 : memref<128x64xf32, #tpu.memory_space<vmem>>) target(%dma_start3A_203 : memref<10000x64xf32, #tpu.memory_space<vmem_shared>>) offsets(%dma_start3A_200 : memref<128xi32, #tpu.memory_space<vmem>>) semaphore(%arg26 : memref<!tpu.dma_semaphore, #tpu.memory_space<semaphore_mem>>) {add = true}
      } else {
      }
      %add3A_169 = arith.constant 2 : i32
      %add3A_170 = arith.addi %mul3A_131, %add3A_169 : i32
      %lt3A_171 = arith.constant 79 : i32
      %lt3A_172 = arith.cmpi slt, %add3A_170, %lt3A_171 : i32
      %convert_element_type3A_173 = arith.extui %lt3A_172 : i1 to i32
      %cond3A_174 = arith.constant 0 : i32
      %cond3A_175 = arith.cmpi ne, %convert_element_type3A_173, %cond3A_174 : i32
      scf.if %cond3A_175 {
        %dma_wait3A_176 = arith.constant 0 : i32
        %dma_wait3A_177 = arith.constant 0 : i32
        %dma_wait3A_178 = tpu.memref_slice %arg11[%dma_wait3A_176, %dma_wait3A_177] : memref<2x128xi32, #tpu.memory_space<vmem>> -> memref<1x128xi32, #tpu.memory_space<vmem>>
        %dma_wait3A_179 = tpu.memref_squeeze %dma_wait3A_178 : memref<1x128xi32, #tpu.memory_space<vmem>> -> memref<128xi32, #tpu.memory_space<vmem>>
        %dma_wait3A_180 = arith.constant 0 : i32
        %dma_wait3A_181 = arith.constant 0 : i32
        %dma_wait3A_182 = tpu.memref_slice %arg20[%dma_wait3A_180, %dma_wait3A_181] : memref<10000x64xf32, #tpu.memory_space<vmem_shared>> -> memref<10000x64xf32, #tpu.memory_space<vmem_shared>>
        tpu.wait_indirect_dma semaphore(%arg25 : memref<!tpu.dma_semaphore, #tpu.memory_space<semaphore_mem>>) src(%arg16 : memref<128x64xf32, #tpu.memory_space<vmem>>) dst(%dma_wait3A_182 : memref<10000x64xf32, #tpu.memory_space<vmem_shared>>)
        %add3A_183 = arith.constant 2 : i32
        %add3A_184 = arith.addi %mul3A_131, %add3A_183 : i32
        %mul3A_185 = arith.constant 128 : i32
        %mul3A_186 = arith.muli %add3A_184, %mul3A_185 : i32
        %add3A_187 = arith.addi %add3A, %mul3A_186 : i32
        %dma_start3A_188 = arith.constant 0 : i32
        %dma_start3A_189 = arith.constant 0 : i32
        %dma_start3A_190 = tpu.memref_slice %arg11[%dma_start3A_188, %dma_start3A_189] : memref<2x128xi32, #tpu.memory_space<vmem>> -> memref<1x128xi32, #tpu.memory_space<vmem>>
        %dma_start3A_191 = tpu.memref_squeeze %dma_start3A_190 : memref<1x128xi32, #tpu.memory_space<vmem>> -> memref<128xi32, #tpu.memory_space<vmem>>
        %dma_start3A_192 = tpu.memref_slice %arg3[%add3A_187] : memref<320112xi32, #tpu.memory_space<hbm>> -> memref<128xi32, #tpu.memory_space<hbm>>
        %dma_start3A_193 = arith.constant 0 : i32
        %dma_start3A_194 = tpu.memref_slice %arg11[%dma_start3A_188, %dma_start3A_193] : memref<2x128xi32, #tpu.memory_space<vmem>> -> memref<1x128xi32, #tpu.memory_space<vmem>>
        %dma_start3A_195 = tpu.memref_squeeze %dma_start3A_194 : memref<1x128xi32, #tpu.memory_space<vmem>> -> memref<128xi32, #tpu.memory_space<vmem>>
        %dma_start3A_196 = tpu.memref_slice %arg3[%add3A_187] : memref<320112xi32, #tpu.memory_space<hbm>> -> memref<128xi32, #tpu.memory_space<hbm>>
        tpu.enqueue_dma source(%dma_start3A_196 : memref<128xi32, #tpu.memory_space<hbm>>) target(%dma_start3A_195 : memref<128xi32, #tpu.memory_space<vmem>>) target_semaphore(%arg23 : memref<!tpu.dma_semaphore, #tpu.memory_space<semaphore_mem>>)
        %add3A_197 = arith.constant 2 : i32
        %add3A_198 = arith.addi %mul3A_131, %add3A_197 : i32
        %mul3A_199 = arith.constant 128 : i32
        %mul3A_200 = arith.muli %add3A_198, %mul3A_199 : i32
        %add3A_201 = arith.addi %mul3A_72, %mul3A_200 : i32
        %dma_start3A_202 = tpu.memref_slice %arg9[%add3A_201] : memref<20112xi32, #tpu.memory_space<vmem>> -> memref<128xi32, #tpu.memory_space<vmem>>
        %dma_start3A_203 = arith.constant 0 : i32
        %dma_start3A_204 = arith.constant 0 : i32
        %dma_start3A_205 = tpu.memref_slice %arg6[%dma_start3A_203, %dma_start3A_204] : memref<10000x64xf32, #tpu.memory_space<hbm>> -> memref<10000x64xf32, #tpu.memory_space<hbm>>
        tpu.enqueue_indirect_dma source(%dma_start3A_205 : memref<10000x64xf32, #tpu.memory_space<hbm>>) target(%arg16 : memref<128x64xf32, #tpu.memory_space<vmem>>) offsets(%dma_start3A_202 : memref<128xi32, #tpu.memory_space<vmem>>) semaphore(%arg21 : memref<!tpu.dma_semaphore, #tpu.memory_space<semaphore_mem>>)
      } else {
      }
    }
    %scan3A_111 = arith.constant 40 : i32
    %dma_wait3A_112 = arith.constant 0 : i32
    %dma_wait3A_113 = arith.constant 0 : i32
    %dma_wait3A_114 = tpu.memref_slice %arg11[%dma_wait3A_112, %dma_wait3A_113] : memref<2x128xi32, #tpu.memory_space<vmem>> -> memref<1x128xi32, #tpu.memory_space<vmem>>
    %dma_wait3A_115 = tpu.memref_squeeze %dma_wait3A_114 : memref<1x128xi32, #tpu.memory_space<vmem>> -> memref<128xi32, #tpu.memory_space<vmem>>
    %dma_wait3A_116 = arith.constant 0 : i32
    %dma_wait3A_117 = arith.constant 0 : i32
    %dma_wait3A_118 = tpu.memref_slice %arg20[%dma_wait3A_116, %dma_wait3A_117] : memref<10000x64xf32, #tpu.memory_space<vmem_shared>> -> memref<10000x64xf32, #tpu.memory_space<vmem_shared>>
    tpu.wait_indirect_dma semaphore(%arg25 : memref<!tpu.dma_semaphore, #tpu.memory_space<semaphore_mem>>) src(%arg16 : memref<128x64xf32, #tpu.memory_space<vmem>>) dst(%dma_wait3A_118 : memref<10000x64xf32, #tpu.memory_space<vmem_shared>>)
    %dma_wait3A_119 = arith.constant 0 : i32
    %dma_wait3A_120 = arith.constant 0 : i32
    %dma_wait3A_121 = tpu.memref_slice %arg11[%dma_wait3A_119, %dma_wait3A_120] : memref<2x128xi32, #tpu.memory_space<vmem>> -> memref<1x128xi32, #tpu.memory_space<vmem>>
    %dma_wait3A_122 = tpu.memref_squeeze %dma_wait3A_121 : memref<1x128xi32, #tpu.memory_space<vmem>> -> memref<128xi32, #tpu.memory_space<vmem>>
    %dma_wait3A_123 = arith.constant 0 : i32
    %dma_wait3A_124 = arith.constant 0 : i32
    %dma_wait3A_125 = tpu.memref_slice %arg20[%dma_wait3A_123, %dma_wait3A_124] : memref<10000x64xf32, #tpu.memory_space<vmem_shared>> -> memref<10000x64xf32, #tpu.memory_space<vmem_shared>>
    tpu.wait_indirect_dma semaphore(%arg26 : memref<!tpu.dma_semaphore, #tpu.memory_space<semaphore_mem>>) src(%arg17 : memref<128x64xf32, #tpu.memory_space<vmem>>) dst(%dma_wait3A_125 : memref<10000x64xf32, #tpu.memory_space<vmem_shared>>)
    %barrier3A_126 = arith.constant 0 : index
    tpu.barrier barrier_id(%barrier3A_126)
    %lt3A = arith.constant 10 : i32
    %lt3A_127 = arith.cmpi slt, %arg1, %lt3A : i32
    %convert_element_type3A = arith.extui %lt3A_127 : i1 to i32
    %cond3A = arith.constant 0 : i32
    %cond3A_128 = arith.cmpi ne, %convert_element_type3A, %cond3A : i32
    scf.if %cond3A_128 {
      %mul3A_129 = arith.constant 1000 : i32
      %mul3A_130 = arith.muli %arg1, %mul3A_129 : i32
      %mul3A_131 = arith.constant 10000 : i32
      %mul3A_132 = arith.muli %arg0, %mul3A_131 : i32
      %mul3A_133 = arith.constant 1000 : i32
      %mul3A_134 = arith.muli %arg1, %mul3A_133 : i32
      %add3A_135 = arith.addi %mul3A_132, %mul3A_134 : i32
      "tpu.region"() ({
        %run_scoped3A_136 = tpu.sem_alloc : memref<!tpu.dma_semaphore, #tpu.memory_space<semaphore_mem>>
        %dma_start3A_137 = arith.constant 0 : i32
        %dma_start3A_138 = tpu.memref_slice %arg8[%add3A_135, %dma_start3A_137] : memref<20000x64xf32, #tpu.memory_space<hbm>> -> memref<1000x64xf32, #tpu.memory_space<hbm>>
        %dma_start3A_139 = arith.constant 0 : i32
        %dma_start3A_140 = tpu.memref_slice %arg20[%mul3A_130, %dma_start3A_139] : memref<10000x64xf32, #tpu.memory_space<vmem_shared>> -> memref<1000x64xf32, #tpu.memory_space<vmem_shared>>
        tpu.enqueue_dma source(%dma_start3A_140 : memref<1000x64xf32, #tpu.memory_space<vmem_shared>>) target(%dma_start3A_138 : memref<1000x64xf32, #tpu.memory_space<hbm>>) target_semaphore(%run_scoped3A_136 : memref<!tpu.dma_semaphore, #tpu.memory_space<semaphore_mem>>)
        %dma_wait3A_141 = arith.constant 0 : i32
        %dma_wait3A_142 = tpu.memref_slice %arg8[%add3A_135, %dma_wait3A_141] : memref<20000x64xf32, #tpu.memory_space<hbm>> -> memref<1000x64xf32, #tpu.memory_space<hbm>>
        %dma_wait3A_143 = arith.constant 0 : i32
        %dma_wait3A_144 = tpu.memref_slice %arg20[%mul3A_130, %dma_wait3A_143] : memref<10000x64xf32, #tpu.memory_space<vmem_shared>> -> memref<1000x64xf32, #tpu.memory_space<vmem_shared>>
        tpu.wait_dma2 semaphore(%run_scoped3A_136 : memref<!tpu.dma_semaphore, #tpu.memory_space<semaphore_mem>>) src(%dma_wait3A_144 : memref<1000x64xf32, #tpu.memory_space<vmem_shared>>) dst(%dma_wait3A_142 : memref<1000x64xf32, #tpu.memory_space<hbm>>)
        tpu.yield
      }) : () -> ()
    } else {
    }
    return
  }
}

module attributes {stable_mosaic.version = 14 : i64} {
  func.func @body(%arg0: memref<10000x128xf32, #tpu.memory_space<vmem>>, %arg1: memref<128x64xf32, #tpu.memory_space<vmem>>, %arg2: memref<1x64xf32, #tpu.memory_space<vmem>>, %arg3: memref<1x64xf32, #tpu.memory_space<vmem>>, %arg4: memref<10000x64xf32, #tpu.memory_space<vmem>>, %arg5: memref<10000x1xf32, #tpu.memory_space<vmem>>, %arg6: memref<10000x1xf32, #tpu.memory_space<vmem>>, %arg7: memref<1x128xf32, #tpu.memory_space<vmem>>) attributes {dimension_semantics = [], scalar_prefetch = 0 : i64, scratch_operands = 0 : i64, tpu.core_type = #tpu.core_type<tc>} {
    %get3A = arith.constant 0 : index
    %get3A_0 = arith.constant 0 : index
    %get3A_1 = vector.load %arg0[%get3A, %get3A_0] : memref<10000x128xf32, #tpu.memory_space<vmem>>, vector<10000x128xf32>
    %get3A_2 = arith.constant 0 : index
    %get3A_3 = arith.constant 0 : index
    %get3A_4 = vector.load %arg1[%get3A_2, %get3A_3] : memref<128x64xf32, #tpu.memory_space<vmem>>, vector<128x64xf32>
    %dot_general3A = arith.constant dense<0.000000e+00> : vector<10000x64xf32>
    %dot_general3A_5 = tpu.matmul %get3A_1, %get3A_4, %dot_general3A {dimension_numbers = #tpu.dot_dimension_numbers<[1], [0], [0], [1], [0, 0, 1, 1], [], []>, transpose_lhs_hint = false} : vector<10000x128xf32>, vector<128x64xf32>, vector<10000x64xf32> -> vector<10000x64xf32>
    %swap3A = arith.constant 0 : index
    %swap3A_6 = arith.constant 0 : index
    %swap3A_7 = vector.load %arg4[%swap3A, %swap3A_6] : memref<10000x64xf32, #tpu.memory_space<vmem>>, vector<10000x64xf32>
    tpu.vector_store %arg4[%swap3A, %swap3A_6], %dot_general3A_5 {strides = array<i32>} : memref<10000x64xf32, #tpu.memory_space<vmem>>, vector<10000x64xf32>,
    %get3A_8 = arith.constant 0 : index
    %get3A_9 = arith.constant 0 : index
    %get3A_10 = vector.load %arg2[%get3A_8, %get3A_9] : memref<1x64xf32, #tpu.memory_space<vmem>>, vector<1x64xf32>
    %mul3A = vector.broadcast %get3A_10 : vector<1x64xf32> to vector<10000x64xf32>
    %mul3A_11 = arith.mulf %dot_general3A_5, %mul3A : vector<10000x64xf32>
    %reduce_sum3A = arith.constant dense<0.000000e+00> : vector<10000xf32>
    %reduce_sum3A_12 = vector.multi_reduction <add>, %mul3A_11, %reduce_sum3A [1] : vector<10000x64xf32> to vector<10000xf32>
    %broadcast_in_dim3A = vector.shape_cast %reduce_sum3A_12 : vector<10000xf32> to vector<10000x1xf32>
    %get3A_13 = arith.constant 0 : index
    %get3A_14 = arith.constant 0 : index
    %get3A_15 = vector.load %arg3[%get3A_13, %get3A_14] : memref<1x64xf32, #tpu.memory_space<vmem>>, vector<1x64xf32>
    %mul3A_16 = vector.broadcast %get3A_15 : vector<1x64xf32> to vector<10000x64xf32>
    %mul3A_17 = arith.mulf %dot_general3A_5, %mul3A_16 : vector<10000x64xf32>
    %reduce_sum3A_18 = arith.constant dense<0.000000e+00> : vector<10000xf32>
    %reduce_sum3A_19 = vector.multi_reduction <add>, %mul3A_17, %reduce_sum3A_18 [1] : vector<10000x64xf32> to vector<10000xf32>
    %broadcast_in_dim3A_20 = vector.shape_cast %reduce_sum3A_19 : vector<10000xf32> to vector<10000x1xf32>
    %swap3A_21 = arith.constant 0 : index
    %swap3A_22 = arith.constant 0 : index
    %swap3A_23 = vector.load %arg5[%swap3A_21, %swap3A_22] : memref<10000x1xf32, #tpu.memory_space<vmem>>, vector<10000x1xf32>
    tpu.vector_store %arg5[%swap3A_21, %swap3A_22], %broadcast_in_dim3A {strides = array<i32>} : memref<10000x1xf32, #tpu.memory_space<vmem>>, vector<10000x1xf32>,
    %swap3A_24 = arith.constant 0 : index
    %swap3A_25 = arith.constant 0 : index
    %swap3A_26 = vector.load %arg6[%swap3A_24, %swap3A_25] : memref<10000x1xf32, #tpu.memory_space<vmem>>, vector<10000x1xf32>
    tpu.vector_store %arg6[%swap3A_24, %swap3A_25], %broadcast_in_dim3A_20 {strides = array<i32>} : memref<10000x1xf32, #tpu.memory_space<vmem>>, vector<10000x1xf32>,
    %reduce_max3A = vector.shape_cast %broadcast_in_dim3A : vector<10000x1xf32> to vector<1x10000x1xf32>
    %reduce_max3A_27 = arith.constant dense<0xFF800000> : vector<1xf32>
    %reduce_max3A_28 = vector.multi_reduction <maximumf>, %reduce_max3A, %reduce_max3A_27 [1, 2] : vector<1x10000x1xf32> to vector<1xf32>
    %reduce_max3A_29 = vector.shape_cast %reduce_max3A_28 : vector<1xf32> to vector<1x1x1xf32>
    %reduce_max3A_30 = vector.extract %reduce_max3A_29[0, 0, 0] : f32 from vector<1x1x1xf32>
    %reduce_max3A_31 = vector.shape_cast %broadcast_in_dim3A_20 : vector<10000x1xf32> to vector<1x10000x1xf32>
    %reduce_max3A_32 = arith.constant dense<0xFF800000> : vector<1xf32>
    %reduce_max3A_33 = vector.multi_reduction <maximumf>, %reduce_max3A_31, %reduce_max3A_32 [1, 2] : vector<1x10000x1xf32> to vector<1xf32>
    %reduce_max3A_34 = vector.shape_cast %reduce_max3A_33 : vector<1xf32> to vector<1x1x1xf32>
    %reduce_max3A_35 = vector.extract %reduce_max3A_34[0, 0, 0] : f32 from vector<1x1x1xf32>
    %add3A = arith.addf %reduce_max3A_30, %reduce_max3A_35 : f32
    %ge3A = arith.constant 0.000000e+00 : f32
    %ge3A_36 = arith.cmpf oge, %add3A, %ge3A : f32
    %mul3A_37 = arith.constant 2.000000e-01 : f32
    %mul3A_38 = arith.mulf %mul3A_37, %add3A : f32
    %select_n3A = arith.select %ge3A_36, %add3A, %mul3A_38 : f32
    %broadcast_in_dim3A_39 = vector.broadcast %select_n3A : f32 to vector<1x128xf32>
    %swap3A_40 = arith.constant 0 : index
    %swap3A_41 = arith.constant 0 : index
    %swap3A_42 = vector.load %arg7[%swap3A_40, %swap3A_41] : memref<1x128xf32, #tpu.memory_space<vmem>>, vector<1x128xf32>
    tpu.vector_store %arg7[%swap3A_40, %swap3A_41], %broadcast_in_dim3A_39 {strides = array<i32>} : memref<1x128xf32, #tpu.memory_space<vmem>>, vector<1x128xf32>,
    return
  }
}

module attributes {stable_mosaic.version = 14 : i64} {
  func.func @body(%arg0: memref<2x10000x64xf32, #tpu.memory_space<vmem>>, %arg1: memref<1x64xf32, #tpu.memory_space<vmem>>, %arg2: memref<1x64xf32, #tpu.memory_space<vmem>>, %arg3: memref<1x64xf32, #tpu.memory_space<vmem>>, %arg4: memref<64x64xf32, #tpu.memory_space<vmem>>, %arg5: memref<1x64xf32, #tpu.memory_space<vmem>>, %arg6: memref<1x64xf32, #tpu.memory_space<vmem>>, %arg7: memref<10000x64xf32, #tpu.memory_space<vmem>>, %arg8: memref<10000x1xf32, #tpu.memory_space<vmem>>, %arg9: memref<10000x1xf32, #tpu.memory_space<vmem>>, %arg10: memref<1x128xf32, #tpu.memory_space<vmem>>) attributes {dimension_semantics = [], scalar_prefetch = 0 : i64, scratch_operands = 0 : i64, tpu.core_type = #tpu.core_type<tc>} {
    %get3A = arith.constant 0 : index
    %get3A_0 = arith.constant 0 : index
    %get3A_1 = arith.constant 0 : index
    %get3A_2 = vector.load %arg0[%get3A, %get3A_0, %get3A_1] : memref<2x10000x64xf32, #tpu.memory_space<vmem>>, vector<1x10000x64xf32>
    %get3A_3 = vector.shape_cast %get3A_2 : vector<1x10000x64xf32> to vector<10000x64xf32>
    %get3A_4 = arith.constant 1 : index
    %get3A_5 = arith.constant 0 : index
    %get3A_6 = arith.constant 0 : index
    %get3A_7 = vector.load %arg0[%get3A_4, %get3A_5, %get3A_6] : memref<2x10000x64xf32, #tpu.memory_space<vmem>>, vector<1x10000x64xf32>
    %get3A_8 = vector.shape_cast %get3A_7 : vector<1x10000x64xf32> to vector<10000x64xf32>
    %add3A = arith.addf %get3A_3, %get3A_8 : vector<10000x64xf32>
    %get3A_9 = arith.constant 0 : index
    %get3A_10 = arith.constant 0 : index
    %get3A_11 = vector.load %arg1[%get3A_9, %get3A_10] : memref<1x64xf32, #tpu.memory_space<vmem>>, vector<1x64xf32>
    %add3A_12 = vector.broadcast %get3A_11 : vector<1x64xf32> to vector<10000x64xf32>
    %add3A_13 = arith.addf %add3A, %add3A_12 : vector<10000x64xf32>
    %reduce_sum3A = arith.constant dense<0.000000e+00> : vector<64xf32>
    %reduce_sum3A_14 = vector.multi_reduction <add>, %add3A_13, %reduce_sum3A [0] : vector<10000x64xf32> to vector<64xf32>
    %broadcast_in_dim3A = vector.shape_cast %reduce_sum3A_14 : vector<64xf32> to vector<1x64xf32>
    %mul3A = arith.constant 9.99999974E-5 : f32
    %mul3A_15 = vector.broadcast %mul3A : f32 to vector<1x64xf32>
    %mul3A_16 = arith.mulf %broadcast_in_dim3A, %mul3A_15 : vector<1x64xf32>
    %mul3A_17 = arith.mulf %add3A_13, %add3A_13 : vector<10000x64xf32>
    %reduce_sum3A_18 = arith.constant dense<0.000000e+00> : vector<64xf32>
    %reduce_sum3A_19 = vector.multi_reduction <add>, %mul3A_17, %reduce_sum3A_18 [0] : vector<10000x64xf32> to vector<64xf32>
    %broadcast_in_dim3A_20 = vector.shape_cast %reduce_sum3A_19 : vector<64xf32> to vector<1x64xf32>
    %mul3A_21 = arith.constant 9.99999974E-5 : f32
    %mul3A_22 = vector.broadcast %mul3A_21 : f32 to vector<1x64xf32>
    %mul3A_23 = arith.mulf %broadcast_in_dim3A_20, %mul3A_22 : vector<1x64xf32>
    %mul3A_24 = arith.mulf %mul3A_16, %mul3A_16 : vector<1x64xf32>
    %sub3A = arith.subf %mul3A_23, %mul3A_24 : vector<1x64xf32>
    %sub3A_25 = vector.broadcast %mul3A_16 : vector<1x64xf32> to vector<10000x64xf32>
    %sub3A_26 = arith.subf %add3A_13, %sub3A_25 : vector<10000x64xf32>
    %add3A_27 = arith.constant 9.99999974E-6 : f32
    %add3A_28 = vector.broadcast %add3A_27 : f32 to vector<1x64xf32>
    %add3A_29 = arith.addf %sub3A, %add3A_28 : vector<1x64xf32>
    %rsqrt3A = math.rsqrt %add3A_29 : vector<1x64xf32>
    %mul3A_30 = vector.broadcast %rsqrt3A : vector<1x64xf32> to vector<10000x64xf32>
    %mul3A_31 = arith.mulf %sub3A_26, %mul3A_30 : vector<10000x64xf32>
    %get3A_32 = arith.constant 0 : index
    %get3A_33 = arith.constant 0 : index
    %get3A_34 = vector.load %arg2[%get3A_32, %get3A_33] : memref<1x64xf32, #tpu.memory_space<vmem>>, vector<1x64xf32>
    %mul3A_35 = vector.broadcast %get3A_34 : vector<1x64xf32> to vector<10000x64xf32>
    %mul3A_36 = arith.mulf %mul3A_31, %mul3A_35 : vector<10000x64xf32>
    %get3A_37 = arith.constant 0 : index
    %get3A_38 = arith.constant 0 : index
    %get3A_39 = vector.load %arg3[%get3A_37, %get3A_38] : memref<1x64xf32, #tpu.memory_space<vmem>>, vector<1x64xf32>
    %add3A_40 = vector.broadcast %get3A_39 : vector<1x64xf32> to vector<10000x64xf32>
    %add3A_41 = arith.addf %mul3A_36, %add3A_40 : vector<10000x64xf32>
    %gt3A = arith.constant 0.000000e+00 : f32
    %gt3A_42 = vector.broadcast %gt3A : f32 to vector<10000x64xf32>
    %gt3A_43 = arith.cmpf ogt, %add3A_41, %gt3A_42 : vector<10000x64xf32>
    %exp3A = math.exp %add3A_41 : vector<10000x64xf32>
    %sub3A_44 = arith.constant 1.000000e+00 : f32
    %sub3A_45 = vector.broadcast %sub3A_44 : f32 to vector<10000x64xf32>
    %sub3A_46 = arith.subf %exp3A, %sub3A_45 : vector<10000x64xf32>
    %select_n3A = arith.select %gt3A_43, %add3A_41, %sub3A_46 : vector<10000x64xi1>, vector<10000x64xf32>
    %get3A_47 = arith.constant 0 : index
    %get3A_48 = arith.constant 0 : index
    %get3A_49 = vector.load %arg4[%get3A_47, %get3A_48] : memref<64x64xf32, #tpu.memory_space<vmem>>, vector<64x64xf32>
    %dot_general3A = arith.constant dense<0.000000e+00> : vector<10000x64xf32>
    %dot_general3A_50 = tpu.matmul %select_n3A, %get3A_49, %dot_general3A {dimension_numbers = #tpu.dot_dimension_numbers<[1], [0], [0], [1], [0, 0, 1, 1], [], []>, transpose_lhs_hint = false} : vector<10000x64xf32>, vector<64x64xf32>, vector<10000x64xf32> -> vector<10000x64xf32>
    %swap3A = arith.constant 0 : index
    %swap3A_51 = arith.constant 0 : index
    %swap3A_52 = vector.load %arg7[%swap3A, %swap3A_51] : memref<10000x64xf32, #tpu.memory_space<vmem>>, vector<10000x64xf32>
    tpu.vector_store %arg7[%swap3A, %swap3A_51], %dot_general3A_50 {strides = array<i32>} : memref<10000x64xf32, #tpu.memory_space<vmem>>, vector<10000x64xf32>,
    %get3A_53 = arith.constant 0 : index
    %get3A_54 = arith.constant 0 : index
    %get3A_55 = vector.load %arg5[%get3A_53, %get3A_54] : memref<1x64xf32, #tpu.memory_space<vmem>>, vector<1x64xf32>
    %mul3A_56 = vector.broadcast %get3A_55 : vector<1x64xf32> to vector<10000x64xf32>
    %mul3A_57 = arith.mulf %dot_general3A_50, %mul3A_56 : vector<10000x64xf32>
    %reduce_sum3A_58 = arith.constant dense<0.000000e+00> : vector<10000xf32>
    %reduce_sum3A_59 = vector.multi_reduction <add>, %mul3A_57, %reduce_sum3A_58 [1] : vector<10000x64xf32> to vector<10000xf32>
    %broadcast_in_dim3A_60 = vector.shape_cast %reduce_sum3A_59 : vector<10000xf32> to vector<10000x1xf32>
    %get3A_61 = arith.constant 0 : index
    %get3A_62 = arith.constant 0 : index
    %get3A_63 = vector.load %arg6[%get3A_61, %get3A_62] : memref<1x64xf32, #tpu.memory_space<vmem>>, vector<1x64xf32>
    %mul3A_64 = vector.broadcast %get3A_63 : vector<1x64xf32> to vector<10000x64xf32>
    %mul3A_65 = arith.mulf %dot_general3A_50, %mul3A_64 : vector<10000x64xf32>
    %reduce_sum3A_66 = arith.constant dense<0.000000e+00> : vector<10000xf32>
    %reduce_sum3A_67 = vector.multi_reduction <add>, %mul3A_65, %reduce_sum3A_66 [1] : vector<10000x64xf32> to vector<10000xf32>
    %broadcast_in_dim3A_68 = vector.shape_cast %reduce_sum3A_67 : vector<10000xf32> to vector<10000x1xf32>
    %swap3A_69 = arith.constant 0 : index
    %swap3A_70 = arith.constant 0 : index
    %swap3A_71 = vector.load %arg8[%swap3A_69, %swap3A_70] : memref<10000x1xf32, #tpu.memory_space<vmem>>, vector<10000x1xf32>
    tpu.vector_store %arg8[%swap3A_69, %swap3A_70], %broadcast_in_dim3A_60 {strides = array<i32>} : memref<10000x1xf32, #tpu.memory_space<vmem>>, vector<10000x1xf32>,
    %swap3A_72 = arith.constant 0 : index
    %swap3A_73 = arith.constant 0 : index
    %swap3A_74 = vector.load %arg9[%swap3A_72, %swap3A_73] : memref<10000x1xf32, #tpu.memory_space<vmem>>, vector<10000x1xf32>
    tpu.vector_store %arg9[%swap3A_72, %swap3A_73], %broadcast_in_dim3A_68 {strides = array<i32>} : memref<10000x1xf32, #tpu.memory_space<vmem>>, vector<10000x1xf32>,
    %reduce_max3A = vector.shape_cast %broadcast_in_dim3A_60 : vector<10000x1xf32> to vector<1x10000x1xf32>
    %reduce_max3A_75 = arith.constant dense<0xFF800000> : vector<1xf32>
    %reduce_max3A_76 = vector.multi_reduction <maximumf>, %reduce_max3A, %reduce_max3A_75 [1, 2] : vector<1x10000x1xf32> to vector<1xf32>
    %reduce_max3A_77 = vector.shape_cast %reduce_max3A_76 : vector<1xf32> to vector<1x1x1xf32>
    %reduce_max3A_78 = vector.extract %reduce_max3A_77[0, 0, 0] : f32 from vector<1x1x1xf32>
    %reduce_max3A_79 = vector.shape_cast %broadcast_in_dim3A_68 : vector<10000x1xf32> to vector<1x10000x1xf32>
    %reduce_max3A_80 = arith.constant dense<0xFF800000> : vector<1xf32>
    %reduce_max3A_81 = vector.multi_reduction <maximumf>, %reduce_max3A_79, %reduce_max3A_80 [1, 2] : vector<1x10000x1xf32> to vector<1xf32>
    %reduce_max3A_82 = vector.shape_cast %reduce_max3A_81 : vector<1xf32> to vector<1x1x1xf32>
    %reduce_max3A_83 = vector.extract %reduce_max3A_82[0, 0, 0] : f32 from vector<1x1x1xf32>
    %add3A_84 = arith.addf %reduce_max3A_78, %reduce_max3A_83 : f32
    %ge3A = arith.constant 0.000000e+00 : f32
    %ge3A_85 = arith.cmpf oge, %add3A_84, %ge3A : f32
    %mul3A_86 = arith.constant 2.000000e-01 : f32
    %mul3A_87 = arith.mulf %mul3A_86, %add3A_84 : f32
    %select_n3A_88 = arith.select %ge3A_85, %add3A_84, %mul3A_87 : f32
    %broadcast_in_dim3A_89 = vector.broadcast %select_n3A_88 : f32 to vector<1x128xf32>
    %swap3A_90 = arith.constant 0 : index
    %swap3A_91 = arith.constant 0 : index
    %swap3A_92 = vector.load %arg10[%swap3A_90, %swap3A_91] : memref<1x128xf32, #tpu.memory_space<vmem>>, vector<1x128xf32>
    tpu.vector_store %arg10[%swap3A_90, %swap3A_91], %broadcast_in_dim3A_89 {strides = array<i32>} : memref<1x128xf32, #tpu.memory_space<vmem>>, vector<1x128xf32>,
    return
  }
}

module attributes {stable_mosaic.version = 14 : i64} {
  func.func @body(%arg0: memref<2x10000x64xf32, #tpu.memory_space<vmem>>, %arg1: memref<1x64xf32, #tpu.memory_space<vmem>>, %arg2: memref<1x64xf32, #tpu.memory_space<vmem>>, %arg3: memref<1x64xf32, #tpu.memory_space<vmem>>, %arg4: memref<10000x1xi32, #tpu.memory_space<vmem>>, %arg5: memref<16x64xf32, #tpu.memory_space<vmem>>) attributes {dimension_semantics = [], scalar_prefetch = 0 : i64, scratch_operands = 0 : i64, tpu.core_type = #tpu.core_type<tc>} {
    %get3A = arith.constant 0 : index
    %get3A_0 = arith.constant 0 : index
    %get3A_1 = arith.constant 0 : index
    %get3A_2 = vector.load %arg0[%get3A, %get3A_0, %get3A_1] : memref<2x10000x64xf32, #tpu.memory_space<vmem>>, vector<1x10000x64xf32>
    %get3A_3 = vector.shape_cast %get3A_2 : vector<1x10000x64xf32> to vector<10000x64xf32>
    %get3A_4 = arith.constant 1 : index
    %get3A_5 = arith.constant 0 : index
    %get3A_6 = arith.constant 0 : index
    %get3A_7 = vector.load %arg0[%get3A_4, %get3A_5, %get3A_6] : memref<2x10000x64xf32, #tpu.memory_space<vmem>>, vector<1x10000x64xf32>
    %get3A_8 = vector.shape_cast %get3A_7 : vector<1x10000x64xf32> to vector<10000x64xf32>
    %add3A = arith.addf %get3A_3, %get3A_8 : vector<10000x64xf32>
    %get3A_9 = arith.constant 0 : index
    %get3A_10 = arith.constant 0 : index
    %get3A_11 = vector.load %arg1[%get3A_9, %get3A_10] : memref<1x64xf32, #tpu.memory_space<vmem>>, vector<1x64xf32>
    %add3A_12 = vector.broadcast %get3A_11 : vector<1x64xf32> to vector<10000x64xf32>
    %add3A_13 = arith.addf %add3A, %add3A_12 : vector<10000x64xf32>
    %reduce_sum3A = arith.constant dense<0.000000e+00> : vector<64xf32>
    %reduce_sum3A_14 = vector.multi_reduction <add>, %add3A_13, %reduce_sum3A [0] : vector<10000x64xf32> to vector<64xf32>
    %broadcast_in_dim3A = vector.shape_cast %reduce_sum3A_14 : vector<64xf32> to vector<1x64xf32>
    %mul3A = arith.constant 9.99999974E-5 : f32
    %mul3A_15 = vector.broadcast %mul3A : f32 to vector<1x64xf32>
    %mul3A_16 = arith.mulf %broadcast_in_dim3A, %mul3A_15 : vector<1x64xf32>
    %mul3A_17 = arith.mulf %add3A_13, %add3A_13 : vector<10000x64xf32>
    %reduce_sum3A_18 = arith.constant dense<0.000000e+00> : vector<64xf32>
    %reduce_sum3A_19 = vector.multi_reduction <add>, %mul3A_17, %reduce_sum3A_18 [0] : vector<10000x64xf32> to vector<64xf32>
    %broadcast_in_dim3A_20 = vector.shape_cast %reduce_sum3A_19 : vector<64xf32> to vector<1x64xf32>
    %mul3A_21 = arith.constant 9.99999974E-5 : f32
    %mul3A_22 = vector.broadcast %mul3A_21 : f32 to vector<1x64xf32>
    %mul3A_23 = arith.mulf %broadcast_in_dim3A_20, %mul3A_22 : vector<1x64xf32>
    %mul3A_24 = arith.mulf %mul3A_16, %mul3A_16 : vector<1x64xf32>
    %sub3A = arith.subf %mul3A_23, %mul3A_24 : vector<1x64xf32>
    %sub3A_25 = vector.broadcast %mul3A_16 : vector<1x64xf32> to vector<10000x64xf32>
    %sub3A_26 = arith.subf %add3A_13, %sub3A_25 : vector<10000x64xf32>
    %add3A_27 = arith.constant 9.99999974E-6 : f32
    %add3A_28 = vector.broadcast %add3A_27 : f32 to vector<1x64xf32>
    %add3A_29 = arith.addf %sub3A, %add3A_28 : vector<1x64xf32>
    %rsqrt3A = math.rsqrt %add3A_29 : vector<1x64xf32>
    %mul3A_30 = vector.broadcast %rsqrt3A : vector<1x64xf32> to vector<10000x64xf32>
    %mul3A_31 = arith.mulf %sub3A_26, %mul3A_30 : vector<10000x64xf32>
    %get3A_32 = arith.constant 0 : index
    %get3A_33 = arith.constant 0 : index
    %get3A_34 = vector.load %arg2[%get3A_32, %get3A_33] : memref<1x64xf32, #tpu.memory_space<vmem>>, vector<1x64xf32>
    %mul3A_35 = vector.broadcast %get3A_34 : vector<1x64xf32> to vector<10000x64xf32>
    %mul3A_36 = arith.mulf %mul3A_31, %mul3A_35 : vector<10000x64xf32>
    %get3A_37 = arith.constant 0 : index
    %get3A_38 = arith.constant 0 : index
    %get3A_39 = vector.load %arg3[%get3A_37, %get3A_38] : memref<1x64xf32, #tpu.memory_space<vmem>>, vector<1x64xf32>
    %add3A_40 = vector.broadcast %get3A_39 : vector<1x64xf32> to vector<10000x64xf32>
    %add3A_41 = arith.addf %mul3A_36, %add3A_40 : vector<10000x64xf32>
    %gt3A = arith.constant 0.000000e+00 : f32
    %gt3A_42 = vector.broadcast %gt3A : f32 to vector<10000x64xf32>
    %gt3A_43 = arith.cmpf ogt, %add3A_41, %gt3A_42 : vector<10000x64xf32>
    %exp3A = math.exp %add3A_41 : vector<10000x64xf32>
    %sub3A_44 = arith.constant 1.000000e+00 : f32
    %sub3A_45 = vector.broadcast %sub3A_44 : f32 to vector<10000x64xf32>
    %sub3A_46 = arith.subf %exp3A, %sub3A_45 : vector<10000x64xf32>
    %select_n3A = arith.select %gt3A_43, %add3A_41, %sub3A_46 : vector<10000x64xi1>, vector<10000x64xf32>
    %get3A_47 = arith.constant 0 : index
    %get3A_48 = arith.constant 0 : index
    %get3A_49 = vector.load %arg4[%get3A_47, %get3A_48] : memref<10000x1xi32, #tpu.memory_space<vmem>>, vector<10000x1xi32>
    %iota3A = tpu.iota {dimensions = array<i32: 1>} : vector<1x16xi32>
    %eq3A = vector.broadcast %get3A_49 : vector<10000x1xi32> to vector<10000x16xi32>
    %eq3A_50 = vector.broadcast %iota3A : vector<1x16xi32> to vector<10000x16xi32>
    %eq3A_51 = arith.cmpi eq, %eq3A, %eq3A_50 : vector<10000x16xi32>
    %convert_element_type3A = arith.extui %eq3A_51 : vector<10000x16xi1> to vector<10000x16xi32>
    %convert_element_type3A_52 = arith.sitofp %convert_element_type3A : vector<10000x16xi32> to vector<10000x16xf32>
    %dot_general3A = arith.constant dense<0.000000e+00> : vector<16x64xf32>
    %dot_general3A_53 = tpu.matmul %convert_element_type3A_52, %select_n3A, %dot_general3A {dimension_numbers = #tpu.dot_dimension_numbers<[0], [0], [1], [1], [0, 1, 1, 1], [], []>, transpose_lhs_hint = false} : vector<10000x16xf32>, vector<10000x64xf32>, vector<16x64xf32> -> vector<16x64xf32>
    %reduce_sum3A_54 = arith.constant dense<0.000000e+00> : vector<16xf32>
    %reduce_sum3A_55 = vector.multi_reduction <add>, %convert_element_type3A_52, %reduce_sum3A_54 [0] : vector<10000x16xf32> to vector<16xf32>
    %broadcast_in_dim3A_56 = vector.shape_cast %reduce_sum3A_55 : vector<16xf32> to vector<1x16xf32>
    %max3A = arith.constant 1.000000e+00 : f32
    %max3A_57 = vector.broadcast %max3A : f32 to vector<1x16xf32>
    %max3A_58 = arith.maximumf %broadcast_in_dim3A_56, %max3A_57 : vector<1x16xf32>
    %transpose3A = tpu.transpose %max3A_58, [1, 0] : vector<1x16xf32> -> vector<16x1xf32>
    %div3A = vector.broadcast %transpose3A : vector<16x1xf32> to vector<16x64xf32>
    %div3A_59 = arith.divf %dot_general3A_53, %div3A : vector<16x64xf32>
    %swap3A = arith.constant 0 : index
    %swap3A_60 = arith.constant 0 : index
    %swap3A_61 = vector.load %arg5[%swap3A, %swap3A_60] : memref<16x64xf32, #tpu.memory_space<vmem>>, vector<16x64xf32>
    tpu.vector_store %arg5[%swap3A, %swap3A_60], %div3A_59 {strides = array<i32>} : memref<16x64xf32, #tpu.memory_space<vmem>>, vector<16x64xf32>,
    return
  }
}

</mosaic_0001>

<sc_bundles>
// kernel: kernel.12.cloned.1.call-start
scs
__scs_entry_jumppad:
0x0: {  	(pc) =	sbr.rel $0x88, $3  }
0x1: {  	(tag) =	ssettag $0x0;
	lr =	simm.s32 $0x1  }
0x2: {  	[smem:$0x3F8C] =	sst lr;
	_ =	strace $0xD0000000  }
0x3: {  	_ = 	snop  }
0x4: {  	_ = 	snop  }
0x5: {  	_ = 	snop  }
0x6: {  	_ = 	snop  }
0x7: {  	_ = 	snop  }
__scs_overlays_trampoline_lowered:
0x8: {  	[smem:$0x3F9B] =	sst s0  }
0x9: {  	[smem:$0x3F9C] =	sst s1  }
0xa: {  	[smem:$0x3F9D] =	sst s2  }
0xb: {  	[smem:$0x3F9E] =	sst s3  }
0xc: {  	[smem:$0x3F9F] =	sst s4  }
0xd: {  	[smem:$0x3FA0] =	sst s5  }
0xe: {  	[smem:$0x3FA1] =	sst s6  }
0xf: {  	[smem:$0x3FA2] =	sst s7  }
0x10: {  	[smem:$0x3FA3] =	sst s8  }
0x11: {  	[smem:$0x3FA4] =	sst s9;
	s0 =	simm.s32 @!p0 $0x0  }
0x12: {  	s1 =	sld [smem:$0x3F8A];
	s0 =	simm.s32 @p0 $0x1  }
0x13: {  	[smem:$0x3FA5] =	sst s0;
	s0 =	simm.s32 @!p1 $0x0  }
0x14: {  	s2 =	sld [smem:$0x3F89];
	s0 =	simm.s32 @p1 $0x1  }
0x15: {  	[smem:$0x3FA6] =	sst s0;
	s0 =	simm.s32 @!p2 $0x0  }
0x16: {  	s3 =	sld [smem:$0x3FDB];
	s0 =	simm.s32 @p2 $0x1  }
0x17: {  	s4 =	simm.s32 $0x1BF5;
	[smem:$0x3FA8] =	sst s0  }
0x18: {  	s0 =	sld [smem:$0x3F8B];
	_ =	swait.ge [sflag:s4], $0x0  }
0x19: {  	s7 =	sld [smem:$0x3F8C]  }
0x1a: {  	s8 =	sadd.s32 $0xFFFFE003, lr  }
0x1b: {  	s9 =	sadd.s32 $0xFFFFFEF7, lr;
	s5 =	simm.s32 $0xFFFFFFFF;
	p2 =	slt.u32 s8, $0xFFFFF086  }
0x1c: {  	p1 =	slt.u32 s9, $0xF7A;
	s5 =	simm.s32 @!p2 $0x0  }
0x1d: {  	s5 =	simm.s32 @p1 $0x1;
	p0 =	seq.s32 s7, s2  }
0x1e: {  	s7 =	smul.u32 @!p0 $0xF7A, s2;
	p2 =	seq.s32 @!p0 s5, $0x0  }
0x1f: {  	s9 =	smul.u32 $0xF7A, s1;
	s8 =	simm.s32 @!p0 $0x1BF5;
	p2 =	por !p2, p0  }
0x20: {  	[sflag:s8] =	ssyncset.s32 @!p0 $0xFFFFF086;
	s6 =	sadd.s32 @!p0 s3, s7;
	s7 =	simm.s32 @!p0 $0x108  }
0x21: {  	s3 =	sadd.s32 s3, s9;
	s6 =	sadd.s32 @!p0 $0x88, s6;
	s7 =	simm.s32 @p2 $0x1082  }
0x22: {  	[simem:s7], [sflag:s8] =	dma.local @!p0 [hbm:s6], $0xF7A  }
0x23: {  	s9 =	sor.u32 $0xD0000000, s2;
	s6 =	simm.s32 $0x108;
	_ =	swait.ge @!p0 [sflag:s8], $0x0  }
0x24: {  	s3 =	sadd.s32 $0x88, s3;
	s6 =	simm.s32 @!p1 $0x1082;
	[sflag:s4] =	ssyncset.s32 $0xFFFFF086  }
0x25: {  	[simem:s6], [sflag:s4] =	dma.local [hbm:s3], $0xF7A  }
0x26: {  	[smem:$0x3F8C] =	sst s1;
	(tag) =	ssettag s2;
	_ =	strace s9  }
0x27: {  	s1 =	sld [smem:$0x3F9C]  }
0x28: {  	s2 =	sld [smem:$0x3F9D]  }
0x29: {  	s4 =	sld [smem:$0x3F9F]  }
0x2a: {  	p0 =	seq.s32 s5, $0x0;
	s5 =	sld [smem:$0x3FA0]  }
0x2b: {  	s6 =	sld [smem:$0x3FA1]  }
0x2c: {  	s7 =	sld [smem:$0x3FA2]  }
0x2d: {  	s3 =	simm.s32 $0x108;
	s8 =	sld [smem:$0x3FA3]  }
0x2e: {  	s3 =	simm.s32 @!p0 $0x1082;
	s9 =	sld [smem:$0x3FA4]  }
0x2f: {  	lr =	sadd.s32 s0, s3;
	s0 =	sld [smem:$0x3F9B]  }
0x30: {  	s3 =	sld [smem:$0x3F9E]  }
0x31: {  	[smem:$0x3FA7] =	sst s10  }
0x32: {  	s10 =	sld [smem:$0x3FA5];
	_ =	sdelay $0x3  }
0x33: {  	p0 =	seq.s32 s10, $0x1;
	s10 =	sld [smem:$0x3FA7];
	_ =	sdelay $0x3  }
0x34: {  	[smem:$0x3FA7] =	sst s10  }
0x35: {  	s10 =	sld [smem:$0x3FA6];
	_ =	sdelay $0x3  }
0x36: {  	p1 =	seq.s32 s10, $0x1;
	s10 =	sld [smem:$0x3FA7];
	_ =	sdelay $0x3  }
0x37: {  	[smem:$0x3FA7] =	sst s10  }
0x38: {  	s10 =	sld [smem:$0x3FA8]  }
0x39: {  	_ = 	snop;
	(pc) =	sbr.ind lr, $3  }
0x3a: {  	_ = 	snop  }
0x3b: {  	_ = 	snop  }
0x3c: {  	p2 =	seq.s32 s10, $0x1;
	s10 =	sld [smem:$0x3FA7]  }
0x3d: {  	_ =	shalt  }
0x3e: {  	_ =	shalt  }
0x3f: {  	_ =	shalt  }
0x40: {  	_ =	shalt  }
0x41: {  	_ =	shalt  }
0x42: {  	_ =	shalt  }
0x43: {  	_ =	shalt  }
0x44: {  	_ =	shalt  }
0x45: {  	_ =	shalt  }
0x46: {  	_ =	shalt  }
0x47: {  	_ =	shalt  }
0x48: {  	_ =	shalt  }
0x49: {  	_ =	shalt  }
0x4a: {  	_ =	shalt  }
0x4b: {  	_ =	shalt  }
0x4c: {  	_ =	shalt  }
0x4d: {  	_ =	shalt  }
0x4e: {  	_ =	shalt  }
0x4f: {  	_ =	shalt  }
0x50: {  	_ =	shalt  }
0x51: {  	_ =	shalt  }
0x52: {  	_ =	shalt  }
0x53: {  	_ =	shalt  }
0x54: {  	_ =	shalt  }
0x55: {  	_ =	shalt  }
0x56: {  	_ =	shalt  }
0x57: {  	_ =	shalt  }
0x58: {  	_ =	shalt  }
0x59: {  	_ =	shalt  }
0x5a: {  	_ =	shalt  }
0x5b: {  	_ =	shalt  }
0x5c: {  	_ =	shalt  }
0x5d: {  	_ =	shalt  }
0x5e: {  	_ =	shalt  }
0x5f: {  	_ =	shalt  }
0x60: {  	_ =	shalt  }
0x61: {  	_ =	shalt  }
0x62: {  	_ =	shalt  }
0x63: {  	_ =	shalt  }
0x64: {  	_ =	shalt  }
0x65: {  	_ =	shalt  }
0x66: {  	_ =	shalt  }
0x67: {  	_ =	shalt  }
0x68: {  	_ =	shalt  }
0x69: {  	_ =	shalt  }
0x6a: {  	_ =	shalt  }
0x6b: {  	_ =	shalt  }
0x6c: {  	_ =	shalt  }
0x6d: {  	_ =	shalt  }
0x6e: {  	_ =	shalt  }
0x6f: {  	_ =	shalt  }
0x70: {  	_ =	shalt  }
0x71: {  	_ =	shalt  }
0x72: {  	_ =	shalt  }
0x73: {  	_ =	shalt  }
0x74: {  	_ =	shalt  }
0x75: {  	_ =	shalt  }
0x76: {  	_ =	shalt  }
0x77: {  	_ =	shalt  }
0x78: {  	_ =	shalt  }
0x79: {  	_ =	shalt  }
0x7a: {  	_ =	shalt  }
0x7b: {  	_ =	shalt  }
0x7c: {  	_ =	shalt  }
0x7d: {  	_ =	shalt  }
0x7e: {  	_ =	shalt  }
0x7f: {  	_ =	shalt  }
0x80: {  	_ =	shalt  }
0x81: {  	_ =	shalt  }
0x82: {  	_ =	shalt  }
0x83: {  	_ =	shalt  }
0x84: {  	_ =	shalt  }
0x85: {  	_ =	shalt  }
0x86: {  	_ =	shalt  }
0x87: {  	_ =	shalt  }
.Lfunc_end0:
.L_simem_size_0:
called_computation.1_lowered:
.L_overlay_start_0:
0x88: {  	s2 =	sld [smem:$0x3FD9]  }
0x89: {  	s3 =	sld [smem:$0x3FFE];
	_ =	sdelay $0x1  }
0x8a: {  	s1 =	srdreg.scid  }
0x8b: {  	s0 =	sand.u32 $0x1, s1  }
0x8c: {  	s17 =	sshll.u32 s0, $0xA;
	s2 =	sadd.s32 s3, s2  }
0x8d: {  	s2 =	sadd.s32 s2, s17  }
0x8e: {  	[smem:$0x3FB3] =	sst s2  }
0x8f: {  	_ = 	snop  }
0x90: {  	s2 =	sld [smem:$0x3FD0];
	(tm) =	ssettm $0x1  }
0x91: {  	s18 =	sld [smem:$0x3FFB];
	_ =	sdelay $0x3  }
0x92: {  	_ =	strace s18  }
0x93: {  	s3 =	sld [smem:$0x3FFC];
	_ =	sdelay $0x3  }
0x94: {  	_ =	strace s3  }
0x95: {  	s3 =	sld [smem:$0x3FFD];
	_ =	sdelay $0x3  }
0x96: {  	_ =	strace s3  }
0x97: {  	_ =	strace $0x8FFFFFFF  }
0x98: {  	s19 =	sld [smem:$0x3FDB];
	_ =	sdelay $0x1  }
0x99: {  	s4 =	simm.s32 $_scs_section_size  }
0x9a: {  	s5 =	simm.s32 $_size__tile_overlayer_lowered;
	s6 =	simm.s32 $_tile_overlayer_lowered  }
0x9b: {  	s22 =	simm.s32 $0x1BFF;
	s21 =	sshll.u32 s6, $0x1;
	s3 =	sadd.s32 s4, s19  }
0x9c: {  	s7 =	simm.s32 $0x0;
	s20 =	sshll.u32 s5, $0x1;
	s5 =	sadd.s32 s21, s3  }
0x9d: {  	[timem:s7], [sflag:s22] =	dma.local [hbm:s5], s20  }
0x9e: {  	_ =	swait.ge [sflag:s22], s20  }
0x9f: {  	s4 =	ssub.s32 $0x0, s20;
	[sflag:s22] =	ssyncset.done $0x0  }
0xa0: {  	[sflag:s22] =	ssyncadd.s32 s4;
	_ =	sdelay $0x1  }
0xa1: {  	s23 =	simm.s32 $0x1B8B  }
0xa2: {  	_ =	swait.ge [sflag:s23], $0x1  }
0xa3: {  	[sflag:s23] =	ssyncset.done $0x0  }
0xa4: {  	s25 =	simm.s32 $0x1B8E;
	s24 =	sld [smem:$0x3FFE];
	[sflag:s23] =	ssyncadd.s32 $0xFFFFFFFF  }
0xa5: {  	s26 =	simm.s32 $execute0_lowered;
	[smem:$0x3FD2] =	sst s25  }
0xa6: {  	s5 =	sshll.u32 s26, $0x1;
	_ =	strace $0x80000049;
	[dreg:$0x1] =	wrdreg $0xFFFFFFFF  }
0xa7: {  	s28 =	simm.s32 $_size_execute0_lowered;
	s3 =	sadd.s32 s3, s5;
	[dreg:$0x0] =	wrdreg $0x0  }
0xa8: {  	s5 =	sshll.u32 s28, $0x1;
	[dreg:$0x2] =	wrdreg s3  }
0xa9: {  	[dreg:$0x3] =	wrdreg s5  }
0xaa: {  	[dreg:$0x4] =	wrdreg $0xC0  }
0xab: {  	_ =	task [dreg:s7], $0x5FFFF  }
0xac: {  	[dreg:$0x1] =	wrdreg $0xFFFFFFFF  }
0xad: {  	[dreg:$0x0] =	wrdreg $0x60  }
0xae: {  	[dreg:$0x2] =	wrdreg s24  }
0xaf: {  	[dreg:$0x3] =	wrdreg s2  }
0xb0: {  	[dreg:$0x4] =	wrdreg $0x15CF00  }
0xb1: {  	[dreg:$0x5] =	wrdreg $0x15FF00  }
0xb2: {  	[dreg:$0x6] =	wrdreg $0x9  }
0xb3: {  	_ =	task.clear_ibuf [dreg:s7], $0x7FFFF;
	_ =	strace $0x90000049  }
0xb4: {  	s29 =	simm.s32 $0x9;
	_ =	strace $0x8000004B  }
0xb5: {  	_ =	swait.ge [sflag:s29], $0x1  }
0xb6: {  	[sflag:s29] =	ssyncadd.s32 $0xFFFFFFFF  }
0xb7: {  	_ =	strace $0x9000004B  }
0xb8: {  	_ =	sfence  }
0xb9: {  	s30 =	sld [smem:$0x0];
	_ =	sdelay $0x2  }
0xba: {  	s31 =	sshll.u32 s1, $0xD;
	s1 =	sshrl.u32 s1, $0x2  }
0xbb: {  	s3 =	sand.u32 $0x4000, s31;
	s1 =	sadd.s32 s1, s30  }
0xbc: {  	s0 =	sor.u32 s3, s0;
	s1 =	sshll.u32 s1, $0x11  }
0xbd: {  	s0 =	sor.u32 s1, s0  }
0xbe: {  	s0 =	sadd.s32 $0x8F2B, s0  }
0xbf: {  	[sflag:s0] =	ssyncadd.remote.s32 $0x1  }
0xc0: {  	_ =	sfence.sel $0xFFFF  }
0xc1: {  	[dreg:$0x0] =	wrdreg $0xFFFFFFFF;
	(pc) =	sbr.abs _section_cstart, $3  }
0xc2: {  	[dreg:$0x1] =	wrdreg $0xFFFFFFFF  }
0xc3: {  	_ =	task.clear_ibuf [dreg:s7], $0x2FFFF;
	_ =	strace $0x9FFFFFFF  }
0xc4: {  	(tm) =	ssettm $0x7FFFFFFF  }
0xc5: {  	_ =	shalt  }
tec
execute0_lowered:
.L_overlay_start_1:
0x0: {  	(tag) =	ssettag $0x1  }
0x1: {  	s0 =	rddreg [dreg:$0x0]  }
0x2: {  	s14 =	rddreg [dreg:$0x2]  }
0x3: {  	s3 =	rddreg [dreg:$0x3];
	s5 =	simm.s32 $0x0  }
0x4: {  	s1 =	srdreg.scid;
	s15 =	stileid.u32;
	s28 =	simm.s32 $0x15C70  }
0x5: {  	s30 =	simm.s32 $0x2;
	[smem:$0x7FF] =	sst s5;
	s1 =	sand.u32 $0x1, s1  }
0x6: {  	s2 =	smul.u32 $0x3E8, s15;
	s4 =	sadd.s32 $0x1F800, s0;
	s8 =	sadd.s32 $0x15400, s0  }
0x7: {  	s21 =	sadd.s32 $0x14E00, s0;
	_ =	strace $0x8000004A;
	[dreg:$0x5] =	wrdreg s8  }
0x8: {  	s7 =	sadd.s32 $0x15A00, s0;
	s24 =	sadd.s32 $0x154FA, s0;
	[dreg:$0x6] =	wrdreg s21  }
0x9: {  	s9 =	smul.u32 $0xC00, s15;
	s25 =	sadd.s32 $0x14EFA, s0;
	[dreg:$0xb] =	wrdreg s24  }
0xa: {  	s10 =	sadd.s32 $0x1400, s0;
	s26 =	sadd.s32 $0x155F4, s0;
	[dreg:$0xc] =	wrdreg s25  }
0xb: {  	s13 =	smul.u32 $0x3E800, s15;
	s29 =	sadd.s32 $0x14FF4, s0;
	[dreg:$0xd] =	wrdreg s26  }
0xc: {  	s17 =	sadd.s32 $0x157E8, s0;
	s6 =	smul.u32 $0x2710, s1;
	[dreg:$0xe] =	wrdreg s29  }
0xd: {  	s8 =	smul.u32 $0x4E20, s15;
	s1 =	ssub.s32 $0x2, s1;
	[dreg:$0x11] =	wrdreg s17  }
0xe: {  	s12 =	sshrl.u32 s1, $0x1;
	s9 =	sshrl.u32 s9, $0x2;
	s23 =	sshrl.u32 s13, $0x2  }
0xf: {  	s13 =	sadd.s32 $0x150EE, s0;
	s2 =	sadd.s32 s2, s6;
	s11 =	sadd.s32 s6, s8  }
0x10: {  	s1 =	ssub.s32 s1, s12;
	s9 =	sadd.s32 s9, s14;
	[dreg:$0x10] =	wrdreg s13  }
0x11: {  	s16 =	sadd.s32 $0xD18, s8;
	[dreg:$0x7] =	wrdreg s9;
	s1 =	smax.u32 s1, $0x1  }
0x12: {  	s19 =	sshrl.u32 s8, $0x3;
	s9 =	sadd.s32 $0x156EE, s0;
	[dreg:$0xa] =	wrdreg s1  }
0x13: {  	s2 =	sshll.u32 s2, $0x3;
	s26 =	sadd.s32 s4, s19;
	[dreg:$0xf] =	wrdreg s9  }
0x14: {  	s18 =	sshrl.u32 s16, $0x3;
	s29 =	sadd.s32 s7, s19;
	[dreg:$0x19] =	wrdreg s26  }
0x15: {  	s2 =	sadd.s32 s2, s0;
	s0 =	sadd.s32 $0x151E8, s0;
	[dreg:$0x1a] =	wrdreg s29  }
0x16: {  	s22 =	sshrl.u32 s11, $0x3;
	s20 =	sadd.s32 s4, s18;
	[dreg:$0x12] =	wrdreg s0  }
0x17: {  	s31 =	simm.s32 $0x9D20;
	s12 =	sadd.s32 s7, s22;
	[dreg:$0x13] =	wrdreg s20  }
0x18: {  	p0 =	sgt.u32 s15, $0x9;
	s26 =	sadd.s32 $0x1000, s14;
	[dreg:$0x8] =	wrdreg s12  }
0x19: {  	s21 =	sadd.s32 $0x2748, s8;
	s29 =	sadd.s32 $0x2000, s14;
	[smem:$0x7FC] =	sst s26  }
0x1a: {  	s13 =	sadd.s32 $0x4178, s8;
	s2 =	sadd.s32 $0x29600, s2;
	[smem:$0x7FD] =	sst s29  }
0x1b: {  	s22 =	sshrl.u32 s21, $0x3;
	s0 =	sadd.s32 s7, s18;
	[dreg:$0x9] =	wrdreg s2  }
0x1c: {  	s1 =	sadd.s32 $0x68C, s19;
	s25 =	sadd.s32 s4, s22;
	[dreg:$0x14] =	wrdreg s0  }
0x1d: {  	s8 =	simm.s32 $0x6;
	s17 =	sadd.s32 s4, s1;
	[dreg:$0x17] =	wrdreg s25  }
0x1e: {  	s16 =	smul.u32 $0x27100, s15;
	s21 =	sadd.s32 $0x10, s12;
	[dreg:$0x1b] =	wrdreg s17  }
0x1f: {  	s2 =	sadd.s32 s23, s3;
	s0 =	sadd.s32 s7, s22;
	[smem:$0x7F6] =	sst s21  }
0x20: {  	s23 =	sadd.s32 $0x346, s19;
	s22 =	sadd.s32 $0x80, s6;
	[dreg:$0x18] =	wrdreg s0  }
0x21: {  	s15 =	simm.s32 $0x5;
	s24 =	sadd.s32 s4, s23;
	[smem:$0x7F7] =	sst s22  }
0x22: {  	s14 =	simm.s32 $0x4;
	s9 =	sadd.s32 s7, s23;
	[dreg:$0x15] =	wrdreg s24  }
0x23: {  	s18 =	sshrl.u32 s13, $0x3;
	s0 =	sadd.s32 s7, s1;
	[dreg:$0x16] =	wrdreg s9  }
0x24: {  	s19 =	sshrl.u32 s16, $0x2;
	s1 =	sadd.s32 s4, s18;
	[dreg:$0x1c] =	wrdreg s0  }
0x25: {  	s26 =	simm.s32 $0x1;
	s20 =	sadd.s32 s19, s3;
	[dreg:$0x1d] =	wrdreg s1  }
0x26: {  	s16 =	simm.s32 $0x0;
	s0 =	sadd.s32 s7, s18;
	[dreg:$0x1f] =	wrdreg s20  }
0x27: {  	s19 =	simm.s32 $0x7;
	s1 =	sshrl.u32 @!p0 s2, $0x3;
	[dreg:$0x1e] =	wrdreg s0  }
0x28: {  	s4 =	simm.s32 $0x13C70;
	s23 =	sadd.s32 $0x1F40, s20;
	[smem:$0x7F5] =	sst s1  }
.Ltmp0:
0x29: {  	s24 =	sadd.s32 $0x3E80, s20;
	[smem:$0x7F8] =	sst s23;
	(pc) =	sbr.rel .LBB2_1-.Ltmp0, $4  }
0x2a: {  	s25 =	sadd.s32 $0x5DC0, s20;
	s2 =	simm.s32 $0xC530;
	[smem:$0x7F9] =	sst s24  }
0x2b: {  	s9 =	simm.s32 $0x3;
	[smem:$0x7FA] =	sst s25;
	s0 =	sadd.s32 $0x7D00, s20  }
0x2c: {  	v0 =	vlaneseq.u32;
	s23 =	simm.s32 $0x9E20;
	s24 =	simm.s32 $0xEC40;
	s25 =	simm.s32 $0x11C70  }
0x2d: {  	v3 =	vimm.f32 $0.0e+00;
	v1 =	vor.u32 $0x10, v0;
	v2 =	vor.u32 $0x20, v0;
	s1 =	simm.s32 $0x80;
	[smem:$0x7FB] =	sst s0;
	s0 =	simm.s32 $0x9DA0  }
.LBB2_26:
0x2e: {  	_ =	swait.ge [sflag:s8], $0x2000  }
0x2f: {  	[sflag:s8] =	ssyncset.done $0x0  }
0x30: {  	[sflag:s8] =	ssyncadd.s32 $0xFFFFE000  }
0x31: {  	[bflag:$0x0] =	sbarrier.arrive $0xFFFF  }
0x32: {  	s12 =	stileid.u32;
	s16 =	sld [smem:$0x7F5]  }
0x33: {  	s12 =	sshll.u32 @!p0 s12, $0x6  }
0x34: {  	s12 =	sor.u32 @!p0 $0x1C07, s12;
	s13 =	rddreg [dreg:$0x9]  }
0x35: {  	[hbm:s13], [sflag:s12] =	dma.local @!p0 [spmem:s16], $0x1F40  }
0x36: {  	s12 =	simm.s32 @!p0 $0x7  }
0x37: {  	_ =	swait.ge @!p0 [sflag:s12], $0x1F40  }
0x38: {  	s22 =	sld [smem:$0x7F4];
	_ =	sdelay $0x2  }
0x39: {  	s29 =	rddreg [dreg:$0xa];
	s16 =	sadd.s32 $0x1, s22  }
0x3a: {  	p1 =	sne.s32 s16, s29  }
.Ltmp1:
0x3b: {  	_ = 	snop;
	(pc) =	sbr.rel @!p1 .LBB2_27-.Ltmp1, $3  }
0x3c: {  	_ =	sdelay $0x1  }
0x3d: {  	[sflag:s12] =	ssyncset.done @!p0 $0x0  }
0x3e: {  	s19 =	simm.s32 $0x7;
	[sflag:s12] =	ssyncadd.s32 @!p0 $0xFFFFE0C0  }
.LBB2_1:
0x3f: {  	[smem:$0x7F4] =	sst s16  }
0x40: {  	s12 =	rddreg [dreg:$0x5]  }
0x41: {  	[tilespmem:s23], [sflag:$0x1] =	stream.linear.gather [hbm4b:s12+s5], $0x7D0, $0x38;
	[tilespmem:$0x1FC30] =	vst v63  }
0x42: {  	s13 =	rddreg [dreg:$0x6]  }
0x43: {  	[tilespmem:s2], [sflag:$0x1] =	stream.linear.gather [hbm4b:s13+s5], $0x7D0, $0x38;
	[tilespmem:$0x1FC30] =	vst v63  }
0x44: {  	s16 =	rddreg [dreg:$0xb];
	s13 =	simm.s32 $0xA5F0  }
0x45: {  	[tilespmem:s13], [sflag:$0x1] =	stream.linear.gather [hbm4b:s16+s5], $0x7D0, $0x38;
	[tilespmem:$0x1FC30] =	vst v63  }
0x46: {  	s17 =	rddreg [dreg:$0xc];
	s18 =	simm.s32 $0xCD00  }
0x47: {  	[tilespmem:s18], [sflag:$0x1] =	stream.linear.gather [hbm4b:s17+s5], $0x7D0, $0x38;
	[tilespmem:$0x1FC30] =	vst v63  }
0x48: {  	s20 =	rddreg [dreg:$0xd];
	s21 =	simm.s32 $0xADC0  }
0x49: {  	[tilespmem:s21], [sflag:$0x1] =	stream.linear.gather [hbm4b:s20+s5], $0x7D0, $0x38;
	[tilespmem:$0x1FC30] =	vst v63  }
0x4a: {  	s22 =	rddreg [dreg:$0xe];
	s29 =	simm.s32 $0xD4D0  }
0x4b: {  	[tilespmem:s29], [sflag:$0x1] =	stream.linear.gather [hbm4b:s22+s5], $0x7D0, $0x38;
	[tilespmem:$0x1FC30] =	vst v63  }
0x4c: {  	s13 =	rddreg [dreg:$0xf];
	s16 =	simm.s32 $0xB590  }
0x4d: {  	[tilespmem:s16], [sflag:$0x1] =	stream.linear.gather [hbm4b:s13+s5], $0x7D0, $0x38;
	[tilespmem:$0x1FC30] =	vst v63  }
0x4e: {  	s17 =	rddreg [dreg:$0x10];
	s18 =	simm.s32 $0xDCA0  }
0x4f: {  	[tilespmem:s18], [sflag:$0x1] =	stream.linear.gather [hbm4b:s17+s5], $0x7D0, $0x38;
	[tilespmem:$0x1FC30] =	vst v63  }
0x50: {  	s20 =	rddreg [dreg:$0x11];
	s21 =	simm.s32 $0xBD60  }
0x51: {  	[tilespmem:s21], [sflag:$0x1] =	stream.linear.gather [hbm4b:s20+s5], $0x7D0, $0x38;
	[tilespmem:$0x1FC30] =	vst v63  }
0x52: {  	s22 =	rddreg [dreg:$0x12];
	s29 =	simm.s32 $0xE470  }
0x53: {  	[tilespmem:s29], [sflag:$0x1] =	stream.linear.gather [hbm4b:s22+s5], $0x7D0, $0x38;
	[tilespmem:$0x1FC30] =	vst v63  }
0x54: {  	s16 =	rddreg [dreg:$0x19]  }
0x55: {  	[tilespmem:s5], [sflag:$0x1] =	stream.linear.gather [hbm4b:s16+s5], $0xD18, $0x38;
	[tilespmem:$0x1FC30] =	vst v63  }
0x56: {  	s17 =	rddreg [dreg:$0x1a];
	s18 =	simm.s32 $0x4E90  }
0x57: {  	[tilespmem:s18], [sflag:$0x1] =	stream.linear.gather [hbm4b:s17+s5], $0xD18, $0x38;
	[tilespmem:$0x1FC30] =	vst v63  }
0x58: {  	s20 =	rddreg [dreg:$0x13];
	s21 =	simm.s32 $0xD18  }
0x59: {  	[tilespmem:s21], [sflag:$0x1] =	stream.linear.gather [hbm4b:s20+s5], $0xD18, $0x38;
	[tilespmem:$0x1FC30] =	vst v63  }
0x5a: {  	s22 =	rddreg [dreg:$0x14];
	s29 =	simm.s32 $0x5BA8  }
0x5b: {  	[tilespmem:s29], [sflag:$0x1] =	stream.linear.gather [hbm4b:s22+s5], $0xD18, $0x38;
	[tilespmem:$0x1FC30] =	vst v63  }
0x5c: {  	s13 =	rddreg [dreg:$0x15];
	s16 =	simm.s32 $0x1A30  }
0x5d: {  	[tilespmem:s16], [sflag:$0x1] =	stream.linear.gather [hbm4b:s13+s5], $0xD18, $0x38;
	[tilespmem:$0x1FC30] =	vst v63  }
0x5e: {  	s17 =	rddreg [dreg:$0x16];
	s18 =	simm.s32 $0x68C0  }
0x5f: {  	[tilespmem:s18], [sflag:$0x1] =	stream.linear.gather [hbm4b:s17+s5], $0xD18, $0x38;
	[tilespmem:$0x1FC30] =	vst v63  }
0x60: {  	s20 =	rddreg [dreg:$0x17];
	s21 =	simm.s32 $0x2748  }
0x61: {  	[tilespmem:s21], [sflag:$0x1] =	stream.linear.gather [hbm4b:s20+s5], $0xD18, $0x38;
	[tilespmem:$0x1FC30] =	vst v63  }
0x62: {  	s22 =	rddreg [dreg:$0x18];
	s29 =	simm.s32 $0x75D8  }
0x63: {  	[tilespmem:s29], [sflag:$0x1] =	stream.linear.gather [hbm4b:s22+s5], $0xD18, $0x38;
	[tilespmem:$0x1FC30] =	vst v63  }
0x64: {  	s13 =	rddreg [dreg:$0x1b];
	s16 =	simm.s32 $0x3460  }
0x65: {  	[tilespmem:s16], [sflag:$0x1] =	stream.linear.gather [hbm4b:s13+s5], $0xD18, $0x38;
	[tilespmem:$0x1FC30] =	vst v63  }
0x66: {  	s17 =	rddreg [dreg:$0x1c];
	s18 =	simm.s32 $0x82F0  }
0x67: {  	[tilespmem:s18], [sflag:$0x1] =	stream.linear.gather [hbm4b:s17+s5], $0xD18, $0x38;
	[tilespmem:$0x1FC30] =	vst v63  }
0x68: {  	s20 =	rddreg [dreg:$0x1d];
	s21 =	simm.s32 $0x4178  }
0x69: {  	[tilespmem:s21], [sflag:$0x1] =	stream.linear.gather [hbm4b:s20+s5], $0xD18, $0x38;
	[tilespmem:$0x1FC30] =	vst v63  }
0x6a: {  	s22 =	rddreg [dreg:$0x1e];
	s29 =	simm.s32 $0x9008  }
0x6b: {  	[tilespmem:s29], [sflag:$0x1] =	stream.linear.gather [hbm4b:s22+s5], $0xD18, $0x38;
	[tilespmem:$0x1FC30] =	vst v63  }
0x6c: {  	[tilespmem:$0x11C40] =	vst v0  }
0x6d: {  	[tilespmem:$0x11C50] =	vst v1  }
0x6e: {  	s12 =	simm.s32 $0x11CF0;
	[tilespmem:$0x11C60] =	vst v2  }
0x6f: {  	[tilespmem:s12+$0xFFFFFF80] =	vst v3  }
0x70: {  	[tilespmem:s12+$0x70] =	vst v3  }
0x71: {  	[tilespmem:s12+$0x60] =	vst v3  }
0x72: {  	[tilespmem:s12+$0x50] =	vst v3  }
0x73: {  	[tilespmem:s12+$0x40] =	vst v3  }
0x74: {  	[tilespmem:s12+$0x30] =	vst v3  }
0x75: {  	[tilespmem:s12+$0x20] =	vst v3  }
0x76: {  	[tilespmem:s12+$0x10] =	vst v3  }
0x77: {  	[tilespmem:s12+$0x0] =	vst v3  }
0x78: {  	[tilespmem:s12+$0xFFFFFFF0] =	vst v3  }
0x79: {  	[tilespmem:s12+$0xFFFFFFE0] =	vst v3  }
0x7a: {  	[tilespmem:s12+$0xFFFFFFD0] =	vst v3  }
0x7b: {  	[tilespmem:s12+$0xFFFFFFC0] =	vst v3  }
0x7c: {  	[tilespmem:s12+$0xFFFFFFB0] =	vst v3  }
0x7d: {  	s16 =	simm.s32 $0x0;
	[tilespmem:s12+$0xFFFFFFA0] =	vst v3  }
.LBB2_2:
0x7e: {  	s16 =	sadd.s32 $0x4, s16;
	[tilespmem:s12+$0xFFFFFF90] =	vst v3;
	s12 =	sadd.s32 $0x100, s12;
	s13 =	simm.s32 $0xEE40  }
0x7f: {  	[tilespmem:s12+$0xFFFFFF80] =	vst v3;
	p1 =	slt.u32 s16, $0x7C  }
0x80: {  	[tilespmem:s12+$0x70] =	vst v3  }
0x81: {  	[tilespmem:s12+$0x60] =	vst v3  }
0x82: {  	[tilespmem:s12+$0x50] =	vst v3  }
0x83: {  	[tilespmem:s12+$0x40] =	vst v3  }
0x84: {  	[tilespmem:s12+$0x30] =	vst v3  }
0x85: {  	[tilespmem:s12+$0x20] =	vst v3  }
0x86: {  	[tilespmem:s12+$0x10] =	vst v3  }
0x87: {  	[tilespmem:s12+$0x0] =	vst v3  }
0x88: {  	[tilespmem:s12+$0xFFFFFFF0] =	vst v3  }
.Ltmp2:
0x89: {  	[tilespmem:s12+$0xFFFFFFE0] =	vst v3;
	(pc) =	sbr.rel @p1 .LBB2_2-.Ltmp2, $4  }
0x8a: {  	[tilespmem:s12+$0xFFFFFFD0] =	vst v3  }
0x8b: {  	[tilespmem:s12+$0xFFFFFFC0] =	vst v3  }
0x8c: {  	[tilespmem:s12+$0xFFFFFFB0] =	vst v3  }
0x8d: {  	[tilespmem:s12+$0xFFFFFFA0] =	vst v3  }
0x8e: {  	[tilespmem:s12+$0xFFFFFF90] =	vst v3  }
0x8f: {  	[tilespmem:s13+$0xFFFFFE00] =	vst v3  }
0x90: {  	[tilespmem:s13+$0x1F0] =	vst v3  }
0x91: {  	[tilespmem:s13+$0x1E0] =	vst v3  }
0x92: {  	[tilespmem:s13+$0x1D0] =	vst v3  }
0x93: {  	[tilespmem:s13+$0x1C0] =	vst v3  }
0x94: {  	[tilespmem:s13+$0x1B0] =	vst v3  }
0x95: {  	[tilespmem:s13+$0x1A0] =	vst v3  }
0x96: {  	[tilespmem:s13+$0x190] =	vst v3  }
0x97: {  	[tilespmem:s13+$0x180] =	vst v3  }
0x98: {  	[tilespmem:s13+$0x170] =	vst v3  }
0x99: {  	[tilespmem:s13+$0x160] =	vst v3  }
0x9a: {  	[tilespmem:s13+$0x150] =	vst v3  }
0x9b: {  	[tilespmem:s13+$0x140] =	vst v3  }
0x9c: {  	[tilespmem:s13+$0x130] =	vst v3  }
0x9d: {  	[tilespmem:s13+$0x120] =	vst v3  }
0x9e: {  	[tilespmem:s13+$0x110] =	vst v3  }
0x9f: {  	[tilespmem:s13+$0x100] =	vst v3  }
0xa0: {  	[tilespmem:s13+$0xF0] =	vst v3  }
0xa1: {  	[tilespmem:s13+$0xE0] =	vst v3  }
0xa2: {  	[tilespmem:s13+$0xD0] =	vst v3  }
0xa3: {  	[tilespmem:s13+$0xC0] =	vst v3  }
0xa4: {  	[tilespmem:s13+$0xB0] =	vst v3  }
0xa5: {  	[tilespmem:s13+$0xA0] =	vst v3  }
0xa6: {  	[tilespmem:s13+$0x90] =	vst v3  }
0xa7: {  	[tilespmem:s13+$0x80] =	vst v3  }
0xa8: {  	[tilespmem:s13+$0x70] =	vst v3  }
0xa9: {  	[tilespmem:s13+$0x60] =	vst v3  }
0xaa: {  	[tilespmem:s13+$0x50] =	vst v3  }
0xab: {  	[tilespmem:s13+$0x40] =	vst v3  }
0xac: {  	[tilespmem:s13+$0x30] =	vst v3  }
0xad: {  	[tilespmem:s13+$0x20] =	vst v3  }
0xae: {  	[tilespmem:s13+$0x10] =	vst v3  }
0xaf: {  	[tilespmem:s13+$0x0] =	vst v3  }
0xb0: {  	[tilespmem:s13+$0xFFFFFFF0] =	vst v3  }
0xb1: {  	[tilespmem:s13+$0xFFFFFFE0] =	vst v3  }
0xb2: {  	[tilespmem:s13+$0xFFFFFFD0] =	vst v3  }
0xb3: {  	[tilespmem:s13+$0xFFFFFFC0] =	vst v3  }
0xb4: {  	[tilespmem:s13+$0xFFFFFFB0] =	vst v3  }
0xb5: {  	[tilespmem:s13+$0xFFFFFFA0] =	vst v3  }
0xb6: {  	[tilespmem:s13+$0xFFFFFF90] =	vst v3  }
0xb7: {  	[tilespmem:s13+$0xFFFFFF80] =	vst v3  }
0xb8: {  	[tilespmem:s13+$0xFFFFFF70] =	vst v3  }
0xb9: {  	[tilespmem:s13+$0xFFFFFF60] =	vst v3  }
0xba: {  	[tilespmem:s13+$0xFFFFFF50] =	vst v3  }
0xbb: {  	[tilespmem:s13+$0xFFFFFF40] =	vst v3  }
0xbc: {  	[tilespmem:s13+$0xFFFFFF30] =	vst v3  }
0xbd: {  	[tilespmem:s13+$0xFFFFFF20] =	vst v3  }
0xbe: {  	[tilespmem:s13+$0xFFFFFF10] =	vst v3  }
0xbf: {  	[tilespmem:s13+$0xFFFFFF00] =	vst v3  }
0xc0: {  	[tilespmem:s13+$0xFFFFFEF0] =	vst v3  }
0xc1: {  	[tilespmem:s13+$0xFFFFFEE0] =	vst v3  }
0xc2: {  	[tilespmem:s13+$0xFFFFFED0] =	vst v3  }
0xc3: {  	[tilespmem:s13+$0xFFFFFEC0] =	vst v3  }
0xc4: {  	[tilespmem:s13+$0xFFFFFEB0] =	vst v3  }
0xc5: {  	[tilespmem:s13+$0xFFFFFEA0] =	vst v3  }
0xc6: {  	[tilespmem:s13+$0xFFFFFE90] =	vst v3  }
0xc7: {  	[tilespmem:s13+$0xFFFFFE80] =	vst v3  }
0xc8: {  	[tilespmem:s13+$0xFFFFFE70] =	vst v3  }
0xc9: {  	[tilespmem:s13+$0xFFFFFE60] =	vst v3  }
0xca: {  	[tilespmem:s13+$0xFFFFFE50] =	vst v3  }
0xcb: {  	[tilespmem:s13+$0xFFFFFE40] =	vst v3  }
0xcc: {  	[tilespmem:s13+$0xFFFFFE30] =	vst v3  }
0xcd: {  	s17 =	simm.s32 $0x0;
	[tilespmem:s13+$0xFFFFFE20] =	vst v3  }
.LBB2_4:
0xce: {  	s17 =	sadd.s32 $0x4, s17;
	[tilespmem:s13+$0xFFFFFE10] =	vst v3;
	s13 =	sadd.s32 $0x400, s13  }
0xcf: {  	[tilespmem:s13+$0xFFFFFE00] =	vst v3;
	p1 =	slt.u32 s17, $0x2C  }
0xd0: {  	[tilespmem:s13+$0x1F0] =	vst v3  }
0xd1: {  	[tilespmem:s13+$0x1E0] =	vst v3  }
0xd2: {  	[tilespmem:s13+$0x1D0] =	vst v3  }
0xd3: {  	[tilespmem:s13+$0x1C0] =	vst v3  }
0xd4: {  	[tilespmem:s13+$0x1B0] =	vst v3  }
0xd5: {  	[tilespmem:s13+$0x1A0] =	vst v3  }
0xd6: {  	[tilespmem:s13+$0x190] =	vst v3  }
0xd7: {  	[tilespmem:s13+$0x180] =	vst v3  }
0xd8: {  	[tilespmem:s13+$0x170] =	vst v3  }
0xd9: {  	[tilespmem:s13+$0x160] =	vst v3  }
0xda: {  	[tilespmem:s13+$0x150] =	vst v3  }
0xdb: {  	[tilespmem:s13+$0x140] =	vst v3  }
0xdc: {  	[tilespmem:s13+$0x130] =	vst v3  }
0xdd: {  	[tilespmem:s13+$0x120] =	vst v3  }
0xde: {  	[tilespmem:s13+$0x110] =	vst v3  }
0xdf: {  	[tilespmem:s13+$0x100] =	vst v3  }
0xe0: {  	[tilespmem:s13+$0xF0] =	vst v3  }
0xe1: {  	[tilespmem:s13+$0xE0] =	vst v3  }
0xe2: {  	[tilespmem:s13+$0xD0] =	vst v3  }
0xe3: {  	[tilespmem:s13+$0xC0] =	vst v3  }
0xe4: {  	[tilespmem:s13+$0xB0] =	vst v3  }
0xe5: {  	[tilespmem:s13+$0xA0] =	vst v3  }
0xe6: {  	[tilespmem:s13+$0x90] =	vst v3  }
0xe7: {  	[tilespmem:s13+$0x80] =	vst v3  }
0xe8: {  	[tilespmem:s13+$0x70] =	vst v3  }
0xe9: {  	[tilespmem:s13+$0x60] =	vst v3  }
0xea: {  	[tilespmem:s13+$0x50] =	vst v3  }
0xeb: {  	[tilespmem:s13+$0x40] =	vst v3  }
0xec: {  	[tilespmem:s13+$0x30] =	vst v3  }
0xed: {  	[tilespmem:s13+$0x20] =	vst v3  }
0xee: {  	[tilespmem:s13+$0x10] =	vst v3  }
0xef: {  	[tilespmem:s13+$0x0] =	vst v3  }
0xf0: {  	[tilespmem:s13+$0xFFFFFFF0] =	vst v3  }
0xf1: {  	[tilespmem:s13+$0xFFFFFFE0] =	vst v3  }
0xf2: {  	[tilespmem:s13+$0xFFFFFFD0] =	vst v3  }
0xf3: {  	[tilespmem:s13+$0xFFFFFFC0] =	vst v3  }
0xf4: {  	[tilespmem:s13+$0xFFFFFFB0] =	vst v3  }
0xf5: {  	[tilespmem:s13+$0xFFFFFFA0] =	vst v3  }
0xf6: {  	[tilespmem:s13+$0xFFFFFF90] =	vst v3  }
0xf7: {  	[tilespmem:s13+$0xFFFFFF80] =	vst v3  }
0xf8: {  	[tilespmem:s13+$0xFFFFFF70] =	vst v3  }
0xf9: {  	[tilespmem:s13+$0xFFFFFF60] =	vst v3  }
0xfa: {  	[tilespmem:s13+$0xFFFFFF50] =	vst v3  }
0xfb: {  	[tilespmem:s13+$0xFFFFFF40] =	vst v3  }
0xfc: {  	[tilespmem:s13+$0xFFFFFF30] =	vst v3  }
0xfd: {  	[tilespmem:s13+$0xFFFFFF20] =	vst v3  }
0xfe: {  	[tilespmem:s13+$0xFFFFFF10] =	vst v3  }
0xff: {  	[tilespmem:s13+$0xFFFFFF00] =	vst v3  }
0x100: {  	[tilespmem:s13+$0xFFFFFEF0] =	vst v3  }
0x101: {  	[tilespmem:s13+$0xFFFFFEE0] =	vst v3  }
0x102: {  	[tilespmem:s13+$0xFFFFFED0] =	vst v3  }
0x103: {  	[tilespmem:s13+$0xFFFFFEC0] =	vst v3  }
0x104: {  	[tilespmem:s13+$0xFFFFFEB0] =	vst v3  }
0x105: {  	[tilespmem:s13+$0xFFFFFEA0] =	vst v3  }
0x106: {  	[tilespmem:s13+$0xFFFFFE90] =	vst v3  }
0x107: {  	[tilespmem:s13+$0xFFFFFE80] =	vst v3  }
0x108: {  	[tilespmem:s13+$0xFFFFFE70] =	vst v3  }
.Ltmp3:
0x109: {  	[tilespmem:s13+$0xFFFFFE60] =	vst v3;
	(pc) =	sbr.rel @p1 .LBB2_4-.Ltmp3, $4  }
0x10a: {  	[tilespmem:s13+$0xFFFFFE50] =	vst v3  }
0x10b: {  	[tilespmem:s13+$0xFFFFFE40] =	vst v3  }
0x10c: {  	[tilespmem:s13+$0xFFFFFE30] =	vst v3  }
0x10d: {  	[tilespmem:s13+$0xFFFFFE20] =	vst v3  }
0x10e: {  	[tilespmem:s13+$0xFFFFFE10] =	vst v3  }
0x10f: {  	s12 =	rddreg [dreg:$0x7]  }
0x110: {  	s20 =	rddreg [dreg:$0x1f]  }
0x111: {  	[spmem:s12] =	stream.linear.scatter [tilespmem:s24], [sflag:$0x2], $0x300, $0x38;
	[tilespmem:$0x1FC30] =	vst v63  }
0x112: {  	s21 =	sld [smem:$0x7F8]  }
0x113: {  	[spmem:s20] =	stream.linear.scatter [tilespmem:s25], [sflag:$0x2], $0x1F40, $0x38;
	[tilespmem:$0x1FC30] =	vst v63  }
0x114: {  	s22 =	sld [smem:$0x7F9]  }
0x115: {  	[spmem:s21] =	stream.linear.scatter [tilespmem:s25], [sflag:$0x2], $0x1F40, $0x38;
	[tilespmem:$0x1FC30] =	vst v63  }
0x116: {  	s29 =	sld [smem:$0x7FA]  }
0x117: {  	[spmem:s22] =	stream.linear.scatter [tilespmem:s25], [sflag:$0x2], $0x1F40, $0x38;
	[tilespmem:$0x1FC30] =	vst v63  }
0x118: {  	s13 =	sld [smem:$0x7FB]  }
0x119: {  	[spmem:s29] =	stream.linear.scatter [tilespmem:s25], [sflag:$0x2], $0x1F40, $0x38;
	[tilespmem:$0x1FC30] =	vst v63  }
0x11a: {  	_ = 	snop  }
0x11b: {  	[spmem:s13] =	stream.linear.scatter [tilespmem:s25], [sflag:$0x2], $0x1F40, $0x38;
	[tilespmem:$0x1FC30] =	vst v63  }
0x11c: {  	_ =	swait.ge [sflag:s26], $0x7D0  }
0x11d: {  	[sflag:s26] =	ssyncset.done $0x0  }
0x11e: {  	[sflag:s26] =	ssyncadd.s32 $0xFFFFF830  }
0x11f: {  	_ =	swait.ge [sflag:s26], $0x7D0  }
0x120: {  	[sflag:s26] =	ssyncset.done $0x0  }
0x121: {  	[sflag:s26] =	ssyncadd.s32 $0xFFFFF830  }
0x122: {  	_ =	swait.ge [sflag:s26], $0x7D0  }
0x123: {  	[sflag:s26] =	ssyncset.done $0x0  }
0x124: {  	[sflag:s26] =	ssyncadd.s32 $0xFFFFF830  }
0x125: {  	_ =	swait.ge [sflag:s26], $0x7D0  }
0x126: {  	[sflag:s26] =	ssyncset.done $0x0  }
0x127: {  	[sflag:s26] =	ssyncadd.s32 $0xFFFFF830  }
0x128: {  	_ =	swait.ge [sflag:s26], $0x7D0  }
0x129: {  	[sflag:s26] =	ssyncset.done $0x0  }
0x12a: {  	[sflag:s26] =	ssyncadd.s32 $0xFFFFF830  }
0x12b: {  	_ =	swait.ge [sflag:s26], $0x7D0  }
0x12c: {  	[sflag:s26] =	ssyncset.done $0x0  }
0x12d: {  	[sflag:s26] =	ssyncadd.s32 $0xFFFFF830  }
0x12e: {  	_ =	swait.ge [sflag:s26], $0x7D0  }
0x12f: {  	[sflag:s26] =	ssyncset.done $0x0  }
0x130: {  	[sflag:s26] =	ssyncadd.s32 $0xFFFFF830  }
0x131: {  	_ =	swait.ge [sflag:s26], $0x7D0  }
0x132: {  	[sflag:s26] =	ssyncset.done $0x0  }
0x133: {  	[sflag:s26] =	ssyncadd.s32 $0xFFFFF830  }
0x134: {  	_ =	swait.ge [sflag:s26], $0x7D0  }
0x135: {  	[sflag:s26] =	ssyncset.done $0x0  }
0x136: {  	[sflag:s26] =	ssyncadd.s32 $0xFFFFF830  }
0x137: {  	_ =	swait.ge [sflag:s26], $0x7D0  }
0x138: {  	[sflag:s26] =	ssyncset.done $0x0  }
0x139: {  	[sflag:s26] =	ssyncadd.s32 $0xFFFFF830  }
0x13a: {  	_ =	swait.ge [sflag:s26], $0xD18  }
0x13b: {  	[sflag:s26] =	ssyncset.done $0x0  }
0x13c: {  	[sflag:s26] =	ssyncadd.s32 $0xFFFFF2E8  }
0x13d: {  	_ =	swait.ge [sflag:s26], $0xD18  }
0x13e: {  	[sflag:s26] =	ssyncset.done $0x0  }
0x13f: {  	[sflag:s26] =	ssyncadd.s32 $0xFFFFF2E8  }
0x140: {  	_ =	swait.ge [sflag:s26], $0xD18  }
0x141: {  	[sflag:s26] =	ssyncset.done $0x0  }
0x142: {  	[sflag:s26] =	ssyncadd.s32 $0xFFFFF2E8  }
0x143: {  	_ =	swait.ge [sflag:s26], $0xD18  }
0x144: {  	[sflag:s26] =	ssyncset.done $0x0  }
0x145: {  	[sflag:s26] =	ssyncadd.s32 $0xFFFFF2E8  }
0x146: {  	_ =	swait.ge [sflag:s26], $0xD18  }
0x147: {  	[sflag:s26] =	ssyncset.done $0x0  }
0x148: {  	[sflag:s26] =	ssyncadd.s32 $0xFFFFF2E8  }
0x149: {  	_ =	swait.ge [sflag:s26], $0xD18  }
0x14a: {  	[sflag:s26] =	ssyncset.done $0x0  }
0x14b: {  	[sflag:s26] =	ssyncadd.s32 $0xFFFFF2E8  }
0x14c: {  	_ =	swait.ge [sflag:s26], $0xD18  }
0x14d: {  	[sflag:s26] =	ssyncset.done $0x0  }
0x14e: {  	[sflag:s26] =	ssyncadd.s32 $0xFFFFF2E8  }
0x14f: {  	_ =	swait.ge [sflag:s26], $0xD18  }
0x150: {  	[sflag:s26] =	ssyncset.done $0x0  }
0x151: {  	[sflag:s26] =	ssyncadd.s32 $0xFFFFF2E8  }
0x152: {  	_ =	swait.ge [sflag:s26], $0xD18  }
0x153: {  	[sflag:s26] =	ssyncset.done $0x0  }
0x154: {  	[sflag:s26] =	ssyncadd.s32 $0xFFFFF2E8  }
0x155: {  	_ =	swait.ge [sflag:s26], $0xD18  }
0x156: {  	[sflag:s26] =	ssyncset.done $0x0  }
0x157: {  	[sflag:s26] =	ssyncadd.s32 $0xFFFFF2E8  }
0x158: {  	_ =	swait.ge [sflag:s26], $0xD18  }
0x159: {  	[sflag:s26] =	ssyncset.done $0x0  }
0x15a: {  	[sflag:s26] =	ssyncadd.s32 $0xFFFFF2E8  }
0x15b: {  	_ =	swait.ge [sflag:s26], $0xD18  }
0x15c: {  	[sflag:s26] =	ssyncset.done $0x0  }
0x15d: {  	[sflag:s26] =	ssyncadd.s32 $0xFFFFF2E8  }
0x15e: {  	s16 =	rddreg [dreg:$0x1]  }
0x15f: {  	[tilespmem:s28], [sflag:$0x7] =	stream.linear.gather [hbm4b:s16+s5], $0x10, $0x38;
	[tilespmem:$0x1FC30] =	vst v63  }
0x160: {  	_ =	swait.ge [sflag:s19], $0x10  }
0x161: {  	[sflag:s19] =	ssyncset.done $0x0  }
0x162: {  	[sflag:s19] =	ssyncadd.s32 $0xFFFFFFF0  }
0x163: {  	v4 =	vld [tilespmem:$0x15C70];
	_ =	swait.ge [sflag:s30], $0x300  }
0x164: {  	[sflag:s30] =	ssyncset.done $0x0  }
0x165: {  	[sflag:s30] =	ssyncadd.s32 $0xFFFFFD00  }
0x166: {  	_ =	swait.ge [sflag:s30], $0x1F40  }
0x167: {  	[sflag:s30] =	ssyncset.done $0x0  }
0x168: {  	[sflag:s30] =	ssyncadd.s32 $0xFFFFE0C0  }
0x169: {  	_ =	swait.ge [sflag:s30], $0x1F40  }
0x16a: {  	[sflag:s30] =	ssyncset.done $0x0  }
0x16b: {  	[sflag:s30] =	ssyncadd.s32 $0xFFFFE0C0  }
0x16c: {  	_ =	swait.ge [sflag:s30], $0x1F40  }
0x16d: {  	[sflag:s30] =	ssyncset.done $0x0  }
0x16e: {  	[sflag:s30] =	ssyncadd.s32 $0xFFFFE0C0  }
0x16f: {  	_ =	swait.ge [sflag:s30], $0x1F40  }
0x170: {  	[sflag:s30] =	ssyncset.done $0x0  }
0x171: {  	[sflag:s30] =	ssyncadd.s32 $0xFFFFE0C0  }
0x172: {  	_ =	swait.ge [sflag:s30], $0x1F40  }
0x173: {  	[sflag:s30] =	ssyncset.done $0x0  }
0x174: {  	s17 =	rddreg [dreg:$0x8];
	[sflag:s30] =	ssyncadd.s32 $0xFFFFE0C0  }
0x175: {  	[tilespmem:s31], [sflag:$0x7] =	stream.linear.gather [hbm4b:s17+s5], $0x80, $0x38;
	[tilespmem:$0x1FC30] =	vst v63  }
0x176: {  	_ =	swait.ge [sflag:s19], $0x80  }
0x177: {  	s18 =	sld [smem:$0x7F6]  }
0x178: {  	[sflag:s19] =	ssyncset.done $0x0  }
0x179: {  	[sflag:s19] =	ssyncadd.s32 $0xFFFFFF80  }
0x17a: {  	[tilespmem:s0], [sflag:$0x4] =	stream.linear.gather [hbm4b:s18+s5], $0x80, $0x38;
	[tilespmem:$0x1FC30] =	vst v63  }
0x17b: {  	s20 =	sld [smem:$0x7F7]  }
0x17c: {  	[tilespmem:s25], [sflag:$0x1] =	stream.indirect.gather [hbm4b:s10+s1], $0x40, s6, s1, $0xb8;
	[tilespmem:$0x1FC30] =	vst v63  }
0x17d: {  	s21 =	simm.s32 $0x20  }
0x17e: {  	[tilespmem:s4], [sflag:$0x2] =	stream.indirect.gather [hbm4b:s10+s1], $0x40, s20, s1, $0xb8;
	[tilespmem:$0x1FC30] =	vst v63  }
0x17f: {  	s22 =	simm.s32 $0x4EB0;
	v7 =	vld [tilespmem:s21+$0x10]  }
0x180: {  	v11 =	vld [tilespmem:s22+$0x10];
	_ =	sdelay $0x1  }
0x181: {  	v5 =	vld [tilespmem:s22+$0xFFFFFFE0]  }
0x182: {  	v8 =	vld [tilespmem:s21+$0xFFFFFFF0]  }
0x183: {  	v17 =	vld [tilespmem:s22+$0xFFFFFFF0]  }
0x184: {  	v9 =	vld [tilespmem:s21+$0xFFFFFFE0]  }
0x185: {  	v10 =	vld [tilespmem:s21+$0x0]  }
0x186: {  	v7 =	vld.idx.msk [tilespmem:v7+s23+$0x0], $0xffff  }
0x187: {  	v12 =	vld.idx.msk [tilespmem:v11+s2+$0x0], $0xffff  }
0x188: {  	v6 =	vld [tilespmem:s22+$0x0]  }
0x189: {  	v13 =	vld.idx.msk [tilespmem:v5+s2+$0x0], $0xffff  }
0x18a: {  	v8 =	vld.idx.msk [tilespmem:v8+s23+$0x0], $0xffff  }
0x18b: {  	v14 =	vld.idx.msk [tilespmem:v17+s2+$0x0], $0xffff  }
0x18c: {  	v9 =	vld.idx.msk [tilespmem:v9+s23+$0x0], $0xffff;
	v7 =	vadd.f32 v12, v7;
	_ =	sdelay $0x1  }
0x18d: {  	v12 =	vld.idx.msk [tilespmem:v10+s23+$0x0], $0xffff;
	v10 =	vmul.f32 $2.000000030e-01, v7  }
0x18e: {  	vm0 =	vge.f32 v7, $0.0e+00  }
0x18f: {  	s29 =	simm.s32 $0x60;
	v14 =	vadd.f32 v14, v8;
	v7 =	vsel vm0, v7, v10  }
0x190: {  	v16 =	vld [tilespmem:s29+$0x10];
	v10 =	vadd.f32 v13, v9;
	v13 =	vsub.f32 v7, v4  }
0x191: {  	v9 =	vmul.f32 $2.000000030e-01, v14  }
0x192: {  	v15 =	vld.idx.msk [tilespmem:v6+s2+$0x0], $0xffff;
	vm12 =	vge.f32 v14, $0.0e+00;
	v18 =	vmul.f32 $2.000000030e-01, v10;
	v13 =	vmul.f32 $1.442695020e+00, v13  }
0x193: {  	v9 =	vsel vm12, v14, v9;
	v14 =	vld [tilespmem:s29+$0xFFFFFFF0];
	vm13 =	vge.f32 v10, $0.0e+00  }
0x194: {  	v19 =	vsub.f32 v9, v4;
	v10 =	vsel vm13, v10, v18;
	(erf) = vpow2.f32 v13  }
0x195: {  	v18 =	vsub.f32 v10, v4  }
0x196: {  	s13 =	simm.s32 $0x4EF0;
	v20 =	vld [tilespmem:s29+$0xFFFFFFE0];
	v19 =	vmul.f32 $1.442695020e+00, v19  }
0x197: {  	v8 =	vld [tilespmem:s13+$0x10];
	v15 =	vadd.f32 v15, v12;
	v18 =	vmul.f32 $1.442695020e+00, v18  }
0x198: {  	v16 =	vld.idx.msk [tilespmem:v16+s23+$0x0], $0xffff;
	(erf) = vpow2.f32 v19  }
0x199: {  	v7 =	vld [tilespmem:s13+$0xFFFFFFE0];
	(erf) = vpow2.f32 v18;
	v18 =	vmul.f32 $2.000000030e-01, v15  }
0x19a: {  	v9 =	vld [tilespmem:s13+$0xFFFFFFF0];
	vm14 =	vge.f32 v15, $0.0e+00  }
0x19b: {  	v21 =	vld.idx.msk [tilespmem:v14+s23+$0x0], $0xffff;
	v14 =	vsel vm14, v15, v18  }
0x19c: {  	v13 =	vld [tilespmem:s29+$0x0];
	v14 =	vsub.f32 v14, v4  }
0x19d: {  	v10 =	vld [tilespmem:s13+$0x0];
	v15 =	vpop (erf)  }
0x19e: {  	[tilespmem:v11+s24+$0x0] =	vst.idx.add.f32.msk $0xffff, v15;
	v11 =	vmul.f32 $1.442695020e+00, v14  }
0x19f: {  	v19 =	vld.idx.msk [tilespmem:v8+s2+$0x0], $0xffff  }
0x1a0: {  	(erf) = vpow2.f32 v11;
	_ =	sdelay $0x1  }
0x1a1: {  	v18 =	vld.idx.msk [tilespmem:v9+s2+$0x0], $0xffff  }
0x1a2: {  	v12 =	vld.idx.msk [tilespmem:v7+s2+$0x0], $0xffff  }
0x1a3: {  	v19 =	vadd.f32 v19, v16;
	v13 =	vld.idx.msk [tilespmem:v13+s23+$0x0], $0xffff  }
0x1a4: {  	v15 =	vld.idx.msk [tilespmem:v20+s23+$0x0], $0xffff  }
0x1a5: {  	v63 =	vmul.f32 $2.000000030e-01, v19;
	v14 =	vld.idx.msk [tilespmem:v10+s2+$0x0], $0xffff  }
0x1a6: {  	vm15 =	vge.f32 v19, $0.0e+00;
	v22 =	vpop (erf);
	v16 =	vadd.f32 v18, v21  }
0x1a7: {  	s17 =	simm.s32 $0x4;
	s18 =	simm.s32 $0xA0;
	[tilespmem:v17+s24+$0x0] =	vst.idx.add.f32.msk $0xffff, v22;
	v17 =	vsel vm15, v19, v63;
	v11 =	vpop (erf)  }
.LBB2_6:
0x1a8: {  	v18 =	vld [tilespmem:s18+$0x10];
	vm0 =	vge.f32 v16, $0.0e+00;
	v19 =	vmul.f32 $2.000000030e-01, v16;
	v17 =	vsub.f32 v17, v4;
	s13 =	sadd.s32 $0x40, s13;
	v20 =	vpop (erf)  }
0x1a9: {  	s17 =	sadd.s32 $0x4, s17;
	v12 =	vadd.f32 v12, v15;
	v21 =	vld [tilespmem:s13+$0x10]  }
0x1aa: {  	p1 =	slt.u32 s17, $0x4DC;
	v13 =	vadd.f32 v14, v13;
	v22 =	vld [tilespmem:s13+$0xFFFFFFE0];
	v15 =	vsel vm0, v16, v19;
	v14 =	vmul.f32 $1.442695020e+00, v17  }
0x1ab: {  	vm0 =	vge.f32 v12, $0.0e+00;
	v17 =	vmul.f32 $2.000000030e-01, v12;
	v16 =	vld [tilespmem:s18+$0xFFFFFFF0];
	v15 =	vsub.f32 v15, v4  }
0x1ac: {  	vm1 =	vge.f32 v13, $0.0e+00;
	v23 =	vmul.f32 $2.000000030e-01, v13;
	v19 =	vld [tilespmem:s13+$0xFFFFFFF0];
	(erf) = vpow2.f32 v14  }
0x1ad: {  	v12 =	vsel vm0, v12, v17;
	v14 =	vld [tilespmem:s18+$0x0];
	v15 =	vmul.f32 $1.442695020e+00, v15  }
0x1ae: {  	v12 =	vsub.f32 v12, v4;
	v13 =	vsel vm1, v13, v23;
	v24 =	vld [tilespmem:s13+$0x0]  }
0x1af: {  	v13 =	vsub.f32 v13, v4;
	v17 =	vld [tilespmem:s18+$0xFFFFFFE0];
	(erf) = vpow2.f32 v15  }
0x1b0: {  	v15 =	vmul.f32 $1.442695020e+00, v12;
	v18 =	vld.idx.msk [tilespmem:v18+s23+$0x0], $0xffff  }
0x1b1: {  	v13 =	vmul.f32 $1.442695020e+00, v13;
	v23 =	vld.idx.msk [tilespmem:v21+s2+$0x0], $0xffff  }
0x1b2: {  	v12 =	vld.idx.msk [tilespmem:v22+s2+$0x0], $0xffff;
	(erf) = vpow2.f32 v15  }
0x1b3: {  	v16 =	vld.idx.msk [tilespmem:v16+s23+$0x0], $0xffff;
	(erf) = vpow2.f32 v13  }
0x1b4: {  	v25 =	vld.idx.msk [tilespmem:v19+s2+$0x0], $0xffff  }
0x1b5: {  	v13 =	vld.idx.msk [tilespmem:v14+s23+$0x0], $0xffff;
	v14 =	vpop (erf)  }
0x1b6: {  	[tilespmem:v8+s24+$0x0] =	vst.idx.add.f32.msk $0xffff, v14;
	v8 =	vmov v21  }
.Ltmp4:
0x1b7: {  	v15 =	vld.idx.msk [tilespmem:v17+s23+$0x0], $0xffff;
	v17 =	vadd.f32 v23, v18;
	(pc) =	sbr.rel @p1 .LBB2_6-.Ltmp4, $4  }
0x1b8: {  	v14 =	vld.idx.msk [tilespmem:v24+s2+$0x0], $0xffff;
	v18 =	vpop (erf)  }
0x1b9: {  	v21 =	vmul.f32 $2.000000030e-01, v17;
	[tilespmem:v5+s24+$0x0] =	vst.idx.add.f32.msk $0xffff, v11;
	v5 =	vmov v7;
	v7 =	vmov v22  }
0x1ba: {  	v16 =	vadd.f32 v25, v16;
	vm0 =	vge.f32 v17, $0.0e+00;
	[tilespmem:v9+s24+$0x0] =	vst.idx.add.f32.msk $0xffff, v18;
	v9 =	vmov v19  }
0x1bb: {  	s18 =	sadd.s32 $0x40, s18;
	v17 =	vsel vm0, v17, v21;
	v11 =	vpop (erf);
	[tilespmem:v6+s24+$0x0] =	vst.idx.add.f32.msk $0xffff, v20;
	v6 =	vmov v10;
	v10 =	vmov v24  }
0x1bc: {  	v12 =	vadd.f32 v12, v15  }
0x1bd: {  	v18 =	vmul.f32 $2.000000030e-01, v16;
	v13 =	vadd.f32 v14, v13  }
0x1be: {  	v17 =	vsub.f32 v17, v4;
	vm0 =	vge.f32 v16, $0.0e+00;
	v59 =	vmul.f32 $2.000000030e-01, v12  }
0x1bf: {  	v57 =	vsel vm0, v16, v18;
	vm15 =	vge.f32 v12, $0.0e+00;
	v60 =	vmul.f32 $2.000000030e-01, v13  }
0x1c0: {  	v14 =	vsub.f32 v57, v4;
	vm1 =	vge.f32 v13, $0.0e+00;
	v12 =	vsel vm15, v12, v59  }
0x1c1: {  	v58 =	vmul.f32 $1.442695020e+00, v17;
	v12 =	vsub.f32 v12, v4;
	v13 =	vsel vm1, v13, v60  }
0x1c2: {  	v14 =	vmul.f32 $1.442695020e+00, v14;
	v13 =	vsub.f32 v13, v4  }
0x1c3: {  	(erf) = vpow2.f32 v58;
	v12 =	vmul.f32 $1.442695020e+00, v12  }
0x1c4: {  	(erf) = vpow2.f32 v14;
	v13 =	vmul.f32 $1.442695020e+00, v13  }
0x1c5: {  	(erf) = vpow2.f32 v12  }
0x1c6: {  	(erf) = vpow2.f32 v13;
	_ =	sdelay $0x4  }
0x1c7: {  	v61 =	vpop (erf);
	[tilespmem:v5+s24+$0x0] =	vst.idx.add.f32.msk $0xffff, v11  }
0x1c8: {  	[tilespmem:v6+s24+$0x0] =	vst.idx.add.f32.msk $0xffff, v61;
	v62 =	vpop (erf)  }
0x1c9: {  	[tilespmem:v8+s24+$0x0] =	vst.idx.add.f32.msk $0xffff, v62;
	v63 =	vpop (erf)  }
0x1ca: {  	[tilespmem:v9+s24+$0x0] =	vst.idx.add.f32.msk $0xffff, v63;
	v5 =	vpop (erf)  }
0x1cb: {  	v6 =	vpop (erf);
	[tilespmem:v7+s24+$0x0] =	vst.idx.add.f32.msk $0xffff, v5  }
0x1cc: {  	s12 =	simm.s32 $0x0;
	[tilespmem:v10+s24+$0x0] =	vst.idx.add.f32.msk $0xffff, v6  }
.LBB2_8:
0x1cd: {  	s13 =	sshra.s32 s12, $0x2  }
0x1ce: {  	v5 =	vld [tilespmem:s13+$0x4E00]  }
0x1cf: {  	v6 =	vld [tilespmem:s13+$0x9C90];
	_ =	sdelay $0x6  }
0x1d0: {  	v5 =	vld.idx.msk [tilespmem:v5+s23+$0x0], $0xffff  }
0x1d1: {  	v7 =	vld.idx.msk [tilespmem:v6+s2+$0x0], $0xffff;
	_ =	sdelay $0x4  }
0x1d2: {  	v5 =	vadd.f32 v7, v5;
	_ =	sdelay $0x1  }
0x1d3: {  	v7 =	vmul.f32 $2.000000030e-01, v5  }
0x1d4: {  	vm0 =	vge.f32 v5, $0.0e+00  }
0x1d5: {  	v5 =	vsel vm0, v5, v7  }
0x1d6: {  	v5 =	vsub.f32 v5, v4;
	_ =	sdelay $0x1  }
0x1d7: {  	v5 =	vmul.f32 $1.442695020e+00, v5;
	_ =	sdelay $0x1  }
0x1d8: {  	(erf) = vpow2.f32 v5;
	_ =	sdelay $0x4  }
0x1d9: {  	p1 =	sne.s32 s12, $0x40  }
.Ltmp5:
0x1da: {  	_ = 	snop;
	(pc) =	sbr.rel @p1 .LBB2_8-.Ltmp5, $3  }
0x1db: {  	_ =	sdelay $0x1  }
0x1dc: {  	v5 =	vpop (erf)  }
0x1dd: {  	s12 =	sadd.s32 $0x40, s12;
	[tilespmem:v6+s24+$0x0] =	vst.idx.add.f32.msk $0xffff, v5  }
0x1de: {  	[bflag:$0x0] =	sbarrier.arrive $0xFFFF  }
0x1df: {  	s13 =	simm.s32 $0x30;
	s16 =	simm.s32 $0x11C40;
	s12 =	rddreg [dreg:$0x2]  }
0x1e0: {  	[spmem:s12] =	stream.indirect.scatter.add.f32 [tilespmem:s24], [sflag:$0x7], $0x100, s16, s13, $0xb8;
	[tilespmem:$0x1FC30] =	vst v63  }
0x1e1: {  	_ =	swait.ge [sflag:s19], $0x3000  }
0x1e2: {  	[sflag:s19] =	ssyncset.done $0x0  }
0x1e3: {  	[sflag:s19] =	ssyncadd.s32 $0xFFFFD000  }
0x1e4: {  	[bflag:$0x0] =	sbarrier.arrive $0xFFFF  }
0x1e5: {  	[tilespmem:s24], [sflag:$0x7] =	stream.linear.gather [spmem:s12], $0x1000, $0x38;
	[tilespmem:$0x1FC30] =	vst v63  }
0x1e6: {  	_ =	swait.ge [sflag:s19], $0x1000  }
0x1e7: {  	s20 =	sld [smem:$0x7FC]  }
0x1e8: {  	[sflag:s19] =	ssyncset.done $0x0  }
0x1e9: {  	s21 =	simm.s32 $0xFC40;
	[sflag:s19] =	ssyncadd.s32 $0xFFFFF000  }
0x1ea: {  	[tilespmem:s21], [sflag:$0x7] =	stream.linear.gather [spmem:s20], $0x1000, $0x38;
	[tilespmem:$0x1FC30] =	vst v63  }
0x1eb: {  	_ =	swait.ge [sflag:s19], $0x1000  }
0x1ec: {  	s22 =	sld [smem:$0x7FD]  }
0x1ed: {  	[sflag:s19] =	ssyncset.done $0x0  }
0x1ee: {  	s29 =	simm.s32 $0x10C40;
	[sflag:s19] =	ssyncadd.s32 $0xFFFFF000  }
0x1ef: {  	[tilespmem:s29], [sflag:$0x7] =	stream.linear.gather [spmem:s22], $0x1000, $0x38;
	[tilespmem:$0x1FC30] =	vst v63  }
0x1f0: {  	_ =	swait.ge [sflag:s19], $0x1000  }
0x1f1: {  	[sflag:s19] =	ssyncset.done $0x0  }
0x1f2: {  	s17 =	simm.s32 $0x0;
	[sflag:s19] =	ssyncadd.s32 $0xFFFFF000  }
.LBB2_10:
0x1f3: {  	s13 =	sshllo.u32 s17, $0x1;
	p1 =	seq.s32 s17, $0x0  }
0x1f4: {  	p2 =	sgt.u32 @!p1 s13, $0x4E  }
0x1f5: {  	p2 =	por p1, p2  }
.Ltmp6:
0x1f6: {  	_ = 	snop;
	(pc) =	sbr.rel @p2 .LBB2_12-.Ltmp6, $2  }
0x1f7: {  	_ =	sdelay $0x2  }
0x1f8: {  	s19 =	sshll.u32 s13, $0x7  }
0x1f9: {  	_ =	swait.ge [sflag:s8], $0x2000;
	s12 =	sadd.s32 s11, s19  }
.Ltmp7:
0x1fa: {  	[sflag:s8] =	ssyncset.done $0x0;
	s12 =	sshrl.u32 s12, $0x3;
	(pc) =	sbr.rel .LBB2_13-.Ltmp7, $4  }
0x1fb: {  	[sflag:s8] =	ssyncadd.s32 $0xFFFFE000;
	s12 =	sadd.s32 s7, s12  }
0x1fc: {  	[tilespmem:s0], [sflag:$0x4] =	stream.linear.gather [hbm4b:s12+s5], $0x80, $0x38;
	[tilespmem:$0x1FC30] =	vst v63  }
0x1fd: {  	s29 =	sadd.s32 s19, s6  }
0x1fe: {  	[tilespmem:s4], [sflag:$0x2] =	stream.indirect.gather [hbm4b:s10+s1], $0x40, s29, s1, $0xb8;
	[tilespmem:$0x1FC30] =	vst v63  }
.LBB2_12:
.Ltmp8:
0x1ff: {  	(pc) =	sbr.rel @p1 .LBB2_14-.Ltmp8, $1  }
0x200: {  	_ =	sdelay $0x3  }
.LBB2_13:
0x201: {  	_ =	swait.ge [sflag:s9], $0x80  }
0x202: {  	[sflag:s9] =	ssyncset.done $0x0  }
0x203: {  	[sflag:s9] =	ssyncadd.s32 $0xFFFFFF80  }
.LBB2_14:
0x204: {  	s18 =	sshll.u32 s17, $0x8  }
0x205: {  	s12 =	sadd.s32 s6, s18  }
0x206: {  	v5 =	vmov s12;
	_ =	sdelay $0x1  }
0x207: {  	_ =	swait.ge [sflag:s26], $0x2000  }
0x208: {  	s21 =	simm.s32 $0x0;
	[sflag:s26] =	ssyncset.done $0x0  }
0x209: {  	p1 =	por $0x1, $0x1;
	s22 =	simm.s32 $0x0;
	[sflag:s26] =	ssyncadd.s32 $0xFFFFE000  }
.LBB2_15:
0x20a: {  	v6 =	vld.idx.msk [tilespmem:v5+s22+$0x0 ss:$0x1], $0xffff  }
0x20b: {  	v7 =	vld.idx.msk [tilespmem:v5+s22+$0x4E90 ss:$0x1], $0xffff;
	s16 =	sor.u32 $0x10, s22  }
0x20c: {  	v9 =	vld.idx.msk [tilespmem:v5+s16+$0x0 ss:$0x1], $0xffff  }
0x20d: {  	s12 =	sor.u32 $0x20, s22;
	v10 =	vld.idx.msk [tilespmem:v5+s16+$0x4E90 ss:$0x1], $0xffff  }
0x20e: {  	v11 =	vld.idx.msk [tilespmem:v5+s12+$0x0 ss:$0x1], $0xffff  }
0x20f: {  	s20 =	sor.u32 $0x30, s22;
	v12 =	vld.idx.msk [tilespmem:v5+s12+$0x4E90 ss:$0x1], $0xffff  }
0x210: {  	v13 =	vld.idx.msk [tilespmem:v5+s20+$0x0 ss:$0x1], $0xffff  }
0x211: {  	v14 =	vld.idx.msk [tilespmem:v5+s20+$0x4E90 ss:$0x1], $0xffff  }
0x212: {  	v6 =	vld.idx.msk [tilespmem:v6+s23+$0x0], $0xffff  }
0x213: {  	v8 =	vld.idx.msk [tilespmem:v7+s2+$0x0], $0xffff;
	_ =	sdelay $0x2  }
0x214: {  	v9 =	vld.idx.msk [tilespmem:v9+s23+$0x0], $0xffff  }
0x215: {  	v15 =	vld.idx.msk [tilespmem:v10+s2+$0x0], $0xffff  }
0x216: {  	v49 =	vld.idx.msk [tilespmem:v11+s23+$0x0], $0xffff;
	v6 =	vadd.f32 v8, v6  }
0x217: {  	v50 =	vld.idx.msk [tilespmem:v12+s2+$0x0], $0xffff  }
0x218: {  	v13 =	vld.idx.msk [tilespmem:v13+s23+$0x0], $0xffff;
	v16 =	vmul.f32 $2.000000030e-01, v6  }
0x219: {  	v17 =	vld.idx.msk [tilespmem:v14+s2+$0x0], $0xffff;
	vm0 =	vge.f32 v6, $0.0e+00  }
0x21a: {  	v9 =	vadd.f32 v15, v9;
	v6 =	vsel vm0, v6, v16  }
0x21b: {  	v7 =	vld.idx.msk [tilespmem:v7+s24+$0x0], $0xffff;
	v6 =	vsub.f32 v6, v4  }
0x21c: {  	v8 =	vadd.f32 v50, v49;
	v51 =	vmul.f32 $2.000000030e-01, v9  }
0x21d: {  	v10 =	vld.idx.msk [tilespmem:v10+s24+$0x0], $0xffff;
	vm13 =	vge.f32 v9, $0.0e+00;
	v6 =	vmul.f32 $1.442695020e+00, v6  }
0x21e: {  	v52 =	vadd.f32 v17, v13;
	v53 =	vmul.f32 $2.000000030e-01, v8;
	v9 =	vsel vm13, v9, v51  }
0x21f: {  	v54 =	vld.idx.msk [tilespmem:v12+s24+$0x0], $0xffff;
	vm14 =	vge.f32 v8, $0.0e+00;
	(erf) = vpow2.f32 v6;
	v6 =	vsub.f32 v9, v4  }
0x220: {  	v7 =	vadd.f32 $1.000000020e-16, v7;
	v55 =	vmul.f32 $2.000000030e-01, v52;
	v8 =	vsel vm14, v8, v53  }
0x221: {  	v56 =	vld.idx.msk [tilespmem:v14+s24+$0x0], $0xffff;
	vm15 =	vge.f32 v52, $0.0e+00;
	v8 =	vsub.f32 v8, v4;
	v6 =	vmul.f32 $1.442695020e+00, v6  }
0x222: {  	v10 =	vadd.f32 $1.000000020e-16, v10;
	(erf) = vrcp.f32 v7;
	v7 =	vsel vm15, v52, v55  }
0x223: {  	v7 =	vsub.f32 v7, v4;
	(erf) = vpow2.f32 v6;
	v6 =	vmul.f32 $1.442695020e+00, v8  }
0x224: {  	v57 =	vadd.f32 $1.000000020e-16, v54;
	(erf) = vrcp.f32 v10  }
0x225: {  	(erf) = vpow2.f32 v6;
	v6 =	vmul.f32 $1.442695020e+00, v7  }
0x226: {  	v7 =	vadd.f32 $1.000000020e-16, v56;
	(erf) = vrcp.f32 v57  }
0x227: {  	(erf) = vpow2.f32 v6  }
0x228: {  	(erf) = vrcp.f32 v7;
	_ =	sdelay $0x1  }
0x229: {  	v6 =	vpop (erf)  }
0x22a: {  	v7 =	vpop (erf)  }
0x22b: {  	v58 =	vpop (erf)  }
0x22c: {  	v59 =	vpop (erf)  }
0x22d: {  	s29 =	sor.u32 s18, s22;
	v6 =	vmul.f32 v6, v7;
	v60 =	vpop (erf)  }
0x22e: {  	p2 =	slt.u32 s29, $0x2710;
	v61 =	vpop (erf)  }
0x22f: {  	s16 =	sor.u32 s18, s16;
	v6 =	vpsel !p2, $0x0, v6;
	p2 =	por p1, p1;
	v8 =	vmul.f32 v58, v59;
	v7 =	vpop (erf)  }
.Ltmp9:
0x230: {  	s12 =	sor.u32 s18, s12;
	p3 =	slt.u32 s16, $0x2710;
	v62 =	vmul.f32 v60, v61;
	v63 =	vpop (erf);
	(pc) =	sbr.rel @p2 .LBB2_15-.Ltmp9, $4  }
0x231: {  	s29 =	sor.u32 s18, s20;
	p5 =	slt.u32 s12, $0x2710;
	[tilespmem:s22+$0x15C70] =	vst v6;
	v8 =	vpsel !p3, $0x0, v8;
	v6 =	vmul.f32 v7, v63  }
0x232: {  	p6 =	slt.u32 s29, $0x2710;
	[tilespmem:s22+$0x15C80] =	vst v8;
	v7 =	vpsel !p5, $0x0, v62  }
0x233: {  	[tilespmem:s22+$0x15C90] =	vst v7;
	v6 =	vpsel !p6, $0x0, v6  }
0x234: {  	s20 =	simm.s32 $0x11CF0;
	p1 =	por $0x0, $0x0;
	[tilespmem:s22+$0x15CA0] =	vst v6;
	s22 =	simm.s32 $0x40  }
0x235: {  	v5 =	vmov s21  }
0x236: {  	s12 =	simm.s32 $0x3;
	s16 =	simm.s32 $0x1;
	v5 =	vand.u32 $0xFFFFFFFC, v5  }
0x237: {  	v6 =	vmov s12;
	v7 =	vmov s16;
	v8 =	vbroadcast v5, $0x0  }
0x238: {  	s16 =	simm.s32 $0x2;
	v5 =	vand.u32 $0xFFFFFFFD, v7  }
0x239: {  	v7 =	vmov s16;
	v9 =	vbroadcast v5, $0x0  }
0x23a: {  	v5 =	vand.u32 $0xFFFFFFFE, v7  }
0x23b: {  	v10 =	vbroadcast v5, $0x0  }
0x23c: {  	v5 =	vld.idx.msk [tilespmem:v6+s28+$0x0], $0xffff  }
0x23d: {  	v12 =	vld.idx.msk [tilespmem:v8+s28+$0x0], $0xffff  }
0x23e: {  	v8 =	vld [tilespmem:s20+$0x30]  }
0x23f: {  	v7 =	vld.idx.msk [tilespmem:v9+s28+$0x0], $0xffff  }
0x240: {  	v9 =	vld [tilespmem:s20+$0xFFFFFF80]  }
0x241: {  	v6 =	vld.idx.msk [tilespmem:v10+s28+$0x0], $0xffff  }
0x242: {  	v10 =	vld [tilespmem:s20+$0xFFFFFF90]  }
0x243: {  	v11 =	vld [tilespmem:s20+$0xFFFFFFA0]  }
0x244: {  	v13 =	vld [tilespmem:s20+$0xFFFFFFB0]  }
0x245: {  	v14 =	vld [tilespmem:s20+$0xFFFFFFC0];
	v16 =	vmul.f32 v9, v12  }
0x246: {  	v9 =	vld [tilespmem:s20+$0xFFFFFFD0];
	v15 =	vmul.f32 v8, v6  }
0x247: {  	s21 =	simm.s32 $0x4;
	v17 =	vmul.f32 v10, v12;
	v8 =	vld [tilespmem:s20+$0xFFFFFFE0];
	[tilespmem:s20+$0xFFFFFF80] =	vst v16  }
0x248: {  	s22 =	simm.s32 $0x7;
	v10 =	vmov s21;
	v16 =	vmul.f32 v11, v12;
	v11 =	vld [tilespmem:s20+$0xFFFFFFF0];
	[tilespmem:s20+$0x30] =	vst v15  }
0x249: {  	s29 =	simm.s32 $0x5;
	v18 =	vand.u32 $0xFFFFFFFC, v10;
	v10 =	vmov s22;
	[tilespmem:s20+$0xFFFFFF90] =	vst v17;
	v15 =	vmul.f32 v13, v12;
	v13 =	vld [tilespmem:s20+$0x0]  }
0x24a: {  	s12 =	simm.s32 $0x6;
	s21 =	simm.s32 $0x11CF0;
	s22 =	simm.s32 $0x8;
	v12 =	vbroadcast v18, $0x0;
	v17 =	vmov s29;
	[tilespmem:s20+$0xFFFFFFA0] =	vst v16;
	v16 =	vmul.f32 v14, v7;
	v14 =	vld [tilespmem:s20+$0x10]  }
.LBB2_17:
0x24b: {  	p1 =	slt.u32 s22, $0x7C;
	v17 =	vand.u32 $0xFFFFFFFD, v17;
	v18 =	vmov s12;
	[tilespmem:s20+$0xFFFFFFB0] =	vst v15;
	v9 =	vmul.f32 v9, v7;
	v15 =	vld [tilespmem:s20+$0x20]  }
0x24c: {  	v17 =	vbroadcast v17, $0x0;
	v18 =	vand.u32 $0xFFFFFFFE, v18;
	[tilespmem:s20+$0xFFFFFFC0] =	vst v16;
	v8 =	vmul.f32 v8, v7;
	v16 =	vld [tilespmem:s20+$0x40]  }
0x24d: {  	v18 =	vbroadcast v18, $0x0;
	[tilespmem:s20+$0xFFFFFFD0] =	vst v9;
	v7 =	vmul.f32 v11, v7;
	v9 =	vld [tilespmem:s20+$0x50]  }
0x24e: {  	[tilespmem:s20+$0xFFFFFFE0] =	vst v8;
	v8 =	vmul.f32 v13, v6;
	v11 =	vld [tilespmem:s20+$0x60]  }
0x24f: {  	[tilespmem:s20+$0xFFFFFFF0] =	vst v7;
	v7 =	vmul.f32 v14, v6;
	v13 =	vld [tilespmem:s20+$0x70]  }
0x250: {  	v10 =	vld.idx.msk [tilespmem:v10+s28+$0x0], $0xffff;
	[tilespmem:s20+$0x0] =	vst v8;
	v6 =	vmul.f32 v15, v6  }
0x251: {  	v12 =	vld.idx.msk [tilespmem:v12+s28+$0x0], $0xffff;
	[tilespmem:s20+$0x10] =	vst v7;
	v8 =	vmul.f32 v16, v5  }
0x252: {  	v7 =	vld.idx.msk [tilespmem:v17+s28+$0x0], $0xffff;
	[tilespmem:s20+$0x20] =	vst v6;
	v9 =	vmul.f32 v9, v5  }
0x253: {  	s20 =	sadd.s32 $0x100, s20;
	v6 =	vld.idx.msk [tilespmem:v18+s28+$0x0], $0xffff;
	[tilespmem:s21+$0x40] =	vst v8;
	v8 =	vmul.f32 v11, v5  }
0x254: {  	v11 =	vld [tilespmem:s20+$0x30];
	[tilespmem:s21+$0x50] =	vst v9;
	v13 =	vmul.f32 v13, v5  }
0x255: {  	v9 =	vld [tilespmem:s20+$0xFFFFFF80];
	[tilespmem:s21+$0x60] =	vst v8  }
0x256: {  	v5 =	vmov v10;
	v8 =	vld [tilespmem:s20+$0xFFFFFF90];
	[tilespmem:s21+$0x70] =	vst v13;
	s21 =	smov.u32 s20  }
0x257: {  	v10 =	vld [tilespmem:s20+$0xFFFFFFA0]  }
0x258: {  	v13 =	vld [tilespmem:s20+$0xFFFFFFB0]  }
0x259: {  	v14 =	vld [tilespmem:s20+$0xFFFFFFC0];
	v11 =	vmul.f32 v11, v6  }
.Ltmp10:
0x25a: {  	v15 =	vmul.f32 v9, v12;
	v9 =	vld [tilespmem:s20+$0xFFFFFFD0];
	(pc) =	sbr.rel @p1 .LBB2_17-.Ltmp10, $4  }
0x25b: {  	v16 =	vmul.f32 v8, v12;
	v8 =	vld [tilespmem:s20+$0xFFFFFFE0];
	[tilespmem:s20+$0x30] =	vst v11  }
0x25c: {  	s12 =	sadd.s32 $0x3, s22;
	v17 =	vmov s22;
	[tilespmem:s20+$0xFFFFFF80] =	vst v15;
	v18 =	vmul.f32 v10, v12;
	v11 =	vld [tilespmem:s20+$0xFFFFFFF0]  }
0x25d: {  	s16 =	sadd.s32 $0x1, s22;
	v17 =	vand.u32 $0xFFFFFFFC, v17;
	v10 =	vmov s12;
	[tilespmem:s20+$0xFFFFFF90] =	vst v16;
	v15 =	vmul.f32 v13, v12;
	v13 =	vld [tilespmem:s20+$0x0]  }
0x25e: {  	s12 =	sadd.s32 $0x2, s22;
	s22 =	sadd.s32 $0x4, s22;
	v12 =	vbroadcast v17, $0x0;
	v17 =	vmov s16;
	[tilespmem:s20+$0xFFFFFFA0] =	vst v18;
	v16 =	vmul.f32 v14, v7;
	v14 =	vld [tilespmem:s20+$0x10]  }
0x25f: {  	v19 =	vld [tilespmem:s20+$0x20]  }
0x260: {  	v20 =	vld [tilespmem:s20+$0x40]  }
0x261: {  	v21 =	vld [tilespmem:s20+$0x50]  }
0x262: {  	v17 =	vand.u32 $0xFFFFFFFD, v17;
	v22 =	vld [tilespmem:s20+$0x60]  }
0x263: {  	v18 =	vmov s12;
	[tilespmem:s20+$0xFFFFFFB0] =	vst v15;
	v9 =	vmul.f32 v9, v7;
	v47 =	vld [tilespmem:s20+$0x70];
	v17 =	vbroadcast v17, $0x0  }
0x264: {  	v10 =	vld.idx.msk [tilespmem:v10+s28+$0x0], $0xffff;
	v18 =	vand.u32 $0xFFFFFFFE, v18;
	[tilespmem:s20+$0xFFFFFFC0] =	vst v16;
	v8 =	vmul.f32 v8, v7;
	v7 =	vmul.f32 v11, v7  }
0x265: {  	s29 =	sadd.s32 $0x100, s20;
	v48 =	vld.idx.msk [tilespmem:v12+s28+$0x0], $0xffff;
	v18 =	vbroadcast v18, $0x0;
	[tilespmem:s20+$0xFFFFFFD0] =	vst v9  }
0x266: {  	v52 =	vld [tilespmem:s29+$0x30];
	[tilespmem:s20+$0xFFFFFFF0] =	vst v7;
	v7 =	vmul.f32 v14, v6  }
0x267: {  	v53 =	vld [tilespmem:s29+$0xFFFFFF80];
	[tilespmem:s20+$0xFFFFFFE0] =	vst v8;
	v49 =	vmul.f32 v13, v6;
	v6 =	vmul.f32 v19, v6  }
0x268: {  	v54 =	vld [tilespmem:s29+$0xFFFFFF90];
	[tilespmem:s20+$0x10] =	vst v7;
	v7 =	vmul.f32 v20, v5  }
0x269: {  	v55 =	vld [tilespmem:s29+$0xFFFFFFA0];
	[tilespmem:s20+$0x20] =	vst v6;
	v6 =	vmul.f32 v21, v5  }
0x26a: {  	v50 =	vld.idx.msk [tilespmem:v17+s28+$0x0], $0xffff;
	[tilespmem:s21+$0x40] =	vst v7;
	v7 =	vmul.f32 v22, v5  }
0x26b: {  	v51 =	vld.idx.msk [tilespmem:v18+s28+$0x0], $0xffff;
	v5 =	vmul.f32 v47, v5;
	[tilespmem:s21+$0x50] =	vst v6  }
0x26c: {  	v6 =	vld [tilespmem:s29+$0xFFFFFFB0];
	[tilespmem:s21+$0x60] =	vst v7  }
0x26d: {  	v7 =	vld [tilespmem:s29+$0xFFFFFFC0];
	[tilespmem:s21+$0x70] =	vst v5;
	v5 =	vmul.f32 v53, v48  }
0x26e: {  	v56 =	vld [tilespmem:s29+$0xFFFFFFD0];
	[tilespmem:s20+$0x0] =	vst v49;
	v14 =	vmul.f32 v54, v48  }
0x26f: {  	v57 =	vld [tilespmem:s29+$0xFFFFFFE0];
	[tilespmem:s29+$0xFFFFFF80] =	vst v5;
	v5 =	vmul.f32 v55, v48  }
0x270: {  	v58 =	vld [tilespmem:s29+$0xFFFFFFF0];
	[tilespmem:s29+$0xFFFFFF90] =	vst v14;
	v8 =	vmul.f32 v52, v51  }
0x271: {  	v59 =	vld [tilespmem:s29+$0x0];
	v6 =	vmul.f32 v6, v48;
	[tilespmem:s29+$0xFFFFFFA0] =	vst v5  }
0x272: {  	[tilespmem:s29+$0x30] =	vst v8;
	v5 =	vmul.f32 v7, v50;
	v7 =	vld [tilespmem:s29+$0x10]  }
0x273: {  	v60 =	vld [tilespmem:s29+$0x20];
	[tilespmem:s29+$0xFFFFFFB0] =	vst v6;
	v6 =	vmul.f32 v56, v50  }
0x274: {  	v61 =	vld [tilespmem:s29+$0x40];
	[tilespmem:s29+$0xFFFFFFC0] =	vst v5;
	v5 =	vmul.f32 v57, v50  }
0x275: {  	v62 =	vld [tilespmem:s29+$0x50];
	[tilespmem:s29+$0xFFFFFFD0] =	vst v6;
	v6 =	vmul.f32 v58, v50  }
0x276: {  	v63 =	vld [tilespmem:s29+$0x60];
	[tilespmem:s29+$0xFFFFFFE0] =	vst v5;
	v5 =	vmul.f32 v59, v51  }
0x277: {  	[tilespmem:s29+$0xFFFFFFF0] =	vst v6;
	v6 =	vmul.f32 v7, v51;
	v7 =	vld [tilespmem:s29+$0x70]  }
0x278: {  	[tilespmem:s29+$0x0] =	vst v5;
	v5 =	vmul.f32 v60, v51  }
0x279: {  	[tilespmem:s29+$0x10] =	vst v6;
	v6 =	vmul.f32 v61, v10  }
0x27a: {  	p1 =	sgt.u32 s13, $0x4E;
	[tilespmem:s29+$0x20] =	vst v5;
	v5 =	vmul.f32 v62, v10  }
.Ltmp11:
0x27b: {  	[tilespmem:s29+$0x40] =	vst v6;
	v6 =	vmul.f32 v63, v10;
	(pc) =	sbr.rel @p1 .LBB2_24-.Ltmp11, $4  }
0x27c: {  	[tilespmem:s29+$0x50] =	vst v5;
	v5 =	vmul.f32 v7, v10  }
0x27d: {  	[tilespmem:s29+$0x60] =	vst v6  }
0x27e: {  	[tilespmem:s29+$0x70] =	vst v5  }
0x27f: {  	[spmem:s3] =	stream.indirect.scatter.add.f32 [tilespmem:s25], [sflag:$0x5], $0x40, s31, s1, $0xb8;
	[tilespmem:$0x1FC30] =	vst v63  }
0x280: {  	_ =	swait.ge [sflag:s14], $0x80;
	s12 =	sadd.s32 s6, s19  }
0x281: {  	[sflag:s14] =	ssyncset.done $0x0;
	v5 =	vmov s12  }
0x282: {  	[sflag:s14] =	ssyncadd.s32 $0xFFFFFF80  }
0x283: {  	_ =	swait.ge [sflag:s30], $0x2000  }
0x284: {  	s20 =	simm.s32 $0x0;
	[sflag:s30] =	ssyncset.done $0x0  }
0x285: {  	p1 =	por $0x1, $0x1;
	s21 =	simm.s32 $0x0;
	[sflag:s30] =	ssyncadd.s32 $0xFFFFE000  }
.LBB2_20:
0x286: {  	v6 =	vld.idx.msk [tilespmem:v5+s21+$0x0 ss:$0x1], $0xffff  }
0x287: {  	v7 =	vld.idx.msk [tilespmem:v5+s21+$0x4E90 ss:$0x1], $0xffff;
	s16 =	sor.u32 $0x10, s21  }
0x288: {  	v9 =	vld.idx.msk [tilespmem:v5+s16+$0x0 ss:$0x1], $0xffff  }
0x289: {  	s12 =	sor.u32 $0x20, s21;
	v10 =	vld.idx.msk [tilespmem:v5+s16+$0x4E90 ss:$0x1], $0xffff  }
0x28a: {  	v11 =	vld.idx.msk [tilespmem:v5+s12+$0x0 ss:$0x1], $0xffff  }
0x28b: {  	s13 =	sor.u32 $0x30, s21;
	v12 =	vld.idx.msk [tilespmem:v5+s12+$0x4E90 ss:$0x1], $0xffff  }
0x28c: {  	v13 =	vld.idx.msk [tilespmem:v5+s13+$0x0 ss:$0x1], $0xffff  }
0x28d: {  	v14 =	vld.idx.msk [tilespmem:v5+s13+$0x4E90 ss:$0x1], $0xffff  }
0x28e: {  	v6 =	vld.idx.msk [tilespmem:v6+s23+$0x0], $0xffff  }
0x28f: {  	v8 =	vld.idx.msk [tilespmem:v7+s2+$0x0], $0xffff;
	_ =	sdelay $0x2  }
0x290: {  	v9 =	vld.idx.msk [tilespmem:v9+s23+$0x0], $0xffff  }
0x291: {  	v15 =	vld.idx.msk [tilespmem:v10+s2+$0x0], $0xffff  }
0x292: {  	v49 =	vld.idx.msk [tilespmem:v11+s23+$0x0], $0xffff;
	v6 =	vadd.f32 v8, v6  }
0x293: {  	v50 =	vld.idx.msk [tilespmem:v12+s2+$0x0], $0xffff  }
0x294: {  	v13 =	vld.idx.msk [tilespmem:v13+s23+$0x0], $0xffff;
	v16 =	vmul.f32 $2.000000030e-01, v6  }
0x295: {  	v17 =	vld.idx.msk [tilespmem:v14+s2+$0x0], $0xffff;
	vm0 =	vge.f32 v6, $0.0e+00  }
0x296: {  	v9 =	vadd.f32 v15, v9;
	v6 =	vsel vm0, v6, v16  }
0x297: {  	v7 =	vld.idx.msk [tilespmem:v7+s24+$0x0], $0xffff;
	v6 =	vsub.f32 v6, v4  }
0x298: {  	v8 =	vadd.f32 v50, v49;
	v51 =	vmul.f32 $2.000000030e-01, v9  }
0x299: {  	v10 =	vld.idx.msk [tilespmem:v10+s24+$0x0], $0xffff;
	vm13 =	vge.f32 v9, $0.0e+00;
	v6 =	vmul.f32 $1.442695020e+00, v6  }
0x29a: {  	v52 =	vadd.f32 v17, v13;
	v53 =	vmul.f32 $2.000000030e-01, v8;
	v9 =	vsel vm13, v9, v51  }
0x29b: {  	v54 =	vld.idx.msk [tilespmem:v12+s24+$0x0], $0xffff;
	vm14 =	vge.f32 v8, $0.0e+00;
	(erf) = vpow2.f32 v6;
	v6 =	vsub.f32 v9, v4  }
0x29c: {  	v7 =	vadd.f32 $1.000000020e-16, v7;
	v55 =	vmul.f32 $2.000000030e-01, v52;
	v8 =	vsel vm14, v8, v53  }
0x29d: {  	v56 =	vld.idx.msk [tilespmem:v14+s24+$0x0], $0xffff;
	vm15 =	vge.f32 v52, $0.0e+00;
	v8 =	vsub.f32 v8, v4;
	v6 =	vmul.f32 $1.442695020e+00, v6  }
0x29e: {  	v10 =	vadd.f32 $1.000000020e-16, v10;
	(erf) = vrcp.f32 v7;
	v7 =	vsel vm15, v52, v55  }
0x29f: {  	v7 =	vsub.f32 v7, v4;
	(erf) = vpow2.f32 v6;
	v6 =	vmul.f32 $1.442695020e+00, v8  }
0x2a0: {  	v57 =	vadd.f32 $1.000000020e-16, v54;
	(erf) = vrcp.f32 v10  }
0x2a1: {  	(erf) = vpow2.f32 v6;
	v6 =	vmul.f32 $1.442695020e+00, v7  }
0x2a2: {  	v7 =	vadd.f32 $1.000000020e-16, v56;
	(erf) = vrcp.f32 v57  }
0x2a3: {  	(erf) = vpow2.f32 v6  }
0x2a4: {  	(erf) = vrcp.f32 v7;
	_ =	sdelay $0x1  }
0x2a5: {  	v6 =	vpop (erf)  }
0x2a6: {  	v7 =	vpop (erf)  }
0x2a7: {  	v58 =	vpop (erf)  }
0x2a8: {  	v59 =	vpop (erf)  }
0x2a9: {  	s22 =	sor.u32 s19, s21;
	v6 =	vmul.f32 v6, v7;
	v60 =	vpop (erf)  }
0x2aa: {  	p2 =	slt.u32 s22, $0x2710;
	v61 =	vpop (erf)  }
0x2ab: {  	s16 =	sor.u32 s19, s16;
	v6 =	vpsel !p2, $0x0, v6;
	p2 =	por p1, p1;
	v8 =	vmul.f32 v58, v59;
	v7 =	vpop (erf)  }
.Ltmp12:
0x2ac: {  	s12 =	sor.u32 s19, s12;
	p3 =	slt.u32 s16, $0x2710;
	v62 =	vmul.f32 v60, v61;
	v63 =	vpop (erf);
	(pc) =	sbr.rel @p2 .LBB2_20-.Ltmp12, $4  }
0x2ad: {  	s29 =	sor.u32 s19, s13;
	p5 =	slt.u32 s12, $0x2710;
	[tilespmem:s21+$0x15C70] =	vst v6;
	v8 =	vpsel !p3, $0x0, v8;
	v6 =	vmul.f32 v7, v63  }
0x2ae: {  	p6 =	slt.u32 s29, $0x2710;
	[tilespmem:s21+$0x15C80] =	vst v8;
	v7 =	vpsel !p5, $0x0, v62  }
0x2af: {  	[tilespmem:s21+$0x15C90] =	vst v7;
	v6 =	vpsel !p6, $0x0, v6  }
0x2b0: {  	s13 =	simm.s32 $0x13CF0;
	p1 =	por $0x0, $0x0;
	[tilespmem:s21+$0x15CA0] =	vst v6;
	s21 =	simm.s32 $0x40  }
0x2b1: {  	v5 =	vmov s20  }
0x2b2: {  	s12 =	simm.s32 $0x3;
	s16 =	simm.s32 $0x1;
	v5 =	vand.u32 $0xFFFFFFFC, v5  }
0x2b3: {  	v6 =	vmov s12;
	v7 =	vmov s16;
	v8 =	vbroadcast v5, $0x0  }
0x2b4: {  	s20 =	simm.s32 $0x2;
	v5 =	vand.u32 $0xFFFFFFFD, v7  }
0x2b5: {  	v7 =	vmov s20;
	v9 =	vbroadcast v5, $0x0  }
0x2b6: {  	v5 =	vand.u32 $0xFFFFFFFE, v7  }
0x2b7: {  	v10 =	vbroadcast v5, $0x0  }
0x2b8: {  	v5 =	vld.idx.msk [tilespmem:v6+s28+$0x0], $0xffff  }
0x2b9: {  	v12 =	vld.idx.msk [tilespmem:v8+s28+$0x0], $0xffff  }
0x2ba: {  	v8 =	vld [tilespmem:s13+$0x30]  }
0x2bb: {  	v7 =	vld.idx.msk [tilespmem:v9+s28+$0x0], $0xffff  }
0x2bc: {  	v9 =	vld [tilespmem:s13+$0xFFFFFF80]  }
0x2bd: {  	v6 =	vld.idx.msk [tilespmem:v10+s28+$0x0], $0xffff  }
0x2be: {  	v10 =	vld [tilespmem:s13+$0xFFFFFF90]  }
0x2bf: {  	v11 =	vld [tilespmem:s13+$0xFFFFFFA0]  }
0x2c0: {  	v13 =	vld [tilespmem:s13+$0xFFFFFFB0]  }
0x2c1: {  	v14 =	vld [tilespmem:s13+$0xFFFFFFC0];
	v16 =	vmul.f32 v9, v12  }
0x2c2: {  	v9 =	vld [tilespmem:s13+$0xFFFFFFD0];
	v15 =	vmul.f32 v8, v6  }
0x2c3: {  	s21 =	simm.s32 $0x4;
	v17 =	vmul.f32 v10, v12;
	v8 =	vld [tilespmem:s13+$0xFFFFFFE0];
	[tilespmem:s13+$0xFFFFFF80] =	vst v16  }
0x2c4: {  	s22 =	simm.s32 $0x7;
	v10 =	vmov s21;
	v16 =	vmul.f32 v11, v12;
	v11 =	vld [tilespmem:s13+$0xFFFFFFF0];
	[tilespmem:s13+$0x30] =	vst v15  }
0x2c5: {  	s29 =	simm.s32 $0x5;
	v18 =	vand.u32 $0xFFFFFFFC, v10;
	v10 =	vmov s22;
	[tilespmem:s13+$0xFFFFFF90] =	vst v17;
	v15 =	vmul.f32 v13, v12;
	v13 =	vld [tilespmem:s13+$0x0]  }
0x2c6: {  	s19 =	simm.s32 $0x13CF0;
	s12 =	simm.s32 $0x6;
	s20 =	simm.s32 $0x8;
	v12 =	vbroadcast v18, $0x0;
	v17 =	vmov s29;
	[tilespmem:s13+$0xFFFFFFA0] =	vst v16;
	v16 =	vmul.f32 v14, v7;
	v14 =	vld [tilespmem:s13+$0x10]  }
.LBB2_22:
0x2c7: {  	p1 =	slt.u32 s20, $0x7C;
	v17 =	vand.u32 $0xFFFFFFFD, v17;
	v18 =	vmov s12;
	[tilespmem:s13+$0xFFFFFFB0] =	vst v15;
	v9 =	vmul.f32 v9, v7;
	v15 =	vld [tilespmem:s13+$0x20]  }
0x2c8: {  	v17 =	vbroadcast v17, $0x0;
	v18 =	vand.u32 $0xFFFFFFFE, v18;
	[tilespmem:s13+$0xFFFFFFC0] =	vst v16;
	v8 =	vmul.f32 v8, v7;
	v16 =	vld [tilespmem:s13+$0x40]  }
0x2c9: {  	v18 =	vbroadcast v18, $0x0;
	[tilespmem:s13+$0xFFFFFFD0] =	vst v9;
	v7 =	vmul.f32 v11, v7;
	v9 =	vld [tilespmem:s13+$0x50]  }
0x2ca: {  	[tilespmem:s13+$0xFFFFFFE0] =	vst v8;
	v8 =	vmul.f32 v13, v6;
	v11 =	vld [tilespmem:s13+$0x60]  }
0x2cb: {  	[tilespmem:s13+$0xFFFFFFF0] =	vst v7;
	v7 =	vmul.f32 v14, v6;
	v13 =	vld [tilespmem:s13+$0x70]  }
0x2cc: {  	v10 =	vld.idx.msk [tilespmem:v10+s28+$0x0], $0xffff;
	[tilespmem:s13+$0x0] =	vst v8;
	v6 =	vmul.f32 v15, v6  }
0x2cd: {  	v12 =	vld.idx.msk [tilespmem:v12+s28+$0x0], $0xffff;
	[tilespmem:s13+$0x10] =	vst v7;
	v8 =	vmul.f32 v16, v5  }
0x2ce: {  	v7 =	vld.idx.msk [tilespmem:v17+s28+$0x0], $0xffff;
	[tilespmem:s13+$0x20] =	vst v6;
	v9 =	vmul.f32 v9, v5  }
0x2cf: {  	s13 =	sadd.s32 $0x100, s13;
	v6 =	vld.idx.msk [tilespmem:v18+s28+$0x0], $0xffff;
	[tilespmem:s19+$0x40] =	vst v8;
	v8 =	vmul.f32 v11, v5  }
0x2d0: {  	v11 =	vld [tilespmem:s13+$0x30];
	[tilespmem:s19+$0x50] =	vst v9;
	v13 =	vmul.f32 v13, v5  }
0x2d1: {  	v9 =	vld [tilespmem:s13+$0xFFFFFF80];
	[tilespmem:s19+$0x60] =	vst v8  }
0x2d2: {  	v5 =	vmov v10;
	v8 =	vld [tilespmem:s13+$0xFFFFFF90];
	[tilespmem:s19+$0x70] =	vst v13;
	s19 =	smov.u32 s13  }
0x2d3: {  	v10 =	vld [tilespmem:s13+$0xFFFFFFA0]  }
0x2d4: {  	v13 =	vld [tilespmem:s13+$0xFFFFFFB0]  }
0x2d5: {  	v14 =	vld [tilespmem:s13+$0xFFFFFFC0];
	v11 =	vmul.f32 v11, v6  }
.Ltmp13:
0x2d6: {  	v15 =	vmul.f32 v9, v12;
	v9 =	vld [tilespmem:s13+$0xFFFFFFD0];
	(pc) =	sbr.rel @p1 .LBB2_22-.Ltmp13, $4  }
0x2d7: {  	v16 =	vmul.f32 v8, v12;
	v8 =	vld [tilespmem:s13+$0xFFFFFFE0];
	[tilespmem:s13+$0x30] =	vst v11  }
0x2d8: {  	s12 =	sadd.s32 $0x3, s20;
	v17 =	vmov s20;
	[tilespmem:s13+$0xFFFFFF80] =	vst v15;
	v18 =	vmul.f32 v10, v12;
	v11 =	vld [tilespmem:s13+$0xFFFFFFF0]  }
0x2d9: {  	s16 =	sadd.s32 $0x1, s20;
	v17 =	vand.u32 $0xFFFFFFFC, v17;
	v10 =	vmov s12;
	[tilespmem:s13+$0xFFFFFF90] =	vst v16;
	v15 =	vmul.f32 v13, v12;
	v13 =	vld [tilespmem:s13+$0x0]  }
0x2da: {  	s12 =	sadd.s32 $0x2, s20;
	s20 =	sadd.s32 $0x4, s20;
	v12 =	vbroadcast v17, $0x0;
	v17 =	vmov s16;
	[tilespmem:s13+$0xFFFFFFA0] =	vst v18;
	v16 =	vmul.f32 v14, v7;
	v14 =	vld [tilespmem:s13+$0x10]  }
0x2db: {  	v19 =	vld [tilespmem:s13+$0x20]  }
0x2dc: {  	v20 =	vld [tilespmem:s13+$0x40]  }
0x2dd: {  	v21 =	vld [tilespmem:s13+$0x50]  }
0x2de: {  	v17 =	vand.u32 $0xFFFFFFFD, v17;
	v22 =	vld [tilespmem:s13+$0x60]  }
0x2df: {  	v18 =	vmov s12;
	[tilespmem:s13+$0xFFFFFFB0] =	vst v15;
	v9 =	vmul.f32 v9, v7;
	v47 =	vld [tilespmem:s13+$0x70];
	v17 =	vbroadcast v17, $0x0  }
0x2e0: {  	v10 =	vld.idx.msk [tilespmem:v10+s28+$0x0], $0xffff;
	v18 =	vand.u32 $0xFFFFFFFE, v18;
	[tilespmem:s13+$0xFFFFFFC0] =	vst v16;
	v8 =	vmul.f32 v8, v7;
	v7 =	vmul.f32 v11, v7  }
0x2e1: {  	s29 =	sadd.s32 $0x100, s13;
	v48 =	vld.idx.msk [tilespmem:v12+s28+$0x0], $0xffff;
	v18 =	vbroadcast v18, $0x0;
	[tilespmem:s13+$0xFFFFFFD0] =	vst v9  }
0x2e2: {  	v52 =	vld [tilespmem:s29+$0x30];
	[tilespmem:s13+$0xFFFFFFF0] =	vst v7;
	v7 =	vmul.f32 v14, v6  }
0x2e3: {  	v53 =	vld [tilespmem:s29+$0xFFFFFF80];
	[tilespmem:s13+$0xFFFFFFE0] =	vst v8;
	v49 =	vmul.f32 v13, v6;
	v6 =	vmul.f32 v19, v6  }
0x2e4: {  	v54 =	vld [tilespmem:s29+$0xFFFFFF90];
	[tilespmem:s13+$0x10] =	vst v7;
	v7 =	vmul.f32 v20, v5  }
0x2e5: {  	v55 =	vld [tilespmem:s29+$0xFFFFFFA0];
	[tilespmem:s13+$0x20] =	vst v6;
	v6 =	vmul.f32 v21, v5  }
0x2e6: {  	v50 =	vld.idx.msk [tilespmem:v17+s28+$0x0], $0xffff;
	[tilespmem:s19+$0x40] =	vst v7;
	v7 =	vmul.f32 v22, v5  }
0x2e7: {  	v51 =	vld.idx.msk [tilespmem:v18+s28+$0x0], $0xffff;
	v5 =	vmul.f32 v47, v5;
	[tilespmem:s19+$0x50] =	vst v6  }
0x2e8: {  	v6 =	vld [tilespmem:s29+$0xFFFFFFB0];
	[tilespmem:s19+$0x60] =	vst v7  }
0x2e9: {  	v7 =	vld [tilespmem:s29+$0xFFFFFFC0];
	[tilespmem:s19+$0x70] =	vst v5;
	v5 =	vmul.f32 v53, v48  }
0x2ea: {  	v56 =	vld [tilespmem:s29+$0xFFFFFFD0];
	[tilespmem:s13+$0x0] =	vst v49;
	v14 =	vmul.f32 v54, v48  }
0x2eb: {  	v57 =	vld [tilespmem:s29+$0xFFFFFFE0];
	[tilespmem:s29+$0xFFFFFF80] =	vst v5;
	v5 =	vmul.f32 v55, v48  }
0x2ec: {  	v58 =	vld [tilespmem:s29+$0xFFFFFFF0];
	[tilespmem:s29+$0xFFFFFF90] =	vst v14;
	v8 =	vmul.f32 v52, v51  }
0x2ed: {  	v59 =	vld [tilespmem:s29+$0x0];
	v6 =	vmul.f32 v6, v48;
	[tilespmem:s29+$0xFFFFFFA0] =	vst v5  }
0x2ee: {  	[tilespmem:s29+$0x30] =	vst v8;
	v5 =	vmul.f32 v7, v50;
	v7 =	vld [tilespmem:s29+$0x10]  }
0x2ef: {  	v60 =	vld [tilespmem:s29+$0x20];
	[tilespmem:s29+$0xFFFFFFB0] =	vst v6;
	v6 =	vmul.f32 v56, v50  }
0x2f0: {  	v61 =	vld [tilespmem:s29+$0x40];
	[tilespmem:s29+$0xFFFFFFC0] =	vst v5;
	v5 =	vmul.f32 v57, v50  }
0x2f1: {  	v62 =	vld [tilespmem:s29+$0x50];
	[tilespmem:s29+$0xFFFFFFD0] =	vst v6;
	v6 =	vmul.f32 v58, v50  }
0x2f2: {  	v63 =	vld [tilespmem:s29+$0x60];
	[tilespmem:s29+$0xFFFFFFE0] =	vst v5;
	v5 =	vmul.f32 v59, v51  }
0x2f3: {  	[tilespmem:s29+$0xFFFFFFF0] =	vst v6;
	v6 =	vmul.f32 v7, v51;
	v7 =	vld [tilespmem:s29+$0x70]  }
0x2f4: {  	[tilespmem:s29+$0x0] =	vst v5;
	v5 =	vmul.f32 v60, v51  }
0x2f5: {  	[tilespmem:s29+$0x10] =	vst v6;
	v6 =	vmul.f32 v61, v10  }
0x2f6: {  	[tilespmem:s29+$0x20] =	vst v5;
	v5 =	vmul.f32 v62, v10  }
0x2f7: {  	[tilespmem:s29+$0x40] =	vst v6;
	v6 =	vmul.f32 v63, v10  }
0x2f8: {  	[tilespmem:s29+$0x50] =	vst v5;
	v5 =	vmul.f32 v7, v10  }
0x2f9: {  	[tilespmem:s29+$0x60] =	vst v6  }
0x2fa: {  	[tilespmem:s29+$0x70] =	vst v5  }
0x2fb: {  	[spmem:s3] =	stream.indirect.scatter.add.f32 [tilespmem:s4], [sflag:$0x6], $0x40, s0, s1, $0xb8;
	[tilespmem:$0x1FC30] =	vst v63  }
.LBB2_24:
0x2fc: {  	p1 =	seq.s32 s17, $0x27  }
.Ltmp14:
0x2fd: {  	_ = 	snop;
	(pc) =	sbr.rel @p1 .LBB2_26-.Ltmp14, $4  }
0x2fe: {  	_ = 	snop  }
0x2ff: {  	_ =	swait.ge [sflag:s15], $0x2000  }
0x300: {  	[sflag:s15] =	ssyncset.done $0x0  }
0x301: {  	[sflag:s15] =	ssyncadd.s32 $0xFFFFE000  }
0x302: {  	s12 =	sadd.s32 $0x100, s18  }
0x303: {  	s13 =	sadd.s32 s11, s12  }
.Ltmp15:
0x304: {  	s13 =	sshrl.u32 s13, $0x3;
	(pc) =	sbr.rel .LBB2_10-.Ltmp15, $4  }
0x305: {  	s13 =	sadd.s32 s7, s13  }
0x306: {  	[tilespmem:s31], [sflag:$0x3] =	stream.linear.gather [hbm4b:s13+s5], $0x80, $0x38;
	[tilespmem:$0x1FC30] =	vst v63  }
0x307: {  	s17 =	sadd.s32 $0x1, s17;
	s12 =	sadd.s32 s12, s6  }
0x308: {  	[tilespmem:s25], [sflag:$0x1] =	stream.indirect.gather [hbm4b:s10+s1], $0x40, s12, s1, $0xb8;
	[tilespmem:$0x1FC30] =	vst v63  }
.LBB2_27:
0x309: {  	_ =	sfence.sel $0x180000  }
0x30a: {  	[bflag:$0x0] =	sbarrier.arrive $0xFFFF  }
0x30b: {  	_ =	strace $0x9000004A  }
0x30c: {  	s0 =	stileid.u32;
	[bflag:$0x2] =	sbarrier.arrive $0xFFFF  }
0x30d: {  	p0 =	sne.s32 s0, $0x0;
	s0 =	rddreg [dreg:$0x4]  }
0x30e: {  	s0 =	sadd.s32 @!p0 $0x100000, s0  }
0x30f: {  	[sflag:s0] =	ssyncadd.tile.s32 @!p0 $0x1;
	_ =	shalt  }
.Lfunc_end2:
_tile_overlayer_lowered:
.L_overlay_start_2:
0x310: {  	(tag) =	ssettag $0x2  }
0x311: {  	s0 =	rddreg [dreg:$0x0];
	s2 =	stileid.u32  }
0x312: {  	s1 =	rddreg [dreg:$0x1];
	p0 =	sne.s32 s2, $0x0  }
0x313: {  	s3 =	rddreg [dreg:$0x2];
	[bflag:$0x3] =	sbarrier.arrive $0xFFFF;
	s2 =	simm.s32 @!p0 $0x1C07  }
0x314: {  	[timem:s3], [sflag:s2] =	dma.local @!p0 [hbm:s0], s1  }
0x315: {  	s0 =	simm.s32 @!p0 $0x7  }
0x316: {  	_ =	swait.ge @!p0 [sflag:s0], s1  }
0x317: {  	s1 =	ssub.s32 @!p0 $0x0, s1;
	[sflag:s0] =	ssyncset.done @!p0 $0x0  }
0x318: {  	[sflag:s0] =	ssyncadd.s32 @!p0 s1  }
0x319: {  	[bflag:$0x3] =	sbarrier.arrive $0xFFFF  }
0x31a: {  	_ =	shalt  }

// kernel: kernel.15.cloned.1.call-start
scs
__scs_entry_jumppad:
0x0: {  	(pc) =	sbr.rel $0x88, $3  }
0x1: {  	(tag) =	ssettag $0x0;
	lr =	simm.s32 $0x1  }
0x2: {  	[smem:$0x3F8C] =	sst lr;
	_ =	strace $0xD0000000  }
0x3: {  	_ = 	snop  }
0x4: {  	_ = 	snop  }
0x5: {  	_ = 	snop  }
0x6: {  	_ = 	snop  }
0x7: {  	_ = 	snop  }
__scs_overlays_trampoline_lowered:
0x8: {  	[smem:$0x3F9B] =	sst s0  }
0x9: {  	[smem:$0x3F9C] =	sst s1  }
0xa: {  	[smem:$0x3F9D] =	sst s2  }
0xb: {  	[smem:$0x3F9E] =	sst s3  }
0xc: {  	[smem:$0x3F9F] =	sst s4  }
0xd: {  	[smem:$0x3FA0] =	sst s5  }
0xe: {  	[smem:$0x3FA1] =	sst s6  }
0xf: {  	[smem:$0x3FA2] =	sst s7  }
0x10: {  	[smem:$0x3FA3] =	sst s8  }
0x11: {  	[smem:$0x3FA4] =	sst s9;
	s0 =	simm.s32 @!p0 $0x0  }
0x12: {  	s1 =	sld [smem:$0x3F8A];
	s0 =	simm.s32 @p0 $0x1  }
0x13: {  	[smem:$0x3FA5] =	sst s0;
	s0 =	simm.s32 @!p1 $0x0  }
0x14: {  	s2 =	sld [smem:$0x3F89];
	s0 =	simm.s32 @p1 $0x1  }
0x15: {  	[smem:$0x3FA6] =	sst s0;
	s0 =	simm.s32 @!p2 $0x0  }
0x16: {  	s3 =	sld [smem:$0x3FDB];
	s0 =	simm.s32 @p2 $0x1  }
0x17: {  	s4 =	simm.s32 $0x1BF5;
	[smem:$0x3FA8] =	sst s0  }
0x18: {  	s0 =	sld [smem:$0x3F8B];
	_ =	swait.ge [sflag:s4], $0x0  }
0x19: {  	s7 =	sld [smem:$0x3F8C]  }
0x1a: {  	s8 =	sadd.s32 $0xFFFFE003, lr  }
0x1b: {  	s9 =	sadd.s32 $0xFFFFFEF7, lr;
	s5 =	simm.s32 $0xFFFFFFFF;
	p2 =	slt.u32 s8, $0xFFFFF086  }
0x1c: {  	p1 =	slt.u32 s9, $0xF7A;
	s5 =	simm.s32 @!p2 $0x0  }
0x1d: {  	s5 =	simm.s32 @p1 $0x1;
	p0 =	seq.s32 s7, s2  }
0x1e: {  	s7 =	smul.u32 @!p0 $0xF7A, s2;
	p2 =	seq.s32 @!p0 s5, $0x0  }
0x1f: {  	s9 =	smul.u32 $0xF7A, s1;
	s8 =	simm.s32 @!p0 $0x1BF5;
	p2 =	por !p2, p0  }
0x20: {  	[sflag:s8] =	ssyncset.s32 @!p0 $0xFFFFF086;
	s6 =	sadd.s32 @!p0 s3, s7;
	s7 =	simm.s32 @!p0 $0x108  }
0x21: {  	s3 =	sadd.s32 s3, s9;
	s6 =	sadd.s32 @!p0 $0x88, s6;
	s7 =	simm.s32 @p2 $0x1082  }
0x22: {  	[simem:s7], [sflag:s8] =	dma.local @!p0 [hbm:s6], $0xF7A  }
0x23: {  	s9 =	sor.u32 $0xD0000000, s2;
	s6 =	simm.s32 $0x108;
	_ =	swait.ge @!p0 [sflag:s8], $0x0  }
0x24: {  	s3 =	sadd.s32 $0x88, s3;
	s6 =	simm.s32 @!p1 $0x1082;
	[sflag:s4] =	ssyncset.s32 $0xFFFFF086  }
0x25: {  	[simem:s6], [sflag:s4] =	dma.local [hbm:s3], $0xF7A  }
0x26: {  	[smem:$0x3F8C] =	sst s1;
	(tag) =	ssettag s2;
	_ =	strace s9  }
0x27: {  	s1 =	sld [smem:$0x3F9C]  }
0x28: {  	s2 =	sld [smem:$0x3F9D]  }
0x29: {  	s4 =	sld [smem:$0x3F9F]  }
0x2a: {  	p0 =	seq.s32 s5, $0x0;
	s5 =	sld [smem:$0x3FA0]  }
0x2b: {  	s6 =	sld [smem:$0x3FA1]  }
0x2c: {  	s7 =	sld [smem:$0x3FA2]  }
0x2d: {  	s3 =	simm.s32 $0x108;
	s8 =	sld [smem:$0x3FA3]  }
0x2e: {  	s3 =	simm.s32 @!p0 $0x1082;
	s9 =	sld [smem:$0x3FA4]  }
0x2f: {  	lr =	sadd.s32 s0, s3;
	s0 =	sld [smem:$0x3F9B]  }
0x30: {  	s3 =	sld [smem:$0x3F9E]  }
0x31: {  	[smem:$0x3FA7] =	sst s10  }
0x32: {  	s10 =	sld [smem:$0x3FA5];
	_ =	sdelay $0x3  }
0x33: {  	p0 =	seq.s32 s10, $0x1;
	s10 =	sld [smem:$0x3FA7];
	_ =	sdelay $0x3  }
0x34: {  	[smem:$0x3FA7] =	sst s10  }
0x35: {  	s10 =	sld [smem:$0x3FA6];
	_ =	sdelay $0x3  }
0x36: {  	p1 =	seq.s32 s10, $0x1;
	s10 =	sld [smem:$0x3FA7];
	_ =	sdelay $0x3  }
0x37: {  	[smem:$0x3FA7] =	sst s10  }
0x38: {  	s10 =	sld [smem:$0x3FA8]  }
0x39: {  	_ = 	snop;
	(pc) =	sbr.ind lr, $3  }
0x3a: {  	_ = 	snop  }
0x3b: {  	_ = 	snop  }
0x3c: {  	p2 =	seq.s32 s10, $0x1;
	s10 =	sld [smem:$0x3FA7]  }
0x3d: {  	_ =	shalt  }
0x3e: {  	_ =	shalt  }
0x3f: {  	_ =	shalt  }
0x40: {  	_ =	shalt  }
0x41: {  	_ =	shalt  }
0x42: {  	_ =	shalt  }
0x43: {  	_ =	shalt  }
0x44: {  	_ =	shalt  }
0x45: {  	_ =	shalt  }
0x46: {  	_ =	shalt  }
0x47: {  	_ =	shalt  }
0x48: {  	_ =	shalt  }
0x49: {  	_ =	shalt  }
0x4a: {  	_ =	shalt  }
0x4b: {  	_ =	shalt  }
0x4c: {  	_ =	shalt  }
0x4d: {  	_ =	shalt  }
0x4e: {  	_ =	shalt  }
0x4f: {  	_ =	shalt  }
0x50: {  	_ =	shalt  }
0x51: {  	_ =	shalt  }
0x52: {  	_ =	shalt  }
0x53: {  	_ =	shalt  }
0x54: {  	_ =	shalt  }
0x55: {  	_ =	shalt  }
0x56: {  	_ =	shalt  }
0x57: {  	_ =	shalt  }
0x58: {  	_ =	shalt  }
0x59: {  	_ =	shalt  }
0x5a: {  	_ =	shalt  }
0x5b: {  	_ =	shalt  }
0x5c: {  	_ =	shalt  }
0x5d: {  	_ =	shalt  }
0x5e: {  	_ =	shalt  }
0x5f: {  	_ =	shalt  }
0x60: {  	_ =	shalt  }
0x61: {  	_ =	shalt  }
0x62: {  	_ =	shalt  }
0x63: {  	_ =	shalt  }
0x64: {  	_ =	shalt  }
0x65: {  	_ =	shalt  }
0x66: {  	_ =	shalt  }
0x67: {  	_ =	shalt  }
0x68: {  	_ =	shalt  }
0x69: {  	_ =	shalt  }
0x6a: {  	_ =	shalt  }
0x6b: {  	_ =	shalt  }
0x6c: {  	_ =	shalt  }
0x6d: {  	_ =	shalt  }
0x6e: {  	_ =	shalt  }
0x6f: {  	_ =	shalt  }
0x70: {  	_ =	shalt  }
0x71: {  	_ =	shalt  }
0x72: {  	_ =	shalt  }
0x73: {  	_ =	shalt  }
0x74: {  	_ =	shalt  }
0x75: {  	_ =	shalt  }
0x76: {  	_ =	shalt  }
0x77: {  	_ =	shalt  }
0x78: {  	_ =	shalt  }
0x79: {  	_ =	shalt  }
0x7a: {  	_ =	shalt  }
0x7b: {  	_ =	shalt  }
0x7c: {  	_ =	shalt  }
0x7d: {  	_ =	shalt  }
0x7e: {  	_ =	shalt  }
0x7f: {  	_ =	shalt  }
0x80: {  	_ =	shalt  }
0x81: {  	_ =	shalt  }
0x82: {  	_ =	shalt  }
0x83: {  	_ =	shalt  }
0x84: {  	_ =	shalt  }
0x85: {  	_ =	shalt  }
0x86: {  	_ =	shalt  }
0x87: {  	_ =	shalt  }
.Lfunc_end0:
.L_simem_size_0:
called_computation.2_lowered:
.L_overlay_start_0:
0x88: {  	s2 =	sld [smem:$0x3FD9]  }
0x89: {  	s3 =	sld [smem:$0x3FFE];
	_ =	sdelay $0x1  }
0x8a: {  	s1 =	srdreg.scid  }
0x8b: {  	s0 =	sand.u32 $0x1, s1  }
0x8c: {  	s17 =	sshll.u32 s0, $0xA;
	s2 =	sadd.s32 s3, s2  }
0x8d: {  	s2 =	sadd.s32 s2, s17  }
0x8e: {  	[smem:$0x3FB3] =	sst s2  }
0x8f: {  	_ = 	snop  }
0x90: {  	s2 =	sld [smem:$0x3FD0];
	(tm) =	ssettm $0x1  }
0x91: {  	s18 =	sld [smem:$0x3FFB];
	_ =	sdelay $0x3  }
0x92: {  	_ =	strace s18  }
0x93: {  	s3 =	sld [smem:$0x3FFC];
	_ =	sdelay $0x3  }
0x94: {  	_ =	strace s3  }
0x95: {  	s3 =	sld [smem:$0x3FFD];
	_ =	sdelay $0x3  }
0x96: {  	_ =	strace s3  }
0x97: {  	_ =	strace $0x8FFFFFFF  }
0x98: {  	s19 =	sld [smem:$0x3FDB];
	_ =	sdelay $0x1  }
0x99: {  	s4 =	simm.s32 $_scs_section_size  }
0x9a: {  	s5 =	simm.s32 $_size__tile_overlayer_lowered;
	s6 =	simm.s32 $_tile_overlayer_lowered  }
0x9b: {  	s22 =	simm.s32 $0x1BFF;
	s21 =	sshll.u32 s6, $0x1;
	s3 =	sadd.s32 s4, s19  }
0x9c: {  	s7 =	simm.s32 $0x0;
	s20 =	sshll.u32 s5, $0x1;
	s5 =	sadd.s32 s21, s3  }
0x9d: {  	[timem:s7], [sflag:s22] =	dma.local [hbm:s5], s20  }
0x9e: {  	_ =	swait.ge [sflag:s22], s20  }
0x9f: {  	s4 =	ssub.s32 $0x0, s20;
	[sflag:s22] =	ssyncset.done $0x0  }
0xa0: {  	[sflag:s22] =	ssyncadd.s32 s4;
	_ =	sdelay $0x1  }
0xa1: {  	s23 =	simm.s32 $0x1B8B  }
0xa2: {  	_ =	swait.ge [sflag:s23], $0x1  }
0xa3: {  	[sflag:s23] =	ssyncset.done $0x0  }
0xa4: {  	s25 =	simm.s32 $0x1B8E;
	s24 =	sld [smem:$0x3FFE];
	[sflag:s23] =	ssyncadd.s32 $0xFFFFFFFF  }
0xa5: {  	s26 =	simm.s32 $execute0_lowered;
	[smem:$0x3FD2] =	sst s25  }
0xa6: {  	s5 =	sshll.u32 s26, $0x1;
	_ =	strace $0x8000004C;
	[dreg:$0x1] =	wrdreg $0xFFFFFFFF  }
0xa7: {  	s28 =	simm.s32 $_size_execute0_lowered;
	s3 =	sadd.s32 s3, s5;
	[dreg:$0x0] =	wrdreg $0x0  }
0xa8: {  	s5 =	sshll.u32 s28, $0x1;
	[dreg:$0x2] =	wrdreg s3  }
0xa9: {  	[dreg:$0x3] =	wrdreg s5  }
0xaa: {  	[dreg:$0x4] =	wrdreg $0xC0  }
0xab: {  	_ =	task [dreg:s7], $0x5FFFF  }
0xac: {  	[dreg:$0x1] =	wrdreg $0xFFFFFFFF  }
0xad: {  	[dreg:$0x0] =	wrdreg $0x60  }
0xae: {  	[dreg:$0x2] =	wrdreg s24  }
0xaf: {  	[dreg:$0x3] =	wrdreg s2  }
0xb0: {  	[dreg:$0x4] =	wrdreg $0x15CF00  }
0xb1: {  	[dreg:$0x5] =	wrdreg $0x15FF00  }
0xb2: {  	[dreg:$0x6] =	wrdreg $0x9  }
0xb3: {  	_ =	task.clear_ibuf [dreg:s7], $0x7FFFF;
	_ =	strace $0x9000004C  }
0xb4: {  	s29 =	simm.s32 $0x9;
	_ =	strace $0x8000004E  }
0xb5: {  	_ =	swait.ge [sflag:s29], $0x1  }
0xb6: {  	[sflag:s29] =	ssyncadd.s32 $0xFFFFFFFF  }
0xb7: {  	_ =	strace $0x9000004E  }
0xb8: {  	_ =	sfence  }
0xb9: {  	s30 =	sld [smem:$0x0];
	_ =	sdelay $0x2  }
0xba: {  	s31 =	sshll.u32 s1, $0xD;
	s1 =	sshrl.u32 s1, $0x2  }
0xbb: {  	s3 =	sand.u32 $0x4000, s31;
	s1 =	sadd.s32 s1, s30  }
0xbc: {  	s0 =	sor.u32 s3, s0;
	s1 =	sshll.u32 s1, $0x11  }
0xbd: {  	s0 =	sor.u32 s1, s0  }
0xbe: {  	s0 =	sadd.s32 $0x8F2B, s0  }
0xbf: {  	[sflag:s0] =	ssyncadd.remote.s32 $0x1  }
0xc0: {  	_ =	sfence.sel $0xFFFF  }
0xc1: {  	[dreg:$0x0] =	wrdreg $0xFFFFFFFF;
	(pc) =	sbr.abs _section_cstart, $3  }
0xc2: {  	[dreg:$0x1] =	wrdreg $0xFFFFFFFF  }
0xc3: {  	_ =	task.clear_ibuf [dreg:s7], $0x2FFFF;
	_ =	strace $0x9FFFFFFF  }
0xc4: {  	(tm) =	ssettm $0x7FFFFFFF  }
0xc5: {  	_ =	shalt  }
tec
execute0_lowered:
.L_overlay_start_1:
0x0: {  	(tag) =	ssettag $0x1  }
0x1: {  	s0 =	rddreg [dreg:$0x0]  }
0x2: {  	s14 =	rddreg [dreg:$0x2]  }
0x3: {  	s3 =	rddreg [dreg:$0x3];
	s5 =	simm.s32 $0x0  }
0x4: {  	s1 =	srdreg.scid;
	s15 =	stileid.u32;
	s28 =	simm.s32 $0x15C70  }
0x5: {  	s30 =	simm.s32 $0x2;
	[smem:$0x7FF] =	sst s5;
	s1 =	sand.u32 $0x1, s1  }
0x6: {  	s2 =	smul.u32 $0x3E8, s15;
	s4 =	sadd.s32 $0x1F800, s0;
	s8 =	sadd.s32 $0x15400, s0  }
0x7: {  	s21 =	sadd.s32 $0x14E00, s0;
	_ =	strace $0x8000004D;
	[dreg:$0x5] =	wrdreg s8  }
0x8: {  	s7 =	sadd.s32 $0x15A00, s0;
	s24 =	sadd.s32 $0x154FA, s0;
	[dreg:$0x6] =	wrdreg s21  }
0x9: {  	s9 =	smul.u32 $0xC00, s15;
	s25 =	sadd.s32 $0x14EFA, s0;
	[dreg:$0xb] =	wrdreg s24  }
0xa: {  	s10 =	sadd.s32 $0x1400, s0;
	s26 =	sadd.s32 $0x155F4, s0;
	[dreg:$0xc] =	wrdreg s25  }
0xb: {  	s13 =	smul.u32 $0x3E800, s15;
	s29 =	sadd.s32 $0x14FF4, s0;
	[dreg:$0xd] =	wrdreg s26  }
0xc: {  	s17 =	sadd.s32 $0x157E8, s0;
	s6 =	smul.u32 $0x2710, s1;
	[dreg:$0xe] =	wrdreg s29  }
0xd: {  	s8 =	smul.u32 $0x4E20, s15;
	s1 =	ssub.s32 $0x2, s1;
	[dreg:$0x11] =	wrdreg s17  }
0xe: {  	s12 =	sshrl.u32 s1, $0x1;
	s9 =	sshrl.u32 s9, $0x2;
	s23 =	sshrl.u32 s13, $0x2  }
0xf: {  	s13 =	sadd.s32 $0x150EE, s0;
	s2 =	sadd.s32 s2, s6;
	s11 =	sadd.s32 s6, s8  }
0x10: {  	s1 =	ssub.s32 s1, s12;
	s9 =	sadd.s32 s9, s14;
	[dreg:$0x10] =	wrdreg s13  }
0x11: {  	s16 =	sadd.s32 $0xD18, s8;
	[dreg:$0x7] =	wrdreg s9;
	s1 =	smax.u32 s1, $0x1  }
0x12: {  	s19 =	sshrl.u32 s8, $0x3;
	s9 =	sadd.s32 $0x156EE, s0;
	[dreg:$0xa] =	wrdreg s1  }
0x13: {  	s2 =	sshll.u32 s2, $0x3;
	s26 =	sadd.s32 s4, s19;
	[dreg:$0xf] =	wrdreg s9  }
0x14: {  	s18 =	sshrl.u32 s16, $0x3;
	s29 =	sadd.s32 s7, s19;
	[dreg:$0x19] =	wrdreg s26  }
0x15: {  	s2 =	sadd.s32 s2, s0;
	s0 =	sadd.s32 $0x151E8, s0;
	[dreg:$0x1a] =	wrdreg s29  }
0x16: {  	s22 =	sshrl.u32 s11, $0x3;
	s20 =	sadd.s32 s4, s18;
	[dreg:$0x12] =	wrdreg s0  }
0x17: {  	s31 =	simm.s32 $0x9D20;
	s12 =	sadd.s32 s7, s22;
	[dreg:$0x13] =	wrdreg s20  }
0x18: {  	p0 =	sgt.u32 s15, $0x9;
	s26 =	sadd.s32 $0x1000, s14;
	[dreg:$0x8] =	wrdreg s12  }
0x19: {  	s21 =	sadd.s32 $0x2748, s8;
	s29 =	sadd.s32 $0x2000, s14;
	[smem:$0x7FC] =	sst s26  }
0x1a: {  	s13 =	sadd.s32 $0x4178, s8;
	s2 =	sadd.s32 $0x29600, s2;
	[smem:$0x7FD] =	sst s29  }
0x1b: {  	s22 =	sshrl.u32 s21, $0x3;
	s0 =	sadd.s32 s7, s18;
	[dreg:$0x9] =	wrdreg s2  }
0x1c: {  	s1 =	sadd.s32 $0x68C, s19;
	s25 =	sadd.s32 s4, s22;
	[dreg:$0x14] =	wrdreg s0  }
0x1d: {  	s8 =	simm.s32 $0x6;
	s17 =	sadd.s32 s4, s1;
	[dreg:$0x17] =	wrdreg s25  }
0x1e: {  	s16 =	smul.u32 $0x27100, s15;
	s21 =	sadd.s32 $0x10, s12;
	[dreg:$0x1b] =	wrdreg s17  }
0x1f: {  	s2 =	sadd.s32 s23, s3;
	s0 =	sadd.s32 s7, s22;
	[smem:$0x7F6] =	sst s21  }
0x20: {  	s23 =	sadd.s32 $0x346, s19;
	s22 =	sadd.s32 $0x80, s6;
	[dreg:$0x18] =	wrdreg s0  }
0x21: {  	s15 =	simm.s32 $0x5;
	s24 =	sadd.s32 s4, s23;
	[smem:$0x7F7] =	sst s22  }
0x22: {  	s14 =	simm.s32 $0x4;
	s9 =	sadd.s32 s7, s23;
	[dreg:$0x15] =	wrdreg s24  }
0x23: {  	s18 =	sshrl.u32 s13, $0x3;
	s0 =	sadd.s32 s7, s1;
	[dreg:$0x16] =	wrdreg s9  }
0x24: {  	s19 =	sshrl.u32 s16, $0x2;
	s1 =	sadd.s32 s4, s18;
	[dreg:$0x1c] =	wrdreg s0  }
0x25: {  	s26 =	simm.s32 $0x1;
	s20 =	sadd.s32 s19, s3;
	[dreg:$0x1d] =	wrdreg s1  }
0x26: {  	s16 =	simm.s32 $0x0;
	s0 =	sadd.s32 s7, s18;
	[dreg:$0x1f] =	wrdreg s20  }
0x27: {  	s19 =	simm.s32 $0x7;
	s1 =	sshrl.u32 @!p0 s2, $0x3;
	[dreg:$0x1e] =	wrdreg s0  }
0x28: {  	s4 =	simm.s32 $0x13C70;
	s23 =	sadd.s32 $0x1F40, s20;
	[smem:$0x7F5] =	sst s1  }
.Ltmp0:
0x29: {  	s24 =	sadd.s32 $0x3E80, s20;
	[smem:$0x7F8] =	sst s23;
	(pc) =	sbr.rel .LBB2_1-.Ltmp0, $4  }
0x2a: {  	s25 =	sadd.s32 $0x5DC0, s20;
	s2 =	simm.s32 $0xC530;
	[smem:$0x7F9] =	sst s24  }
0x2b: {  	s9 =	simm.s32 $0x3;
	[smem:$0x7FA] =	sst s25;
	s0 =	sadd.s32 $0x7D00, s20  }
0x2c: {  	v0 =	vlaneseq.u32;
	s23 =	simm.s32 $0x9E20;
	s24 =	simm.s32 $0xEC40;
	s25 =	simm.s32 $0x11C70  }
0x2d: {  	v3 =	vimm.f32 $0.0e+00;
	v1 =	vor.u32 $0x10, v0;
	v2 =	vor.u32 $0x20, v0;
	s1 =	simm.s32 $0x80;
	[smem:$0x7FB] =	sst s0;
	s0 =	simm.s32 $0x9DA0  }
.LBB2_26:
0x2e: {  	_ =	swait.ge [sflag:s8], $0x2000  }
0x2f: {  	[sflag:s8] =	ssyncset.done $0x0  }
0x30: {  	[sflag:s8] =	ssyncadd.s32 $0xFFFFE000  }
0x31: {  	[bflag:$0x0] =	sbarrier.arrive $0xFFFF  }
0x32: {  	s12 =	stileid.u32;
	s16 =	sld [smem:$0x7F5]  }
0x33: {  	s12 =	sshll.u32 @!p0 s12, $0x6  }
0x34: {  	s12 =	sor.u32 @!p0 $0x1C07, s12;
	s13 =	rddreg [dreg:$0x9]  }
0x35: {  	[hbm:s13], [sflag:s12] =	dma.local @!p0 [spmem:s16], $0x1F40  }
0x36: {  	s12 =	simm.s32 @!p0 $0x7  }
0x37: {  	_ =	swait.ge @!p0 [sflag:s12], $0x1F40  }
0x38: {  	s22 =	sld [smem:$0x7F4];
	_ =	sdelay $0x2  }
0x39: {  	s29 =	rddreg [dreg:$0xa];
	s16 =	sadd.s32 $0x1, s22  }
0x3a: {  	p1 =	sne.s32 s16, s29  }
.Ltmp1:
0x3b: {  	_ = 	snop;
	(pc) =	sbr.rel @!p1 .LBB2_27-.Ltmp1, $3  }
0x3c: {  	_ =	sdelay $0x1  }
0x3d: {  	[sflag:s12] =	ssyncset.done @!p0 $0x0  }
0x3e: {  	s19 =	simm.s32 $0x7;
	[sflag:s12] =	ssyncadd.s32 @!p0 $0xFFFFE0C0  }
.LBB2_1:
0x3f: {  	[smem:$0x7F4] =	sst s16  }
0x40: {  	s12 =	rddreg [dreg:$0x5]  }
0x41: {  	[tilespmem:s23], [sflag:$0x1] =	stream.linear.gather [hbm4b:s12+s5], $0x7D0, $0x38;
	[tilespmem:$0x1FC30] =	vst v63  }
0x42: {  	s13 =	rddreg [dreg:$0x6]  }
0x43: {  	[tilespmem:s2], [sflag:$0x1] =	stream.linear.gather [hbm4b:s13+s5], $0x7D0, $0x38;
	[tilespmem:$0x1FC30] =	vst v63  }
0x44: {  	s16 =	rddreg [dreg:$0xb];
	s13 =	simm.s32 $0xA5F0  }
0x45: {  	[tilespmem:s13], [sflag:$0x1] =	stream.linear.gather [hbm4b:s16+s5], $0x7D0, $0x38;
	[tilespmem:$0x1FC30] =	vst v63  }
0x46: {  	s17 =	rddreg [dreg:$0xc];
	s18 =	simm.s32 $0xCD00  }
0x47: {  	[tilespmem:s18], [sflag:$0x1] =	stream.linear.gather [hbm4b:s17+s5], $0x7D0, $0x38;
	[tilespmem:$0x1FC30] =	vst v63  }
0x48: {  	s20 =	rddreg [dreg:$0xd];
	s21 =	simm.s32 $0xADC0  }
0x49: {  	[tilespmem:s21], [sflag:$0x1] =	stream.linear.gather [hbm4b:s20+s5], $0x7D0, $0x38;
	[tilespmem:$0x1FC30] =	vst v63  }
0x4a: {  	s22 =	rddreg [dreg:$0xe];
	s29 =	simm.s32 $0xD4D0  }
0x4b: {  	[tilespmem:s29], [sflag:$0x1] =	stream.linear.gather [hbm4b:s22+s5], $0x7D0, $0x38;
	[tilespmem:$0x1FC30] =	vst v63  }
0x4c: {  	s13 =	rddreg [dreg:$0xf];
	s16 =	simm.s32 $0xB590  }
0x4d: {  	[tilespmem:s16], [sflag:$0x1] =	stream.linear.gather [hbm4b:s13+s5], $0x7D0, $0x38;
	[tilespmem:$0x1FC30] =	vst v63  }
0x4e: {  	s17 =	rddreg [dreg:$0x10];
	s18 =	simm.s32 $0xDCA0  }
0x4f: {  	[tilespmem:s18], [sflag:$0x1] =	stream.linear.gather [hbm4b:s17+s5], $0x7D0, $0x38;
	[tilespmem:$0x1FC30] =	vst v63  }
0x50: {  	s20 =	rddreg [dreg:$0x11];
	s21 =	simm.s32 $0xBD60  }
0x51: {  	[tilespmem:s21], [sflag:$0x1] =	stream.linear.gather [hbm4b:s20+s5], $0x7D0, $0x38;
	[tilespmem:$0x1FC30] =	vst v63  }
0x52: {  	s22 =	rddreg [dreg:$0x12];
	s29 =	simm.s32 $0xE470  }
0x53: {  	[tilespmem:s29], [sflag:$0x1] =	stream.linear.gather [hbm4b:s22+s5], $0x7D0, $0x38;
	[tilespmem:$0x1FC30] =	vst v63  }
0x54: {  	s16 =	rddreg [dreg:$0x19]  }
0x55: {  	[tilespmem:s5], [sflag:$0x1] =	stream.linear.gather [hbm4b:s16+s5], $0xD18, $0x38;
	[tilespmem:$0x1FC30] =	vst v63  }
0x56: {  	s17 =	rddreg [dreg:$0x1a];
	s18 =	simm.s32 $0x4E90  }
0x57: {  	[tilespmem:s18], [sflag:$0x1] =	stream.linear.gather [hbm4b:s17+s5], $0xD18, $0x38;
	[tilespmem:$0x1FC30] =	vst v63  }
0x58: {  	s20 =	rddreg [dreg:$0x13];
	s21 =	simm.s32 $0xD18  }
0x59: {  	[tilespmem:s21], [sflag:$0x1] =	stream.linear.gather [hbm4b:s20+s5], $0xD18, $0x38;
	[tilespmem:$0x1FC30] =	vst v63  }
0x5a: {  	s22 =	rddreg [dreg:$0x14];
	s29 =	simm.s32 $0x5BA8  }
0x5b: {  	[tilespmem:s29], [sflag:$0x1] =	stream.linear.gather [hbm4b:s22+s5], $0xD18, $0x38;
	[tilespmem:$0x1FC30] =	vst v63  }
0x5c: {  	s13 =	rddreg [dreg:$0x15];
	s16 =	simm.s32 $0x1A30  }
0x5d: {  	[tilespmem:s16], [sflag:$0x1] =	stream.linear.gather [hbm4b:s13+s5], $0xD18, $0x38;
	[tilespmem:$0x1FC30] =	vst v63  }
0x5e: {  	s17 =	rddreg [dreg:$0x16];
	s18 =	simm.s32 $0x68C0  }
0x5f: {  	[tilespmem:s18], [sflag:$0x1] =	stream.linear.gather [hbm4b:s17+s5], $0xD18, $0x38;
	[tilespmem:$0x1FC30] =	vst v63  }
0x60: {  	s20 =	rddreg [dreg:$0x17];
	s21 =	simm.s32 $0x2748  }
0x61: {  	[tilespmem:s21], [sflag:$0x1] =	stream.linear.gather [hbm4b:s20+s5], $0xD18, $0x38;
	[tilespmem:$0x1FC30] =	vst v63  }
0x62: {  	s22 =	rddreg [dreg:$0x18];
	s29 =	simm.s32 $0x75D8  }
0x63: {  	[tilespmem:s29], [sflag:$0x1] =	stream.linear.gather [hbm4b:s22+s5], $0xD18, $0x38;
	[tilespmem:$0x1FC30] =	vst v63  }
0x64: {  	s13 =	rddreg [dreg:$0x1b];
	s16 =	simm.s32 $0x3460  }
0x65: {  	[tilespmem:s16], [sflag:$0x1] =	stream.linear.gather [hbm4b:s13+s5], $0xD18, $0x38;
	[tilespmem:$0x1FC30] =	vst v63  }
0x66: {  	s17 =	rddreg [dreg:$0x1c];
	s18 =	simm.s32 $0x82F0  }
0x67: {  	[tilespmem:s18], [sflag:$0x1] =	stream.linear.gather [hbm4b:s17+s5], $0xD18, $0x38;
	[tilespmem:$0x1FC30] =	vst v63  }
0x68: {  	s20 =	rddreg [dreg:$0x1d];
	s21 =	simm.s32 $0x4178  }
0x69: {  	[tilespmem:s21], [sflag:$0x1] =	stream.linear.gather [hbm4b:s20+s5], $0xD18, $0x38;
	[tilespmem:$0x1FC30] =	vst v63  }
0x6a: {  	s22 =	rddreg [dreg:$0x1e];
	s29 =	simm.s32 $0x9008  }
0x6b: {  	[tilespmem:s29], [sflag:$0x1] =	stream.linear.gather [hbm4b:s22+s5], $0xD18, $0x38;
	[tilespmem:$0x1FC30] =	vst v63  }
0x6c: {  	[tilespmem:$0x11C40] =	vst v0  }
0x6d: {  	[tilespmem:$0x11C50] =	vst v1  }
0x6e: {  	s12 =	simm.s32 $0x11CF0;
	[tilespmem:$0x11C60] =	vst v2  }
0x6f: {  	[tilespmem:s12+$0xFFFFFF80] =	vst v3  }
0x70: {  	[tilespmem:s12+$0x70] =	vst v3  }
0x71: {  	[tilespmem:s12+$0x60] =	vst v3  }
0x72: {  	[tilespmem:s12+$0x50] =	vst v3  }
0x73: {  	[tilespmem:s12+$0x40] =	vst v3  }
0x74: {  	[tilespmem:s12+$0x30] =	vst v3  }
0x75: {  	[tilespmem:s12+$0x20] =	vst v3  }
0x76: {  	[tilespmem:s12+$0x10] =	vst v3  }
0x77: {  	[tilespmem:s12+$0x0] =	vst v3  }
0x78: {  	[tilespmem:s12+$0xFFFFFFF0] =	vst v3  }
0x79: {  	[tilespmem:s12+$0xFFFFFFE0] =	vst v3  }
0x7a: {  	[tilespmem:s12+$0xFFFFFFD0] =	vst v3  }
0x7b: {  	[tilespmem:s12+$0xFFFFFFC0] =	vst v3  }
0x7c: {  	[tilespmem:s12+$0xFFFFFFB0] =	vst v3  }
0x7d: {  	s16 =	simm.s32 $0x0;
	[tilespmem:s12+$0xFFFFFFA0] =	vst v3  }
.LBB2_2:
0x7e: {  	s16 =	sadd.s32 $0x4, s16;
	[tilespmem:s12+$0xFFFFFF90] =	vst v3;
	s12 =	sadd.s32 $0x100, s12;
	s13 =	simm.s32 $0xEE40  }
0x7f: {  	[tilespmem:s12+$0xFFFFFF80] =	vst v3;
	p1 =	slt.u32 s16, $0x7C  }
0x80: {  	[tilespmem:s12+$0x70] =	vst v3  }
0x81: {  	[tilespmem:s12+$0x60] =	vst v3  }
0x82: {  	[tilespmem:s12+$0x50] =	vst v3  }
0x83: {  	[tilespmem:s12+$0x40] =	vst v3  }
0x84: {  	[tilespmem:s12+$0x30] =	vst v3  }
0x85: {  	[tilespmem:s12+$0x20] =	vst v3  }
0x86: {  	[tilespmem:s12+$0x10] =	vst v3  }
0x87: {  	[tilespmem:s12+$0x0] =	vst v3  }
0x88: {  	[tilespmem:s12+$0xFFFFFFF0] =	vst v3  }
.Ltmp2:
0x89: {  	[tilespmem:s12+$0xFFFFFFE0] =	vst v3;
	(pc) =	sbr.rel @p1 .LBB2_2-.Ltmp2, $4  }
0x8a: {  	[tilespmem:s12+$0xFFFFFFD0] =	vst v3  }
0x8b: {  	[tilespmem:s12+$0xFFFFFFC0] =	vst v3  }
0x8c: {  	[tilespmem:s12+$0xFFFFFFB0] =	vst v3  }
0x8d: {  	[tilespmem:s12+$0xFFFFFFA0] =	vst v3  }
0x8e: {  	[tilespmem:s12+$0xFFFFFF90] =	vst v3  }
0x8f: {  	[tilespmem:s13+$0xFFFFFE00] =	vst v3  }
0x90: {  	[tilespmem:s13+$0x1F0] =	vst v3  }
0x91: {  	[tilespmem:s13+$0x1E0] =	vst v3  }
0x92: {  	[tilespmem:s13+$0x1D0] =	vst v3  }
0x93: {  	[tilespmem:s13+$0x1C0] =	vst v3  }
0x94: {  	[tilespmem:s13+$0x1B0] =	vst v3  }
0x95: {  	[tilespmem:s13+$0x1A0] =	vst v3  }
0x96: {  	[tilespmem:s13+$0x190] =	vst v3  }
0x97: {  	[tilespmem:s13+$0x180] =	vst v3  }
0x98: {  	[tilespmem:s13+$0x170] =	vst v3  }
0x99: {  	[tilespmem:s13+$0x160] =	vst v3  }
0x9a: {  	[tilespmem:s13+$0x150] =	vst v3  }
0x9b: {  	[tilespmem:s13+$0x140] =	vst v3  }
0x9c: {  	[tilespmem:s13+$0x130] =	vst v3  }
0x9d: {  	[tilespmem:s13+$0x120] =	vst v3  }
0x9e: {  	[tilespmem:s13+$0x110] =	vst v3  }
0x9f: {  	[tilespmem:s13+$0x100] =	vst v3  }
0xa0: {  	[tilespmem:s13+$0xF0] =	vst v3  }
0xa1: {  	[tilespmem:s13+$0xE0] =	vst v3  }
0xa2: {  	[tilespmem:s13+$0xD0] =	vst v3  }
0xa3: {  	[tilespmem:s13+$0xC0] =	vst v3  }
0xa4: {  	[tilespmem:s13+$0xB0] =	vst v3  }
0xa5: {  	[tilespmem:s13+$0xA0] =	vst v3  }
0xa6: {  	[tilespmem:s13+$0x90] =	vst v3  }
0xa7: {  	[tilespmem:s13+$0x80] =	vst v3  }
0xa8: {  	[tilespmem:s13+$0x70] =	vst v3  }
0xa9: {  	[tilespmem:s13+$0x60] =	vst v3  }
0xaa: {  	[tilespmem:s13+$0x50] =	vst v3  }
0xab: {  	[tilespmem:s13+$0x40] =	vst v3  }
0xac: {  	[tilespmem:s13+$0x30] =	vst v3  }
0xad: {  	[tilespmem:s13+$0x20] =	vst v3  }
0xae: {  	[tilespmem:s13+$0x10] =	vst v3  }
0xaf: {  	[tilespmem:s13+$0x0] =	vst v3  }
0xb0: {  	[tilespmem:s13+$0xFFFFFFF0] =	vst v3  }
0xb1: {  	[tilespmem:s13+$0xFFFFFFE0] =	vst v3  }
0xb2: {  	[tilespmem:s13+$0xFFFFFFD0] =	vst v3  }
0xb3: {  	[tilespmem:s13+$0xFFFFFFC0] =	vst v3  }
0xb4: {  	[tilespmem:s13+$0xFFFFFFB0] =	vst v3  }
0xb5: {  	[tilespmem:s13+$0xFFFFFFA0] =	vst v3  }
0xb6: {  	[tilespmem:s13+$0xFFFFFF90] =	vst v3  }
0xb7: {  	[tilespmem:s13+$0xFFFFFF80] =	vst v3  }
0xb8: {  	[tilespmem:s13+$0xFFFFFF70] =	vst v3  }
0xb9: {  	[tilespmem:s13+$0xFFFFFF60] =	vst v3  }
0xba: {  	[tilespmem:s13+$0xFFFFFF50] =	vst v3  }
0xbb: {  	[tilespmem:s13+$0xFFFFFF40] =	vst v3  }
0xbc: {  	[tilespmem:s13+$0xFFFFFF30] =	vst v3  }
0xbd: {  	[tilespmem:s13+$0xFFFFFF20] =	vst v3  }
0xbe: {  	[tilespmem:s13+$0xFFFFFF10] =	vst v3  }
0xbf: {  	[tilespmem:s13+$0xFFFFFF00] =	vst v3  }
0xc0: {  	[tilespmem:s13+$0xFFFFFEF0] =	vst v3  }
0xc1: {  	[tilespmem:s13+$0xFFFFFEE0] =	vst v3  }
0xc2: {  	[tilespmem:s13+$0xFFFFFED0] =	vst v3  }
0xc3: {  	[tilespmem:s13+$0xFFFFFEC0] =	vst v3  }
0xc4: {  	[tilespmem:s13+$0xFFFFFEB0] =	vst v3  }
0xc5: {  	[tilespmem:s13+$0xFFFFFEA0] =	vst v3  }
0xc6: {  	[tilespmem:s13+$0xFFFFFE90] =	vst v3  }
0xc7: {  	[tilespmem:s13+$0xFFFFFE80] =	vst v3  }
0xc8: {  	[tilespmem:s13+$0xFFFFFE70] =	vst v3  }
0xc9: {  	[tilespmem:s13+$0xFFFFFE60] =	vst v3  }
0xca: {  	[tilespmem:s13+$0xFFFFFE50] =	vst v3  }
0xcb: {  	[tilespmem:s13+$0xFFFFFE40] =	vst v3  }
0xcc: {  	[tilespmem:s13+$0xFFFFFE30] =	vst v3  }
0xcd: {  	s17 =	simm.s32 $0x0;
	[tilespmem:s13+$0xFFFFFE20] =	vst v3  }
.LBB2_4:
0xce: {  	s17 =	sadd.s32 $0x4, s17;
	[tilespmem:s13+$0xFFFFFE10] =	vst v3;
	s13 =	sadd.s32 $0x400, s13  }
0xcf: {  	[tilespmem:s13+$0xFFFFFE00] =	vst v3;
	p1 =	slt.u32 s17, $0x2C  }
0xd0: {  	[tilespmem:s13+$0x1F0] =	vst v3  }
0xd1: {  	[tilespmem:s13+$0x1E0] =	vst v3  }
0xd2: {  	[tilespmem:s13+$0x1D0] =	vst v3  }
0xd3: {  	[tilespmem:s13+$0x1C0] =	vst v3  }
0xd4: {  	[tilespmem:s13+$0x1B0] =	vst v3  }
0xd5: {  	[tilespmem:s13+$0x1A0] =	vst v3  }
0xd6: {  	[tilespmem:s13+$0x190] =	vst v3  }
0xd7: {  	[tilespmem:s13+$0x180] =	vst v3  }
0xd8: {  	[tilespmem:s13+$0x170] =	vst v3  }
0xd9: {  	[tilespmem:s13+$0x160] =	vst v3  }
0xda: {  	[tilespmem:s13+$0x150] =	vst v3  }
0xdb: {  	[tilespmem:s13+$0x140] =	vst v3  }
0xdc: {  	[tilespmem:s13+$0x130] =	vst v3  }
0xdd: {  	[tilespmem:s13+$0x120] =	vst v3  }
0xde: {  	[tilespmem:s13+$0x110] =	vst v3  }
0xdf: {  	[tilespmem:s13+$0x100] =	vst v3  }
0xe0: {  	[tilespmem:s13+$0xF0] =	vst v3  }
0xe1: {  	[tilespmem:s13+$0xE0] =	vst v3  }
0xe2: {  	[tilespmem:s13+$0xD0] =	vst v3  }
0xe3: {  	[tilespmem:s13+$0xC0] =	vst v3  }
0xe4: {  	[tilespmem:s13+$0xB0] =	vst v3  }
0xe5: {  	[tilespmem:s13+$0xA0] =	vst v3  }
0xe6: {  	[tilespmem:s13+$0x90] =	vst v3  }
0xe7: {  	[tilespmem:s13+$0x80] =	vst v3  }
0xe8: {  	[tilespmem:s13+$0x70] =	vst v3  }
0xe9: {  	[tilespmem:s13+$0x60] =	vst v3  }
0xea: {  	[tilespmem:s13+$0x50] =	vst v3  }
0xeb: {  	[tilespmem:s13+$0x40] =	vst v3  }
0xec: {  	[tilespmem:s13+$0x30] =	vst v3  }
0xed: {  	[tilespmem:s13+$0x20] =	vst v3  }
0xee: {  	[tilespmem:s13+$0x10] =	vst v3  }
0xef: {  	[tilespmem:s13+$0x0] =	vst v3  }
0xf0: {  	[tilespmem:s13+$0xFFFFFFF0] =	vst v3  }
0xf1: {  	[tilespmem:s13+$0xFFFFFFE0] =	vst v3  }
0xf2: {  	[tilespmem:s13+$0xFFFFFFD0] =	vst v3  }
0xf3: {  	[tilespmem:s13+$0xFFFFFFC0] =	vst v3  }
0xf4: {  	[tilespmem:s13+$0xFFFFFFB0] =	vst v3  }
0xf5: {  	[tilespmem:s13+$0xFFFFFFA0] =	vst v3  }
0xf6: {  	[tilespmem:s13+$0xFFFFFF90] =	vst v3  }
0xf7: {  	[tilespmem:s13+$0xFFFFFF80] =	vst v3  }
0xf8: {  	[tilespmem:s13+$0xFFFFFF70] =	vst v3  }
0xf9: {  	[tilespmem:s13+$0xFFFFFF60] =	vst v3  }
0xfa: {  	[tilespmem:s13+$0xFFFFFF50] =	vst v3  }
0xfb: {  	[tilespmem:s13+$0xFFFFFF40] =	vst v3  }
0xfc: {  	[tilespmem:s13+$0xFFFFFF30] =	vst v3  }
0xfd: {  	[tilespmem:s13+$0xFFFFFF20] =	vst v3  }
0xfe: {  	[tilespmem:s13+$0xFFFFFF10] =	vst v3  }
0xff: {  	[tilespmem:s13+$0xFFFFFF00] =	vst v3  }
0x100: {  	[tilespmem:s13+$0xFFFFFEF0] =	vst v3  }
0x101: {  	[tilespmem:s13+$0xFFFFFEE0] =	vst v3  }
0x102: {  	[tilespmem:s13+$0xFFFFFED0] =	vst v3  }
0x103: {  	[tilespmem:s13+$0xFFFFFEC0] =	vst v3  }
0x104: {  	[tilespmem:s13+$0xFFFFFEB0] =	vst v3  }
0x105: {  	[tilespmem:s13+$0xFFFFFEA0] =	vst v3  }
0x106: {  	[tilespmem:s13+$0xFFFFFE90] =	vst v3  }
0x107: {  	[tilespmem:s13+$0xFFFFFE80] =	vst v3  }
0x108: {  	[tilespmem:s13+$0xFFFFFE70] =	vst v3  }
.Ltmp3:
0x109: {  	[tilespmem:s13+$0xFFFFFE60] =	vst v3;
	(pc) =	sbr.rel @p1 .LBB2_4-.Ltmp3, $4  }
0x10a: {  	[tilespmem:s13+$0xFFFFFE50] =	vst v3  }
0x10b: {  	[tilespmem:s13+$0xFFFFFE40] =	vst v3  }
0x10c: {  	[tilespmem:s13+$0xFFFFFE30] =	vst v3  }
0x10d: {  	[tilespmem:s13+$0xFFFFFE20] =	vst v3  }
0x10e: {  	[tilespmem:s13+$0xFFFFFE10] =	vst v3  }
0x10f: {  	s12 =	rddreg [dreg:$0x7]  }
0x110: {  	s20 =	rddreg [dreg:$0x1f]  }
0x111: {  	[spmem:s12] =	stream.linear.scatter [tilespmem:s24], [sflag:$0x2], $0x300, $0x38;
	[tilespmem:$0x1FC30] =	vst v63  }
0x112: {  	s21 =	sld [smem:$0x7F8]  }
0x113: {  	[spmem:s20] =	stream.linear.scatter [tilespmem:s25], [sflag:$0x2], $0x1F40, $0x38;
	[tilespmem:$0x1FC30] =	vst v63  }
0x114: {  	s22 =	sld [smem:$0x7F9]  }
0x115: {  	[spmem:s21] =	stream.linear.scatter [tilespmem:s25], [sflag:$0x2], $0x1F40, $0x38;
	[tilespmem:$0x1FC30] =	vst v63  }
0x116: {  	s29 =	sld [smem:$0x7FA]  }
0x117: {  	[spmem:s22] =	stream.linear.scatter [tilespmem:s25], [sflag:$0x2], $0x1F40, $0x38;
	[tilespmem:$0x1FC30] =	vst v63  }
0x118: {  	s13 =	sld [smem:$0x7FB]  }
0x119: {  	[spmem:s29] =	stream.linear.scatter [tilespmem:s25], [sflag:$0x2], $0x1F40, $0x38;
	[tilespmem:$0x1FC30] =	vst v63  }
0x11a: {  	_ = 	snop  }
0x11b: {  	[spmem:s13] =	stream.linear.scatter [tilespmem:s25], [sflag:$0x2], $0x1F40, $0x38;
	[tilespmem:$0x1FC30] =	vst v63  }
0x11c: {  	_ =	swait.ge [sflag:s26], $0x7D0  }
0x11d: {  	[sflag:s26] =	ssyncset.done $0x0  }
0x11e: {  	[sflag:s26] =	ssyncadd.s32 $0xFFFFF830  }
0x11f: {  	_ =	swait.ge [sflag:s26], $0x7D0  }
0x120: {  	[sflag:s26] =	ssyncset.done $0x0  }
0x121: {  	[sflag:s26] =	ssyncadd.s32 $0xFFFFF830  }
0x122: {  	_ =	swait.ge [sflag:s26], $0x7D0  }
0x123: {  	[sflag:s26] =	ssyncset.done $0x0  }
0x124: {  	[sflag:s26] =	ssyncadd.s32 $0xFFFFF830  }
0x125: {  	_ =	swait.ge [sflag:s26], $0x7D0  }
0x126: {  	[sflag:s26] =	ssyncset.done $0x0  }
0x127: {  	[sflag:s26] =	ssyncadd.s32 $0xFFFFF830  }
0x128: {  	_ =	swait.ge [sflag:s26], $0x7D0  }
0x129: {  	[sflag:s26] =	ssyncset.done $0x0  }
0x12a: {  	[sflag:s26] =	ssyncadd.s32 $0xFFFFF830  }
0x12b: {  	_ =	swait.ge [sflag:s26], $0x7D0  }
0x12c: {  	[sflag:s26] =	ssyncset.done $0x0  }
0x12d: {  	[sflag:s26] =	ssyncadd.s32 $0xFFFFF830  }
0x12e: {  	_ =	swait.ge [sflag:s26], $0x7D0  }
0x12f: {  	[sflag:s26] =	ssyncset.done $0x0  }
0x130: {  	[sflag:s26] =	ssyncadd.s32 $0xFFFFF830  }
0x131: {  	_ =	swait.ge [sflag:s26], $0x7D0  }
0x132: {  	[sflag:s26] =	ssyncset.done $0x0  }
0x133: {  	[sflag:s26] =	ssyncadd.s32 $0xFFFFF830  }
0x134: {  	_ =	swait.ge [sflag:s26], $0x7D0  }
0x135: {  	[sflag:s26] =	ssyncset.done $0x0  }
0x136: {  	[sflag:s26] =	ssyncadd.s32 $0xFFFFF830  }
0x137: {  	_ =	swait.ge [sflag:s26], $0x7D0  }
0x138: {  	[sflag:s26] =	ssyncset.done $0x0  }
0x139: {  	[sflag:s26] =	ssyncadd.s32 $0xFFFFF830  }
0x13a: {  	_ =	swait.ge [sflag:s26], $0xD18  }
0x13b: {  	[sflag:s26] =	ssyncset.done $0x0  }
0x13c: {  	[sflag:s26] =	ssyncadd.s32 $0xFFFFF2E8  }
0x13d: {  	_ =	swait.ge [sflag:s26], $0xD18  }
0x13e: {  	[sflag:s26] =	ssyncset.done $0x0  }
0x13f: {  	[sflag:s26] =	ssyncadd.s32 $0xFFFFF2E8  }
0x140: {  	_ =	swait.ge [sflag:s26], $0xD18  }
0x141: {  	[sflag:s26] =	ssyncset.done $0x0  }
0x142: {  	[sflag:s26] =	ssyncadd.s32 $0xFFFFF2E8  }
0x143: {  	_ =	swait.ge [sflag:s26], $0xD18  }
0x144: {  	[sflag:s26] =	ssyncset.done $0x0  }
0x145: {  	[sflag:s26] =	ssyncadd.s32 $0xFFFFF2E8  }
0x146: {  	_ =	swait.ge [sflag:s26], $0xD18  }
0x147: {  	[sflag:s26] =	ssyncset.done $0x0  }
0x148: {  	[sflag:s26] =	ssyncadd.s32 $0xFFFFF2E8  }
0x149: {  	_ =	swait.ge [sflag:s26], $0xD18  }
0x14a: {  	[sflag:s26] =	ssyncset.done $0x0  }
0x14b: {  	[sflag:s26] =	ssyncadd.s32 $0xFFFFF2E8  }
0x14c: {  	_ =	swait.ge [sflag:s26], $0xD18  }
0x14d: {  	[sflag:s26] =	ssyncset.done $0x0  }
0x14e: {  	[sflag:s26] =	ssyncadd.s32 $0xFFFFF2E8  }
0x14f: {  	_ =	swait.ge [sflag:s26], $0xD18  }
0x150: {  	[sflag:s26] =	ssyncset.done $0x0  }
0x151: {  	[sflag:s26] =	ssyncadd.s32 $0xFFFFF2E8  }
0x152: {  	_ =	swait.ge [sflag:s26], $0xD18  }
0x153: {  	[sflag:s26] =	ssyncset.done $0x0  }
0x154: {  	[sflag:s26] =	ssyncadd.s32 $0xFFFFF2E8  }
0x155: {  	_ =	swait.ge [sflag:s26], $0xD18  }
0x156: {  	[sflag:s26] =	ssyncset.done $0x0  }
0x157: {  	[sflag:s26] =	ssyncadd.s32 $0xFFFFF2E8  }
0x158: {  	_ =	swait.ge [sflag:s26], $0xD18  }
0x159: {  	[sflag:s26] =	ssyncset.done $0x0  }
0x15a: {  	[sflag:s26] =	ssyncadd.s32 $0xFFFFF2E8  }
0x15b: {  	_ =	swait.ge [sflag:s26], $0xD18  }
0x15c: {  	[sflag:s26] =	ssyncset.done $0x0  }
0x15d: {  	[sflag:s26] =	ssyncadd.s32 $0xFFFFF2E8  }
0x15e: {  	s16 =	rddreg [dreg:$0x1]  }
0x15f: {  	[tilespmem:s28], [sflag:$0x7] =	stream.linear.gather [hbm4b:s16+s5], $0x10, $0x38;
	[tilespmem:$0x1FC30] =	vst v63  }
0x160: {  	_ =	swait.ge [sflag:s19], $0x10  }
0x161: {  	[sflag:s19] =	ssyncset.done $0x0  }
0x162: {  	[sflag:s19] =	ssyncadd.s32 $0xFFFFFFF0  }
0x163: {  	v4 =	vld [tilespmem:$0x15C70];
	_ =	swait.ge [sflag:s30], $0x300  }
0x164: {  	[sflag:s30] =	ssyncset.done $0x0  }
0x165: {  	[sflag:s30] =	ssyncadd.s32 $0xFFFFFD00  }
0x166: {  	_ =	swait.ge [sflag:s30], $0x1F40  }
0x167: {  	[sflag:s30] =	ssyncset.done $0x0  }
0x168: {  	[sflag:s30] =	ssyncadd.s32 $0xFFFFE0C0  }
0x169: {  	_ =	swait.ge [sflag:s30], $0x1F40  }
0x16a: {  	[sflag:s30] =	ssyncset.done $0x0  }
0x16b: {  	[sflag:s30] =	ssyncadd.s32 $0xFFFFE0C0  }
0x16c: {  	_ =	swait.ge [sflag:s30], $0x1F40  }
0x16d: {  	[sflag:s30] =	ssyncset.done $0x0  }
0x16e: {  	[sflag:s30] =	ssyncadd.s32 $0xFFFFE0C0  }
0x16f: {  	_ =	swait.ge [sflag:s30], $0x1F40  }
0x170: {  	[sflag:s30] =	ssyncset.done $0x0  }
0x171: {  	[sflag:s30] =	ssyncadd.s32 $0xFFFFE0C0  }
0x172: {  	_ =	swait.ge [sflag:s30], $0x1F40  }
0x173: {  	[sflag:s30] =	ssyncset.done $0x0  }
0x174: {  	s17 =	rddreg [dreg:$0x8];
	[sflag:s30] =	ssyncadd.s32 $0xFFFFE0C0  }
0x175: {  	[tilespmem:s31], [sflag:$0x7] =	stream.linear.gather [hbm4b:s17+s5], $0x80, $0x38;
	[tilespmem:$0x1FC30] =	vst v63  }
0x176: {  	_ =	swait.ge [sflag:s19], $0x80  }
0x177: {  	s18 =	sld [smem:$0x7F6]  }
0x178: {  	[sflag:s19] =	ssyncset.done $0x0  }
0x179: {  	[sflag:s19] =	ssyncadd.s32 $0xFFFFFF80  }
0x17a: {  	[tilespmem:s0], [sflag:$0x4] =	stream.linear.gather [hbm4b:s18+s5], $0x80, $0x38;
	[tilespmem:$0x1FC30] =	vst v63  }
0x17b: {  	s20 =	sld [smem:$0x7F7]  }
0x17c: {  	[tilespmem:s25], [sflag:$0x1] =	stream.indirect.gather [hbm4b:s10+s1], $0x40, s6, s1, $0xb8;
	[tilespmem:$0x1FC30] =	vst v63  }
0x17d: {  	s21 =	simm.s32 $0x20  }
0x17e: {  	[tilespmem:s4], [sflag:$0x2] =	stream.indirect.gather [hbm4b:s10+s1], $0x40, s20, s1, $0xb8;
	[tilespmem:$0x1FC30] =	vst v63  }
0x17f: {  	s22 =	simm.s32 $0x4EB0;
	v7 =	vld [tilespmem:s21+$0x10]  }
0x180: {  	v11 =	vld [tilespmem:s22+$0x10];
	_ =	sdelay $0x1  }
0x181: {  	v5 =	vld [tilespmem:s22+$0xFFFFFFE0]  }
0x182: {  	v8 =	vld [tilespmem:s21+$0xFFFFFFF0]  }
0x183: {  	v17 =	vld [tilespmem:s22+$0xFFFFFFF0]  }
0x184: {  	v9 =	vld [tilespmem:s21+$0xFFFFFFE0]  }
0x185: {  	v10 =	vld [tilespmem:s21+$0x0]  }
0x186: {  	v7 =	vld.idx.msk [tilespmem:v7+s23+$0x0], $0xffff  }
0x187: {  	v12 =	vld.idx.msk [tilespmem:v11+s2+$0x0], $0xffff  }
0x188: {  	v6 =	vld [tilespmem:s22+$0x0]  }
0x189: {  	v13 =	vld.idx.msk [tilespmem:v5+s2+$0x0], $0xffff  }
0x18a: {  	v8 =	vld.idx.msk [tilespmem:v8+s23+$0x0], $0xffff  }
0x18b: {  	v14 =	vld.idx.msk [tilespmem:v17+s2+$0x0], $0xffff  }
0x18c: {  	v9 =	vld.idx.msk [tilespmem:v9+s23+$0x0], $0xffff;
	v7 =	vadd.f32 v12, v7;
	_ =	sdelay $0x1  }
0x18d: {  	v12 =	vld.idx.msk [tilespmem:v10+s23+$0x0], $0xffff;
	v10 =	vmul.f32 $2.000000030e-01, v7  }
0x18e: {  	vm0 =	vge.f32 v7, $0.0e+00  }
0x18f: {  	s29 =	simm.s32 $0x60;
	v14 =	vadd.f32 v14, v8;
	v7 =	vsel vm0, v7, v10  }
0x190: {  	v16 =	vld [tilespmem:s29+$0x10];
	v10 =	vadd.f32 v13, v9;
	v13 =	vsub.f32 v7, v4  }
0x191: {  	v9 =	vmul.f32 $2.000000030e-01, v14  }
0x192: {  	v15 =	vld.idx.msk [tilespmem:v6+s2+$0x0], $0xffff;
	vm12 =	vge.f32 v14, $0.0e+00;
	v18 =	vmul.f32 $2.000000030e-01, v10;
	v13 =	vmul.f32 $1.442695020e+00, v13  }
0x193: {  	v9 =	vsel vm12, v14, v9;
	v14 =	vld [tilespmem:s29+$0xFFFFFFF0];
	vm13 =	vge.f32 v10, $0.0e+00  }
0x194: {  	v19 =	vsub.f32 v9, v4;
	v10 =	vsel vm13, v10, v18;
	(erf) = vpow2.f32 v13  }
0x195: {  	v18 =	vsub.f32 v10, v4  }
0x196: {  	s13 =	simm.s32 $0x4EF0;
	v20 =	vld [tilespmem:s29+$0xFFFFFFE0];
	v19 =	vmul.f32 $1.442695020e+00, v19  }
0x197: {  	v8 =	vld [tilespmem:s13+$0x10];
	v15 =	vadd.f32 v15, v12;
	v18 =	vmul.f32 $1.442695020e+00, v18  }
0x198: {  	v16 =	vld.idx.msk [tilespmem:v16+s23+$0x0], $0xffff;
	(erf) = vpow2.f32 v19  }
0x199: {  	v7 =	vld [tilespmem:s13+$0xFFFFFFE0];
	(erf) = vpow2.f32 v18;
	v18 =	vmul.f32 $2.000000030e-01, v15  }
0x19a: {  	v9 =	vld [tilespmem:s13+$0xFFFFFFF0];
	vm14 =	vge.f32 v15, $0.0e+00  }
0x19b: {  	v21 =	vld.idx.msk [tilespmem:v14+s23+$0x0], $0xffff;
	v14 =	vsel vm14, v15, v18  }
0x19c: {  	v13 =	vld [tilespmem:s29+$0x0];
	v14 =	vsub.f32 v14, v4  }
0x19d: {  	v10 =	vld [tilespmem:s13+$0x0];
	v15 =	vpop (erf)  }
0x19e: {  	[tilespmem:v11+s24+$0x0] =	vst.idx.add.f32.msk $0xffff, v15;
	v11 =	vmul.f32 $1.442695020e+00, v14  }
0x19f: {  	v19 =	vld.idx.msk [tilespmem:v8+s2+$0x0], $0xffff  }
0x1a0: {  	(erf) = vpow2.f32 v11;
	_ =	sdelay $0x1  }
0x1a1: {  	v18 =	vld.idx.msk [tilespmem:v9+s2+$0x0], $0xffff  }
0x1a2: {  	v12 =	vld.idx.msk [tilespmem:v7+s2+$0x0], $0xffff  }
0x1a3: {  	v19 =	vadd.f32 v19, v16;
	v13 =	vld.idx.msk [tilespmem:v13+s23+$0x0], $0xffff  }
0x1a4: {  	v15 =	vld.idx.msk [tilespmem:v20+s23+$0x0], $0xffff  }
0x1a5: {  	v63 =	vmul.f32 $2.000000030e-01, v19;
	v14 =	vld.idx.msk [tilespmem:v10+s2+$0x0], $0xffff  }
0x1a6: {  	vm15 =	vge.f32 v19, $0.0e+00;
	v22 =	vpop (erf);
	v16 =	vadd.f32 v18, v21  }
0x1a7: {  	s17 =	simm.s32 $0x4;
	s18 =	simm.s32 $0xA0;
	[tilespmem:v17+s24+$0x0] =	vst.idx.add.f32.msk $0xffff, v22;
	v17 =	vsel vm15, v19, v63;
	v11 =	vpop (erf)  }
.LBB2_6:
0x1a8: {  	v18 =	vld [tilespmem:s18+$0x10];
	vm0 =	vge.f32 v16, $0.0e+00;
	v19 =	vmul.f32 $2.000000030e-01, v16;
	v17 =	vsub.f32 v17, v4;
	s13 =	sadd.s32 $0x40, s13;
	v20 =	vpop (erf)  }
0x1a9: {  	s17 =	sadd.s32 $0x4, s17;
	v12 =	vadd.f32 v12, v15;
	v21 =	vld [tilespmem:s13+$0x10]  }
0x1aa: {  	p1 =	slt.u32 s17, $0x4DC;
	v13 =	vadd.f32 v14, v13;
	v22 =	vld [tilespmem:s13+$0xFFFFFFE0];
	v15 =	vsel vm0, v16, v19;
	v14 =	vmul.f32 $1.442695020e+00, v17  }
0x1ab: {  	vm0 =	vge.f32 v12, $0.0e+00;
	v17 =	vmul.f32 $2.000000030e-01, v12;
	v16 =	vld [tilespmem:s18+$0xFFFFFFF0];
	v15 =	vsub.f32 v15, v4  }
0x1ac: {  	vm1 =	vge.f32 v13, $0.0e+00;
	v23 =	vmul.f32 $2.000000030e-01, v13;
	v19 =	vld [tilespmem:s13+$0xFFFFFFF0];
	(erf) = vpow2.f32 v14  }
0x1ad: {  	v12 =	vsel vm0, v12, v17;
	v14 =	vld [tilespmem:s18+$0x0];
	v15 =	vmul.f32 $1.442695020e+00, v15  }
0x1ae: {  	v12 =	vsub.f32 v12, v4;
	v13 =	vsel vm1, v13, v23;
	v24 =	vld [tilespmem:s13+$0x0]  }
0x1af: {  	v13 =	vsub.f32 v13, v4;
	v17 =	vld [tilespmem:s18+$0xFFFFFFE0];
	(erf) = vpow2.f32 v15  }
0x1b0: {  	v15 =	vmul.f32 $1.442695020e+00, v12;
	v18 =	vld.idx.msk [tilespmem:v18+s23+$0x0], $0xffff  }
0x1b1: {  	v13 =	vmul.f32 $1.442695020e+00, v13;
	v23 =	vld.idx.msk [tilespmem:v21+s2+$0x0], $0xffff  }
0x1b2: {  	v12 =	vld.idx.msk [tilespmem:v22+s2+$0x0], $0xffff;
	(erf) = vpow2.f32 v15  }
0x1b3: {  	v16 =	vld.idx.msk [tilespmem:v16+s23+$0x0], $0xffff;
	(erf) = vpow2.f32 v13  }
0x1b4: {  	v25 =	vld.idx.msk [tilespmem:v19+s2+$0x0], $0xffff  }
0x1b5: {  	v13 =	vld.idx.msk [tilespmem:v14+s23+$0x0], $0xffff;
	v14 =	vpop (erf)  }
0x1b6: {  	[tilespmem:v8+s24+$0x0] =	vst.idx.add.f32.msk $0xffff, v14;
	v8 =	vmov v21  }
.Ltmp4:
0x1b7: {  	v15 =	vld.idx.msk [tilespmem:v17+s23+$0x0], $0xffff;
	v17 =	vadd.f32 v23, v18;
	(pc) =	sbr.rel @p1 .LBB2_6-.Ltmp4, $4  }
0x1b8: {  	v14 =	vld.idx.msk [tilespmem:v24+s2+$0x0], $0xffff;
	v18 =	vpop (erf)  }
0x1b9: {  	v21 =	vmul.f32 $2.000000030e-01, v17;
	[tilespmem:v5+s24+$0x0] =	vst.idx.add.f32.msk $0xffff, v11;
	v5 =	vmov v7;
	v7 =	vmov v22  }
0x1ba: {  	v16 =	vadd.f32 v25, v16;
	vm0 =	vge.f32 v17, $0.0e+00;
	[tilespmem:v9+s24+$0x0] =	vst.idx.add.f32.msk $0xffff, v18;
	v9 =	vmov v19  }
0x1bb: {  	s18 =	sadd.s32 $0x40, s18;
	v17 =	vsel vm0, v17, v21;
	v11 =	vpop (erf);
	[tilespmem:v6+s24+$0x0] =	vst.idx.add.f32.msk $0xffff, v20;
	v6 =	vmov v10;
	v10 =	vmov v24  }
0x1bc: {  	v12 =	vadd.f32 v12, v15  }
0x1bd: {  	v18 =	vmul.f32 $2.000000030e-01, v16;
	v13 =	vadd.f32 v14, v13  }
0x1be: {  	v17 =	vsub.f32 v17, v4;
	vm0 =	vge.f32 v16, $0.0e+00;
	v59 =	vmul.f32 $2.000000030e-01, v12  }
0x1bf: {  	v57 =	vsel vm0, v16, v18;
	vm15 =	vge.f32 v12, $0.0e+00;
	v60 =	vmul.f32 $2.000000030e-01, v13  }
0x1c0: {  	v14 =	vsub.f32 v57, v4;
	vm1 =	vge.f32 v13, $0.0e+00;
	v12 =	vsel vm15, v12, v59  }
0x1c1: {  	v58 =	vmul.f32 $1.442695020e+00, v17;
	v12 =	vsub.f32 v12, v4;
	v13 =	vsel vm1, v13, v60  }
0x1c2: {  	v14 =	vmul.f32 $1.442695020e+00, v14;
	v13 =	vsub.f32 v13, v4  }
0x1c3: {  	(erf) = vpow2.f32 v58;
	v12 =	vmul.f32 $1.442695020e+00, v12  }
0x1c4: {  	(erf) = vpow2.f32 v14;
	v13 =	vmul.f32 $1.442695020e+00, v13  }
0x1c5: {  	(erf) = vpow2.f32 v12  }
0x1c6: {  	(erf) = vpow2.f32 v13;
	_ =	sdelay $0x4  }
0x1c7: {  	v61 =	vpop (erf);
	[tilespmem:v5+s24+$0x0] =	vst.idx.add.f32.msk $0xffff, v11  }
0x1c8: {  	[tilespmem:v6+s24+$0x0] =	vst.idx.add.f32.msk $0xffff, v61;
	v62 =	vpop (erf)  }
0x1c9: {  	[tilespmem:v8+s24+$0x0] =	vst.idx.add.f32.msk $0xffff, v62;
	v63 =	vpop (erf)  }
0x1ca: {  	[tilespmem:v9+s24+$0x0] =	vst.idx.add.f32.msk $0xffff, v63;
	v5 =	vpop (erf)  }
0x1cb: {  	v6 =	vpop (erf);
	[tilespmem:v7+s24+$0x0] =	vst.idx.add.f32.msk $0xffff, v5  }
0x1cc: {  	s12 =	simm.s32 $0x0;
	[tilespmem:v10+s24+$0x0] =	vst.idx.add.f32.msk $0xffff, v6  }
.LBB2_8:
0x1cd: {  	s13 =	sshra.s32 s12, $0x2  }
0x1ce: {  	v5 =	vld [tilespmem:s13+$0x4E00]  }
0x1cf: {  	v6 =	vld [tilespmem:s13+$0x9C90];
	_ =	sdelay $0x6  }
0x1d0: {  	v5 =	vld.idx.msk [tilespmem:v5+s23+$0x0], $0xffff  }
0x1d1: {  	v7 =	vld.idx.msk [tilespmem:v6+s2+$0x0], $0xffff;
	_ =	sdelay $0x4  }
0x1d2: {  	v5 =	vadd.f32 v7, v5;
	_ =	sdelay $0x1  }
0x1d3: {  	v7 =	vmul.f32 $2.000000030e-01, v5  }
0x1d4: {  	vm0 =	vge.f32 v5, $0.0e+00  }
0x1d5: {  	v5 =	vsel vm0, v5, v7  }
0x1d6: {  	v5 =	vsub.f32 v5, v4;
	_ =	sdelay $0x1  }
0x1d7: {  	v5 =	vmul.f32 $1.442695020e+00, v5;
	_ =	sdelay $0x1  }
0x1d8: {  	(erf) = vpow2.f32 v5;
	_ =	sdelay $0x4  }
0x1d9: {  	p1 =	sne.s32 s12, $0x40  }
.Ltmp5:
0x1da: {  	_ = 	snop;
	(pc) =	sbr.rel @p1 .LBB2_8-.Ltmp5, $3  }
0x1db: {  	_ =	sdelay $0x1  }
0x1dc: {  	v5 =	vpop (erf)  }
0x1dd: {  	s12 =	sadd.s32 $0x40, s12;
	[tilespmem:v6+s24+$0x0] =	vst.idx.add.f32.msk $0xffff, v5  }
0x1de: {  	[bflag:$0x0] =	sbarrier.arrive $0xFFFF  }
0x1df: {  	s13 =	simm.s32 $0x30;
	s16 =	simm.s32 $0x11C40;
	s12 =	rddreg [dreg:$0x2]  }
0x1e0: {  	[spmem:s12] =	stream.indirect.scatter.add.f32 [tilespmem:s24], [sflag:$0x7], $0x100, s16, s13, $0xb8;
	[tilespmem:$0x1FC30] =	vst v63  }
0x1e1: {  	_ =	swait.ge [sflag:s19], $0x3000  }
0x1e2: {  	[sflag:s19] =	ssyncset.done $0x0  }
0x1e3: {  	[sflag:s19] =	ssyncadd.s32 $0xFFFFD000  }
0x1e4: {  	[bflag:$0x0] =	sbarrier.arrive $0xFFFF  }
0x1e5: {  	[tilespmem:s24], [sflag:$0x7] =	stream.linear.gather [spmem:s12], $0x1000, $0x38;
	[tilespmem:$0x1FC30] =	vst v63  }
0x1e6: {  	_ =	swait.ge [sflag:s19], $0x1000  }
0x1e7: {  	s20 =	sld [smem:$0x7FC]  }
0x1e8: {  	[sflag:s19] =	ssyncset.done $0x0  }
0x1e9: {  	s21 =	simm.s32 $0xFC40;
	[sflag:s19] =	ssyncadd.s32 $0xFFFFF000  }
0x1ea: {  	[tilespmem:s21], [sflag:$0x7] =	stream.linear.gather [spmem:s20], $0x1000, $0x38;
	[tilespmem:$0x1FC30] =	vst v63  }
0x1eb: {  	_ =	swait.ge [sflag:s19], $0x1000  }
0x1ec: {  	s22 =	sld [smem:$0x7FD]  }
0x1ed: {  	[sflag:s19] =	ssyncset.done $0x0  }
0x1ee: {  	s29 =	simm.s32 $0x10C40;
	[sflag:s19] =	ssyncadd.s32 $0xFFFFF000  }
0x1ef: {  	[tilespmem:s29], [sflag:$0x7] =	stream.linear.gather [spmem:s22], $0x1000, $0x38;
	[tilespmem:$0x1FC30] =	vst v63  }
0x1f0: {  	_ =	swait.ge [sflag:s19], $0x1000  }
0x1f1: {  	[sflag:s19] =	ssyncset.done $0x0  }
0x1f2: {  	s17 =	simm.s32 $0x0;
	[sflag:s19] =	ssyncadd.s32 $0xFFFFF000  }
.LBB2_10:
0x1f3: {  	s13 =	sshllo.u32 s17, $0x1;
	p1 =	seq.s32 s17, $0x0  }
0x1f4: {  	p2 =	sgt.u32 @!p1 s13, $0x4E  }
0x1f5: {  	p2 =	por p1, p2  }
.Ltmp6:
0x1f6: {  	_ = 	snop;
	(pc) =	sbr.rel @p2 .LBB2_12-.Ltmp6, $2  }
0x1f7: {  	_ =	sdelay $0x2  }
0x1f8: {  	s19 =	sshll.u32 s13, $0x7  }
0x1f9: {  	_ =	swait.ge [sflag:s8], $0x2000;
	s12 =	sadd.s32 s11, s19  }
.Ltmp7:
0x1fa: {  	[sflag:s8] =	ssyncset.done $0x0;
	s12 =	sshrl.u32 s12, $0x3;
	(pc) =	sbr.rel .LBB2_13-.Ltmp7, $4  }
0x1fb: {  	[sflag:s8] =	ssyncadd.s32 $0xFFFFE000;
	s12 =	sadd.s32 s7, s12  }
0x1fc: {  	[tilespmem:s0], [sflag:$0x4] =	stream.linear.gather [hbm4b:s12+s5], $0x80, $0x38;
	[tilespmem:$0x1FC30] =	vst v63  }
0x1fd: {  	s29 =	sadd.s32 s19, s6  }
0x1fe: {  	[tilespmem:s4], [sflag:$0x2] =	stream.indirect.gather [hbm4b:s10+s1], $0x40, s29, s1, $0xb8;
	[tilespmem:$0x1FC30] =	vst v63  }
.LBB2_12:
.Ltmp8:
0x1ff: {  	(pc) =	sbr.rel @p1 .LBB2_14-.Ltmp8, $1  }
0x200: {  	_ =	sdelay $0x3  }
.LBB2_13:
0x201: {  	_ =	swait.ge [sflag:s9], $0x80  }
0x202: {  	[sflag:s9] =	ssyncset.done $0x0  }
0x203: {  	[sflag:s9] =	ssyncadd.s32 $0xFFFFFF80  }
.LBB2_14:
0x204: {  	s18 =	sshll.u32 s17, $0x8  }
0x205: {  	s12 =	sadd.s32 s6, s18  }
0x206: {  	v5 =	vmov s12;
	_ =	sdelay $0x1  }
0x207: {  	_ =	swait.ge [sflag:s26], $0x2000  }
0x208: {  	s21 =	simm.s32 $0x0;
	[sflag:s26] =	ssyncset.done $0x0  }
0x209: {  	p1 =	por $0x1, $0x1;
	s22 =	simm.s32 $0x0;
	[sflag:s26] =	ssyncadd.s32 $0xFFFFE000  }
.LBB2_15:
0x20a: {  	v6 =	vld.idx.msk [tilespmem:v5+s22+$0x0 ss:$0x1], $0xffff  }
0x20b: {  	v7 =	vld.idx.msk [tilespmem:v5+s22+$0x4E90 ss:$0x1], $0xffff;
	s16 =	sor.u32 $0x10, s22  }
0x20c: {  	v9 =	vld.idx.msk [tilespmem:v5+s16+$0x0 ss:$0x1], $0xffff  }
0x20d: {  	s12 =	sor.u32 $0x20, s22;
	v10 =	vld.idx.msk [tilespmem:v5+s16+$0x4E90 ss:$0x1], $0xffff  }
0x20e: {  	v11 =	vld.idx.msk [tilespmem:v5+s12+$0x0 ss:$0x1], $0xffff  }
0x20f: {  	s20 =	sor.u32 $0x30, s22;
	v12 =	vld.idx.msk [tilespmem:v5+s12+$0x4E90 ss:$0x1], $0xffff  }
0x210: {  	v13 =	vld.idx.msk [tilespmem:v5+s20+$0x0 ss:$0x1], $0xffff  }
0x211: {  	v14 =	vld.idx.msk [tilespmem:v5+s20+$0x4E90 ss:$0x1], $0xffff  }
0x212: {  	v6 =	vld.idx.msk [tilespmem:v6+s23+$0x0], $0xffff  }
0x213: {  	v8 =	vld.idx.msk [tilespmem:v7+s2+$0x0], $0xffff;
	_ =	sdelay $0x2  }
0x214: {  	v9 =	vld.idx.msk [tilespmem:v9+s23+$0x0], $0xffff  }
0x215: {  	v15 =	vld.idx.msk [tilespmem:v10+s2+$0x0], $0xffff  }
0x216: {  	v49 =	vld.idx.msk [tilespmem:v11+s23+$0x0], $0xffff;
	v6 =	vadd.f32 v8, v6  }
0x217: {  	v50 =	vld.idx.msk [tilespmem:v12+s2+$0x0], $0xffff  }
0x218: {  	v13 =	vld.idx.msk [tilespmem:v13+s23+$0x0], $0xffff;
	v16 =	vmul.f32 $2.000000030e-01, v6  }
0x219: {  	v17 =	vld.idx.msk [tilespmem:v14+s2+$0x0], $0xffff;
	vm0 =	vge.f32 v6, $0.0e+00  }
0x21a: {  	v9 =	vadd.f32 v15, v9;
	v6 =	vsel vm0, v6, v16  }
0x21b: {  	v7 =	vld.idx.msk [tilespmem:v7+s24+$0x0], $0xffff;
	v6 =	vsub.f32 v6, v4  }
0x21c: {  	v8 =	vadd.f32 v50, v49;
	v51 =	vmul.f32 $2.000000030e-01, v9  }
0x21d: {  	v10 =	vld.idx.msk [tilespmem:v10+s24+$0x0], $0xffff;
	vm13 =	vge.f32 v9, $0.0e+00;
	v6 =	vmul.f32 $1.442695020e+00, v6  }
0x21e: {  	v52 =	vadd.f32 v17, v13;
	v53 =	vmul.f32 $2.000000030e-01, v8;
	v9 =	vsel vm13, v9, v51  }
0x21f: {  	v54 =	vld.idx.msk [tilespmem:v12+s24+$0x0], $0xffff;
	vm14 =	vge.f32 v8, $0.0e+00;
	(erf) = vpow2.f32 v6;
	v6 =	vsub.f32 v9, v4  }
0x220: {  	v7 =	vadd.f32 $1.000000020e-16, v7;
	v55 =	vmul.f32 $2.000000030e-01, v52;
	v8 =	vsel vm14, v8, v53  }
0x221: {  	v56 =	vld.idx.msk [tilespmem:v14+s24+$0x0], $0xffff;
	vm15 =	vge.f32 v52, $0.0e+00;
	v8 =	vsub.f32 v8, v4;
	v6 =	vmul.f32 $1.442695020e+00, v6  }
0x222: {  	v10 =	vadd.f32 $1.000000020e-16, v10;
	(erf) = vrcp.f32 v7;
	v7 =	vsel vm15, v52, v55  }
0x223: {  	v7 =	vsub.f32 v7, v4;
	(erf) = vpow2.f32 v6;
	v6 =	vmul.f32 $1.442695020e+00, v8  }
0x224: {  	v57 =	vadd.f32 $1.000000020e-16, v54;
	(erf) = vrcp.f32 v10  }
0x225: {  	(erf) = vpow2.f32 v6;
	v6 =	vmul.f32 $1.442695020e+00, v7  }
0x226: {  	v7 =	vadd.f32 $1.000000020e-16, v56;
	(erf) = vrcp.f32 v57  }
0x227: {  	(erf) = vpow2.f32 v6  }
0x228: {  	(erf) = vrcp.f32 v7;
	_ =	sdelay $0x1  }
0x229: {  	v6 =	vpop (erf)  }
0x22a: {  	v7 =	vpop (erf)  }
0x22b: {  	v58 =	vpop (erf)  }
0x22c: {  	v59 =	vpop (erf)  }
0x22d: {  	s29 =	sor.u32 s18, s22;
	v6 =	vmul.f32 v6, v7;
	v60 =	vpop (erf)  }
0x22e: {  	p2 =	slt.u32 s29, $0x2710;
	v61 =	vpop (erf)  }
0x22f: {  	s16 =	sor.u32 s18, s16;
	v6 =	vpsel !p2, $0x0, v6;
	p2 =	por p1, p1;
	v8 =	vmul.f32 v58, v59;
	v7 =	vpop (erf)  }
.Ltmp9:
0x230: {  	s12 =	sor.u32 s18, s12;
	p3 =	slt.u32 s16, $0x2710;
	v62 =	vmul.f32 v60, v61;
	v63 =	vpop (erf);
	(pc) =	sbr.rel @p2 .LBB2_15-.Ltmp9, $4  }
0x231: {  	s29 =	sor.u32 s18, s20;
	p5 =	slt.u32 s12, $0x2710;
	[tilespmem:s22+$0x15C70] =	vst v6;
	v8 =	vpsel !p3, $0x0, v8;
	v6 =	vmul.f32 v7, v63  }
0x232: {  	p6 =	slt.u32 s29, $0x2710;
	[tilespmem:s22+$0x15C80] =	vst v8;
	v7 =	vpsel !p5, $0x0, v62  }
0x233: {  	[tilespmem:s22+$0x15C90] =	vst v7;
	v6 =	vpsel !p6, $0x0, v6  }
0x234: {  	s20 =	simm.s32 $0x11CF0;
	p1 =	por $0x0, $0x0;
	[tilespmem:s22+$0x15CA0] =	vst v6;
	s22 =	simm.s32 $0x40  }
0x235: {  	v5 =	vmov s21  }
0x236: {  	s12 =	simm.s32 $0x3;
	s16 =	simm.s32 $0x1;
	v5 =	vand.u32 $0xFFFFFFFC, v5  }
0x237: {  	v6 =	vmov s12;
	v7 =	vmov s16;
	v8 =	vbroadcast v5, $0x0  }
0x238: {  	s16 =	simm.s32 $0x2;
	v5 =	vand.u32 $0xFFFFFFFD, v7  }
0x239: {  	v7 =	vmov s16;
	v9 =	vbroadcast v5, $0x0  }
0x23a: {  	v5 =	vand.u32 $0xFFFFFFFE, v7  }
0x23b: {  	v10 =	vbroadcast v5, $0x0  }
0x23c: {  	v5 =	vld.idx.msk [tilespmem:v6+s28+$0x0], $0xffff  }
0x23d: {  	v12 =	vld.idx.msk [tilespmem:v8+s28+$0x0], $0xffff  }
0x23e: {  	v8 =	vld [tilespmem:s20+$0x30]  }
0x23f: {  	v7 =	vld.idx.msk [tilespmem:v9+s28+$0x0], $0xffff  }
0x240: {  	v9 =	vld [tilespmem:s20+$0xFFFFFF80]  }
0x241: {  	v6 =	vld.idx.msk [tilespmem:v10+s28+$0x0], $0xffff  }
0x242: {  	v10 =	vld [tilespmem:s20+$0xFFFFFF90]  }
0x243: {  	v11 =	vld [tilespmem:s20+$0xFFFFFFA0]  }
0x244: {  	v13 =	vld [tilespmem:s20+$0xFFFFFFB0]  }
0x245: {  	v14 =	vld [tilespmem:s20+$0xFFFFFFC0];
	v16 =	vmul.f32 v9, v12  }
0x246: {  	v9 =	vld [tilespmem:s20+$0xFFFFFFD0];
	v15 =	vmul.f32 v8, v6  }
0x247: {  	s21 =	simm.s32 $0x4;
	v17 =	vmul.f32 v10, v12;
	v8 =	vld [tilespmem:s20+$0xFFFFFFE0];
	[tilespmem:s20+$0xFFFFFF80] =	vst v16  }
0x248: {  	s22 =	simm.s32 $0x7;
	v10 =	vmov s21;
	v16 =	vmul.f32 v11, v12;
	v11 =	vld [tilespmem:s20+$0xFFFFFFF0];
	[tilespmem:s20+$0x30] =	vst v15  }
0x249: {  	s29 =	simm.s32 $0x5;
	v18 =	vand.u32 $0xFFFFFFFC, v10;
	v10 =	vmov s22;
	[tilespmem:s20+$0xFFFFFF90] =	vst v17;
	v15 =	vmul.f32 v13, v12;
	v13 =	vld [tilespmem:s20+$0x0]  }
0x24a: {  	s12 =	simm.s32 $0x6;
	s21 =	simm.s32 $0x11CF0;
	s22 =	simm.s32 $0x8;
	v12 =	vbroadcast v18, $0x0;
	v17 =	vmov s29;
	[tilespmem:s20+$0xFFFFFFA0] =	vst v16;
	v16 =	vmul.f32 v14, v7;
	v14 =	vld [tilespmem:s20+$0x10]  }
.LBB2_17:
0x24b: {  	p1 =	slt.u32 s22, $0x7C;
	v17 =	vand.u32 $0xFFFFFFFD, v17;
	v18 =	vmov s12;
	[tilespmem:s20+$0xFFFFFFB0] =	vst v15;
	v9 =	vmul.f32 v9, v7;
	v15 =	vld [tilespmem:s20+$0x20]  }
0x24c: {  	v17 =	vbroadcast v17, $0x0;
	v18 =	vand.u32 $0xFFFFFFFE, v18;
	[tilespmem:s20+$0xFFFFFFC0] =	vst v16;
	v8 =	vmul.f32 v8, v7;
	v16 =	vld [tilespmem:s20+$0x40]  }
0x24d: {  	v18 =	vbroadcast v18, $0x0;
	[tilespmem:s20+$0xFFFFFFD0] =	vst v9;
	v7 =	vmul.f32 v11, v7;
	v9 =	vld [tilespmem:s20+$0x50]  }
0x24e: {  	[tilespmem:s20+$0xFFFFFFE0] =	vst v8;
	v8 =	vmul.f32 v13, v6;
	v11 =	vld [tilespmem:s20+$0x60]  }
0x24f: {  	[tilespmem:s20+$0xFFFFFFF0] =	vst v7;
	v7 =	vmul.f32 v14, v6;
	v13 =	vld [tilespmem:s20+$0x70]  }
0x250: {  	v10 =	vld.idx.msk [tilespmem:v10+s28+$0x0], $0xffff;
	[tilespmem:s20+$0x0] =	vst v8;
	v6 =	vmul.f32 v15, v6  }
0x251: {  	v12 =	vld.idx.msk [tilespmem:v12+s28+$0x0], $0xffff;
	[tilespmem:s20+$0x10] =	vst v7;
	v8 =	vmul.f32 v16, v5  }
0x252: {  	v7 =	vld.idx.msk [tilespmem:v17+s28+$0x0], $0xffff;
	[tilespmem:s20+$0x20] =	vst v6;
	v9 =	vmul.f32 v9, v5  }
0x253: {  	s20 =	sadd.s32 $0x100, s20;
	v6 =	vld.idx.msk [tilespmem:v18+s28+$0x0], $0xffff;
	[tilespmem:s21+$0x40] =	vst v8;
	v8 =	vmul.f32 v11, v5  }
0x254: {  	v11 =	vld [tilespmem:s20+$0x30];
	[tilespmem:s21+$0x50] =	vst v9;
	v13 =	vmul.f32 v13, v5  }
0x255: {  	v9 =	vld [tilespmem:s20+$0xFFFFFF80];
	[tilespmem:s21+$0x60] =	vst v8  }
0x256: {  	v5 =	vmov v10;
	v8 =	vld [tilespmem:s20+$0xFFFFFF90];
	[tilespmem:s21+$0x70] =	vst v13;
	s21 =	smov.u32 s20  }
0x257: {  	v10 =	vld [tilespmem:s20+$0xFFFFFFA0]  }
0x258: {  	v13 =	vld [tilespmem:s20+$0xFFFFFFB0]  }
0x259: {  	v14 =	vld [tilespmem:s20+$0xFFFFFFC0];
	v11 =	vmul.f32 v11, v6  }
.Ltmp10:
0x25a: {  	v15 =	vmul.f32 v9, v12;
	v9 =	vld [tilespmem:s20+$0xFFFFFFD0];
	(pc) =	sbr.rel @p1 .LBB2_17-.Ltmp10, $4  }
0x25b: {  	v16 =	vmul.f32 v8, v12;
	v8 =	vld [tilespmem:s20+$0xFFFFFFE0];
	[tilespmem:s20+$0x30] =	vst v11  }
0x25c: {  	s12 =	sadd.s32 $0x3, s22;
	v17 =	vmov s22;
	[tilespmem:s20+$0xFFFFFF80] =	vst v15;
	v18 =	vmul.f32 v10, v12;
	v11 =	vld [tilespmem:s20+$0xFFFFFFF0]  }
0x25d: {  	s16 =	sadd.s32 $0x1, s22;
	v17 =	vand.u32 $0xFFFFFFFC, v17;
	v10 =	vmov s12;
	[tilespmem:s20+$0xFFFFFF90] =	vst v16;
	v15 =	vmul.f32 v13, v12;
	v13 =	vld [tilespmem:s20+$0x0]  }
0x25e: {  	s12 =	sadd.s32 $0x2, s22;
	s22 =	sadd.s32 $0x4, s22;
	v12 =	vbroadcast v17, $0x0;
	v17 =	vmov s16;
	[tilespmem:s20+$0xFFFFFFA0] =	vst v18;
	v16 =	vmul.f32 v14, v7;
	v14 =	vld [tilespmem:s20+$0x10]  }
0x25f: {  	v19 =	vld [tilespmem:s20+$0x20]  }
0x260: {  	v20 =	vld [tilespmem:s20+$0x40]  }
0x261: {  	v21 =	vld [tilespmem:s20+$0x50]  }
0x262: {  	v17 =	vand.u32 $0xFFFFFFFD, v17;
	v22 =	vld [tilespmem:s20+$0x60]  }
0x263: {  	v18 =	vmov s12;
	[tilespmem:s20+$0xFFFFFFB0] =	vst v15;
	v9 =	vmul.f32 v9, v7;
	v47 =	vld [tilespmem:s20+$0x70];
	v17 =	vbroadcast v17, $0x0  }
0x264: {  	v10 =	vld.idx.msk [tilespmem:v10+s28+$0x0], $0xffff;
	v18 =	vand.u32 $0xFFFFFFFE, v18;
	[tilespmem:s20+$0xFFFFFFC0] =	vst v16;
	v8 =	vmul.f32 v8, v7;
	v7 =	vmul.f32 v11, v7  }
0x265: {  	s29 =	sadd.s32 $0x100, s20;
	v48 =	vld.idx.msk [tilespmem:v12+s28+$0x0], $0xffff;
	v18 =	vbroadcast v18, $0x0;
	[tilespmem:s20+$0xFFFFFFD0] =	vst v9  }
0x266: {  	v52 =	vld [tilespmem:s29+$0x30];
	[tilespmem:s20+$0xFFFFFFF0] =	vst v7;
	v7 =	vmul.f32 v14, v6  }
0x267: {  	v53 =	vld [tilespmem:s29+$0xFFFFFF80];
	[tilespmem:s20+$0xFFFFFFE0] =	vst v8;
	v49 =	vmul.f32 v13, v6;
	v6 =	vmul.f32 v19, v6  }
0x268: {  	v54 =	vld [tilespmem:s29+$0xFFFFFF90];
	[tilespmem:s20+$0x10] =	vst v7;
	v7 =	vmul.f32 v20, v5  }
0x269: {  	v55 =	vld [tilespmem:s29+$0xFFFFFFA0];
	[tilespmem:s20+$0x20] =	vst v6;
	v6 =	vmul.f32 v21, v5  }
0x26a: {  	v50 =	vld.idx.msk [tilespmem:v17+s28+$0x0], $0xffff;
	[tilespmem:s21+$0x40] =	vst v7;
	v7 =	vmul.f32 v22, v5  }
0x26b: {  	v51 =	vld.idx.msk [tilespmem:v18+s28+$0x0], $0xffff;
	v5 =	vmul.f32 v47, v5;
	[tilespmem:s21+$0x50] =	vst v6  }
0x26c: {  	v6 =	vld [tilespmem:s29+$0xFFFFFFB0];
	[tilespmem:s21+$0x60] =	vst v7  }
0x26d: {  	v7 =	vld [tilespmem:s29+$0xFFFFFFC0];
	[tilespmem:s21+$0x70] =	vst v5;
	v5 =	vmul.f32 v53, v48  }
0x26e: {  	v56 =	vld [tilespmem:s29+$0xFFFFFFD0];
	[tilespmem:s20+$0x0] =	vst v49;
	v14 =	vmul.f32 v54, v48  }
0x26f: {  	v57 =	vld [tilespmem:s29+$0xFFFFFFE0];
	[tilespmem:s29+$0xFFFFFF80] =	vst v5;
	v5 =	vmul.f32 v55, v48  }
0x270: {  	v58 =	vld [tilespmem:s29+$0xFFFFFFF0];
	[tilespmem:s29+$0xFFFFFF90] =	vst v14;
	v8 =	vmul.f32 v52, v51  }
0x271: {  	v59 =	vld [tilespmem:s29+$0x0];
	v6 =	vmul.f32 v6, v48;
	[tilespmem:s29+$0xFFFFFFA0] =	vst v5  }
0x272: {  	[tilespmem:s29+$0x30] =	vst v8;
	v5 =	vmul.f32 v7, v50;
	v7 =	vld [tilespmem:s29+$0x10]  }
0x273: {  	v60 =	vld [tilespmem:s29+$0x20];
	[tilespmem:s29+$0xFFFFFFB0] =	vst v6;
	v6 =	vmul.f32 v56, v50  }
0x274: {  	v61 =	vld [tilespmem:s29+$0x40];
	[tilespmem:s29+$0xFFFFFFC0] =	vst v5;
	v5 =	vmul.f32 v57, v50  }
0x275: {  	v62 =	vld [tilespmem:s29+$0x50];
	[tilespmem:s29+$0xFFFFFFD0] =	vst v6;
	v6 =	vmul.f32 v58, v50  }
0x276: {  	v63 =	vld [tilespmem:s29+$0x60];
	[tilespmem:s29+$0xFFFFFFE0] =	vst v5;
	v5 =	vmul.f32 v59, v51  }
0x277: {  	[tilespmem:s29+$0xFFFFFFF0] =	vst v6;
	v6 =	vmul.f32 v7, v51;
	v7 =	vld [tilespmem:s29+$0x70]  }
0x278: {  	[tilespmem:s29+$0x0] =	vst v5;
	v5 =	vmul.f32 v60, v51  }
0x279: {  	[tilespmem:s29+$0x10] =	vst v6;
	v6 =	vmul.f32 v61, v10  }
0x27a: {  	p1 =	sgt.u32 s13, $0x4E;
	[tilespmem:s29+$0x20] =	vst v5;
	v5 =	vmul.f32 v62, v10  }
.Ltmp11:
0x27b: {  	[tilespmem:s29+$0x40] =	vst v6;
	v6 =	vmul.f32 v63, v10;
	(pc) =	sbr.rel @p1 .LBB2_24-.Ltmp11, $4  }
0x27c: {  	[tilespmem:s29+$0x50] =	vst v5;
	v5 =	vmul.f32 v7, v10  }
0x27d: {  	[tilespmem:s29+$0x60] =	vst v6  }
0x27e: {  	[tilespmem:s29+$0x70] =	vst v5  }
0x27f: {  	[spmem:s3] =	stream.indirect.scatter.add.f32 [tilespmem:s25], [sflag:$0x5], $0x40, s31, s1, $0xb8;
	[tilespmem:$0x1FC30] =	vst v63  }
0x280: {  	_ =	swait.ge [sflag:s14], $0x80;
	s12 =	sadd.s32 s6, s19  }
0x281: {  	[sflag:s14] =	ssyncset.done $0x0;
	v5 =	vmov s12  }
0x282: {  	[sflag:s14] =	ssyncadd.s32 $0xFFFFFF80  }
0x283: {  	_ =	swait.ge [sflag:s30], $0x2000  }
0x284: {  	s20 =	simm.s32 $0x0;
	[sflag:s30] =	ssyncset.done $0x0  }
0x285: {  	p1 =	por $0x1, $0x1;
	s21 =	simm.s32 $0x0;
	[sflag:s30] =	ssyncadd.s32 $0xFFFFE000  }
.LBB2_20:
0x286: {  	v6 =	vld.idx.msk [tilespmem:v5+s21+$0x0 ss:$0x1], $0xffff  }
0x287: {  	v7 =	vld.idx.msk [tilespmem:v5+s21+$0x4E90 ss:$0x1], $0xffff;
	s16 =	sor.u32 $0x10, s21  }
0x288: {  	v9 =	vld.idx.msk [tilespmem:v5+s16+$0x0 ss:$0x1], $0xffff  }
0x289: {  	s12 =	sor.u32 $0x20, s21;
	v10 =	vld.idx.msk [tilespmem:v5+s16+$0x4E90 ss:$0x1], $0xffff  }
0x28a: {  	v11 =	vld.idx.msk [tilespmem:v5+s12+$0x0 ss:$0x1], $0xffff  }
0x28b: {  	s13 =	sor.u32 $0x30, s21;
	v12 =	vld.idx.msk [tilespmem:v5+s12+$0x4E90 ss:$0x1], $0xffff  }
0x28c: {  	v13 =	vld.idx.msk [tilespmem:v5+s13+$0x0 ss:$0x1], $0xffff  }
0x28d: {  	v14 =	vld.idx.msk [tilespmem:v5+s13+$0x4E90 ss:$0x1], $0xffff  }
0x28e: {  	v6 =	vld.idx.msk [tilespmem:v6+s23+$0x0], $0xffff  }
0x28f: {  	v8 =	vld.idx.msk [tilespmem:v7+s2+$0x0], $0xffff;
	_ =	sdelay $0x2  }
0x290: {  	v9 =	vld.idx.msk [tilespmem:v9+s23+$0x0], $0xffff  }
0x291: {  	v15 =	vld.idx.msk [tilespmem:v10+s2+$0x0], $0xffff  }
0x292: {  	v49 =	vld.idx.msk [tilespmem:v11+s23+$0x0], $0xffff;
	v6 =	vadd.f32 v8, v6  }
0x293: {  	v50 =	vld.idx.msk [tilespmem:v12+s2+$0x0], $0xffff  }
0x294: {  	v13 =	vld.idx.msk [tilespmem:v13+s23+$0x0], $0xffff;
	v16 =	vmul.f32 $2.000000030e-01, v6  }
0x295: {  	v17 =	vld.idx.msk [tilespmem:v14+s2+$0x0], $0xffff;
	vm0 =	vge.f32 v6, $0.0e+00  }
0x296: {  	v9 =	vadd.f32 v15, v9;
	v6 =	vsel vm0, v6, v16  }
0x297: {  	v7 =	vld.idx.msk [tilespmem:v7+s24+$0x0], $0xffff;
	v6 =	vsub.f32 v6, v4  }
0x298: {  	v8 =	vadd.f32 v50, v49;
	v51 =	vmul.f32 $2.000000030e-01, v9  }
0x299: {  	v10 =	vld.idx.msk [tilespmem:v10+s24+$0x0], $0xffff;
	vm13 =	vge.f32 v9, $0.0e+00;
	v6 =	vmul.f32 $1.442695020e+00, v6  }
0x29a: {  	v52 =	vadd.f32 v17, v13;
	v53 =	vmul.f32 $2.000000030e-01, v8;
	v9 =	vsel vm13, v9, v51  }
0x29b: {  	v54 =	vld.idx.msk [tilespmem:v12+s24+$0x0], $0xffff;
	vm14 =	vge.f32 v8, $0.0e+00;
	(erf) = vpow2.f32 v6;
	v6 =	vsub.f32 v9, v4  }
0x29c: {  	v7 =	vadd.f32 $1.000000020e-16, v7;
	v55 =	vmul.f32 $2.000000030e-01, v52;
	v8 =	vsel vm14, v8, v53  }
0x29d: {  	v56 =	vld.idx.msk [tilespmem:v14+s24+$0x0], $0xffff;
	vm15 =	vge.f32 v52, $0.0e+00;
	v8 =	vsub.f32 v8, v4;
	v6 =	vmul.f32 $1.442695020e+00, v6  }
0x29e: {  	v10 =	vadd.f32 $1.000000020e-16, v10;
	(erf) = vrcp.f32 v7;
	v7 =	vsel vm15, v52, v55  }
0x29f: {  	v7 =	vsub.f32 v7, v4;
	(erf) = vpow2.f32 v6;
	v6 =	vmul.f32 $1.442695020e+00, v8  }
0x2a0: {  	v57 =	vadd.f32 $1.000000020e-16, v54;
	(erf) = vrcp.f32 v10  }
0x2a1: {  	(erf) = vpow2.f32 v6;
	v6 =	vmul.f32 $1.442695020e+00, v7  }
0x2a2: {  	v7 =	vadd.f32 $1.000000020e-16, v56;
	(erf) = vrcp.f32 v57  }
0x2a3: {  	(erf) = vpow2.f32 v6  }
0x2a4: {  	(erf) = vrcp.f32 v7;
	_ =	sdelay $0x1  }
0x2a5: {  	v6 =	vpop (erf)  }
0x2a6: {  	v7 =	vpop (erf)  }
0x2a7: {  	v58 =	vpop (erf)  }
0x2a8: {  	v59 =	vpop (erf)  }
0x2a9: {  	s22 =	sor.u32 s19, s21;
	v6 =	vmul.f32 v6, v7;
	v60 =	vpop (erf)  }
0x2aa: {  	p2 =	slt.u32 s22, $0x2710;
	v61 =	vpop (erf)  }
0x2ab: {  	s16 =	sor.u32 s19, s16;
	v6 =	vpsel !p2, $0x0, v6;
	p2 =	por p1, p1;
	v8 =	vmul.f32 v58, v59;
	v7 =	vpop (erf)  }
.Ltmp12:
0x2ac: {  	s12 =	sor.u32 s19, s12;
	p3 =	slt.u32 s16, $0x2710;
	v62 =	vmul.f32 v60, v61;
	v63 =	vpop (erf);
	(pc) =	sbr.rel @p2 .LBB2_20-.Ltmp12, $4  }
0x2ad: {  	s29 =	sor.u32 s19, s13;
	p5 =	slt.u32 s12, $0x2710;
	[tilespmem:s21+$0x15C70] =	vst v6;
	v8 =	vpsel !p3, $0x0, v8;
	v6 =	vmul.f32 v7, v63  }
0x2ae: {  	p6 =	slt.u32 s29, $0x2710;
	[tilespmem:s21+$0x15C80] =	vst v8;
	v7 =	vpsel !p5, $0x0, v62  }
0x2af: {  	[tilespmem:s21+$0x15C90] =	vst v7;
	v6 =	vpsel !p6, $0x0, v6  }
0x2b0: {  	s13 =	simm.s32 $0x13CF0;
	p1 =	por $0x0, $0x0;
	[tilespmem:s21+$0x15CA0] =	vst v6;
	s21 =	simm.s32 $0x40  }
0x2b1: {  	v5 =	vmov s20  }
0x2b2: {  	s12 =	simm.s32 $0x3;
	s16 =	simm.s32 $0x1;
	v5 =	vand.u32 $0xFFFFFFFC, v5  }
0x2b3: {  	v6 =	vmov s12;
	v7 =	vmov s16;
	v8 =	vbroadcast v5, $0x0  }
0x2b4: {  	s20 =	simm.s32 $0x2;
	v5 =	vand.u32 $0xFFFFFFFD, v7  }
0x2b5: {  	v7 =	vmov s20;
	v9 =	vbroadcast v5, $0x0  }
0x2b6: {  	v5 =	vand.u32 $0xFFFFFFFE, v7  }
0x2b7: {  	v10 =	vbroadcast v5, $0x0  }
0x2b8: {  	v5 =	vld.idx.msk [tilespmem:v6+s28+$0x0], $0xffff  }
0x2b9: {  	v12 =	vld.idx.msk [tilespmem:v8+s28+$0x0], $0xffff  }
0x2ba: {  	v8 =	vld [tilespmem:s13+$0x30]  }
0x2bb: {  	v7 =	vld.idx.msk [tilespmem:v9+s28+$0x0], $0xffff  }
0x2bc: {  	v9 =	vld [tilespmem:s13+$0xFFFFFF80]  }
0x2bd: {  	v6 =	vld.idx.msk [tilespmem:v10+s28+$0x0], $0xffff  }
0x2be: {  	v10 =	vld [tilespmem:s13+$0xFFFFFF90]  }
0x2bf: {  	v11 =	vld [tilespmem:s13+$0xFFFFFFA0]  }
0x2c0: {  	v13 =	vld [tilespmem:s13+$0xFFFFFFB0]  }
0x2c1: {  	v14 =	vld [tilespmem:s13+$0xFFFFFFC0];
	v16 =	vmul.f32 v9, v12  }
0x2c2: {  	v9 =	vld [tilespmem:s13+$0xFFFFFFD0];
	v15 =	vmul.f32 v8, v6  }
0x2c3: {  	s21 =	simm.s32 $0x4;
	v17 =	vmul.f32 v10, v12;
	v8 =	vld [tilespmem:s13+$0xFFFFFFE0];
	[tilespmem:s13+$0xFFFFFF80] =	vst v16  }
0x2c4: {  	s22 =	simm.s32 $0x7;
	v10 =	vmov s21;
	v16 =	vmul.f32 v11, v12;
	v11 =	vld [tilespmem:s13+$0xFFFFFFF0];
	[tilespmem:s13+$0x30] =	vst v15  }
0x2c5: {  	s29 =	simm.s32 $0x5;
	v18 =	vand.u32 $0xFFFFFFFC, v10;
	v10 =	vmov s22;
	[tilespmem:s13+$0xFFFFFF90] =	vst v17;
	v15 =	vmul.f32 v13, v12;
	v13 =	vld [tilespmem:s13+$0x0]  }
0x2c6: {  	s19 =	simm.s32 $0x13CF0;
	s12 =	simm.s32 $0x6;
	s20 =	simm.s32 $0x8;
	v12 =	vbroadcast v18, $0x0;
	v17 =	vmov s29;
	[tilespmem:s13+$0xFFFFFFA0] =	vst v16;
	v16 =	vmul.f32 v14, v7;
	v14 =	vld [tilespmem:s13+$0x10]  }
.LBB2_22:
0x2c7: {  	p1 =	slt.u32 s20, $0x7C;
	v17 =	vand.u32 $0xFFFFFFFD, v17;
	v18 =	vmov s12;
	[tilespmem:s13+$0xFFFFFFB0] =	vst v15;
	v9 =	vmul.f32 v9, v7;
	v15 =	vld [tilespmem:s13+$0x20]  }
0x2c8: {  	v17 =	vbroadcast v17, $0x0;
	v18 =	vand.u32 $0xFFFFFFFE, v18;
	[tilespmem:s13+$0xFFFFFFC0] =	vst v16;
	v8 =	vmul.f32 v8, v7;
	v16 =	vld [tilespmem:s13+$0x40]  }
0x2c9: {  	v18 =	vbroadcast v18, $0x0;
	[tilespmem:s13+$0xFFFFFFD0] =	vst v9;
	v7 =	vmul.f32 v11, v7;
	v9 =	vld [tilespmem:s13+$0x50]  }
0x2ca: {  	[tilespmem:s13+$0xFFFFFFE0] =	vst v8;
	v8 =	vmul.f32 v13, v6;
	v11 =	vld [tilespmem:s13+$0x60]  }
0x2cb: {  	[tilespmem:s13+$0xFFFFFFF0] =	vst v7;
	v7 =	vmul.f32 v14, v6;
	v13 =	vld [tilespmem:s13+$0x70]  }
0x2cc: {  	v10 =	vld.idx.msk [tilespmem:v10+s28+$0x0], $0xffff;
	[tilespmem:s13+$0x0] =	vst v8;
	v6 =	vmul.f32 v15, v6  }
0x2cd: {  	v12 =	vld.idx.msk [tilespmem:v12+s28+$0x0], $0xffff;
	[tilespmem:s13+$0x10] =	vst v7;
	v8 =	vmul.f32 v16, v5  }
0x2ce: {  	v7 =	vld.idx.msk [tilespmem:v17+s28+$0x0], $0xffff;
	[tilespmem:s13+$0x20] =	vst v6;
	v9 =	vmul.f32 v9, v5  }
0x2cf: {  	s13 =	sadd.s32 $0x100, s13;
	v6 =	vld.idx.msk [tilespmem:v18+s28+$0x0], $0xffff;
	[tilespmem:s19+$0x40] =	vst v8;
	v8 =	vmul.f32 v11, v5  }
0x2d0: {  	v11 =	vld [tilespmem:s13+$0x30];
	[tilespmem:s19+$0x50] =	vst v9;
	v13 =	vmul.f32 v13, v5  }
0x2d1: {  	v9 =	vld [tilespmem:s13+$0xFFFFFF80];
	[tilespmem:s19+$0x60] =	vst v8  }
0x2d2: {  	v5 =	vmov v10;
	v8 =	vld [tilespmem:s13+$0xFFFFFF90];
	[tilespmem:s19+$0x70] =	vst v13;
	s19 =	smov.u32 s13  }
0x2d3: {  	v10 =	vld [tilespmem:s13+$0xFFFFFFA0]  }
0x2d4: {  	v13 =	vld [tilespmem:s13+$0xFFFFFFB0]  }
0x2d5: {  	v14 =	vld [tilespmem:s13+$0xFFFFFFC0];
	v11 =	vmul.f32 v11, v6  }
.Ltmp13:
0x2d6: {  	v15 =	vmul.f32 v9, v12;
	v9 =	vld [tilespmem:s13+$0xFFFFFFD0];
	(pc) =	sbr.rel @p1 .LBB2_22-.Ltmp13, $4  }
0x2d7: {  	v16 =	vmul.f32 v8, v12;
	v8 =	vld [tilespmem:s13+$0xFFFFFFE0];
	[tilespmem:s13+$0x30] =	vst v11  }
0x2d8: {  	s12 =	sadd.s32 $0x3, s20;
	v17 =	vmov s20;
	[tilespmem:s13+$0xFFFFFF80] =	vst v15;
	v18 =	vmul.f32 v10, v12;
	v11 =	vld [tilespmem:s13+$0xFFFFFFF0]  }
0x2d9: {  	s16 =	sadd.s32 $0x1, s20;
	v17 =	vand.u32 $0xFFFFFFFC, v17;
	v10 =	vmov s12;
	[tilespmem:s13+$0xFFFFFF90] =	vst v16;
	v15 =	vmul.f32 v13, v12;
	v13 =	vld [tilespmem:s13+$0x0]  }
0x2da: {  	s12 =	sadd.s32 $0x2, s20;
	s20 =	sadd.s32 $0x4, s20;
	v12 =	vbroadcast v17, $0x0;
	v17 =	vmov s16;
	[tilespmem:s13+$0xFFFFFFA0] =	vst v18;
	v16 =	vmul.f32 v14, v7;
	v14 =	vld [tilespmem:s13+$0x10]  }
0x2db: {  	v19 =	vld [tilespmem:s13+$0x20]  }
0x2dc: {  	v20 =	vld [tilespmem:s13+$0x40]  }
0x2dd: {  	v21 =	vld [tilespmem:s13+$0x50]  }
0x2de: {  	v17 =	vand.u32 $0xFFFFFFFD, v17;
	v22 =	vld [tilespmem:s13+$0x60]  }
0x2df: {  	v18 =	vmov s12;
	[tilespmem:s13+$0xFFFFFFB0] =	vst v15;
	v9 =	vmul.f32 v9, v7;
	v47 =	vld [tilespmem:s13+$0x70];
	v17 =	vbroadcast v17, $0x0  }
0x2e0: {  	v10 =	vld.idx.msk [tilespmem:v10+s28+$0x0], $0xffff;
	v18 =	vand.u32 $0xFFFFFFFE, v18;
	[tilespmem:s13+$0xFFFFFFC0] =	vst v16;
	v8 =	vmul.f32 v8, v7;
	v7 =	vmul.f32 v11, v7  }
0x2e1: {  	s29 =	sadd.s32 $0x100, s13;
	v48 =	vld.idx.msk [tilespmem:v12+s28+$0x0], $0xffff;
	v18 =	vbroadcast v18, $0x0;
	[tilespmem:s13+$0xFFFFFFD0] =	vst v9  }
0x2e2: {  	v52 =	vld [tilespmem:s29+$0x30];
	[tilespmem:s13+$0xFFFFFFF0] =	vst v7;
	v7 =	vmul.f32 v14, v6  }
0x2e3: {  	v53 =	vld [tilespmem:s29+$0xFFFFFF80];
	[tilespmem:s13+$0xFFFFFFE0] =	vst v8;
	v49 =	vmul.f32 v13, v6;
	v6 =	vmul.f32 v19, v6  }
0x2e4: {  	v54 =	vld [tilespmem:s29+$0xFFFFFF90];
	[tilespmem:s13+$0x10] =	vst v7;
	v7 =	vmul.f32 v20, v5  }
0x2e5: {  	v55 =	vld [tilespmem:s29+$0xFFFFFFA0];
	[tilespmem:s13+$0x20] =	vst v6;
	v6 =	vmul.f32 v21, v5  }
0x2e6: {  	v50 =	vld.idx.msk [tilespmem:v17+s28+$0x0], $0xffff;
	[tilespmem:s19+$0x40] =	vst v7;
	v7 =	vmul.f32 v22, v5  }
0x2e7: {  	v51 =	vld.idx.msk [tilespmem:v18+s28+$0x0], $0xffff;
	v5 =	vmul.f32 v47, v5;
	[tilespmem:s19+$0x50] =	vst v6  }
0x2e8: {  	v6 =	vld [tilespmem:s29+$0xFFFFFFB0];
	[tilespmem:s19+$0x60] =	vst v7  }
0x2e9: {  	v7 =	vld [tilespmem:s29+$0xFFFFFFC0];
	[tilespmem:s19+$0x70] =	vst v5;
	v5 =	vmul.f32 v53, v48  }
0x2ea: {  	v56 =	vld [tilespmem:s29+$0xFFFFFFD0];
	[tilespmem:s13+$0x0] =	vst v49;
	v14 =	vmul.f32 v54, v48  }
0x2eb: {  	v57 =	vld [tilespmem:s29+$0xFFFFFFE0];
	[tilespmem:s29+$0xFFFFFF80] =	vst v5;
	v5 =	vmul.f32 v55, v48  }
0x2ec: {  	v58 =	vld [tilespmem:s29+$0xFFFFFFF0];
	[tilespmem:s29+$0xFFFFFF90] =	vst v14;
	v8 =	vmul.f32 v52, v51  }
0x2ed: {  	v59 =	vld [tilespmem:s29+$0x0];
	v6 =	vmul.f32 v6, v48;
	[tilespmem:s29+$0xFFFFFFA0] =	vst v5  }
0x2ee: {  	[tilespmem:s29+$0x30] =	vst v8;
	v5 =	vmul.f32 v7, v50;
	v7 =	vld [tilespmem:s29+$0x10]  }
0x2ef: {  	v60 =	vld [tilespmem:s29+$0x20];
	[tilespmem:s29+$0xFFFFFFB0] =	vst v6;
	v6 =	vmul.f32 v56, v50  }
0x2f0: {  	v61 =	vld [tilespmem:s29+$0x40];
	[tilespmem:s29+$0xFFFFFFC0] =	vst v5;
	v5 =	vmul.f32 v57, v50  }
0x2f1: {  	v62 =	vld [tilespmem:s29+$0x50];
	[tilespmem:s29+$0xFFFFFFD0] =	vst v6;
	v6 =	vmul.f32 v58, v50  }
0x2f2: {  	v63 =	vld [tilespmem:s29+$0x60];
	[tilespmem:s29+$0xFFFFFFE0] =	vst v5;
	v5 =	vmul.f32 v59, v51  }
0x2f3: {  	[tilespmem:s29+$0xFFFFFFF0] =	vst v6;
	v6 =	vmul.f32 v7, v51;
	v7 =	vld [tilespmem:s29+$0x70]  }
0x2f4: {  	[tilespmem:s29+$0x0] =	vst v5;
	v5 =	vmul.f32 v60, v51  }
0x2f5: {  	[tilespmem:s29+$0x10] =	vst v6;
	v6 =	vmul.f32 v61, v10  }
0x2f6: {  	[tilespmem:s29+$0x20] =	vst v5;
	v5 =	vmul.f32 v62, v10  }
0x2f7: {  	[tilespmem:s29+$0x40] =	vst v6;
	v6 =	vmul.f32 v63, v10  }
0x2f8: {  	[tilespmem:s29+$0x50] =	vst v5;
	v5 =	vmul.f32 v7, v10  }
0x2f9: {  	[tilespmem:s29+$0x60] =	vst v6  }
0x2fa: {  	[tilespmem:s29+$0x70] =	vst v5  }
0x2fb: {  	[spmem:s3] =	stream.indirect.scatter.add.f32 [tilespmem:s4], [sflag:$0x6], $0x40, s0, s1, $0xb8;
	[tilespmem:$0x1FC30] =	vst v63  }
.LBB2_24:
0x2fc: {  	p1 =	seq.s32 s17, $0x27  }
.Ltmp14:
0x2fd: {  	_ = 	snop;
	(pc) =	sbr.rel @p1 .LBB2_26-.Ltmp14, $4  }
0x2fe: {  	_ = 	snop  }
0x2ff: {  	_ =	swait.ge [sflag:s15], $0x2000  }
0x300: {  	[sflag:s15] =	ssyncset.done $0x0  }
0x301: {  	[sflag:s15] =	ssyncadd.s32 $0xFFFFE000  }
0x302: {  	s12 =	sadd.s32 $0x100, s18  }
0x303: {  	s13 =	sadd.s32 s11, s12  }
.Ltmp15:
0x304: {  	s13 =	sshrl.u32 s13, $0x3;
	(pc) =	sbr.rel .LBB2_10-.Ltmp15, $4  }
0x305: {  	s13 =	sadd.s32 s7, s13  }
0x306: {  	[tilespmem:s31], [sflag:$0x3] =	stream.linear.gather [hbm4b:s13+s5], $0x80, $0x38;
	[tilespmem:$0x1FC30] =	vst v63  }
0x307: {  	s17 =	sadd.s32 $0x1, s17;
	s12 =	sadd.s32 s12, s6  }
0x308: {  	[tilespmem:s25], [sflag:$0x1] =	stream.indirect.gather [hbm4b:s10+s1], $0x40, s12, s1, $0xb8;
	[tilespmem:$0x1FC30] =	vst v63  }
.LBB2_27:
0x309: {  	_ =	sfence.sel $0x180000  }
0x30a: {  	[bflag:$0x0] =	sbarrier.arrive $0xFFFF  }
0x30b: {  	_ =	strace $0x9000004D  }
0x30c: {  	s0 =	stileid.u32;
	[bflag:$0x2] =	sbarrier.arrive $0xFFFF  }
0x30d: {  	p0 =	sne.s32 s0, $0x0;
	s0 =	rddreg [dreg:$0x4]  }
0x30e: {  	s0 =	sadd.s32 @!p0 $0x100000, s0  }
0x30f: {  	[sflag:s0] =	ssyncadd.tile.s32 @!p0 $0x1;
	_ =	shalt  }
.Lfunc_end2:
_tile_overlayer_lowered:
.L_overlay_start_2:
0x310: {  	(tag) =	ssettag $0x2  }
0x311: {  	s0 =	rddreg [dreg:$0x0];
	s2 =	stileid.u32  }
0x312: {  	s1 =	rddreg [dreg:$0x1];
	p0 =	sne.s32 s2, $0x0  }
0x313: {  	s3 =	rddreg [dreg:$0x2];
	[bflag:$0x3] =	sbarrier.arrive $0xFFFF;
	s2 =	simm.s32 @!p0 $0x1C07  }
0x314: {  	[timem:s3], [sflag:s2] =	dma.local @!p0 [hbm:s0], s1  }
0x315: {  	s0 =	simm.s32 @!p0 $0x7  }
0x316: {  	_ =	swait.ge @!p0 [sflag:s0], s1  }
0x317: {  	s1 =	ssub.s32 @!p0 $0x0, s1;
	[sflag:s0] =	ssyncset.done @!p0 $0x0  }
0x318: {  	[sflag:s0] =	ssyncadd.s32 @!p0 s1  }
0x319: {  	[bflag:$0x3] =	sbarrier.arrive $0xFFFF  }
0x31a: {  	_ =	shalt  }

// kernel: kernel.9.cloned.1.call-start
scs
__scs_entry_jumppad:
0x0: {  	(pc) =	sbr.rel $0x88, $3  }
0x1: {  	(tag) =	ssettag $0x0;
	lr =	simm.s32 $0x1  }
0x2: {  	[smem:$0x3F8C] =	sst lr;
	_ =	strace $0xD0000000  }
0x3: {  	_ = 	snop  }
0x4: {  	_ = 	snop  }
0x5: {  	_ = 	snop  }
0x6: {  	_ = 	snop  }
0x7: {  	_ = 	snop  }
__scs_overlays_trampoline_lowered:
0x8: {  	[smem:$0x3F9B] =	sst s0  }
0x9: {  	[smem:$0x3F9C] =	sst s1  }
0xa: {  	[smem:$0x3F9D] =	sst s2  }
0xb: {  	[smem:$0x3F9E] =	sst s3  }
0xc: {  	[smem:$0x3F9F] =	sst s4  }
0xd: {  	[smem:$0x3FA0] =	sst s5  }
0xe: {  	[smem:$0x3FA1] =	sst s6  }
0xf: {  	[smem:$0x3FA2] =	sst s7  }
0x10: {  	[smem:$0x3FA3] =	sst s8  }
0x11: {  	[smem:$0x3FA4] =	sst s9;
	s0 =	simm.s32 @!p0 $0x0  }
0x12: {  	s1 =	sld [smem:$0x3F8A];
	s0 =	simm.s32 @p0 $0x1  }
0x13: {  	[smem:$0x3FA5] =	sst s0;
	s0 =	simm.s32 @!p1 $0x0  }
0x14: {  	s2 =	sld [smem:$0x3F89];
	s0 =	simm.s32 @p1 $0x1  }
0x15: {  	[smem:$0x3FA6] =	sst s0;
	s0 =	simm.s32 @!p2 $0x0  }
0x16: {  	s3 =	sld [smem:$0x3FDB];
	s0 =	simm.s32 @p2 $0x1  }
0x17: {  	s4 =	simm.s32 $0x1BF5;
	[smem:$0x3FA8] =	sst s0  }
0x18: {  	s0 =	sld [smem:$0x3F8B];
	_ =	swait.ge [sflag:s4], $0x0  }
0x19: {  	s7 =	sld [smem:$0x3F8C]  }
0x1a: {  	s8 =	sadd.s32 $0xFFFFE003, lr  }
0x1b: {  	s9 =	sadd.s32 $0xFFFFFEF7, lr;
	s5 =	simm.s32 $0xFFFFFFFF;
	p2 =	slt.u32 s8, $0xFFFFF086  }
0x1c: {  	p1 =	slt.u32 s9, $0xF7A;
	s5 =	simm.s32 @!p2 $0x0  }
0x1d: {  	s5 =	simm.s32 @p1 $0x1;
	p0 =	seq.s32 s7, s2  }
0x1e: {  	s7 =	smul.u32 @!p0 $0xF7A, s2;
	p2 =	seq.s32 @!p0 s5, $0x0  }
0x1f: {  	s9 =	smul.u32 $0xF7A, s1;
	s8 =	simm.s32 @!p0 $0x1BF5;
	p2 =	por !p2, p0  }
0x20: {  	[sflag:s8] =	ssyncset.s32 @!p0 $0xFFFFF086;
	s6 =	sadd.s32 @!p0 s3, s7;
	s7 =	simm.s32 @!p0 $0x108  }
0x21: {  	s3 =	sadd.s32 s3, s9;
	s6 =	sadd.s32 @!p0 $0x88, s6;
	s7 =	simm.s32 @p2 $0x1082  }
0x22: {  	[simem:s7], [sflag:s8] =	dma.local @!p0 [hbm:s6], $0xF7A  }
0x23: {  	s9 =	sor.u32 $0xD0000000, s2;
	s6 =	simm.s32 $0x108;
	_ =	swait.ge @!p0 [sflag:s8], $0x0  }
0x24: {  	s3 =	sadd.s32 $0x88, s3;
	s6 =	simm.s32 @!p1 $0x1082;
	[sflag:s4] =	ssyncset.s32 $0xFFFFF086  }
0x25: {  	[simem:s6], [sflag:s4] =	dma.local [hbm:s3], $0xF7A  }
0x26: {  	[smem:$0x3F8C] =	sst s1;
	(tag) =	ssettag s2;
	_ =	strace s9  }
0x27: {  	s1 =	sld [smem:$0x3F9C]  }
0x28: {  	s2 =	sld [smem:$0x3F9D]  }
0x29: {  	s4 =	sld [smem:$0x3F9F]  }
0x2a: {  	p0 =	seq.s32 s5, $0x0;
	s5 =	sld [smem:$0x3FA0]  }
0x2b: {  	s6 =	sld [smem:$0x3FA1]  }
0x2c: {  	s7 =	sld [smem:$0x3FA2]  }
0x2d: {  	s3 =	simm.s32 $0x108;
	s8 =	sld [smem:$0x3FA3]  }
0x2e: {  	s3 =	simm.s32 @!p0 $0x1082;
	s9 =	sld [smem:$0x3FA4]  }
0x2f: {  	lr =	sadd.s32 s0, s3;
	s0 =	sld [smem:$0x3F9B]  }
0x30: {  	s3 =	sld [smem:$0x3F9E]  }
0x31: {  	[smem:$0x3FA7] =	sst s10  }
0x32: {  	s10 =	sld [smem:$0x3FA5];
	_ =	sdelay $0x3  }
0x33: {  	p0 =	seq.s32 s10, $0x1;
	s10 =	sld [smem:$0x3FA7];
	_ =	sdelay $0x3  }
0x34: {  	[smem:$0x3FA7] =	sst s10  }
0x35: {  	s10 =	sld [smem:$0x3FA6];
	_ =	sdelay $0x3  }
0x36: {  	p1 =	seq.s32 s10, $0x1;
	s10 =	sld [smem:$0x3FA7];
	_ =	sdelay $0x3  }
0x37: {  	[smem:$0x3FA7] =	sst s10  }
0x38: {  	s10 =	sld [smem:$0x3FA8]  }
0x39: {  	_ = 	snop;
	(pc) =	sbr.ind lr, $3  }
0x3a: {  	_ = 	snop  }
0x3b: {  	_ = 	snop  }
0x3c: {  	p2 =	seq.s32 s10, $0x1;
	s10 =	sld [smem:$0x3FA7]  }
0x3d: {  	_ =	shalt  }
0x3e: {  	_ =	shalt  }
0x3f: {  	_ =	shalt  }
0x40: {  	_ =	shalt  }
0x41: {  	_ =	shalt  }
0x42: {  	_ =	shalt  }
0x43: {  	_ =	shalt  }
0x44: {  	_ =	shalt  }
0x45: {  	_ =	shalt  }
0x46: {  	_ =	shalt  }
0x47: {  	_ =	shalt  }
0x48: {  	_ =	shalt  }
0x49: {  	_ =	shalt  }
0x4a: {  	_ =	shalt  }
0x4b: {  	_ =	shalt  }
0x4c: {  	_ =	shalt  }
0x4d: {  	_ =	shalt  }
0x4e: {  	_ =	shalt  }
0x4f: {  	_ =	shalt  }
0x50: {  	_ =	shalt  }
0x51: {  	_ =	shalt  }
0x52: {  	_ =	shalt  }
0x53: {  	_ =	shalt  }
0x54: {  	_ =	shalt  }
0x55: {  	_ =	shalt  }
0x56: {  	_ =	shalt  }
0x57: {  	_ =	shalt  }
0x58: {  	_ =	shalt  }
0x59: {  	_ =	shalt  }
0x5a: {  	_ =	shalt  }
0x5b: {  	_ =	shalt  }
0x5c: {  	_ =	shalt  }
0x5d: {  	_ =	shalt  }
0x5e: {  	_ =	shalt  }
0x5f: {  	_ =	shalt  }
0x60: {  	_ =	shalt  }
0x61: {  	_ =	shalt  }
0x62: {  	_ =	shalt  }
0x63: {  	_ =	shalt  }
0x64: {  	_ =	shalt  }
0x65: {  	_ =	shalt  }
0x66: {  	_ =	shalt  }
0x67: {  	_ =	shalt  }
0x68: {  	_ =	shalt  }
0x69: {  	_ =	shalt  }
0x6a: {  	_ =	shalt  }
0x6b: {  	_ =	shalt  }
0x6c: {  	_ =	shalt  }
0x6d: {  	_ =	shalt  }
0x6e: {  	_ =	shalt  }
0x6f: {  	_ =	shalt  }
0x70: {  	_ =	shalt  }
0x71: {  	_ =	shalt  }
0x72: {  	_ =	shalt  }
0x73: {  	_ =	shalt  }
0x74: {  	_ =	shalt  }
0x75: {  	_ =	shalt  }
0x76: {  	_ =	shalt  }
0x77: {  	_ =	shalt  }
0x78: {  	_ =	shalt  }
0x79: {  	_ =	shalt  }
0x7a: {  	_ =	shalt  }
0x7b: {  	_ =	shalt  }
0x7c: {  	_ =	shalt  }
0x7d: {  	_ =	shalt  }
0x7e: {  	_ =	shalt  }
0x7f: {  	_ =	shalt  }
0x80: {  	_ =	shalt  }
0x81: {  	_ =	shalt  }
0x82: {  	_ =	shalt  }
0x83: {  	_ =	shalt  }
0x84: {  	_ =	shalt  }
0x85: {  	_ =	shalt  }
0x86: {  	_ =	shalt  }
0x87: {  	_ =	shalt  }
.Lfunc_end0:
.L_simem_size_0:
called_computation_lowered:
.L_overlay_start_0:
0x88: {  	s2 =	sld [smem:$0x3FD9]  }
0x89: {  	s3 =	sld [smem:$0x3FFE];
	_ =	sdelay $0x1  }
0x8a: {  	s1 =	srdreg.scid  }
0x8b: {  	s0 =	sand.u32 $0x1, s1  }
0x8c: {  	s17 =	sshll.u32 s0, $0xA;
	s2 =	sadd.s32 s3, s2  }
0x8d: {  	s2 =	sadd.s32 s2, s17  }
0x8e: {  	[smem:$0x3FB3] =	sst s2  }
0x8f: {  	_ = 	snop  }
0x90: {  	s2 =	sld [smem:$0x3FD0];
	(tm) =	ssettm $0x1  }
0x91: {  	s18 =	sld [smem:$0x3FFB];
	_ =	sdelay $0x3  }
0x92: {  	_ =	strace s18  }
0x93: {  	s3 =	sld [smem:$0x3FFC];
	_ =	sdelay $0x3  }
0x94: {  	_ =	strace s3  }
0x95: {  	s3 =	sld [smem:$0x3FFD];
	_ =	sdelay $0x3  }
0x96: {  	_ =	strace s3  }
0x97: {  	_ =	strace $0x8FFFFFFF  }
0x98: {  	s19 =	sld [smem:$0x3FDB];
	_ =	sdelay $0x1  }
0x99: {  	s4 =	simm.s32 $_scs_section_size  }
0x9a: {  	s5 =	simm.s32 $_size__tile_overlayer_lowered;
	s6 =	simm.s32 $_tile_overlayer_lowered  }
0x9b: {  	s22 =	simm.s32 $0x1BFF;
	s21 =	sshll.u32 s6, $0x1;
	s3 =	sadd.s32 s4, s19  }
0x9c: {  	s7 =	simm.s32 $0x0;
	s20 =	sshll.u32 s5, $0x1;
	s5 =	sadd.s32 s21, s3  }
0x9d: {  	[timem:s7], [sflag:s22] =	dma.local [hbm:s5], s20  }
0x9e: {  	_ =	swait.ge [sflag:s22], s20  }
0x9f: {  	s4 =	ssub.s32 $0x0, s20;
	[sflag:s22] =	ssyncset.done $0x0  }
0xa0: {  	[sflag:s22] =	ssyncadd.s32 s4;
	_ =	sdelay $0x1  }
0xa1: {  	s23 =	simm.s32 $0x1B8B  }
0xa2: {  	_ =	swait.ge [sflag:s23], $0x1  }
0xa3: {  	[sflag:s23] =	ssyncset.done $0x0  }
0xa4: {  	s25 =	simm.s32 $0x1B8E;
	s24 =	sld [smem:$0x3FFE];
	[sflag:s23] =	ssyncadd.s32 $0xFFFFFFFF  }
0xa5: {  	s26 =	simm.s32 $execute0_lowered;
	[smem:$0x3FD2] =	sst s25  }
0xa6: {  	s5 =	sshll.u32 s26, $0x1;
	_ =	strace $0x80000046;
	[dreg:$0x1] =	wrdreg $0xFFFFFFFF  }
0xa7: {  	s28 =	simm.s32 $_size_execute0_lowered;
	s3 =	sadd.s32 s3, s5;
	[dreg:$0x0] =	wrdreg $0x0  }
0xa8: {  	s5 =	sshll.u32 s28, $0x1;
	[dreg:$0x2] =	wrdreg s3  }
0xa9: {  	[dreg:$0x3] =	wrdreg s5  }
0xaa: {  	[dreg:$0x4] =	wrdreg $0xC0  }
0xab: {  	_ =	task [dreg:s7], $0x5FFFF  }
0xac: {  	[dreg:$0x1] =	wrdreg $0xFFFFFFFF  }
0xad: {  	[dreg:$0x0] =	wrdreg $0x60  }
0xae: {  	[dreg:$0x2] =	wrdreg s24  }
0xaf: {  	[dreg:$0x3] =	wrdreg s2  }
0xb0: {  	[dreg:$0x4] =	wrdreg $0x15CF00  }
0xb1: {  	[dreg:$0x5] =	wrdreg $0x15FF00  }
0xb2: {  	[dreg:$0x6] =	wrdreg $0x9  }
0xb3: {  	_ =	task.clear_ibuf [dreg:s7], $0x7FFFF;
	_ =	strace $0x90000046  }
0xb4: {  	s29 =	simm.s32 $0x9;
	_ =	strace $0x80000048  }
0xb5: {  	_ =	swait.ge [sflag:s29], $0x1  }
0xb6: {  	[sflag:s29] =	ssyncadd.s32 $0xFFFFFFFF  }
0xb7: {  	_ =	strace $0x90000048  }
0xb8: {  	_ =	sfence  }
0xb9: {  	s30 =	sld [smem:$0x0];
	_ =	sdelay $0x2  }
0xba: {  	s31 =	sshll.u32 s1, $0xD;
	s1 =	sshrl.u32 s1, $0x2  }
0xbb: {  	s3 =	sand.u32 $0x4000, s31;
	s1 =	sadd.s32 s1, s30  }
0xbc: {  	s0 =	sor.u32 s3, s0;
	s1 =	sshll.u32 s1, $0x11  }
0xbd: {  	s0 =	sor.u32 s1, s0  }
0xbe: {  	s0 =	sadd.s32 $0x8F2B, s0  }
0xbf: {  	[sflag:s0] =	ssyncadd.remote.s32 $0x1  }
0xc0: {  	_ =	sfence.sel $0xFFFF  }
0xc1: {  	[dreg:$0x0] =	wrdreg $0xFFFFFFFF;
	(pc) =	sbr.abs _section_cstart, $3  }
0xc2: {  	[dreg:$0x1] =	wrdreg $0xFFFFFFFF  }
0xc3: {  	_ =	task.clear_ibuf [dreg:s7], $0x2FFFF;
	_ =	strace $0x9FFFFFFF  }
0xc4: {  	(tm) =	ssettm $0x7FFFFFFF  }
0xc5: {  	_ =	shalt  }
tec
execute0_lowered:
.L_overlay_start_1:
0x0: {  	(tag) =	ssettag $0x1  }
0x1: {  	s0 =	rddreg [dreg:$0x0]  }
0x2: {  	s14 =	rddreg [dreg:$0x2]  }
0x3: {  	s3 =	rddreg [dreg:$0x3];
	s5 =	simm.s32 $0x0  }
0x4: {  	s1 =	srdreg.scid;
	s15 =	stileid.u32;
	s28 =	simm.s32 $0x15C70  }
0x5: {  	s30 =	simm.s32 $0x2;
	[smem:$0x7FF] =	sst s5;
	s1 =	sand.u32 $0x1, s1  }
0x6: {  	s2 =	smul.u32 $0x3E8, s15;
	s4 =	sadd.s32 $0x1F800, s0;
	s8 =	sadd.s32 $0x15400, s0  }
0x7: {  	s21 =	sadd.s32 $0x14E00, s0;
	_ =	strace $0x80000047;
	[dreg:$0x5] =	wrdreg s8  }
0x8: {  	s7 =	sadd.s32 $0x15A00, s0;
	s24 =	sadd.s32 $0x154FA, s0;
	[dreg:$0x6] =	wrdreg s21  }
0x9: {  	s9 =	smul.u32 $0xC00, s15;
	s25 =	sadd.s32 $0x14EFA, s0;
	[dreg:$0xb] =	wrdreg s24  }
0xa: {  	s10 =	sadd.s32 $0x1400, s0;
	s26 =	sadd.s32 $0x155F4, s0;
	[dreg:$0xc] =	wrdreg s25  }
0xb: {  	s13 =	smul.u32 $0x3E800, s15;
	s29 =	sadd.s32 $0x14FF4, s0;
	[dreg:$0xd] =	wrdreg s26  }
0xc: {  	s17 =	sadd.s32 $0x157E8, s0;
	s6 =	smul.u32 $0x2710, s1;
	[dreg:$0xe] =	wrdreg s29  }
0xd: {  	s8 =	smul.u32 $0x4E20, s15;
	s1 =	ssub.s32 $0x2, s1;
	[dreg:$0x11] =	wrdreg s17  }
0xe: {  	s12 =	sshrl.u32 s1, $0x1;
	s9 =	sshrl.u32 s9, $0x2;
	s23 =	sshrl.u32 s13, $0x2  }
0xf: {  	s13 =	sadd.s32 $0x150EE, s0;
	s2 =	sadd.s32 s2, s6;
	s11 =	sadd.s32 s6, s8  }
0x10: {  	s1 =	ssub.s32 s1, s12;
	s9 =	sadd.s32 s9, s14;
	[dreg:$0x10] =	wrdreg s13  }
0x11: {  	s16 =	sadd.s32 $0xD18, s8;
	[dreg:$0x7] =	wrdreg s9;
	s1 =	smax.u32 s1, $0x1  }
0x12: {  	s19 =	sshrl.u32 s8, $0x3;
	s9 =	sadd.s32 $0x156EE, s0;
	[dreg:$0xa] =	wrdreg s1  }
0x13: {  	s2 =	sshll.u32 s2, $0x3;
	s26 =	sadd.s32 s4, s19;
	[dreg:$0xf] =	wrdreg s9  }
0x14: {  	s18 =	sshrl.u32 s16, $0x3;
	s29 =	sadd.s32 s7, s19;
	[dreg:$0x19] =	wrdreg s26  }
0x15: {  	s2 =	sadd.s32 s2, s0;
	s0 =	sadd.s32 $0x151E8, s0;
	[dreg:$0x1a] =	wrdreg s29  }
0x16: {  	s22 =	sshrl.u32 s11, $0x3;
	s20 =	sadd.s32 s4, s18;
	[dreg:$0x12] =	wrdreg s0  }
0x17: {  	s31 =	simm.s32 $0x9D20;
	s12 =	sadd.s32 s7, s22;
	[dreg:$0x13] =	wrdreg s20  }
0x18: {  	p0 =	sgt.u32 s15, $0x9;
	s26 =	sadd.s32 $0x1000, s14;
	[dreg:$0x8] =	wrdreg s12  }
0x19: {  	s21 =	sadd.s32 $0x2748, s8;
	s29 =	sadd.s32 $0x2000, s14;
	[smem:$0x7FC] =	sst s26  }
0x1a: {  	s13 =	sadd.s32 $0x4178, s8;
	s2 =	sadd.s32 $0x29600, s2;
	[smem:$0x7FD] =	sst s29  }
0x1b: {  	s22 =	sshrl.u32 s21, $0x3;
	s0 =	sadd.s32 s7, s18;
	[dreg:$0x9] =	wrdreg s2  }
0x1c: {  	s1 =	sadd.s32 $0x68C, s19;
	s25 =	sadd.s32 s4, s22;
	[dreg:$0x14] =	wrdreg s0  }
0x1d: {  	s8 =	simm.s32 $0x6;
	s17 =	sadd.s32 s4, s1;
	[dreg:$0x17] =	wrdreg s25  }
0x1e: {  	s16 =	smul.u32 $0x27100, s15;
	s21 =	sadd.s32 $0x10, s12;
	[dreg:$0x1b] =	wrdreg s17  }
0x1f: {  	s2 =	sadd.s32 s23, s3;
	s0 =	sadd.s32 s7, s22;
	[smem:$0x7F6] =	sst s21  }
0x20: {  	s23 =	sadd.s32 $0x346, s19;
	s22 =	sadd.s32 $0x80, s6;
	[dreg:$0x18] =	wrdreg s0  }
0x21: {  	s15 =	simm.s32 $0x5;
	s24 =	sadd.s32 s4, s23;
	[smem:$0x7F7] =	sst s22  }
0x22: {  	s14 =	simm.s32 $0x4;
	s9 =	sadd.s32 s7, s23;
	[dreg:$0x15] =	wrdreg s24  }
0x23: {  	s18 =	sshrl.u32 s13, $0x3;
	s0 =	sadd.s32 s7, s1;
	[dreg:$0x16] =	wrdreg s9  }
0x24: {  	s19 =	sshrl.u32 s16, $0x2;
	s1 =	sadd.s32 s4, s18;
	[dreg:$0x1c] =	wrdreg s0  }
0x25: {  	s26 =	simm.s32 $0x1;
	s20 =	sadd.s32 s19, s3;
	[dreg:$0x1d] =	wrdreg s1  }
0x26: {  	s16 =	simm.s32 $0x0;
	s0 =	sadd.s32 s7, s18;
	[dreg:$0x1f] =	wrdreg s20  }
0x27: {  	s19 =	simm.s32 $0x7;
	s1 =	sshrl.u32 @!p0 s2, $0x3;
	[dreg:$0x1e] =	wrdreg s0  }
0x28: {  	s4 =	simm.s32 $0x13C70;
	s23 =	sadd.s32 $0x1F40, s20;
	[smem:$0x7F5] =	sst s1  }
.Ltmp0:
0x29: {  	s24 =	sadd.s32 $0x3E80, s20;
	[smem:$0x7F8] =	sst s23;
	(pc) =	sbr.rel .LBB2_1-.Ltmp0, $4  }
0x2a: {  	s25 =	sadd.s32 $0x5DC0, s20;
	s2 =	simm.s32 $0xC530;
	[smem:$0x7F9] =	sst s24  }
0x2b: {  	s9 =	simm.s32 $0x3;
	[smem:$0x7FA] =	sst s25;
	s0 =	sadd.s32 $0x7D00, s20  }
0x2c: {  	v0 =	vlaneseq.u32;
	s23 =	simm.s32 $0x9E20;
	s24 =	simm.s32 $0xEC40;
	s25 =	simm.s32 $0x11C70  }
0x2d: {  	v3 =	vimm.f32 $0.0e+00;
	v1 =	vor.u32 $0x10, v0;
	v2 =	vor.u32 $0x20, v0;
	s1 =	simm.s32 $0x80;
	[smem:$0x7FB] =	sst s0;
	s0 =	simm.s32 $0x9DA0  }
.LBB2_26:
0x2e: {  	_ =	swait.ge [sflag:s8], $0x2000  }
0x2f: {  	[sflag:s8] =	ssyncset.done $0x0  }
0x30: {  	[sflag:s8] =	ssyncadd.s32 $0xFFFFE000  }
0x31: {  	[bflag:$0x0] =	sbarrier.arrive $0xFFFF  }
0x32: {  	s12 =	stileid.u32;
	s16 =	sld [smem:$0x7F5]  }
0x33: {  	s12 =	sshll.u32 @!p0 s12, $0x6  }
0x34: {  	s12 =	sor.u32 @!p0 $0x1C07, s12;
	s13 =	rddreg [dreg:$0x9]  }
0x35: {  	[hbm:s13], [sflag:s12] =	dma.local @!p0 [spmem:s16], $0x1F40  }
0x36: {  	s12 =	simm.s32 @!p0 $0x7  }
0x37: {  	_ =	swait.ge @!p0 [sflag:s12], $0x1F40  }
0x38: {  	s22 =	sld [smem:$0x7F4];
	_ =	sdelay $0x2  }
0x39: {  	s29 =	rddreg [dreg:$0xa];
	s16 =	sadd.s32 $0x1, s22  }
0x3a: {  	p1 =	sne.s32 s16, s29  }
.Ltmp1:
0x3b: {  	_ = 	snop;
	(pc) =	sbr.rel @!p1 .LBB2_27-.Ltmp1, $3  }
0x3c: {  	_ =	sdelay $0x1  }
0x3d: {  	[sflag:s12] =	ssyncset.done @!p0 $0x0  }
0x3e: {  	s19 =	simm.s32 $0x7;
	[sflag:s12] =	ssyncadd.s32 @!p0 $0xFFFFE0C0  }
.LBB2_1:
0x3f: {  	[smem:$0x7F4] =	sst s16  }
0x40: {  	s12 =	rddreg [dreg:$0x5]  }
0x41: {  	[tilespmem:s23], [sflag:$0x1] =	stream.linear.gather [hbm4b:s12+s5], $0x7D0, $0x38;
	[tilespmem:$0x1FC30] =	vst v63  }
0x42: {  	s13 =	rddreg [dreg:$0x6]  }
0x43: {  	[tilespmem:s2], [sflag:$0x1] =	stream.linear.gather [hbm4b:s13+s5], $0x7D0, $0x38;
	[tilespmem:$0x1FC30] =	vst v63  }
0x44: {  	s16 =	rddreg [dreg:$0xb];
	s13 =	simm.s32 $0xA5F0  }
0x45: {  	[tilespmem:s13], [sflag:$0x1] =	stream.linear.gather [hbm4b:s16+s5], $0x7D0, $0x38;
	[tilespmem:$0x1FC30] =	vst v63  }
0x46: {  	s17 =	rddreg [dreg:$0xc];
	s18 =	simm.s32 $0xCD00  }
0x47: {  	[tilespmem:s18], [sflag:$0x1] =	stream.linear.gather [hbm4b:s17+s5], $0x7D0, $0x38;
	[tilespmem:$0x1FC30] =	vst v63  }
0x48: {  	s20 =	rddreg [dreg:$0xd];
	s21 =	simm.s32 $0xADC0  }
0x49: {  	[tilespmem:s21], [sflag:$0x1] =	stream.linear.gather [hbm4b:s20+s5], $0x7D0, $0x38;
	[tilespmem:$0x1FC30] =	vst v63  }
0x4a: {  	s22 =	rddreg [dreg:$0xe];
	s29 =	simm.s32 $0xD4D0  }
0x4b: {  	[tilespmem:s29], [sflag:$0x1] =	stream.linear.gather [hbm4b:s22+s5], $0x7D0, $0x38;
	[tilespmem:$0x1FC30] =	vst v63  }
0x4c: {  	s13 =	rddreg [dreg:$0xf];
	s16 =	simm.s32 $0xB590  }
0x4d: {  	[tilespmem:s16], [sflag:$0x1] =	stream.linear.gather [hbm4b:s13+s5], $0x7D0, $0x38;
	[tilespmem:$0x1FC30] =	vst v63  }
0x4e: {  	s17 =	rddreg [dreg:$0x10];
	s18 =	simm.s32 $0xDCA0  }
0x4f: {  	[tilespmem:s18], [sflag:$0x1] =	stream.linear.gather [hbm4b:s17+s5], $0x7D0, $0x38;
	[tilespmem:$0x1FC30] =	vst v63  }
0x50: {  	s20 =	rddreg [dreg:$0x11];
	s21 =	simm.s32 $0xBD60  }
0x51: {  	[tilespmem:s21], [sflag:$0x1] =	stream.linear.gather [hbm4b:s20+s5], $0x7D0, $0x38;
	[tilespmem:$0x1FC30] =	vst v63  }
0x52: {  	s22 =	rddreg [dreg:$0x12];
	s29 =	simm.s32 $0xE470  }
0x53: {  	[tilespmem:s29], [sflag:$0x1] =	stream.linear.gather [hbm4b:s22+s5], $0x7D0, $0x38;
	[tilespmem:$0x1FC30] =	vst v63  }
0x54: {  	s16 =	rddreg [dreg:$0x19]  }
0x55: {  	[tilespmem:s5], [sflag:$0x1] =	stream.linear.gather [hbm4b:s16+s5], $0xD18, $0x38;
	[tilespmem:$0x1FC30] =	vst v63  }
0x56: {  	s17 =	rddreg [dreg:$0x1a];
	s18 =	simm.s32 $0x4E90  }
0x57: {  	[tilespmem:s18], [sflag:$0x1] =	stream.linear.gather [hbm4b:s17+s5], $0xD18, $0x38;
	[tilespmem:$0x1FC30] =	vst v63  }
0x58: {  	s20 =	rddreg [dreg:$0x13];
	s21 =	simm.s32 $0xD18  }
0x59: {  	[tilespmem:s21], [sflag:$0x1] =	stream.linear.gather [hbm4b:s20+s5], $0xD18, $0x38;
	[tilespmem:$0x1FC30] =	vst v63  }
0x5a: {  	s22 =	rddreg [dreg:$0x14];
	s29 =	simm.s32 $0x5BA8  }
0x5b: {  	[tilespmem:s29], [sflag:$0x1] =	stream.linear.gather [hbm4b:s22+s5], $0xD18, $0x38;
	[tilespmem:$0x1FC30] =	vst v63  }
0x5c: {  	s13 =	rddreg [dreg:$0x15];
	s16 =	simm.s32 $0x1A30  }
0x5d: {  	[tilespmem:s16], [sflag:$0x1] =	stream.linear.gather [hbm4b:s13+s5], $0xD18, $0x38;
	[tilespmem:$0x1FC30] =	vst v63  }
0x5e: {  	s17 =	rddreg [dreg:$0x16];
	s18 =	simm.s32 $0x68C0  }
0x5f: {  	[tilespmem:s18], [sflag:$0x1] =	stream.linear.gather [hbm4b:s17+s5], $0xD18, $0x38;
	[tilespmem:$0x1FC30] =	vst v63  }
0x60: {  	s20 =	rddreg [dreg:$0x17];
	s21 =	simm.s32 $0x2748  }
0x61: {  	[tilespmem:s21], [sflag:$0x1] =	stream.linear.gather [hbm4b:s20+s5], $0xD18, $0x38;
	[tilespmem:$0x1FC30] =	vst v63  }
0x62: {  	s22 =	rddreg [dreg:$0x18];
	s29 =	simm.s32 $0x75D8  }
0x63: {  	[tilespmem:s29], [sflag:$0x1] =	stream.linear.gather [hbm4b:s22+s5], $0xD18, $0x38;
	[tilespmem:$0x1FC30] =	vst v63  }
0x64: {  	s13 =	rddreg [dreg:$0x1b];
	s16 =	simm.s32 $0x3460  }
0x65: {  	[tilespmem:s16], [sflag:$0x1] =	stream.linear.gather [hbm4b:s13+s5], $0xD18, $0x38;
	[tilespmem:$0x1FC30] =	vst v63  }
0x66: {  	s17 =	rddreg [dreg:$0x1c];
	s18 =	simm.s32 $0x82F0  }
0x67: {  	[tilespmem:s18], [sflag:$0x1] =	stream.linear.gather [hbm4b:s17+s5], $0xD18, $0x38;
	[tilespmem:$0x1FC30] =	vst v63  }
0x68: {  	s20 =	rddreg [dreg:$0x1d];
	s21 =	simm.s32 $0x4178  }
0x69: {  	[tilespmem:s21], [sflag:$0x1] =	stream.linear.gather [hbm4b:s20+s5], $0xD18, $0x38;
	[tilespmem:$0x1FC30] =	vst v63  }
0x6a: {  	s22 =	rddreg [dreg:$0x1e];
	s29 =	simm.s32 $0x9008  }
0x6b: {  	[tilespmem:s29], [sflag:$0x1] =	stream.linear.gather [hbm4b:s22+s5], $0xD18, $0x38;
	[tilespmem:$0x1FC30] =	vst v63  }
0x6c: {  	[tilespmem:$0x11C40] =	vst v0  }
0x6d: {  	[tilespmem:$0x11C50] =	vst v1  }
0x6e: {  	s12 =	simm.s32 $0x11CF0;
	[tilespmem:$0x11C60] =	vst v2  }
0x6f: {  	[tilespmem:s12+$0xFFFFFF80] =	vst v3  }
0x70: {  	[tilespmem:s12+$0x70] =	vst v3  }
0x71: {  	[tilespmem:s12+$0x60] =	vst v3  }
0x72: {  	[tilespmem:s12+$0x50] =	vst v3  }
0x73: {  	[tilespmem:s12+$0x40] =	vst v3  }
0x74: {  	[tilespmem:s12+$0x30] =	vst v3  }
0x75: {  	[tilespmem:s12+$0x20] =	vst v3  }
0x76: {  	[tilespmem:s12+$0x10] =	vst v3  }
0x77: {  	[tilespmem:s12+$0x0] =	vst v3  }
0x78: {  	[tilespmem:s12+$0xFFFFFFF0] =	vst v3  }
0x79: {  	[tilespmem:s12+$0xFFFFFFE0] =	vst v3  }
0x7a: {  	[tilespmem:s12+$0xFFFFFFD0] =	vst v3  }
0x7b: {  	[tilespmem:s12+$0xFFFFFFC0] =	vst v3  }
0x7c: {  	[tilespmem:s12+$0xFFFFFFB0] =	vst v3  }
0x7d: {  	s16 =	simm.s32 $0x0;
	[tilespmem:s12+$0xFFFFFFA0] =	vst v3  }
.LBB2_2:
0x7e: {  	s16 =	sadd.s32 $0x4, s16;
	[tilespmem:s12+$0xFFFFFF90] =	vst v3;
	s12 =	sadd.s32 $0x100, s12;
	s13 =	simm.s32 $0xEE40  }
0x7f: {  	[tilespmem:s12+$0xFFFFFF80] =	vst v3;
	p1 =	slt.u32 s16, $0x7C  }
0x80: {  	[tilespmem:s12+$0x70] =	vst v3  }
0x81: {  	[tilespmem:s12+$0x60] =	vst v3  }
0x82: {  	[tilespmem:s12+$0x50] =	vst v3  }
0x83: {  	[tilespmem:s12+$0x40] =	vst v3  }
0x84: {  	[tilespmem:s12+$0x30] =	vst v3  }
0x85: {  	[tilespmem:s12+$0x20] =	vst v3  }
0x86: {  	[tilespmem:s12+$0x10] =	vst v3  }
0x87: {  	[tilespmem:s12+$0x0] =	vst v3  }
0x88: {  	[tilespmem:s12+$0xFFFFFFF0] =	vst v3  }
.Ltmp2:
0x89: {  	[tilespmem:s12+$0xFFFFFFE0] =	vst v3;
	(pc) =	sbr.rel @p1 .LBB2_2-.Ltmp2, $4  }
0x8a: {  	[tilespmem:s12+$0xFFFFFFD0] =	vst v3  }
0x8b: {  	[tilespmem:s12+$0xFFFFFFC0] =	vst v3  }
0x8c: {  	[tilespmem:s12+$0xFFFFFFB0] =	vst v3  }
0x8d: {  	[tilespmem:s12+$0xFFFFFFA0] =	vst v3  }
0x8e: {  	[tilespmem:s12+$0xFFFFFF90] =	vst v3  }
0x8f: {  	[tilespmem:s13+$0xFFFFFE00] =	vst v3  }
0x90: {  	[tilespmem:s13+$0x1F0] =	vst v3  }
0x91: {  	[tilespmem:s13+$0x1E0] =	vst v3  }
0x92: {  	[tilespmem:s13+$0x1D0] =	vst v3  }
0x93: {  	[tilespmem:s13+$0x1C0] =	vst v3  }
0x94: {  	[tilespmem:s13+$0x1B0] =	vst v3  }
0x95: {  	[tilespmem:s13+$0x1A0] =	vst v3  }
0x96: {  	[tilespmem:s13+$0x190] =	vst v3  }
0x97: {  	[tilespmem:s13+$0x180] =	vst v3  }
0x98: {  	[tilespmem:s13+$0x170] =	vst v3  }
0x99: {  	[tilespmem:s13+$0x160] =	vst v3  }
0x9a: {  	[tilespmem:s13+$0x150] =	vst v3  }
0x9b: {  	[tilespmem:s13+$0x140] =	vst v3  }
0x9c: {  	[tilespmem:s13+$0x130] =	vst v3  }
0x9d: {  	[tilespmem:s13+$0x120] =	vst v3  }
0x9e: {  	[tilespmem:s13+$0x110] =	vst v3  }
0x9f: {  	[tilespmem:s13+$0x100] =	vst v3  }
0xa0: {  	[tilespmem:s13+$0xF0] =	vst v3  }
0xa1: {  	[tilespmem:s13+$0xE0] =	vst v3  }
0xa2: {  	[tilespmem:s13+$0xD0] =	vst v3  }
0xa3: {  	[tilespmem:s13+$0xC0] =	vst v3  }
0xa4: {  	[tilespmem:s13+$0xB0] =	vst v3  }
0xa5: {  	[tilespmem:s13+$0xA0] =	vst v3  }
0xa6: {  	[tilespmem:s13+$0x90] =	vst v3  }
0xa7: {  	[tilespmem:s13+$0x80] =	vst v3  }
0xa8: {  	[tilespmem:s13+$0x70] =	vst v3  }
0xa9: {  	[tilespmem:s13+$0x60] =	vst v3  }
0xaa: {  	[tilespmem:s13+$0x50] =	vst v3  }
0xab: {  	[tilespmem:s13+$0x40] =	vst v3  }
0xac: {  	[tilespmem:s13+$0x30] =	vst v3  }
0xad: {  	[tilespmem:s13+$0x20] =	vst v3  }
0xae: {  	[tilespmem:s13+$0x10] =	vst v3  }
0xaf: {  	[tilespmem:s13+$0x0] =	vst v3  }
0xb0: {  	[tilespmem:s13+$0xFFFFFFF0] =	vst v3  }
0xb1: {  	[tilespmem:s13+$0xFFFFFFE0] =	vst v3  }
0xb2: {  	[tilespmem:s13+$0xFFFFFFD0] =	vst v3  }
0xb3: {  	[tilespmem:s13+$0xFFFFFFC0] =	vst v3  }
0xb4: {  	[tilespmem:s13+$0xFFFFFFB0] =	vst v3  }
0xb5: {  	[tilespmem:s13+$0xFFFFFFA0] =	vst v3  }
0xb6: {  	[tilespmem:s13+$0xFFFFFF90] =	vst v3  }
0xb7: {  	[tilespmem:s13+$0xFFFFFF80] =	vst v3  }
0xb8: {  	[tilespmem:s13+$0xFFFFFF70] =	vst v3  }
0xb9: {  	[tilespmem:s13+$0xFFFFFF60] =	vst v3  }
0xba: {  	[tilespmem:s13+$0xFFFFFF50] =	vst v3  }
0xbb: {  	[tilespmem:s13+$0xFFFFFF40] =	vst v3  }
0xbc: {  	[tilespmem:s13+$0xFFFFFF30] =	vst v3  }
0xbd: {  	[tilespmem:s13+$0xFFFFFF20] =	vst v3  }
0xbe: {  	[tilespmem:s13+$0xFFFFFF10] =	vst v3  }
0xbf: {  	[tilespmem:s13+$0xFFFFFF00] =	vst v3  }
0xc0: {  	[tilespmem:s13+$0xFFFFFEF0] =	vst v3  }
0xc1: {  	[tilespmem:s13+$0xFFFFFEE0] =	vst v3  }
0xc2: {  	[tilespmem:s13+$0xFFFFFED0] =	vst v3  }
0xc3: {  	[tilespmem:s13+$0xFFFFFEC0] =	vst v3  }
0xc4: {  	[tilespmem:s13+$0xFFFFFEB0] =	vst v3  }
0xc5: {  	[tilespmem:s13+$0xFFFFFEA0] =	vst v3  }
0xc6: {  	[tilespmem:s13+$0xFFFFFE90] =	vst v3  }
0xc7: {  	[tilespmem:s13+$0xFFFFFE80] =	vst v3  }
0xc8: {  	[tilespmem:s13+$0xFFFFFE70] =	vst v3  }
0xc9: {  	[tilespmem:s13+$0xFFFFFE60] =	vst v3  }
0xca: {  	[tilespmem:s13+$0xFFFFFE50] =	vst v3  }
0xcb: {  	[tilespmem:s13+$0xFFFFFE40] =	vst v3  }
0xcc: {  	[tilespmem:s13+$0xFFFFFE30] =	vst v3  }
0xcd: {  	s17 =	simm.s32 $0x0;
	[tilespmem:s13+$0xFFFFFE20] =	vst v3  }
.LBB2_4:
0xce: {  	s17 =	sadd.s32 $0x4, s17;
	[tilespmem:s13+$0xFFFFFE10] =	vst v3;
	s13 =	sadd.s32 $0x400, s13  }
0xcf: {  	[tilespmem:s13+$0xFFFFFE00] =	vst v3;
	p1 =	slt.u32 s17, $0x2C  }
0xd0: {  	[tilespmem:s13+$0x1F0] =	vst v3  }
0xd1: {  	[tilespmem:s13+$0x1E0] =	vst v3  }
0xd2: {  	[tilespmem:s13+$0x1D0] =	vst v3  }
0xd3: {  	[tilespmem:s13+$0x1C0] =	vst v3  }
0xd4: {  	[tilespmem:s13+$0x1B0] =	vst v3  }
0xd5: {  	[tilespmem:s13+$0x1A0] =	vst v3  }
0xd6: {  	[tilespmem:s13+$0x190] =	vst v3  }
0xd7: {  	[tilespmem:s13+$0x180] =	vst v3  }
0xd8: {  	[tilespmem:s13+$0x170] =	vst v3  }
0xd9: {  	[tilespmem:s13+$0x160] =	vst v3  }
0xda: {  	[tilespmem:s13+$0x150] =	vst v3  }
0xdb: {  	[tilespmem:s13+$0x140] =	vst v3  }
0xdc: {  	[tilespmem:s13+$0x130] =	vst v3  }
0xdd: {  	[tilespmem:s13+$0x120] =	vst v3  }
0xde: {  	[tilespmem:s13+$0x110] =	vst v3  }
0xdf: {  	[tilespmem:s13+$0x100] =	vst v3  }
0xe0: {  	[tilespmem:s13+$0xF0] =	vst v3  }
0xe1: {  	[tilespmem:s13+$0xE0] =	vst v3  }
0xe2: {  	[tilespmem:s13+$0xD0] =	vst v3  }
0xe3: {  	[tilespmem:s13+$0xC0] =	vst v3  }
0xe4: {  	[tilespmem:s13+$0xB0] =	vst v3  }
0xe5: {  	[tilespmem:s13+$0xA0] =	vst v3  }
0xe6: {  	[tilespmem:s13+$0x90] =	vst v3  }
0xe7: {  	[tilespmem:s13+$0x80] =	vst v3  }
0xe8: {  	[tilespmem:s13+$0x70] =	vst v3  }
0xe9: {  	[tilespmem:s13+$0x60] =	vst v3  }
0xea: {  	[tilespmem:s13+$0x50] =	vst v3  }
0xeb: {  	[tilespmem:s13+$0x40] =	vst v3  }
0xec: {  	[tilespmem:s13+$0x30] =	vst v3  }
0xed: {  	[tilespmem:s13+$0x20] =	vst v3  }
0xee: {  	[tilespmem:s13+$0x10] =	vst v3  }
0xef: {  	[tilespmem:s13+$0x0] =	vst v3  }
0xf0: {  	[tilespmem:s13+$0xFFFFFFF0] =	vst v3  }
0xf1: {  	[tilespmem:s13+$0xFFFFFFE0] =	vst v3  }
0xf2: {  	[tilespmem:s13+$0xFFFFFFD0] =	vst v3  }
0xf3: {  	[tilespmem:s13+$0xFFFFFFC0] =	vst v3  }
0xf4: {  	[tilespmem:s13+$0xFFFFFFB0] =	vst v3  }
0xf5: {  	[tilespmem:s13+$0xFFFFFFA0] =	vst v3  }
0xf6: {  	[tilespmem:s13+$0xFFFFFF90] =	vst v3  }
0xf7: {  	[tilespmem:s13+$0xFFFFFF80] =	vst v3  }
0xf8: {  	[tilespmem:s13+$0xFFFFFF70] =	vst v3  }
0xf9: {  	[tilespmem:s13+$0xFFFFFF60] =	vst v3  }
0xfa: {  	[tilespmem:s13+$0xFFFFFF50] =	vst v3  }
0xfb: {  	[tilespmem:s13+$0xFFFFFF40] =	vst v3  }
0xfc: {  	[tilespmem:s13+$0xFFFFFF30] =	vst v3  }
0xfd: {  	[tilespmem:s13+$0xFFFFFF20] =	vst v3  }
0xfe: {  	[tilespmem:s13+$0xFFFFFF10] =	vst v3  }
0xff: {  	[tilespmem:s13+$0xFFFFFF00] =	vst v3  }
0x100: {  	[tilespmem:s13+$0xFFFFFEF0] =	vst v3  }
0x101: {  	[tilespmem:s13+$0xFFFFFEE0] =	vst v3  }
0x102: {  	[tilespmem:s13+$0xFFFFFED0] =	vst v3  }
0x103: {  	[tilespmem:s13+$0xFFFFFEC0] =	vst v3  }
0x104: {  	[tilespmem:s13+$0xFFFFFEB0] =	vst v3  }
0x105: {  	[tilespmem:s13+$0xFFFFFEA0] =	vst v3  }
0x106: {  	[tilespmem:s13+$0xFFFFFE90] =	vst v3  }
0x107: {  	[tilespmem:s13+$0xFFFFFE80] =	vst v3  }
0x108: {  	[tilespmem:s13+$0xFFFFFE70] =	vst v3  }
.Ltmp3:
0x109: {  	[tilespmem:s13+$0xFFFFFE60] =	vst v3;
	(pc) =	sbr.rel @p1 .LBB2_4-.Ltmp3, $4  }
0x10a: {  	[tilespmem:s13+$0xFFFFFE50] =	vst v3  }
0x10b: {  	[tilespmem:s13+$0xFFFFFE40] =	vst v3  }
0x10c: {  	[tilespmem:s13+$0xFFFFFE30] =	vst v3  }
0x10d: {  	[tilespmem:s13+$0xFFFFFE20] =	vst v3  }
0x10e: {  	[tilespmem:s13+$0xFFFFFE10] =	vst v3  }
0x10f: {  	s12 =	rddreg [dreg:$0x7]  }
0x110: {  	s20 =	rddreg [dreg:$0x1f]  }
0x111: {  	[spmem:s12] =	stream.linear.scatter [tilespmem:s24], [sflag:$0x2], $0x300, $0x38;
	[tilespmem:$0x1FC30] =	vst v63  }
0x112: {  	s21 =	sld [smem:$0x7F8]  }
0x113: {  	[spmem:s20] =	stream.linear.scatter [tilespmem:s25], [sflag:$0x2], $0x1F40, $0x38;
	[tilespmem:$0x1FC30] =	vst v63  }
0x114: {  	s22 =	sld [smem:$0x7F9]  }
0x115: {  	[spmem:s21] =	stream.linear.scatter [tilespmem:s25], [sflag:$0x2], $0x1F40, $0x38;
	[tilespmem:$0x1FC30] =	vst v63  }
0x116: {  	s29 =	sld [smem:$0x7FA]  }
0x117: {  	[spmem:s22] =	stream.linear.scatter [tilespmem:s25], [sflag:$0x2], $0x1F40, $0x38;
	[tilespmem:$0x1FC30] =	vst v63  }
0x118: {  	s13 =	sld [smem:$0x7FB]  }
0x119: {  	[spmem:s29] =	stream.linear.scatter [tilespmem:s25], [sflag:$0x2], $0x1F40, $0x38;
	[tilespmem:$0x1FC30] =	vst v63  }
0x11a: {  	_ = 	snop  }
0x11b: {  	[spmem:s13] =	stream.linear.scatter [tilespmem:s25], [sflag:$0x2], $0x1F40, $0x38;
	[tilespmem:$0x1FC30] =	vst v63  }
0x11c: {  	_ =	swait.ge [sflag:s26], $0x7D0  }
0x11d: {  	[sflag:s26] =	ssyncset.done $0x0  }
0x11e: {  	[sflag:s26] =	ssyncadd.s32 $0xFFFFF830  }
0x11f: {  	_ =	swait.ge [sflag:s26], $0x7D0  }
0x120: {  	[sflag:s26] =	ssyncset.done $0x0  }
0x121: {  	[sflag:s26] =	ssyncadd.s32 $0xFFFFF830  }
0x122: {  	_ =	swait.ge [sflag:s26], $0x7D0  }
0x123: {  	[sflag:s26] =	ssyncset.done $0x0  }
0x124: {  	[sflag:s26] =	ssyncadd.s32 $0xFFFFF830  }
0x125: {  	_ =	swait.ge [sflag:s26], $0x7D0  }
0x126: {  	[sflag:s26] =	ssyncset.done $0x0  }
0x127: {  	[sflag:s26] =	ssyncadd.s32 $0xFFFFF830  }
0x128: {  	_ =	swait.ge [sflag:s26], $0x7D0  }
0x129: {  	[sflag:s26] =	ssyncset.done $0x0  }
0x12a: {  	[sflag:s26] =	ssyncadd.s32 $0xFFFFF830  }
0x12b: {  	_ =	swait.ge [sflag:s26], $0x7D0  }
0x12c: {  	[sflag:s26] =	ssyncset.done $0x0  }
0x12d: {  	[sflag:s26] =	ssyncadd.s32 $0xFFFFF830  }
0x12e: {  	_ =	swait.ge [sflag:s26], $0x7D0  }
0x12f: {  	[sflag:s26] =	ssyncset.done $0x0  }
0x130: {  	[sflag:s26] =	ssyncadd.s32 $0xFFFFF830  }
0x131: {  	_ =	swait.ge [sflag:s26], $0x7D0  }
0x132: {  	[sflag:s26] =	ssyncset.done $0x0  }
0x133: {  	[sflag:s26] =	ssyncadd.s32 $0xFFFFF830  }
0x134: {  	_ =	swait.ge [sflag:s26], $0x7D0  }
0x135: {  	[sflag:s26] =	ssyncset.done $0x0  }
0x136: {  	[sflag:s26] =	ssyncadd.s32 $0xFFFFF830  }
0x137: {  	_ =	swait.ge [sflag:s26], $0x7D0  }
0x138: {  	[sflag:s26] =	ssyncset.done $0x0  }
0x139: {  	[sflag:s26] =	ssyncadd.s32 $0xFFFFF830  }
0x13a: {  	_ =	swait.ge [sflag:s26], $0xD18  }
0x13b: {  	[sflag:s26] =	ssyncset.done $0x0  }
0x13c: {  	[sflag:s26] =	ssyncadd.s32 $0xFFFFF2E8  }
0x13d: {  	_ =	swait.ge [sflag:s26], $0xD18  }
0x13e: {  	[sflag:s26] =	ssyncset.done $0x0  }
0x13f: {  	[sflag:s26] =	ssyncadd.s32 $0xFFFFF2E8  }
0x140: {  	_ =	swait.ge [sflag:s26], $0xD18  }
0x141: {  	[sflag:s26] =	ssyncset.done $0x0  }
0x142: {  	[sflag:s26] =	ssyncadd.s32 $0xFFFFF2E8  }
0x143: {  	_ =	swait.ge [sflag:s26], $0xD18  }
0x144: {  	[sflag:s26] =	ssyncset.done $0x0  }
0x145: {  	[sflag:s26] =	ssyncadd.s32 $0xFFFFF2E8  }
0x146: {  	_ =	swait.ge [sflag:s26], $0xD18  }
0x147: {  	[sflag:s26] =	ssyncset.done $0x0  }
0x148: {  	[sflag:s26] =	ssyncadd.s32 $0xFFFFF2E8  }
0x149: {  	_ =	swait.ge [sflag:s26], $0xD18  }
0x14a: {  	[sflag:s26] =	ssyncset.done $0x0  }
0x14b: {  	[sflag:s26] =	ssyncadd.s32 $0xFFFFF2E8  }
0x14c: {  	_ =	swait.ge [sflag:s26], $0xD18  }
0x14d: {  	[sflag:s26] =	ssyncset.done $0x0  }
0x14e: {  	[sflag:s26] =	ssyncadd.s32 $0xFFFFF2E8  }
0x14f: {  	_ =	swait.ge [sflag:s26], $0xD18  }
0x150: {  	[sflag:s26] =	ssyncset.done $0x0  }
0x151: {  	[sflag:s26] =	ssyncadd.s32 $0xFFFFF2E8  }
0x152: {  	_ =	swait.ge [sflag:s26], $0xD18  }
0x153: {  	[sflag:s26] =	ssyncset.done $0x0  }
0x154: {  	[sflag:s26] =	ssyncadd.s32 $0xFFFFF2E8  }
0x155: {  	_ =	swait.ge [sflag:s26], $0xD18  }
0x156: {  	[sflag:s26] =	ssyncset.done $0x0  }
0x157: {  	[sflag:s26] =	ssyncadd.s32 $0xFFFFF2E8  }
0x158: {  	_ =	swait.ge [sflag:s26], $0xD18  }
0x159: {  	[sflag:s26] =	ssyncset.done $0x0  }
0x15a: {  	[sflag:s26] =	ssyncadd.s32 $0xFFFFF2E8  }
0x15b: {  	_ =	swait.ge [sflag:s26], $0xD18  }
0x15c: {  	[sflag:s26] =	ssyncset.done $0x0  }
0x15d: {  	[sflag:s26] =	ssyncadd.s32 $0xFFFFF2E8  }
0x15e: {  	s16 =	rddreg [dreg:$0x1]  }
0x15f: {  	[tilespmem:s28], [sflag:$0x7] =	stream.linear.gather [hbm4b:s16+s5], $0x10, $0x38;
	[tilespmem:$0x1FC30] =	vst v63  }
0x160: {  	_ =	swait.ge [sflag:s19], $0x10  }
0x161: {  	[sflag:s19] =	ssyncset.done $0x0  }
0x162: {  	[sflag:s19] =	ssyncadd.s32 $0xFFFFFFF0  }
0x163: {  	v4 =	vld [tilespmem:$0x15C70];
	_ =	swait.ge [sflag:s30], $0x300  }
0x164: {  	[sflag:s30] =	ssyncset.done $0x0  }
0x165: {  	[sflag:s30] =	ssyncadd.s32 $0xFFFFFD00  }
0x166: {  	_ =	swait.ge [sflag:s30], $0x1F40  }
0x167: {  	[sflag:s30] =	ssyncset.done $0x0  }
0x168: {  	[sflag:s30] =	ssyncadd.s32 $0xFFFFE0C0  }
0x169: {  	_ =	swait.ge [sflag:s30], $0x1F40  }
0x16a: {  	[sflag:s30] =	ssyncset.done $0x0  }
0x16b: {  	[sflag:s30] =	ssyncadd.s32 $0xFFFFE0C0  }
0x16c: {  	_ =	swait.ge [sflag:s30], $0x1F40  }
0x16d: {  	[sflag:s30] =	ssyncset.done $0x0  }
0x16e: {  	[sflag:s30] =	ssyncadd.s32 $0xFFFFE0C0  }
0x16f: {  	_ =	swait.ge [sflag:s30], $0x1F40  }
0x170: {  	[sflag:s30] =	ssyncset.done $0x0  }
0x171: {  	[sflag:s30] =	ssyncadd.s32 $0xFFFFE0C0  }
0x172: {  	_ =	swait.ge [sflag:s30], $0x1F40  }
0x173: {  	[sflag:s30] =	ssyncset.done $0x0  }
0x174: {  	s17 =	rddreg [dreg:$0x8];
	[sflag:s30] =	ssyncadd.s32 $0xFFFFE0C0  }
0x175: {  	[tilespmem:s31], [sflag:$0x7] =	stream.linear.gather [hbm4b:s17+s5], $0x80, $0x38;
	[tilespmem:$0x1FC30] =	vst v63  }
0x176: {  	_ =	swait.ge [sflag:s19], $0x80  }
0x177: {  	s18 =	sld [smem:$0x7F6]  }
0x178: {  	[sflag:s19] =	ssyncset.done $0x0  }
0x179: {  	[sflag:s19] =	ssyncadd.s32 $0xFFFFFF80  }
0x17a: {  	[tilespmem:s0], [sflag:$0x4] =	stream.linear.gather [hbm4b:s18+s5], $0x80, $0x38;
	[tilespmem:$0x1FC30] =	vst v63  }
0x17b: {  	s20 =	sld [smem:$0x7F7]  }
0x17c: {  	[tilespmem:s25], [sflag:$0x1] =	stream.indirect.gather [hbm4b:s10+s1], $0x40, s6, s1, $0xb8;
	[tilespmem:$0x1FC30] =	vst v63  }
0x17d: {  	s21 =	simm.s32 $0x20  }
0x17e: {  	[tilespmem:s4], [sflag:$0x2] =	stream.indirect.gather [hbm4b:s10+s1], $0x40, s20, s1, $0xb8;
	[tilespmem:$0x1FC30] =	vst v63  }
0x17f: {  	s22 =	simm.s32 $0x4EB0;
	v7 =	vld [tilespmem:s21+$0x10]  }
0x180: {  	v11 =	vld [tilespmem:s22+$0x10];
	_ =	sdelay $0x1  }
0x181: {  	v5 =	vld [tilespmem:s22+$0xFFFFFFE0]  }
0x182: {  	v8 =	vld [tilespmem:s21+$0xFFFFFFF0]  }
0x183: {  	v17 =	vld [tilespmem:s22+$0xFFFFFFF0]  }
0x184: {  	v9 =	vld [tilespmem:s21+$0xFFFFFFE0]  }
0x185: {  	v10 =	vld [tilespmem:s21+$0x0]  }
0x186: {  	v7 =	vld.idx.msk [tilespmem:v7+s23+$0x0], $0xffff  }
0x187: {  	v12 =	vld.idx.msk [tilespmem:v11+s2+$0x0], $0xffff  }
0x188: {  	v6 =	vld [tilespmem:s22+$0x0]  }
0x189: {  	v13 =	vld.idx.msk [tilespmem:v5+s2+$0x0], $0xffff  }
0x18a: {  	v8 =	vld.idx.msk [tilespmem:v8+s23+$0x0], $0xffff  }
0x18b: {  	v14 =	vld.idx.msk [tilespmem:v17+s2+$0x0], $0xffff  }
0x18c: {  	v9 =	vld.idx.msk [tilespmem:v9+s23+$0x0], $0xffff;
	v7 =	vadd.f32 v12, v7;
	_ =	sdelay $0x1  }
0x18d: {  	v12 =	vld.idx.msk [tilespmem:v10+s23+$0x0], $0xffff;
	v10 =	vmul.f32 $2.000000030e-01, v7  }
0x18e: {  	vm0 =	vge.f32 v7, $0.0e+00  }
0x18f: {  	s29 =	simm.s32 $0x60;
	v14 =	vadd.f32 v14, v8;
	v7 =	vsel vm0, v7, v10  }
0x190: {  	v16 =	vld [tilespmem:s29+$0x10];
	v10 =	vadd.f32 v13, v9;
	v13 =	vsub.f32 v7, v4  }
0x191: {  	v9 =	vmul.f32 $2.000000030e-01, v14  }
0x192: {  	v15 =	vld.idx.msk [tilespmem:v6+s2+$0x0], $0xffff;
	vm12 =	vge.f32 v14, $0.0e+00;
	v18 =	vmul.f32 $2.000000030e-01, v10;
	v13 =	vmul.f32 $1.442695020e+00, v13  }
0x193: {  	v9 =	vsel vm12, v14, v9;
	v14 =	vld [tilespmem:s29+$0xFFFFFFF0];
	vm13 =	vge.f32 v10, $0.0e+00  }
0x194: {  	v19 =	vsub.f32 v9, v4;
	v10 =	vsel vm13, v10, v18;
	(erf) = vpow2.f32 v13  }
0x195: {  	v18 =	vsub.f32 v10, v4  }
0x196: {  	s13 =	simm.s32 $0x4EF0;
	v20 =	vld [tilespmem:s29+$0xFFFFFFE0];
	v19 =	vmul.f32 $1.442695020e+00, v19  }
0x197: {  	v8 =	vld [tilespmem:s13+$0x10];
	v15 =	vadd.f32 v15, v12;
	v18 =	vmul.f32 $1.442695020e+00, v18  }
0x198: {  	v16 =	vld.idx.msk [tilespmem:v16+s23+$0x0], $0xffff;
	(erf) = vpow2.f32 v19  }
0x199: {  	v7 =	vld [tilespmem:s13+$0xFFFFFFE0];
	(erf) = vpow2.f32 v18;
	v18 =	vmul.f32 $2.000000030e-01, v15  }
0x19a: {  	v9 =	vld [tilespmem:s13+$0xFFFFFFF0];
	vm14 =	vge.f32 v15, $0.0e+00  }
0x19b: {  	v21 =	vld.idx.msk [tilespmem:v14+s23+$0x0], $0xffff;
	v14 =	vsel vm14, v15, v18  }
0x19c: {  	v13 =	vld [tilespmem:s29+$0x0];
	v14 =	vsub.f32 v14, v4  }
0x19d: {  	v10 =	vld [tilespmem:s13+$0x0];
	v15 =	vpop (erf)  }
0x19e: {  	[tilespmem:v11+s24+$0x0] =	vst.idx.add.f32.msk $0xffff, v15;
	v11 =	vmul.f32 $1.442695020e+00, v14  }
0x19f: {  	v19 =	vld.idx.msk [tilespmem:v8+s2+$0x0], $0xffff  }
0x1a0: {  	(erf) = vpow2.f32 v11;
	_ =	sdelay $0x1  }
0x1a1: {  	v18 =	vld.idx.msk [tilespmem:v9+s2+$0x0], $0xffff  }
0x1a2: {  	v12 =	vld.idx.msk [tilespmem:v7+s2+$0x0], $0xffff  }
0x1a3: {  	v19 =	vadd.f32 v19, v16;
	v13 =	vld.idx.msk [tilespmem:v13+s23+$0x0], $0xffff  }
0x1a4: {  	v15 =	vld.idx.msk [tilespmem:v20+s23+$0x0], $0xffff  }
0x1a5: {  	v63 =	vmul.f32 $2.000000030e-01, v19;
	v14 =	vld.idx.msk [tilespmem:v10+s2+$0x0], $0xffff  }
0x1a6: {  	vm15 =	vge.f32 v19, $0.0e+00;
	v22 =	vpop (erf);
	v16 =	vadd.f32 v18, v21  }
0x1a7: {  	s17 =	simm.s32 $0x4;
	s18 =	simm.s32 $0xA0;
	[tilespmem:v17+s24+$0x0] =	vst.idx.add.f32.msk $0xffff, v22;
	v17 =	vsel vm15, v19, v63;
	v11 =	vpop (erf)  }
.LBB2_6:
0x1a8: {  	v18 =	vld [tilespmem:s18+$0x10];
	vm0 =	vge.f32 v16, $0.0e+00;
	v19 =	vmul.f32 $2.000000030e-01, v16;
	v17 =	vsub.f32 v17, v4;
	s13 =	sadd.s32 $0x40, s13;
	v20 =	vpop (erf)  }
0x1a9: {  	s17 =	sadd.s32 $0x4, s17;
	v12 =	vadd.f32 v12, v15;
	v21 =	vld [tilespmem:s13+$0x10]  }
0x1aa: {  	p1 =	slt.u32 s17, $0x4DC;
	v13 =	vadd.f32 v14, v13;
	v22 =	vld [tilespmem:s13+$0xFFFFFFE0];
	v15 =	vsel vm0, v16, v19;
	v14 =	vmul.f32 $1.442695020e+00, v17  }
0x1ab: {  	vm0 =	vge.f32 v12, $0.0e+00;
	v17 =	vmul.f32 $2.000000030e-01, v12;
	v16 =	vld [tilespmem:s18+$0xFFFFFFF0];
	v15 =	vsub.f32 v15, v4  }
0x1ac: {  	vm1 =	vge.f32 v13, $0.0e+00;
	v23 =	vmul.f32 $2.000000030e-01, v13;
	v19 =	vld [tilespmem:s13+$0xFFFFFFF0];
	(erf) = vpow2.f32 v14  }
0x1ad: {  	v12 =	vsel vm0, v12, v17;
	v14 =	vld [tilespmem:s18+$0x0];
	v15 =	vmul.f32 $1.442695020e+00, v15  }
0x1ae: {  	v12 =	vsub.f32 v12, v4;
	v13 =	vsel vm1, v13, v23;
	v24 =	vld [tilespmem:s13+$0x0]  }
0x1af: {  	v13 =	vsub.f32 v13, v4;
	v17 =	vld [tilespmem:s18+$0xFFFFFFE0];
	(erf) = vpow2.f32 v15  }
0x1b0: {  	v15 =	vmul.f32 $1.442695020e+00, v12;
	v18 =	vld.idx.msk [tilespmem:v18+s23+$0x0], $0xffff  }
0x1b1: {  	v13 =	vmul.f32 $1.442695020e+00, v13;
	v23 =	vld.idx.msk [tilespmem:v21+s2+$0x0], $0xffff  }
0x1b2: {  	v12 =	vld.idx.msk [tilespmem:v22+s2+$0x0], $0xffff;
	(erf) = vpow2.f32 v15  }
0x1b3: {  	v16 =	vld.idx.msk [tilespmem:v16+s23+$0x0], $0xffff;
	(erf) = vpow2.f32 v13  }
0x1b4: {  	v25 =	vld.idx.msk [tilespmem:v19+s2+$0x0], $0xffff  }
0x1b5: {  	v13 =	vld.idx.msk [tilespmem:v14+s23+$0x0], $0xffff;
	v14 =	vpop (erf)  }
0x1b6: {  	[tilespmem:v8+s24+$0x0] =	vst.idx.add.f32.msk $0xffff, v14;
	v8 =	vmov v21  }
.Ltmp4:
0x1b7: {  	v15 =	vld.idx.msk [tilespmem:v17+s23+$0x0], $0xffff;
	v17 =	vadd.f32 v23, v18;
	(pc) =	sbr.rel @p1 .LBB2_6-.Ltmp4, $4  }
0x1b8: {  	v14 =	vld.idx.msk [tilespmem:v24+s2+$0x0], $0xffff;
	v18 =	vpop (erf)  }
0x1b9: {  	v21 =	vmul.f32 $2.000000030e-01, v17;
	[tilespmem:v5+s24+$0x0] =	vst.idx.add.f32.msk $0xffff, v11;
	v5 =	vmov v7;
	v7 =	vmov v22  }
0x1ba: {  	v16 =	vadd.f32 v25, v16;
	vm0 =	vge.f32 v17, $0.0e+00;
	[tilespmem:v9+s24+$0x0] =	vst.idx.add.f32.msk $0xffff, v18;
	v9 =	vmov v19  }
0x1bb: {  	s18 =	sadd.s32 $0x40, s18;
	v17 =	vsel vm0, v17, v21;
	v11 =	vpop (erf);
	[tilespmem:v6+s24+$0x0] =	vst.idx.add.f32.msk $0xffff, v20;
	v6 =	vmov v10;
	v10 =	vmov v24  }
0x1bc: {  	v12 =	vadd.f32 v12, v15  }
0x1bd: {  	v18 =	vmul.f32 $2.000000030e-01, v16;
	v13 =	vadd.f32 v14, v13  }
0x1be: {  	v17 =	vsub.f32 v17, v4;
	vm0 =	vge.f32 v16, $0.0e+00;
	v59 =	vmul.f32 $2.000000030e-01, v12  }
0x1bf: {  	v57 =	vsel vm0, v16, v18;
	vm15 =	vge.f32 v12, $0.0e+00;
	v60 =	vmul.f32 $2.000000030e-01, v13  }
0x1c0: {  	v14 =	vsub.f32 v57, v4;
	vm1 =	vge.f32 v13, $0.0e+00;
	v12 =	vsel vm15, v12, v59  }
0x1c1: {  	v58 =	vmul.f32 $1.442695020e+00, v17;
	v12 =	vsub.f32 v12, v4;
	v13 =	vsel vm1, v13, v60  }
0x1c2: {  	v14 =	vmul.f32 $1.442695020e+00, v14;
	v13 =	vsub.f32 v13, v4  }
0x1c3: {  	(erf) = vpow2.f32 v58;
	v12 =	vmul.f32 $1.442695020e+00, v12  }
0x1c4: {  	(erf) = vpow2.f32 v14;
	v13 =	vmul.f32 $1.442695020e+00, v13  }
0x1c5: {  	(erf) = vpow2.f32 v12  }
0x1c6: {  	(erf) = vpow2.f32 v13;
	_ =	sdelay $0x4  }
0x1c7: {  	v61 =	vpop (erf);
	[tilespmem:v5+s24+$0x0] =	vst.idx.add.f32.msk $0xffff, v11  }
0x1c8: {  	[tilespmem:v6+s24+$0x0] =	vst.idx.add.f32.msk $0xffff, v61;
	v62 =	vpop (erf)  }
0x1c9: {  	[tilespmem:v8+s24+$0x0] =	vst.idx.add.f32.msk $0xffff, v62;
	v63 =	vpop (erf)  }
0x1ca: {  	[tilespmem:v9+s24+$0x0] =	vst.idx.add.f32.msk $0xffff, v63;
	v5 =	vpop (erf)  }
0x1cb: {  	v6 =	vpop (erf);
	[tilespmem:v7+s24+$0x0] =	vst.idx.add.f32.msk $0xffff, v5  }
0x1cc: {  	s12 =	simm.s32 $0x0;
	[tilespmem:v10+s24+$0x0] =	vst.idx.add.f32.msk $0xffff, v6  }
.LBB2_8:
0x1cd: {  	s13 =	sshra.s32 s12, $0x2  }
0x1ce: {  	v5 =	vld [tilespmem:s13+$0x4E00]  }
0x1cf: {  	v6 =	vld [tilespmem:s13+$0x9C90];
	_ =	sdelay $0x6  }
0x1d0: {  	v5 =	vld.idx.msk [tilespmem:v5+s23+$0x0], $0xffff  }
0x1d1: {  	v7 =	vld.idx.msk [tilespmem:v6+s2+$0x0], $0xffff;
	_ =	sdelay $0x4  }
0x1d2: {  	v5 =	vadd.f32 v7, v5;
	_ =	sdelay $0x1  }
0x1d3: {  	v7 =	vmul.f32 $2.000000030e-01, v5  }
0x1d4: {  	vm0 =	vge.f32 v5, $0.0e+00  }
0x1d5: {  	v5 =	vsel vm0, v5, v7  }
0x1d6: {  	v5 =	vsub.f32 v5, v4;
	_ =	sdelay $0x1  }
0x1d7: {  	v5 =	vmul.f32 $1.442695020e+00, v5;
	_ =	sdelay $0x1  }
0x1d8: {  	(erf) = vpow2.f32 v5;
	_ =	sdelay $0x4  }
0x1d9: {  	p1 =	sne.s32 s12, $0x40  }
.Ltmp5:
0x1da: {  	_ = 	snop;
	(pc) =	sbr.rel @p1 .LBB2_8-.Ltmp5, $3  }
0x1db: {  	_ =	sdelay $0x1  }
0x1dc: {  	v5 =	vpop (erf)  }
0x1dd: {  	s12 =	sadd.s32 $0x40, s12;
	[tilespmem:v6+s24+$0x0] =	vst.idx.add.f32.msk $0xffff, v5  }
0x1de: {  	[bflag:$0x0] =	sbarrier.arrive $0xFFFF  }
0x1df: {  	s13 =	simm.s32 $0x30;
	s16 =	simm.s32 $0x11C40;
	s12 =	rddreg [dreg:$0x2]  }
0x1e0: {  	[spmem:s12] =	stream.indirect.scatter.add.f32 [tilespmem:s24], [sflag:$0x7], $0x100, s16, s13, $0xb8;
	[tilespmem:$0x1FC30] =	vst v63  }
0x1e1: {  	_ =	swait.ge [sflag:s19], $0x3000  }
0x1e2: {  	[sflag:s19] =	ssyncset.done $0x0  }
0x1e3: {  	[sflag:s19] =	ssyncadd.s32 $0xFFFFD000  }
0x1e4: {  	[bflag:$0x0] =	sbarrier.arrive $0xFFFF  }
0x1e5: {  	[tilespmem:s24], [sflag:$0x7] =	stream.linear.gather [spmem:s12], $0x1000, $0x38;
	[tilespmem:$0x1FC30] =	vst v63  }
0x1e6: {  	_ =	swait.ge [sflag:s19], $0x1000  }
0x1e7: {  	s20 =	sld [smem:$0x7FC]  }
0x1e8: {  	[sflag:s19] =	ssyncset.done $0x0  }
0x1e9: {  	s21 =	simm.s32 $0xFC40;
	[sflag:s19] =	ssyncadd.s32 $0xFFFFF000  }
0x1ea: {  	[tilespmem:s21], [sflag:$0x7] =	stream.linear.gather [spmem:s20], $0x1000, $0x38;
	[tilespmem:$0x1FC30] =	vst v63  }
0x1eb: {  	_ =	swait.ge [sflag:s19], $0x1000  }
0x1ec: {  	s22 =	sld [smem:$0x7FD]  }
0x1ed: {  	[sflag:s19] =	ssyncset.done $0x0  }
0x1ee: {  	s29 =	simm.s32 $0x10C40;
	[sflag:s19] =	ssyncadd.s32 $0xFFFFF000  }
0x1ef: {  	[tilespmem:s29], [sflag:$0x7] =	stream.linear.gather [spmem:s22], $0x1000, $0x38;
	[tilespmem:$0x1FC30] =	vst v63  }
0x1f0: {  	_ =	swait.ge [sflag:s19], $0x1000  }
0x1f1: {  	[sflag:s19] =	ssyncset.done $0x0  }
0x1f2: {  	s17 =	simm.s32 $0x0;
	[sflag:s19] =	ssyncadd.s32 $0xFFFFF000  }
.LBB2_10:
0x1f3: {  	s13 =	sshllo.u32 s17, $0x1;
	p1 =	seq.s32 s17, $0x0  }
0x1f4: {  	p2 =	sgt.u32 @!p1 s13, $0x4E  }
0x1f5: {  	p2 =	por p1, p2  }
.Ltmp6:
0x1f6: {  	_ = 	snop;
	(pc) =	sbr.rel @p2 .LBB2_12-.Ltmp6, $2  }
0x1f7: {  	_ =	sdelay $0x2  }
0x1f8: {  	s19 =	sshll.u32 s13, $0x7  }
0x1f9: {  	_ =	swait.ge [sflag:s8], $0x2000;
	s12 =	sadd.s32 s11, s19  }
.Ltmp7:
0x1fa: {  	[sflag:s8] =	ssyncset.done $0x0;
	s12 =	sshrl.u32 s12, $0x3;
	(pc) =	sbr.rel .LBB2_13-.Ltmp7, $4  }
0x1fb: {  	[sflag:s8] =	ssyncadd.s32 $0xFFFFE000;
	s12 =	sadd.s32 s7, s12  }
0x1fc: {  	[tilespmem:s0], [sflag:$0x4] =	stream.linear.gather [hbm4b:s12+s5], $0x80, $0x38;
	[tilespmem:$0x1FC30] =	vst v63  }
0x1fd: {  	s29 =	sadd.s32 s19, s6  }
0x1fe: {  	[tilespmem:s4], [sflag:$0x2] =	stream.indirect.gather [hbm4b:s10+s1], $0x40, s29, s1, $0xb8;
	[tilespmem:$0x1FC30] =	vst v63  }
.LBB2_12:
.Ltmp8:
0x1ff: {  	(pc) =	sbr.rel @p1 .LBB2_14-.Ltmp8, $1  }
0x200: {  	_ =	sdelay $0x3  }
.LBB2_13:
0x201: {  	_ =	swait.ge [sflag:s9], $0x80  }
0x202: {  	[sflag:s9] =	ssyncset.done $0x0  }
0x203: {  	[sflag:s9] =	ssyncadd.s32 $0xFFFFFF80  }
.LBB2_14:
0x204: {  	s18 =	sshll.u32 s17, $0x8  }
0x205: {  	s12 =	sadd.s32 s6, s18  }
0x206: {  	v5 =	vmov s12;
	_ =	sdelay $0x1  }
0x207: {  	_ =	swait.ge [sflag:s26], $0x2000  }
0x208: {  	s21 =	simm.s32 $0x0;
	[sflag:s26] =	ssyncset.done $0x0  }
0x209: {  	p1 =	por $0x1, $0x1;
	s22 =	simm.s32 $0x0;
	[sflag:s26] =	ssyncadd.s32 $0xFFFFE000  }
.LBB2_15:
0x20a: {  	v6 =	vld.idx.msk [tilespmem:v5+s22+$0x0 ss:$0x1], $0xffff  }
0x20b: {  	v7 =	vld.idx.msk [tilespmem:v5+s22+$0x4E90 ss:$0x1], $0xffff;
	s16 =	sor.u32 $0x10, s22  }
0x20c: {  	v9 =	vld.idx.msk [tilespmem:v5+s16+$0x0 ss:$0x1], $0xffff  }
0x20d: {  	s12 =	sor.u32 $0x20, s22;
	v10 =	vld.idx.msk [tilespmem:v5+s16+$0x4E90 ss:$0x1], $0xffff  }
0x20e: {  	v11 =	vld.idx.msk [tilespmem:v5+s12+$0x0 ss:$0x1], $0xffff  }
0x20f: {  	s20 =	sor.u32 $0x30, s22;
	v12 =	vld.idx.msk [tilespmem:v5+s12+$0x4E90 ss:$0x1], $0xffff  }
0x210: {  	v13 =	vld.idx.msk [tilespmem:v5+s20+$0x0 ss:$0x1], $0xffff  }
0x211: {  	v14 =	vld.idx.msk [tilespmem:v5+s20+$0x4E90 ss:$0x1], $0xffff  }
0x212: {  	v6 =	vld.idx.msk [tilespmem:v6+s23+$0x0], $0xffff  }
0x213: {  	v8 =	vld.idx.msk [tilespmem:v7+s2+$0x0], $0xffff;
	_ =	sdelay $0x2  }
0x214: {  	v9 =	vld.idx.msk [tilespmem:v9+s23+$0x0], $0xffff  }
0x215: {  	v15 =	vld.idx.msk [tilespmem:v10+s2+$0x0], $0xffff  }
0x216: {  	v49 =	vld.idx.msk [tilespmem:v11+s23+$0x0], $0xffff;
	v6 =	vadd.f32 v8, v6  }
0x217: {  	v50 =	vld.idx.msk [tilespmem:v12+s2+$0x0], $0xffff  }
0x218: {  	v13 =	vld.idx.msk [tilespmem:v13+s23+$0x0], $0xffff;
	v16 =	vmul.f32 $2.000000030e-01, v6  }
0x219: {  	v17 =	vld.idx.msk [tilespmem:v14+s2+$0x0], $0xffff;
	vm0 =	vge.f32 v6, $0.0e+00  }
0x21a: {  	v9 =	vadd.f32 v15, v9;
	v6 =	vsel vm0, v6, v16  }
0x21b: {  	v7 =	vld.idx.msk [tilespmem:v7+s24+$0x0], $0xffff;
	v6 =	vsub.f32 v6, v4  }
0x21c: {  	v8 =	vadd.f32 v50, v49;
	v51 =	vmul.f32 $2.000000030e-01, v9  }
0x21d: {  	v10 =	vld.idx.msk [tilespmem:v10+s24+$0x0], $0xffff;
	vm13 =	vge.f32 v9, $0.0e+00;
	v6 =	vmul.f32 $1.442695020e+00, v6  }
0x21e: {  	v52 =	vadd.f32 v17, v13;
	v53 =	vmul.f32 $2.000000030e-01, v8;
	v9 =	vsel vm13, v9, v51  }
0x21f: {  	v54 =	vld.idx.msk [tilespmem:v12+s24+$0x0], $0xffff;
	vm14 =	vge.f32 v8, $0.0e+00;
	(erf) = vpow2.f32 v6;
	v6 =	vsub.f32 v9, v4  }
0x220: {  	v7 =	vadd.f32 $1.000000020e-16, v7;
	v55 =	vmul.f32 $2.000000030e-01, v52;
	v8 =	vsel vm14, v8, v53  }
0x221: {  	v56 =	vld.idx.msk [tilespmem:v14+s24+$0x0], $0xffff;
	vm15 =	vge.f32 v52, $0.0e+00;
	v8 =	vsub.f32 v8, v4;
	v6 =	vmul.f32 $1.442695020e+00, v6  }
0x222: {  	v10 =	vadd.f32 $1.000000020e-16, v10;
	(erf) = vrcp.f32 v7;
	v7 =	vsel vm15, v52, v55  }
0x223: {  	v7 =	vsub.f32 v7, v4;
	(erf) = vpow2.f32 v6;
	v6 =	vmul.f32 $1.442695020e+00, v8  }
0x224: {  	v57 =	vadd.f32 $1.000000020e-16, v54;
	(erf) = vrcp.f32 v10  }
0x225: {  	(erf) = vpow2.f32 v6;
	v6 =	vmul.f32 $1.442695020e+00, v7  }
0x226: {  	v7 =	vadd.f32 $1.000000020e-16, v56;
	(erf) = vrcp.f32 v57  }
0x227: {  	(erf) = vpow2.f32 v6  }
0x228: {  	(erf) = vrcp.f32 v7;
	_ =	sdelay $0x1  }
0x229: {  	v6 =	vpop (erf)  }
0x22a: {  	v7 =	vpop (erf)  }
0x22b: {  	v58 =	vpop (erf)  }
0x22c: {  	v59 =	vpop (erf)  }
0x22d: {  	s29 =	sor.u32 s18, s22;
	v6 =	vmul.f32 v6, v7;
	v60 =	vpop (erf)  }
0x22e: {  	p2 =	slt.u32 s29, $0x2710;
	v61 =	vpop (erf)  }
0x22f: {  	s16 =	sor.u32 s18, s16;
	v6 =	vpsel !p2, $0x0, v6;
	p2 =	por p1, p1;
	v8 =	vmul.f32 v58, v59;
	v7 =	vpop (erf)  }
.Ltmp9:
0x230: {  	s12 =	sor.u32 s18, s12;
	p3 =	slt.u32 s16, $0x2710;
	v62 =	vmul.f32 v60, v61;
	v63 =	vpop (erf);
	(pc) =	sbr.rel @p2 .LBB2_15-.Ltmp9, $4  }
0x231: {  	s29 =	sor.u32 s18, s20;
	p5 =	slt.u32 s12, $0x2710;
	[tilespmem:s22+$0x15C70] =	vst v6;
	v8 =	vpsel !p3, $0x0, v8;
	v6 =	vmul.f32 v7, v63  }
0x232: {  	p6 =	slt.u32 s29, $0x2710;
	[tilespmem:s22+$0x15C80] =	vst v8;
	v7 =	vpsel !p5, $0x0, v62  }
0x233: {  	[tilespmem:s22+$0x15C90] =	vst v7;
	v6 =	vpsel !p6, $0x0, v6  }
0x234: {  	s20 =	simm.s32 $0x11CF0;
	p1 =	por $0x0, $0x0;
	[tilespmem:s22+$0x15CA0] =	vst v6;
	s22 =	simm.s32 $0x40  }
0x235: {  	v5 =	vmov s21  }
0x236: {  	s12 =	simm.s32 $0x3;
	s16 =	simm.s32 $0x1;
	v5 =	vand.u32 $0xFFFFFFFC, v5  }
0x237: {  	v6 =	vmov s12;
	v7 =	vmov s16;
	v8 =	vbroadcast v5, $0x0  }
0x238: {  	s16 =	simm.s32 $0x2;
	v5 =	vand.u32 $0xFFFFFFFD, v7  }
0x239: {  	v7 =	vmov s16;
	v9 =	vbroadcast v5, $0x0  }
0x23a: {  	v5 =	vand.u32 $0xFFFFFFFE, v7  }
0x23b: {  	v10 =	vbroadcast v5, $0x0  }
0x23c: {  	v5 =	vld.idx.msk [tilespmem:v6+s28+$0x0], $0xffff  }
0x23d: {  	v12 =	vld.idx.msk [tilespmem:v8+s28+$0x0], $0xffff  }
0x23e: {  	v8 =	vld [tilespmem:s20+$0x30]  }
0x23f: {  	v7 =	vld.idx.msk [tilespmem:v9+s28+$0x0], $0xffff  }
0x240: {  	v9 =	vld [tilespmem:s20+$0xFFFFFF80]  }
0x241: {  	v6 =	vld.idx.msk [tilespmem:v10+s28+$0x0], $0xffff  }
0x242: {  	v10 =	vld [tilespmem:s20+$0xFFFFFF90]  }
0x243: {  	v11 =	vld [tilespmem:s20+$0xFFFFFFA0]  }
0x244: {  	v13 =	vld [tilespmem:s20+$0xFFFFFFB0]  }
0x245: {  	v14 =	vld [tilespmem:s20+$0xFFFFFFC0];
	v16 =	vmul.f32 v9, v12  }
0x246: {  	v9 =	vld [tilespmem:s20+$0xFFFFFFD0];
	v15 =	vmul.f32 v8, v6  }
0x247: {  	s21 =	simm.s32 $0x4;
	v17 =	vmul.f32 v10, v12;
	v8 =	vld [tilespmem:s20+$0xFFFFFFE0];
	[tilespmem:s20+$0xFFFFFF80] =	vst v16  }
0x248: {  	s22 =	simm.s32 $0x7;
	v10 =	vmov s21;
	v16 =	vmul.f32 v11, v12;
	v11 =	vld [tilespmem:s20+$0xFFFFFFF0];
	[tilespmem:s20+$0x30] =	vst v15  }
0x249: {  	s29 =	simm.s32 $0x5;
	v18 =	vand.u32 $0xFFFFFFFC, v10;
	v10 =	vmov s22;
	[tilespmem:s20+$0xFFFFFF90] =	vst v17;
	v15 =	vmul.f32 v13, v12;
	v13 =	vld [tilespmem:s20+$0x0]  }
0x24a: {  	s12 =	simm.s32 $0x6;
	s21 =	simm.s32 $0x11CF0;
	s22 =	simm.s32 $0x8;
	v12 =	vbroadcast v18, $0x0;
	v17 =	vmov s29;
	[tilespmem:s20+$0xFFFFFFA0] =	vst v16;
	v16 =	vmul.f32 v14, v7;
	v14 =	vld [tilespmem:s20+$0x10]  }
.LBB2_17:
0x24b: {  	p1 =	slt.u32 s22, $0x7C;
	v17 =	vand.u32 $0xFFFFFFFD, v17;
	v18 =	vmov s12;
	[tilespmem:s20+$0xFFFFFFB0] =	vst v15;
	v9 =	vmul.f32 v9, v7;
	v15 =	vld [tilespmem:s20+$0x20]  }
0x24c: {  	v17 =	vbroadcast v17, $0x0;
	v18 =	vand.u32 $0xFFFFFFFE, v18;
	[tilespmem:s20+$0xFFFFFFC0] =	vst v16;
	v8 =	vmul.f32 v8, v7;
	v16 =	vld [tilespmem:s20+$0x40]  }
0x24d: {  	v18 =	vbroadcast v18, $0x0;
	[tilespmem:s20+$0xFFFFFFD0] =	vst v9;
	v7 =	vmul.f32 v11, v7;
	v9 =	vld [tilespmem:s20+$0x50]  }
0x24e: {  	[tilespmem:s20+$0xFFFFFFE0] =	vst v8;
	v8 =	vmul.f32 v13, v6;
	v11 =	vld [tilespmem:s20+$0x60]  }
0x24f: {  	[tilespmem:s20+$0xFFFFFFF0] =	vst v7;
	v7 =	vmul.f32 v14, v6;
	v13 =	vld [tilespmem:s20+$0x70]  }
0x250: {  	v10 =	vld.idx.msk [tilespmem:v10+s28+$0x0], $0xffff;
	[tilespmem:s20+$0x0] =	vst v8;
	v6 =	vmul.f32 v15, v6  }
0x251: {  	v12 =	vld.idx.msk [tilespmem:v12+s28+$0x0], $0xffff;
	[tilespmem:s20+$0x10] =	vst v7;
	v8 =	vmul.f32 v16, v5  }
0x252: {  	v7 =	vld.idx.msk [tilespmem:v17+s28+$0x0], $0xffff;
	[tilespmem:s20+$0x20] =	vst v6;
	v9 =	vmul.f32 v9, v5  }
0x253: {  	s20 =	sadd.s32 $0x100, s20;
	v6 =	vld.idx.msk [tilespmem:v18+s28+$0x0], $0xffff;
	[tilespmem:s21+$0x40] =	vst v8;
	v8 =	vmul.f32 v11, v5  }
0x254: {  	v11 =	vld [tilespmem:s20+$0x30];
	[tilespmem:s21+$0x50] =	vst v9;
	v13 =	vmul.f32 v13, v5  }
0x255: {  	v9 =	vld [tilespmem:s20+$0xFFFFFF80];
	[tilespmem:s21+$0x60] =	vst v8  }
0x256: {  	v5 =	vmov v10;
	v8 =	vld [tilespmem:s20+$0xFFFFFF90];
	[tilespmem:s21+$0x70] =	vst v13;
	s21 =	smov.u32 s20  }
0x257: {  	v10 =	vld [tilespmem:s20+$0xFFFFFFA0]  }
0x258: {  	v13 =	vld [tilespmem:s20+$0xFFFFFFB0]  }
0x259: {  	v14 =	vld [tilespmem:s20+$0xFFFFFFC0];
	v11 =	vmul.f32 v11, v6  }
.Ltmp10:
0x25a: {  	v15 =	vmul.f32 v9, v12;
	v9 =	vld [tilespmem:s20+$0xFFFFFFD0];
	(pc) =	sbr.rel @p1 .LBB2_17-.Ltmp10, $4  }
0x25b: {  	v16 =	vmul.f32 v8, v12;
	v8 =	vld [tilespmem:s20+$0xFFFFFFE0];
	[tilespmem:s20+$0x30] =	vst v11  }
0x25c: {  	s12 =	sadd.s32 $0x3, s22;
	v17 =	vmov s22;
	[tilespmem:s20+$0xFFFFFF80] =	vst v15;
	v18 =	vmul.f32 v10, v12;
	v11 =	vld [tilespmem:s20+$0xFFFFFFF0]  }
0x25d: {  	s16 =	sadd.s32 $0x1, s22;
	v17 =	vand.u32 $0xFFFFFFFC, v17;
	v10 =	vmov s12;
	[tilespmem:s20+$0xFFFFFF90] =	vst v16;
	v15 =	vmul.f32 v13, v12;
	v13 =	vld [tilespmem:s20+$0x0]  }
0x25e: {  	s12 =	sadd.s32 $0x2, s22;
	s22 =	sadd.s32 $0x4, s22;
	v12 =	vbroadcast v17, $0x0;
	v17 =	vmov s16;
	[tilespmem:s20+$0xFFFFFFA0] =	vst v18;
	v16 =	vmul.f32 v14, v7;
	v14 =	vld [tilespmem:s20+$0x10]  }
0x25f: {  	v19 =	vld [tilespmem:s20+$0x20]  }
0x260: {  	v20 =	vld [tilespmem:s20+$0x40]  }
0x261: {  	v21 =	vld [tilespmem:s20+$0x50]  }
0x262: {  	v17 =	vand.u32 $0xFFFFFFFD, v17;
	v22 =	vld [tilespmem:s20+$0x60]  }
0x263: {  	v18 =	vmov s12;
	[tilespmem:s20+$0xFFFFFFB0] =	vst v15;
	v9 =	vmul.f32 v9, v7;
	v47 =	vld [tilespmem:s20+$0x70];
	v17 =	vbroadcast v17, $0x0  }
0x264: {  	v10 =	vld.idx.msk [tilespmem:v10+s28+$0x0], $0xffff;
	v18 =	vand.u32 $0xFFFFFFFE, v18;
	[tilespmem:s20+$0xFFFFFFC0] =	vst v16;
	v8 =	vmul.f32 v8, v7;
	v7 =	vmul.f32 v11, v7  }
0x265: {  	s29 =	sadd.s32 $0x100, s20;
	v48 =	vld.idx.msk [tilespmem:v12+s28+$0x0], $0xffff;
	v18 =	vbroadcast v18, $0x0;
	[tilespmem:s20+$0xFFFFFFD0] =	vst v9  }
0x266: {  	v52 =	vld [tilespmem:s29+$0x30];
	[tilespmem:s20+$0xFFFFFFF0] =	vst v7;
	v7 =	vmul.f32 v14, v6  }
0x267: {  	v53 =	vld [tilespmem:s29+$0xFFFFFF80];
	[tilespmem:s20+$0xFFFFFFE0] =	vst v8;
	v49 =	vmul.f32 v13, v6;
	v6 =	vmul.f32 v19, v6  }
0x268: {  	v54 =	vld [tilespmem:s29+$0xFFFFFF90];
	[tilespmem:s20+$0x10] =	vst v7;
	v7 =	vmul.f32 v20, v5  }
0x269: {  	v55 =	vld [tilespmem:s29+$0xFFFFFFA0];
	[tilespmem:s20+$0x20] =	vst v6;
	v6 =	vmul.f32 v21, v5  }
0x26a: {  	v50 =	vld.idx.msk [tilespmem:v17+s28+$0x0], $0xffff;
	[tilespmem:s21+$0x40] =	vst v7;
	v7 =	vmul.f32 v22, v5  }
0x26b: {  	v51 =	vld.idx.msk [tilespmem:v18+s28+$0x0], $0xffff;
	v5 =	vmul.f32 v47, v5;
	[tilespmem:s21+$0x50] =	vst v6  }
0x26c: {  	v6 =	vld [tilespmem:s29+$0xFFFFFFB0];
	[tilespmem:s21+$0x60] =	vst v7  }
0x26d: {  	v7 =	vld [tilespmem:s29+$0xFFFFFFC0];
	[tilespmem:s21+$0x70] =	vst v5;
	v5 =	vmul.f32 v53, v48  }
0x26e: {  	v56 =	vld [tilespmem:s29+$0xFFFFFFD0];
	[tilespmem:s20+$0x0] =	vst v49;
	v14 =	vmul.f32 v54, v48  }
0x26f: {  	v57 =	vld [tilespmem:s29+$0xFFFFFFE0];
	[tilespmem:s29+$0xFFFFFF80] =	vst v5;
	v5 =	vmul.f32 v55, v48  }
0x270: {  	v58 =	vld [tilespmem:s29+$0xFFFFFFF0];
	[tilespmem:s29+$0xFFFFFF90] =	vst v14;
	v8 =	vmul.f32 v52, v51  }
0x271: {  	v59 =	vld [tilespmem:s29+$0x0];
	v6 =	vmul.f32 v6, v48;
	[tilespmem:s29+$0xFFFFFFA0] =	vst v5  }
0x272: {  	[tilespmem:s29+$0x30] =	vst v8;
	v5 =	vmul.f32 v7, v50;
	v7 =	vld [tilespmem:s29+$0x10]  }
0x273: {  	v60 =	vld [tilespmem:s29+$0x20];
	[tilespmem:s29+$0xFFFFFFB0] =	vst v6;
	v6 =	vmul.f32 v56, v50  }
0x274: {  	v61 =	vld [tilespmem:s29+$0x40];
	[tilespmem:s29+$0xFFFFFFC0] =	vst v5;
	v5 =	vmul.f32 v57, v50  }
0x275: {  	v62 =	vld [tilespmem:s29+$0x50];
	[tilespmem:s29+$0xFFFFFFD0] =	vst v6;
	v6 =	vmul.f32 v58, v50  }
0x276: {  	v63 =	vld [tilespmem:s29+$0x60];
	[tilespmem:s29+$0xFFFFFFE0] =	vst v5;
	v5 =	vmul.f32 v59, v51  }
0x277: {  	[tilespmem:s29+$0xFFFFFFF0] =	vst v6;
	v6 =	vmul.f32 v7, v51;
	v7 =	vld [tilespmem:s29+$0x70]  }
0x278: {  	[tilespmem:s29+$0x0] =	vst v5;
	v5 =	vmul.f32 v60, v51  }
0x279: {  	[tilespmem:s29+$0x10] =	vst v6;
	v6 =	vmul.f32 v61, v10  }
0x27a: {  	p1 =	sgt.u32 s13, $0x4E;
	[tilespmem:s29+$0x20] =	vst v5;
	v5 =	vmul.f32 v62, v10  }
.Ltmp11:
0x27b: {  	[tilespmem:s29+$0x40] =	vst v6;
	v6 =	vmul.f32 v63, v10;
	(pc) =	sbr.rel @p1 .LBB2_24-.Ltmp11, $4  }
0x27c: {  	[tilespmem:s29+$0x50] =	vst v5;
	v5 =	vmul.f32 v7, v10  }
0x27d: {  	[tilespmem:s29+$0x60] =	vst v6  }
0x27e: {  	[tilespmem:s29+$0x70] =	vst v5  }
0x27f: {  	[spmem:s3] =	stream.indirect.scatter.add.f32 [tilespmem:s25], [sflag:$0x5], $0x40, s31, s1, $0xb8;
	[tilespmem:$0x1FC30] =	vst v63  }
0x280: {  	_ =	swait.ge [sflag:s14], $0x80;
	s12 =	sadd.s32 s6, s19  }
0x281: {  	[sflag:s14] =	ssyncset.done $0x0;
	v5 =	vmov s12  }
0x282: {  	[sflag:s14] =	ssyncadd.s32 $0xFFFFFF80  }
0x283: {  	_ =	swait.ge [sflag:s30], $0x2000  }
0x284: {  	s20 =	simm.s32 $0x0;
	[sflag:s30] =	ssyncset.done $0x0  }
0x285: {  	p1 =	por $0x1, $0x1;
	s21 =	simm.s32 $0x0;
	[sflag:s30] =	ssyncadd.s32 $0xFFFFE000  }
.LBB2_20:
0x286: {  	v6 =	vld.idx.msk [tilespmem:v5+s21+$0x0 ss:$0x1], $0xffff  }
0x287: {  	v7 =	vld.idx.msk [tilespmem:v5+s21+$0x4E90 ss:$0x1], $0xffff;
	s16 =	sor.u32 $0x10, s21  }
0x288: {  	v9 =	vld.idx.msk [tilespmem:v5+s16+$0x0 ss:$0x1], $0xffff  }
0x289: {  	s12 =	sor.u32 $0x20, s21;
	v10 =	vld.idx.msk [tilespmem:v5+s16+$0x4E90 ss:$0x1], $0xffff  }
0x28a: {  	v11 =	vld.idx.msk [tilespmem:v5+s12+$0x0 ss:$0x1], $0xffff  }
0x28b: {  	s13 =	sor.u32 $0x30, s21;
	v12 =	vld.idx.msk [tilespmem:v5+s12+$0x4E90 ss:$0x1], $0xffff  }
0x28c: {  	v13 =	vld.idx.msk [tilespmem:v5+s13+$0x0 ss:$0x1], $0xffff  }
0x28d: {  	v14 =	vld.idx.msk [tilespmem:v5+s13+$0x4E90 ss:$0x1], $0xffff  }
0x28e: {  	v6 =	vld.idx.msk [tilespmem:v6+s23+$0x0], $0xffff  }
0x28f: {  	v8 =	vld.idx.msk [tilespmem:v7+s2+$0x0], $0xffff;
	_ =	sdelay $0x2  }
0x290: {  	v9 =	vld.idx.msk [tilespmem:v9+s23+$0x0], $0xffff  }
0x291: {  	v15 =	vld.idx.msk [tilespmem:v10+s2+$0x0], $0xffff  }
0x292: {  	v49 =	vld.idx.msk [tilespmem:v11+s23+$0x0], $0xffff;
	v6 =	vadd.f32 v8, v6  }
0x293: {  	v50 =	vld.idx.msk [tilespmem:v12+s2+$0x0], $0xffff  }
0x294: {  	v13 =	vld.idx.msk [tilespmem:v13+s23+$0x0], $0xffff;
	v16 =	vmul.f32 $2.000000030e-01, v6  }
0x295: {  	v17 =	vld.idx.msk [tilespmem:v14+s2+$0x0], $0xffff;
	vm0 =	vge.f32 v6, $0.0e+00  }
0x296: {  	v9 =	vadd.f32 v15, v9;
	v6 =	vsel vm0, v6, v16  }
0x297: {  	v7 =	vld.idx.msk [tilespmem:v7+s24+$0x0], $0xffff;
	v6 =	vsub.f32 v6, v4  }
0x298: {  	v8 =	vadd.f32 v50, v49;
	v51 =	vmul.f32 $2.000000030e-01, v9  }
0x299: {  	v10 =	vld.idx.msk [tilespmem:v10+s24+$0x0], $0xffff;
	vm13 =	vge.f32 v9, $0.0e+00;
	v6 =	vmul.f32 $1.442695020e+00, v6  }
0x29a: {  	v52 =	vadd.f32 v17, v13;
	v53 =	vmul.f32 $2.000000030e-01, v8;
	v9 =	vsel vm13, v9, v51  }
0x29b: {  	v54 =	vld.idx.msk [tilespmem:v12+s24+$0x0], $0xffff;
	vm14 =	vge.f32 v8, $0.0e+00;
	(erf) = vpow2.f32 v6;
	v6 =	vsub.f32 v9, v4  }
0x29c: {  	v7 =	vadd.f32 $1.000000020e-16, v7;
	v55 =	vmul.f32 $2.000000030e-01, v52;
	v8 =	vsel vm14, v8, v53  }
0x29d: {  	v56 =	vld.idx.msk [tilespmem:v14+s24+$0x0], $0xffff;
	vm15 =	vge.f32 v52, $0.0e+00;
	v8 =	vsub.f32 v8, v4;
	v6 =	vmul.f32 $1.442695020e+00, v6  }
0x29e: {  	v10 =	vadd.f32 $1.000000020e-16, v10;
	(erf) = vrcp.f32 v7;
	v7 =	vsel vm15, v52, v55  }
0x29f: {  	v7 =	vsub.f32 v7, v4;
	(erf) = vpow2.f32 v6;
	v6 =	vmul.f32 $1.442695020e+00, v8  }
0x2a0: {  	v57 =	vadd.f32 $1.000000020e-16, v54;
	(erf) = vrcp.f32 v10  }
0x2a1: {  	(erf) = vpow2.f32 v6;
	v6 =	vmul.f32 $1.442695020e+00, v7  }
0x2a2: {  	v7 =	vadd.f32 $1.000000020e-16, v56;
	(erf) = vrcp.f32 v57  }
0x2a3: {  	(erf) = vpow2.f32 v6  }
0x2a4: {  	(erf) = vrcp.f32 v7;
	_ =	sdelay $0x1  }
0x2a5: {  	v6 =	vpop (erf)  }
0x2a6: {  	v7 =	vpop (erf)  }
0x2a7: {  	v58 =	vpop (erf)  }
0x2a8: {  	v59 =	vpop (erf)  }
0x2a9: {  	s22 =	sor.u32 s19, s21;
	v6 =	vmul.f32 v6, v7;
	v60 =	vpop (erf)  }
0x2aa: {  	p2 =	slt.u32 s22, $0x2710;
	v61 =	vpop (erf)  }
0x2ab: {  	s16 =	sor.u32 s19, s16;
	v6 =	vpsel !p2, $0x0, v6;
	p2 =	por p1, p1;
	v8 =	vmul.f32 v58, v59;
	v7 =	vpop (erf)  }
.Ltmp12:
0x2ac: {  	s12 =	sor.u32 s19, s12;
	p3 =	slt.u32 s16, $0x2710;
	v62 =	vmul.f32 v60, v61;
	v63 =	vpop (erf);
	(pc) =	sbr.rel @p2 .LBB2_20-.Ltmp12, $4  }
0x2ad: {  	s29 =	sor.u32 s19, s13;
	p5 =	slt.u32 s12, $0x2710;
	[tilespmem:s21+$0x15C70] =	vst v6;
	v8 =	vpsel !p3, $0x0, v8;
	v6 =	vmul.f32 v7, v63  }
0x2ae: {  	p6 =	slt.u32 s29, $0x2710;
	[tilespmem:s21+$0x15C80] =	vst v8;
	v7 =	vpsel !p5, $0x0, v62  }
0x2af: {  	[tilespmem:s21+$0x15C90] =	vst v7;
	v6 =	vpsel !p6, $0x0, v6  }
0x2b0: {  	s13 =	simm.s32 $0x13CF0;
	p1 =	por $0x0, $0x0;
	[tilespmem:s21+$0x15CA0] =	vst v6;
	s21 =	simm.s32 $0x40  }
0x2b1: {  	v5 =	vmov s20  }
0x2b2: {  	s12 =	simm.s32 $0x3;
	s16 =	simm.s32 $0x1;
	v5 =	vand.u32 $0xFFFFFFFC, v5  }
0x2b3: {  	v6 =	vmov s12;
	v7 =	vmov s16;
	v8 =	vbroadcast v5, $0x0  }
0x2b4: {  	s20 =	simm.s32 $0x2;
	v5 =	vand.u32 $0xFFFFFFFD, v7  }
0x2b5: {  	v7 =	vmov s20;
	v9 =	vbroadcast v5, $0x0  }
0x2b6: {  	v5 =	vand.u32 $0xFFFFFFFE, v7  }
0x2b7: {  	v10 =	vbroadcast v5, $0x0  }
0x2b8: {  	v5 =	vld.idx.msk [tilespmem:v6+s28+$0x0], $0xffff  }
0x2b9: {  	v12 =	vld.idx.msk [tilespmem:v8+s28+$0x0], $0xffff  }
0x2ba: {  	v8 =	vld [tilespmem:s13+$0x30]  }
0x2bb: {  	v7 =	vld.idx.msk [tilespmem:v9+s28+$0x0], $0xffff  }
0x2bc: {  	v9 =	vld [tilespmem:s13+$0xFFFFFF80]  }
0x2bd: {  	v6 =	vld.idx.msk [tilespmem:v10+s28+$0x0], $0xffff  }
0x2be: {  	v10 =	vld [tilespmem:s13+$0xFFFFFF90]  }
0x2bf: {  	v11 =	vld [tilespmem:s13+$0xFFFFFFA0]  }
0x2c0: {  	v13 =	vld [tilespmem:s13+$0xFFFFFFB0]  }
0x2c1: {  	v14 =	vld [tilespmem:s13+$0xFFFFFFC0];
	v16 =	vmul.f32 v9, v12  }
0x2c2: {  	v9 =	vld [tilespmem:s13+$0xFFFFFFD0];
	v15 =	vmul.f32 v8, v6  }
0x2c3: {  	s21 =	simm.s32 $0x4;
	v17 =	vmul.f32 v10, v12;
	v8 =	vld [tilespmem:s13+$0xFFFFFFE0];
	[tilespmem:s13+$0xFFFFFF80] =	vst v16  }
0x2c4: {  	s22 =	simm.s32 $0x7;
	v10 =	vmov s21;
	v16 =	vmul.f32 v11, v12;
	v11 =	vld [tilespmem:s13+$0xFFFFFFF0];
	[tilespmem:s13+$0x30] =	vst v15  }
0x2c5: {  	s29 =	simm.s32 $0x5;
	v18 =	vand.u32 $0xFFFFFFFC, v10;
	v10 =	vmov s22;
	[tilespmem:s13+$0xFFFFFF90] =	vst v17;
	v15 =	vmul.f32 v13, v12;
	v13 =	vld [tilespmem:s13+$0x0]  }
0x2c6: {  	s19 =	simm.s32 $0x13CF0;
	s12 =	simm.s32 $0x6;
	s20 =	simm.s32 $0x8;
	v12 =	vbroadcast v18, $0x0;
	v17 =	vmov s29;
	[tilespmem:s13+$0xFFFFFFA0] =	vst v16;
	v16 =	vmul.f32 v14, v7;
	v14 =	vld [tilespmem:s13+$0x10]  }
.LBB2_22:
0x2c7: {  	p1 =	slt.u32 s20, $0x7C;
	v17 =	vand.u32 $0xFFFFFFFD, v17;
	v18 =	vmov s12;
	[tilespmem:s13+$0xFFFFFFB0] =	vst v15;
	v9 =	vmul.f32 v9, v7;
	v15 =	vld [tilespmem:s13+$0x20]  }
0x2c8: {  	v17 =	vbroadcast v17, $0x0;
	v18 =	vand.u32 $0xFFFFFFFE, v18;
	[tilespmem:s13+$0xFFFFFFC0] =	vst v16;
	v8 =	vmul.f32 v8, v7;
	v16 =	vld [tilespmem:s13+$0x40]  }
0x2c9: {  	v18 =	vbroadcast v18, $0x0;
	[tilespmem:s13+$0xFFFFFFD0] =	vst v9;
	v7 =	vmul.f32 v11, v7;
	v9 =	vld [tilespmem:s13+$0x50]  }
0x2ca: {  	[tilespmem:s13+$0xFFFFFFE0] =	vst v8;
	v8 =	vmul.f32 v13, v6;
	v11 =	vld [tilespmem:s13+$0x60]  }
0x2cb: {  	[tilespmem:s13+$0xFFFFFFF0] =	vst v7;
	v7 =	vmul.f32 v14, v6;
	v13 =	vld [tilespmem:s13+$0x70]  }
0x2cc: {  	v10 =	vld.idx.msk [tilespmem:v10+s28+$0x0], $0xffff;
	[tilespmem:s13+$0x0] =	vst v8;
	v6 =	vmul.f32 v15, v6  }
0x2cd: {  	v12 =	vld.idx.msk [tilespmem:v12+s28+$0x0], $0xffff;
	[tilespmem:s13+$0x10] =	vst v7;
	v8 =	vmul.f32 v16, v5  }
0x2ce: {  	v7 =	vld.idx.msk [tilespmem:v17+s28+$0x0], $0xffff;
	[tilespmem:s13+$0x20] =	vst v6;
	v9 =	vmul.f32 v9, v5  }
0x2cf: {  	s13 =	sadd.s32 $0x100, s13;
	v6 =	vld.idx.msk [tilespmem:v18+s28+$0x0], $0xffff;
	[tilespmem:s19+$0x40] =	vst v8;
	v8 =	vmul.f32 v11, v5  }
0x2d0: {  	v11 =	vld [tilespmem:s13+$0x30];
	[tilespmem:s19+$0x50] =	vst v9;
	v13 =	vmul.f32 v13, v5  }
0x2d1: {  	v9 =	vld [tilespmem:s13+$0xFFFFFF80];
	[tilespmem:s19+$0x60] =	vst v8  }
0x2d2: {  	v5 =	vmov v10;
	v8 =	vld [tilespmem:s13+$0xFFFFFF90];
	[tilespmem:s19+$0x70] =	vst v13;
	s19 =	smov.u32 s13  }
0x2d3: {  	v10 =	vld [tilespmem:s13+$0xFFFFFFA0]  }
0x2d4: {  	v13 =	vld [tilespmem:s13+$0xFFFFFFB0]  }
0x2d5: {  	v14 =	vld [tilespmem:s13+$0xFFFFFFC0];
	v11 =	vmul.f32 v11, v6  }
.Ltmp13:
0x2d6: {  	v15 =	vmul.f32 v9, v12;
	v9 =	vld [tilespmem:s13+$0xFFFFFFD0];
	(pc) =	sbr.rel @p1 .LBB2_22-.Ltmp13, $4  }
0x2d7: {  	v16 =	vmul.f32 v8, v12;
	v8 =	vld [tilespmem:s13+$0xFFFFFFE0];
	[tilespmem:s13+$0x30] =	vst v11  }
0x2d8: {  	s12 =	sadd.s32 $0x3, s20;
	v17 =	vmov s20;
	[tilespmem:s13+$0xFFFFFF80] =	vst v15;
	v18 =	vmul.f32 v10, v12;
	v11 =	vld [tilespmem:s13+$0xFFFFFFF0]  }
0x2d9: {  	s16 =	sadd.s32 $0x1, s20;
	v17 =	vand.u32 $0xFFFFFFFC, v17;
	v10 =	vmov s12;
	[tilespmem:s13+$0xFFFFFF90] =	vst v16;
	v15 =	vmul.f32 v13, v12;
	v13 =	vld [tilespmem:s13+$0x0]  }
0x2da: {  	s12 =	sadd.s32 $0x2, s20;
	s20 =	sadd.s32 $0x4, s20;
	v12 =	vbroadcast v17, $0x0;
	v17 =	vmov s16;
	[tilespmem:s13+$0xFFFFFFA0] =	vst v18;
	v16 =	vmul.f32 v14, v7;
	v14 =	vld [tilespmem:s13+$0x10]  }
0x2db: {  	v19 =	vld [tilespmem:s13+$0x20]  }
0x2dc: {  	v20 =	vld [tilespmem:s13+$0x40]  }
0x2dd: {  	v21 =	vld [tilespmem:s13+$0x50]  }
0x2de: {  	v17 =	vand.u32 $0xFFFFFFFD, v17;
	v22 =	vld [tilespmem:s13+$0x60]  }
0x2df: {  	v18 =	vmov s12;
	[tilespmem:s13+$0xFFFFFFB0] =	vst v15;
	v9 =	vmul.f32 v9, v7;
	v47 =	vld [tilespmem:s13+$0x70];
	v17 =	vbroadcast v17, $0x0  }
0x2e0: {  	v10 =	vld.idx.msk [tilespmem:v10+s28+$0x0], $0xffff;
	v18 =	vand.u32 $0xFFFFFFFE, v18;
	[tilespmem:s13+$0xFFFFFFC0] =	vst v16;
	v8 =	vmul.f32 v8, v7;
	v7 =	vmul.f32 v11, v7  }
0x2e1: {  	s29 =	sadd.s32 $0x100, s13;
	v48 =	vld.idx.msk [tilespmem:v12+s28+$0x0], $0xffff;
	v18 =	vbroadcast v18, $0x0;
	[tilespmem:s13+$0xFFFFFFD0] =	vst v9  }
0x2e2: {  	v52 =	vld [tilespmem:s29+$0x30];
	[tilespmem:s13+$0xFFFFFFF0] =	vst v7;
	v7 =	vmul.f32 v14, v6  }
0x2e3: {  	v53 =	vld [tilespmem:s29+$0xFFFFFF80];
	[tilespmem:s13+$0xFFFFFFE0] =	vst v8;
	v49 =	vmul.f32 v13, v6;
	v6 =	vmul.f32 v19, v6  }
0x2e4: {  	v54 =	vld [tilespmem:s29+$0xFFFFFF90];
	[tilespmem:s13+$0x10] =	vst v7;
	v7 =	vmul.f32 v20, v5  }
0x2e5: {  	v55 =	vld [tilespmem:s29+$0xFFFFFFA0];
	[tilespmem:s13+$0x20] =	vst v6;
	v6 =	vmul.f32 v21, v5  }
0x2e6: {  	v50 =	vld.idx.msk [tilespmem:v17+s28+$0x0], $0xffff;
	[tilespmem:s19+$0x40] =	vst v7;
	v7 =	vmul.f32 v22, v5  }
0x2e7: {  	v51 =	vld.idx.msk [tilespmem:v18+s28+$0x0], $0xffff;
	v5 =	vmul.f32 v47, v5;
	[tilespmem:s19+$0x50] =	vst v6  }
0x2e8: {  	v6 =	vld [tilespmem:s29+$0xFFFFFFB0];
	[tilespmem:s19+$0x60] =	vst v7  }
0x2e9: {  	v7 =	vld [tilespmem:s29+$0xFFFFFFC0];
	[tilespmem:s19+$0x70] =	vst v5;
	v5 =	vmul.f32 v53, v48  }
0x2ea: {  	v56 =	vld [tilespmem:s29+$0xFFFFFFD0];
	[tilespmem:s13+$0x0] =	vst v49;
	v14 =	vmul.f32 v54, v48  }
0x2eb: {  	v57 =	vld [tilespmem:s29+$0xFFFFFFE0];
	[tilespmem:s29+$0xFFFFFF80] =	vst v5;
	v5 =	vmul.f32 v55, v48  }
0x2ec: {  	v58 =	vld [tilespmem:s29+$0xFFFFFFF0];
	[tilespmem:s29+$0xFFFFFF90] =	vst v14;
	v8 =	vmul.f32 v52, v51  }
0x2ed: {  	v59 =	vld [tilespmem:s29+$0x0];
	v6 =	vmul.f32 v6, v48;
	[tilespmem:s29+$0xFFFFFFA0] =	vst v5  }
0x2ee: {  	[tilespmem:s29+$0x30] =	vst v8;
	v5 =	vmul.f32 v7, v50;
	v7 =	vld [tilespmem:s29+$0x10]  }
0x2ef: {  	v60 =	vld [tilespmem:s29+$0x20];
	[tilespmem:s29+$0xFFFFFFB0] =	vst v6;
	v6 =	vmul.f32 v56, v50  }
0x2f0: {  	v61 =	vld [tilespmem:s29+$0x40];
	[tilespmem:s29+$0xFFFFFFC0] =	vst v5;
	v5 =	vmul.f32 v57, v50  }
0x2f1: {  	v62 =	vld [tilespmem:s29+$0x50];
	[tilespmem:s29+$0xFFFFFFD0] =	vst v6;
	v6 =	vmul.f32 v58, v50  }
0x2f2: {  	v63 =	vld [tilespmem:s29+$0x60];
	[tilespmem:s29+$0xFFFFFFE0] =	vst v5;
	v5 =	vmul.f32 v59, v51  }
0x2f3: {  	[tilespmem:s29+$0xFFFFFFF0] =	vst v6;
	v6 =	vmul.f32 v7, v51;
	v7 =	vld [tilespmem:s29+$0x70]  }
0x2f4: {  	[tilespmem:s29+$0x0] =	vst v5;
	v5 =	vmul.f32 v60, v51  }
0x2f5: {  	[tilespmem:s29+$0x10] =	vst v6;
	v6 =	vmul.f32 v61, v10  }
0x2f6: {  	[tilespmem:s29+$0x20] =	vst v5;
	v5 =	vmul.f32 v62, v10  }
0x2f7: {  	[tilespmem:s29+$0x40] =	vst v6;
	v6 =	vmul.f32 v63, v10  }
0x2f8: {  	[tilespmem:s29+$0x50] =	vst v5;
	v5 =	vmul.f32 v7, v10  }
0x2f9: {  	[tilespmem:s29+$0x60] =	vst v6  }
0x2fa: {  	[tilespmem:s29+$0x70] =	vst v5  }
0x2fb: {  	[spmem:s3] =	stream.indirect.scatter.add.f32 [tilespmem:s4], [sflag:$0x6], $0x40, s0, s1, $0xb8;
	[tilespmem:$0x1FC30] =	vst v63  }
.LBB2_24:
0x2fc: {  	p1 =	seq.s32 s17, $0x27  }
.Ltmp14:
0x2fd: {  	_ = 	snop;
	(pc) =	sbr.rel @p1 .LBB2_26-.Ltmp14, $4  }
0x2fe: {  	_ = 	snop  }
0x2ff: {  	_ =	swait.ge [sflag:s15], $0x2000  }
0x300: {  	[sflag:s15] =	ssyncset.done $0x0  }
0x301: {  	[sflag:s15] =	ssyncadd.s32 $0xFFFFE000  }
0x302: {  	s12 =	sadd.s32 $0x100, s18  }
0x303: {  	s13 =	sadd.s32 s11, s12  }
.Ltmp15:
0x304: {  	s13 =	sshrl.u32 s13, $0x3;
	(pc) =	sbr.rel .LBB2_10-.Ltmp15, $4  }
0x305: {  	s13 =	sadd.s32 s7, s13  }
0x306: {  	[tilespmem:s31], [sflag:$0x3] =	stream.linear.gather [hbm4b:s13+s5], $0x80, $0x38;
	[tilespmem:$0x1FC30] =	vst v63  }
0x307: {  	s17 =	sadd.s32 $0x1, s17;
	s12 =	sadd.s32 s12, s6  }
0x308: {  	[tilespmem:s25], [sflag:$0x1] =	stream.indirect.gather [hbm4b:s10+s1], $0x40, s12, s1, $0xb8;
	[tilespmem:$0x1FC30] =	vst v63  }
.LBB2_27:
0x309: {  	_ =	sfence.sel $0x180000  }
0x30a: {  	[bflag:$0x0] =	sbarrier.arrive $0xFFFF  }
0x30b: {  	_ =	strace $0x90000047  }
0x30c: {  	s0 =	stileid.u32;
	[bflag:$0x2] =	sbarrier.arrive $0xFFFF  }
0x30d: {  	p0 =	sne.s32 s0, $0x0;
	s0 =	rddreg [dreg:$0x4]  }
0x30e: {  	s0 =	sadd.s32 @!p0 $0x100000, s0  }
0x30f: {  	[sflag:s0] =	ssyncadd.tile.s32 @!p0 $0x1;
	_ =	shalt  }
.Lfunc_end2:
_tile_overlayer_lowered:
.L_overlay_start_2:
0x310: {  	(tag) =	ssettag $0x2  }
0x311: {  	s0 =	rddreg [dreg:$0x0];
	s2 =	stileid.u32  }
0x312: {  	s1 =	rddreg [dreg:$0x1];
	p0 =	sne.s32 s2, $0x0  }
0x313: {  	s3 =	rddreg [dreg:$0x2];
	[bflag:$0x3] =	sbarrier.arrive $0xFFFF;
	s2 =	simm.s32 @!p0 $0x1C07  }
0x314: {  	[timem:s3], [sflag:s2] =	dma.local @!p0 [hbm:s0], s1  }
0x315: {  	s0 =	simm.s32 @!p0 $0x7  }
0x316: {  	_ =	swait.ge @!p0 [sflag:s0], s1  }
0x317: {  	s1 =	ssub.s32 @!p0 $0x0, s1;
	[sflag:s0] =	ssyncset.done @!p0 $0x0  }
0x318: {  	[sflag:s0] =	ssyncadd.s32 @!p0 s1  }
0x319: {  	[bflag:$0x3] =	sbarrier.arrive $0xFFFF  }
0x31a: {  	_ =	shalt  }

</sc_bundles>
